<compile_context>
chip_gen: v7x
topology: tpu7x:2x2x1
jax: 0.10.2.dev20260603
libtpu: 0.0.44.dev20260713+nightly
codegen_flags: <defaults>
</compile_context>

<pallas_src>
import jax
import jax.numpy as jnp
from jax import lax
from jax.experimental import pallas as pl
from jax.experimental.pallas import tpu as pltpu
from jax.experimental.pallas import tpu_sc as plsc

B = 16384
D = 64
NC, NS = 2, 16
NW = NC * NS
BPW = B // NW
CH = 16
NCH = BPW // CH
L = 16
G = 8


def _body(ux_hbm, ix_hbm, uid_hbm, iid_hbm, out_hbm,
          uxv, ixv, bu0, bi0, bu1, bi1, out_v, sem):
    wid = lax.axis_index("s") * NC + lax.axis_index("c")
    base = wid * BPW

    pltpu.sync_copy(ux_hbm.at[pl.ds(base, BPW)], uxv)
    pltpu.sync_copy(ix_hbm.at[pl.ds(base, BPW)], ixv)

    lanes = lax.iota(jnp.int32, L)
    perms = [lanes ^ sh for sh in (8, 4, 2, 1)]
    u3 = uid_hbm.reshape(100000 // G, G, D)

    def fire(c, bu, bi):
        cb = c * CH
        for h in range(CH // L):
            tq = pl.ds(cb + h * L, L)
            tu16 = uxv[tq] & ~7
            ti16 = ixv[tq] & ~7
            for jj in range(L):
                jc = h * L + jj
                tu = pl.multiple_of(tu16[jj], G)
                ti = pl.multiple_of(ti16[jj], G)
                pltpu.async_copy(uid_hbm.at[pl.ds(tu, G)], bu.at[jc], sem)
                pltpu.async_copy(iid_hbm.at[pl.ds(ti, G)], bi.at[jc], sem)

    def drain(bu, bi):
        pltpu.make_async_copy(u3.at[pl.ds(0, CH)], bu, sem).wait()
        pltpu.make_async_copy(u3.at[pl.ds(0, CH)], bi, sem).wait()

    def compute(c, bu, bi):
        cb = c * CH
        for g in range(CH // L):
            r0 = g * L
            sq = pl.ds(cb + r0, L)
            su16 = uxv[sq] & 7
            si16 = ixv[sq] & 7
            out16 = jnp.zeros((L,), jnp.float32)
            for jj in range(L):
                jc = r0 + jj
                su = su16[jj]
                si = si16[jj]
                acc = None
                for k in range(D // L):
                    u = bu[jc, su, pl.ds(k * L, L)]
                    v = bi[jc, si, pl.ds(k * L, L)]
                    p = u * v
                    acc = p if acc is None else acc + p
                for p_ in perms:
                    acc = acc + jnp.take_along_axis(
                        acc, p_, axis=0, mode="promise_in_bounds")
                out16 = jnp.where(lanes == jj, acc, out16)
            out_v[pl.ds(cb + r0, L)] = out16

    fire(0, bu0, bi0)

    def pair(i, carry):
        c0 = i * 2
        c1 = c0 + 1
        fire(c1, bu1, bi1)
        drain(bu0, bi0)
        compute(c0, bu0, bi0)
        c2 = jnp.minimum(c0 + 2, NCH - 1)
        fire(c2, bu0, bi0)
        drain(bu1, bi1)
        compute(c1, bu1, bi1)
        return carry

    lax.fori_loop(0, NCH // 2, pair, 0)
    drain(bu0, bi0)
    pltpu.sync_copy(out_v, out_hbm.at[pl.ds(base, BPW)])


def kernel(x, uid_table, iid_table):
    ux = x[:, 0]
    ix = x[:, 1]
    mesh = plsc.VectorSubcoreMesh(
        core_axis_name="c", subcore_axis_name="s",
        num_cores=NC, num_subcores=NS)
    run = pl.kernel(
        _body,
        out_type=jax.ShapeDtypeStruct((B,), jnp.float32),
        mesh=mesh,
        compiler_params=pltpu.CompilerParams(
            needs_layout_passes=False, use_tc_tiling_on_sc=True),
        scratch_types=[
            pltpu.VMEM((BPW,), jnp.int32),
            pltpu.VMEM((BPW,), jnp.int32),
            pltpu.VMEM((CH, G, D), jnp.float32),
            pltpu.VMEM((CH, G, D), jnp.float32),
            pltpu.VMEM((CH, G, D), jnp.float32),
            pltpu.VMEM((CH, G, D), jnp.float32),
            pltpu.VMEM((BPW,), jnp.float32),
            pltpu.SemaphoreType.DMA,
        ],
    )
    return run(ux, ix, uid_table, iid_table)

# --- scband reference (transcript-rebuilt; emitter-appended) ---
"""Pipeline reference for scband-mfbased-model-39848706572453 (READ-ONLY COPY).

The authoritative reference and input builder live on the scoring server;
editing this copy changes nothing except your own understanding.
"""

import jax, jax.numpy as jnp
import numpy as np

UID_ALL = 100000
IID_ALL = 100000
EMB_DIM = 64
BATCH = 16384

def setup_inputs(seed: int = 0) -> dict:
    key = jax.random.key(seed)
    k1, k2, k3 = jax.random.split(key, 3)
    x = jax.random.randint(k1, (BATCH, 2), 0, UID_ALL, dtype=jnp.int64) if jax.config.jax_enable_x64 else jax.random.randint(k1, (BATCH, 2), 0, UID_ALL, dtype=jnp.int32)
    uid_table = jax.random.normal(k2, (UID_ALL, EMB_DIM), dtype=jnp.float32)
    iid_table = jax.random.normal(k3, (IID_ALL + 1, EMB_DIM), dtype=jnp.float32)
    return {"x": x, "uid_table": uid_table, "iid_table": iid_table}

def reference(x, uid_table, iid_table):
    # uid_emb = self.uid_embedding(x[:, 0].unsqueeze(1)) -> [B, 1, D]
    uid_emb = jnp.take(uid_table, x[:, 0], axis=0)[:, None, :]
    # iid_emb = self.iid_embedding(x[:, 1].unsqueeze(1)) -> [B, 1, D]
    iid_emb = jnp.take(iid_table, x[:, 1], axis=0)[:, None, :]
    # emb = cat([uid_emb, iid_emb], dim=1) -> [B, 2, D]
    emb = jnp.concatenate([uid_emb, iid_emb], axis=1)
    # out = sum(emb[:,0,:] * emb[:,1,:], dim=1) -> [B]
    out = jnp.sum(emb[:, 0, :] * emb[:, 1, :], axis=1)
    return out

if __name__ == "__main__":
    import jax
    _d = setup_inputs()
    print(jax.jit(kernel)(*tuple(_d.values())))

</pallas_src>

<mosaic_0001>
#map = affine_map<(d0, d1) -> (0)>
#map1 = affine_map<(d0, d1) -> (0, 0)>
module attributes {stable_mosaic.version = 14 : i64} {
  func.func @_body(%arg0: i32, %arg1: i32, %arg2: memref<16384xi32, #tpu.memory_space<hbm>>, %arg3: memref<16384xi32, #tpu.memory_space<hbm>>, %arg4: memref<100000x64xf32, #tpu.memory_space<hbm>>, %arg5: memref<100001x64xf32, #tpu.memory_space<hbm>>, %arg6: memref<16384xf32, #tpu.memory_space<hbm>>, %arg7: memref<512xi32, #tpu.memory_space<vmem>>, %arg8: memref<512xi32, #tpu.memory_space<vmem>>, %arg9: memref<16x8x64xf32, #tpu.memory_space<vmem>>, %arg10: memref<16x8x64xf32, #tpu.memory_space<vmem>>, %arg11: memref<16x8x64xf32, #tpu.memory_space<vmem>>, %arg12: memref<16x8x64xf32, #tpu.memory_space<vmem>>, %arg13: memref<512xf32, #tpu.memory_space<vmem>>, %arg14: memref<!tpu.dma_semaphore, #tpu.memory_space<semaphore_mem>>) attributes {dimension_semantics = [#tpu.dimension_semantics<core_parallel>, #tpu.dimension_semantics<subcore_parallel>], iteration_bounds = array<i64: 2, 16>, scalar_prefetch = 0 : i64, scratch_operands = 8 : i64, tpu.core_type = #tpu.core_type<sc_vector_subcore>, window_params = [{transform_indices = #map}, {transform_indices = #map}, {transform_indices = #map1}, {transform_indices = #map1}, {transform_indices = #map}]} {
    %mul3A = arith.constant 2 : i32
    %mul3A_0 = arith.muli %arg1, %mul3A : i32
    %add3A = arith.addi %mul3A_0, %arg0 : i32
    %mul3A_1 = arith.constant 512 : i32
    %mul3A_2 = arith.muli %add3A, %mul3A_1 : i32
    "tpu.region"() ({
      %run_scoped3A = tpu.sem_alloc : memref<!tpu.dma_semaphore, #tpu.memory_space<semaphore_mem>>
      %dma_start3A_554 = tpu.memref_slice %arg2[%mul3A_2] : memref<16384xi32, #tpu.memory_space<hbm>> -> memref<512xi32, #tpu.memory_space<hbm>>
      %dma_start3A_555 = tpu.memref_slice %arg2[%mul3A_2] : memref<16384xi32, #tpu.memory_space<hbm>> -> memref<512xi32, #tpu.memory_space<hbm>>
      tpu.enqueue_dma source(%dma_start3A_555 : memref<512xi32, #tpu.memory_space<hbm>>) target(%arg7 : memref<512xi32, #tpu.memory_space<vmem>>) target_semaphore(%run_scoped3A : memref<!tpu.dma_semaphore, #tpu.memory_space<semaphore_mem>>)
      %dma_wait3A_556 = tpu.memref_slice %arg2[%mul3A_2] : memref<16384xi32, #tpu.memory_space<hbm>> -> memref<512xi32, #tpu.memory_space<hbm>>
      %dma_wait3A_557 = tpu.memref_slice %arg2[%mul3A_2] : memref<16384xi32, #tpu.memory_space<hbm>> -> memref<512xi32, #tpu.memory_space<hbm>>
      tpu.wait_dma2 semaphore(%run_scoped3A : memref<!tpu.dma_semaphore, #tpu.memory_space<semaphore_mem>>) src(%dma_wait3A_557 : memref<512xi32, #tpu.memory_space<hbm>>) dst(%arg7 : memref<512xi32, #tpu.memory_space<vmem>>)
      tpu.yield
    }) : () -> ()
    "tpu.region"() ({
      %run_scoped3A = tpu.sem_alloc : memref<!tpu.dma_semaphore, #tpu.memory_space<semaphore_mem>>
      %dma_start3A_554 = tpu.memref_slice %arg3[%mul3A_2] : memref<16384xi32, #tpu.memory_space<hbm>> -> memref<512xi32, #tpu.memory_space<hbm>>
      %dma_start3A_555 = tpu.memref_slice %arg3[%mul3A_2] : memref<16384xi32, #tpu.memory_space<hbm>> -> memref<512xi32, #tpu.memory_space<hbm>>
      tpu.enqueue_dma source(%dma_start3A_555 : memref<512xi32, #tpu.memory_space<hbm>>) target(%arg8 : memref<512xi32, #tpu.memory_space<vmem>>) target_semaphore(%run_scoped3A : memref<!tpu.dma_semaphore, #tpu.memory_space<semaphore_mem>>)
      %dma_wait3A_556 = tpu.memref_slice %arg3[%mul3A_2] : memref<16384xi32, #tpu.memory_space<hbm>> -> memref<512xi32, #tpu.memory_space<hbm>>
      %dma_wait3A_557 = tpu.memref_slice %arg3[%mul3A_2] : memref<16384xi32, #tpu.memory_space<hbm>> -> memref<512xi32, #tpu.memory_space<hbm>>
      tpu.wait_dma2 semaphore(%run_scoped3A : memref<!tpu.dma_semaphore, #tpu.memory_space<semaphore_mem>>) src(%dma_wait3A_557 : memref<512xi32, #tpu.memory_space<hbm>>) dst(%arg8 : memref<512xi32, #tpu.memory_space<vmem>>)
      tpu.yield
    }) : () -> ()
    %iota3A = tpu.iota {dimensions = array<i32: 0>} : vector<16xi32>
    %xor3A = arith.constant 8 : i32
    %xor3A_3 = vector.broadcast %xor3A : i32 to vector<16xi32>
    %xor3A_4 = arith.xori %iota3A, %xor3A_3 : vector<16xi32>
    %xor3A_5 = arith.constant 4 : i32
    %xor3A_6 = vector.broadcast %xor3A_5 : i32 to vector<16xi32>
    %xor3A_7 = arith.xori %iota3A, %xor3A_6 : vector<16xi32>
    %xor3A_8 = arith.constant 2 : i32
    %xor3A_9 = vector.broadcast %xor3A_8 : i32 to vector<16xi32>
    %xor3A_10 = arith.xori %iota3A, %xor3A_9 : vector<16xi32>
    %xor3A_11 = arith.constant 1 : i32
    %xor3A_12 = vector.broadcast %xor3A_11 : i32 to vector<16xi32>
    %xor3A_13 = arith.xori %iota3A, %xor3A_12 : vector<16xi32>
    %get3A = arith.constant 0 : index
    %get3A_14 = tpu.vector_load %arg7[%get3A] {strides = array<i32>} : memref<512xi32, #tpu.memory_space<vmem>>, vector<16xi32>,
    %and3A = arith.constant -8 : i32
    %and3A_15 = vector.broadcast %and3A : i32 to vector<16xi32>
    %and3A_16 = arith.andi %get3A_14, %and3A_15 : vector<16xi32>
    %get3A_17 = arith.constant 0 : index
    %get3A_18 = tpu.vector_load %arg8[%get3A_17] {strides = array<i32>} : memref<512xi32, #tpu.memory_space<vmem>>, vector<16xi32>,
    %and3A_19 = arith.constant -8 : i32
    %and3A_20 = vector.broadcast %and3A_19 : i32 to vector<16xi32>
    %and3A_21 = arith.andi %get3A_18, %and3A_20 : vector<16xi32>
    %slice3A = vector.extract_strided_slice %and3A_16 {offsets = [0], sizes = [1], strides = [1]} : vector<16xi32> to vector<1xi32>
    %squeeze3A = vector.extract %slice3A[0] : i32 from vector<1xi32>
    %multiple_of3A = tpu.assume_multiple %squeeze3A, 8 : i32
    %slice3A_22 = vector.extract_strided_slice %and3A_21 {offsets = [0], sizes = [1], strides = [1]} : vector<16xi32> to vector<1xi32>
    %squeeze3A_23 = vector.extract %slice3A_22[0] : i32 from vector<1xi32>
    %multiple_of3A_24 = tpu.assume_multiple %squeeze3A_23, 8 : i32
    %dma_start3A = arith.constant 0 : i32
    %dma_start3A_25 = arith.constant 0 : i32
    %dma_start3A_26 = arith.constant 0 : i32
    %dma_start3A_27 = tpu.memref_slice %arg9[%dma_start3A, %dma_start3A_25, %dma_start3A_26] : memref<16x8x64xf32, #tpu.memory_space<vmem>> -> memref<1x8x64xf32, #tpu.memory_space<vmem>>
    %dma_start3A_28 = tpu.memref_squeeze %dma_start3A_27 : memref<1x8x64xf32, #tpu.memory_space<vmem>> -> memref<8x64xf32, #tpu.memory_space<vmem>>
    %dma_start3A_29 = arith.constant 0 : i32
    %dma_start3A_30 = tpu.memref_slice %arg4[%multiple_of3A, %dma_start3A_29] : memref<100000x64xf32, #tpu.memory_space<hbm>> -> memref<8x64xf32, #tpu.memory_space<hbm>>
    %dma_start3A_31 = arith.constant 0 : i32
    %dma_start3A_32 = arith.constant 0 : i32
    %dma_start3A_33 = tpu.memref_slice %arg9[%dma_start3A, %dma_start3A_31, %dma_start3A_32] : memref<16x8x64xf32, #tpu.memory_space<vmem>> -> memref<1x8x64xf32, #tpu.memory_space<vmem>>
    %dma_start3A_34 = tpu.memref_squeeze %dma_start3A_33 : memref<1x8x64xf32, #tpu.memory_space<vmem>> -> memref<8x64xf32, #tpu.memory_space<vmem>>
    %dma_start3A_35 = arith.constant 0 : i32
    %dma_start3A_36 = tpu.memref_slice %arg4[%multiple_of3A, %dma_start3A_35] : memref<100000x64xf32, #tpu.memory_space<hbm>> -> memref<8x64xf32, #tpu.memory_space<hbm>>
    tpu.enqueue_dma source(%dma_start3A_36 : memref<8x64xf32, #tpu.memory_space<hbm>>) target(%dma_start3A_34 : memref<8x64xf32, #tpu.memory_space<vmem>>) target_semaphore(%arg14 : memref<!tpu.dma_semaphore, #tpu.memory_space<semaphore_mem>>)
    %dma_start3A_37 = arith.constant 0 : i32
    %dma_start3A_38 = arith.constant 0 : i32
    %dma_start3A_39 = arith.constant 0 : i32
    %dma_start3A_40 = tpu.memref_slice %arg10[%dma_start3A_37, %dma_start3A_38, %dma_start3A_39] : memref<16x8x64xf32, #tpu.memory_space<vmem>> -> memref<1x8x64xf32, #tpu.memory_space<vmem>>
    %dma_start3A_41 = tpu.memref_squeeze %dma_start3A_40 : memref<1x8x64xf32, #tpu.memory_space<vmem>> -> memref<8x64xf32, #tpu.memory_space<vmem>>
    %dma_start3A_42 = arith.constant 0 : i32
    %dma_start3A_43 = tpu.memref_slice %arg5[%multiple_of3A_24, %dma_start3A_42] : memref<100001x64xf32, #tpu.memory_space<hbm>> -> memref<8x64xf32, #tpu.memory_space<hbm>>
    %dma_start3A_44 = arith.constant 0 : i32
    %dma_start3A_45 = arith.constant 0 : i32
    %dma_start3A_46 = tpu.memref_slice %arg10[%dma_start3A_37, %dma_start3A_44, %dma_start3A_45] : memref<16x8x64xf32, #tpu.memory_space<vmem>> -> memref<1x8x64xf32, #tpu.memory_space<vmem>>
    %dma_start3A_47 = tpu.memref_squeeze %dma_start3A_46 : memref<1x8x64xf32, #tpu.memory_space<vmem>> -> memref<8x64xf32, #tpu.memory_space<vmem>>
    %dma_start3A_48 = arith.constant 0 : i32
    %dma_start3A_49 = tpu.memref_slice %arg5[%multiple_of3A_24, %dma_start3A_48] : memref<100001x64xf32, #tpu.memory_space<hbm>> -> memref<8x64xf32, #tpu.memory_space<hbm>>
    tpu.enqueue_dma source(%dma_start3A_49 : memref<8x64xf32, #tpu.memory_space<hbm>>) target(%dma_start3A_47 : memref<8x64xf32, #tpu.memory_space<vmem>>) target_semaphore(%arg14 : memref<!tpu.dma_semaphore, #tpu.memory_space<semaphore_mem>>)
    %slice3A_50 = vector.extract_strided_slice %and3A_16 {offsets = [1], sizes = [1], strides = [1]} : vector<16xi32> to vector<1xi32>
    %squeeze3A_51 = vector.extract %slice3A_50[0] : i32 from vector<1xi32>
    %multiple_of3A_52 = tpu.assume_multiple %squeeze3A_51, 8 : i32
    %slice3A_53 = vector.extract_strided_slice %and3A_21 {offsets = [1], sizes = [1], strides = [1]} : vector<16xi32> to vector<1xi32>
    %squeeze3A_54 = vector.extract %slice3A_53[0] : i32 from vector<1xi32>
    %multiple_of3A_55 = tpu.assume_multiple %squeeze3A_54, 8 : i32
    %dma_start3A_56 = arith.constant 1 : i32
    %dma_start3A_57 = arith.constant 0 : i32
    %dma_start3A_58 = arith.constant 0 : i32
    %dma_start3A_59 = tpu.memref_slice %arg9[%dma_start3A_56, %dma_start3A_57, %dma_start3A_58] : memref<16x8x64xf32, #tpu.memory_space<vmem>> -> memref<1x8x64xf32, #tpu.memory_space<vmem>>
    %dma_start3A_60 = tpu.memref_squeeze %dma_start3A_59 : memref<1x8x64xf32, #tpu.memory_space<vmem>> -> memref<8x64xf32, #tpu.memory_space<vmem>>
    %dma_start3A_61 = arith.constant 0 : i32
    %dma_start3A_62 = tpu.memref_slice %arg4[%multiple_of3A_52, %dma_start3A_61] : memref<100000x64xf32, #tpu.memory_space<hbm>> -> memref<8x64xf32, #tpu.memory_space<hbm>>
    %dma_start3A_63 = arith.constant 0 : i32
    %dma_start3A_64 = arith.constant 0 : i32
    %dma_start3A_65 = tpu.memref_slice %arg9[%dma_start3A_56, %dma_start3A_63, %dma_start3A_64] : memref<16x8x64xf32, #tpu.memory_space<vmem>> -> memref<1x8x64xf32, #tpu.memory_space<vmem>>
    %dma_start3A_66 = tpu.memref_squeeze %dma_start3A_65 : memref<1x8x64xf32, #tpu.memory_space<vmem>> -> memref<8x64xf32, #tpu.memory_space<vmem>>
    %dma_start3A_67 = arith.constant 0 : i32
    %dma_start3A_68 = tpu.memref_slice %arg4[%multiple_of3A_52, %dma_start3A_67] : memref<100000x64xf32, #tpu.memory_space<hbm>> -> memref<8x64xf32, #tpu.memory_space<hbm>>
    tpu.enqueue_dma source(%dma_start3A_68 : memref<8x64xf32, #tpu.memory_space<hbm>>) target(%dma_start3A_66 : memref<8x64xf32, #tpu.memory_space<vmem>>) target_semaphore(%arg14 : memref<!tpu.dma_semaphore, #tpu.memory_space<semaphore_mem>>)
    %dma_start3A_69 = arith.constant 1 : i32
    %dma_start3A_70 = arith.constant 0 : i32
    %dma_start3A_71 = arith.constant 0 : i32
    %dma_start3A_72 = tpu.memref_slice %arg10[%dma_start3A_69, %dma_start3A_70, %dma_start3A_71] : memref<16x8x64xf32, #tpu.memory_space<vmem>> -> memref<1x8x64xf32, #tpu.memory_space<vmem>>
    %dma_start3A_73 = tpu.memref_squeeze %dma_start3A_72 : memref<1x8x64xf32, #tpu.memory_space<vmem>> -> memref<8x64xf32, #tpu.memory_space<vmem>>
    %dma_start3A_74 = arith.constant 0 : i32
    %dma_start3A_75 = tpu.memref_slice %arg5[%multiple_of3A_55, %dma_start3A_74] : memref<100001x64xf32, #tpu.memory_space<hbm>> -> memref<8x64xf32, #tpu.memory_space<hbm>>
    %dma_start3A_76 = arith.constant 0 : i32
    %dma_start3A_77 = arith.constant 0 : i32
    %dma_start3A_78 = tpu.memref_slice %arg10[%dma_start3A_69, %dma_start3A_76, %dma_start3A_77] : memref<16x8x64xf32, #tpu.memory_space<vmem>> -> memref<1x8x64xf32, #tpu.memory_space<vmem>>
    %dma_start3A_79 = tpu.memref_squeeze %dma_start3A_78 : memref<1x8x64xf32, #tpu.memory_space<vmem>> -> memref<8x64xf32, #tpu.memory_space<vmem>>
    %dma_start3A_80 = arith.constant 0 : i32
    %dma_start3A_81 = tpu.memref_slice %arg5[%multiple_of3A_55, %dma_start3A_80] : memref<100001x64xf32, #tpu.memory_space<hbm>> -> memref<8x64xf32, #tpu.memory_space<hbm>>
    tpu.enqueue_dma source(%dma_start3A_81 : memref<8x64xf32, #tpu.memory_space<hbm>>) target(%dma_start3A_79 : memref<8x64xf32, #tpu.memory_space<vmem>>) target_semaphore(%arg14 : memref<!tpu.dma_semaphore, #tpu.memory_space<semaphore_mem>>)
    %slice3A_82 = vector.extract_strided_slice %and3A_16 {offsets = [2], sizes = [1], strides = [1]} : vector<16xi32> to vector<1xi32>
    %squeeze3A_83 = vector.extract %slice3A_82[0] : i32 from vector<1xi32>
    %multiple_of3A_84 = tpu.assume_multiple %squeeze3A_83, 8 : i32
    %slice3A_85 = vector.extract_strided_slice %and3A_21 {offsets = [2], sizes = [1], strides = [1]} : vector<16xi32> to vector<1xi32>
    %squeeze3A_86 = vector.extract %slice3A_85[0] : i32 from vector<1xi32>
    %multiple_of3A_87 = tpu.assume_multiple %squeeze3A_86, 8 : i32
    %dma_start3A_88 = arith.constant 2 : i32
    %dma_start3A_89 = arith.constant 0 : i32
    %dma_start3A_90 = arith.constant 0 : i32
    %dma_start3A_91 = tpu.memref_slice %arg9[%dma_start3A_88, %dma_start3A_89, %dma_start3A_90] : memref<16x8x64xf32, #tpu.memory_space<vmem>> -> memref<1x8x64xf32, #tpu.memory_space<vmem>>
    %dma_start3A_92 = tpu.memref_squeeze %dma_start3A_91 : memref<1x8x64xf32, #tpu.memory_space<vmem>> -> memref<8x64xf32, #tpu.memory_space<vmem>>
    %dma_start3A_93 = arith.constant 0 : i32
    %dma_start3A_94 = tpu.memref_slice %arg4[%multiple_of3A_84, %dma_start3A_93] : memref<100000x64xf32, #tpu.memory_space<hbm>> -> memref<8x64xf32, #tpu.memory_space<hbm>>
    %dma_start3A_95 = arith.constant 0 : i32
    %dma_start3A_96 = arith.constant 0 : i32
    %dma_start3A_97 = tpu.memref_slice %arg9[%dma_start3A_88, %dma_start3A_95, %dma_start3A_96] : memref<16x8x64xf32, #tpu.memory_space<vmem>> -> memref<1x8x64xf32, #tpu.memory_space<vmem>>
    %dma_start3A_98 = tpu.memref_squeeze %dma_start3A_97 : memref<1x8x64xf32, #tpu.memory_space<vmem>> -> memref<8x64xf32, #tpu.memory_space<vmem>>
    %dma_start3A_99 = arith.constant 0 : i32
    %dma_start3A_100 = tpu.memref_slice %arg4[%multiple_of3A_84, %dma_start3A_99] : memref<100000x64xf32, #tpu.memory_space<hbm>> -> memref<8x64xf32, #tpu.memory_space<hbm>>
    tpu.enqueue_dma source(%dma_start3A_100 : memref<8x64xf32, #tpu.memory_space<hbm>>) target(%dma_start3A_98 : memref<8x64xf32, #tpu.memory_space<vmem>>) target_semaphore(%arg14 : memref<!tpu.dma_semaphore, #tpu.memory_space<semaphore_mem>>)
    %dma_start3A_101 = arith.constant 2 : i32
    %dma_start3A_102 = arith.constant 0 : i32
    %dma_start3A_103 = arith.constant 0 : i32
    %dma_start3A_104 = tpu.memref_slice %arg10[%dma_start3A_101, %dma_start3A_102, %dma_start3A_103] : memref<16x8x64xf32, #tpu.memory_space<vmem>> -> memref<1x8x64xf32, #tpu.memory_space<vmem>>
    %dma_start3A_105 = tpu.memref_squeeze %dma_start3A_104 : memref<1x8x64xf32, #tpu.memory_space<vmem>> -> memref<8x64xf32, #tpu.memory_space<vmem>>
    %dma_start3A_106 = arith.constant 0 : i32
    %dma_start3A_107 = tpu.memref_slice %arg5[%multiple_of3A_87, %dma_start3A_106] : memref<100001x64xf32, #tpu.memory_space<hbm>> -> memref<8x64xf32, #tpu.memory_space<hbm>>
    %dma_start3A_108 = arith.constant 0 : i32
    %dma_start3A_109 = arith.constant 0 : i32
    %dma_start3A_110 = tpu.memref_slice %arg10[%dma_start3A_101, %dma_start3A_108, %dma_start3A_109] : memref<16x8x64xf32, #tpu.memory_space<vmem>> -> memref<1x8x64xf32, #tpu.memory_space<vmem>>
    %dma_start3A_111 = tpu.memref_squeeze %dma_start3A_110 : memref<1x8x64xf32, #tpu.memory_space<vmem>> -> memref<8x64xf32, #tpu.memory_space<vmem>>
    %dma_start3A_112 = arith.constant 0 : i32
    %dma_start3A_113 = tpu.memref_slice %arg5[%multiple_of3A_87, %dma_start3A_112] : memref<100001x64xf32, #tpu.memory_space<hbm>> -> memref<8x64xf32, #tpu.memory_space<hbm>>
    tpu.enqueue_dma source(%dma_start3A_113 : memref<8x64xf32, #tpu.memory_space<hbm>>) target(%dma_start3A_111 : memref<8x64xf32, #tpu.memory_space<vmem>>) target_semaphore(%arg14 : memref<!tpu.dma_semaphore, #tpu.memory_space<semaphore_mem>>)
    %slice3A_114 = vector.extract_strided_slice %and3A_16 {offsets = [3], sizes = [1], strides = [1]} : vector<16xi32> to vector<1xi32>
    %squeeze3A_115 = vector.extract %slice3A_114[0] : i32 from vector<1xi32>
    %multiple_of3A_116 = tpu.assume_multiple %squeeze3A_115, 8 : i32
    %slice3A_117 = vector.extract_strided_slice %and3A_21 {offsets = [3], sizes = [1], strides = [1]} : vector<16xi32> to vector<1xi32>
    %squeeze3A_118 = vector.extract %slice3A_117[0] : i32 from vector<1xi32>
    %multiple_of3A_119 = tpu.assume_multiple %squeeze3A_118, 8 : i32
    %dma_start3A_120 = arith.constant 3 : i32
    %dma_start3A_121 = arith.constant 0 : i32
    %dma_start3A_122 = arith.constant 0 : i32
    %dma_start3A_123 = tpu.memref_slice %arg9[%dma_start3A_120, %dma_start3A_121, %dma_start3A_122] : memref<16x8x64xf32, #tpu.memory_space<vmem>> -> memref<1x8x64xf32, #tpu.memory_space<vmem>>
    %dma_start3A_124 = tpu.memref_squeeze %dma_start3A_123 : memref<1x8x64xf32, #tpu.memory_space<vmem>> -> memref<8x64xf32, #tpu.memory_space<vmem>>
    %dma_start3A_125 = arith.constant 0 : i32
    %dma_start3A_126 = tpu.memref_slice %arg4[%multiple_of3A_116, %dma_start3A_125] : memref<100000x64xf32, #tpu.memory_space<hbm>> -> memref<8x64xf32, #tpu.memory_space<hbm>>
    %dma_start3A_127 = arith.constant 0 : i32
    %dma_start3A_128 = arith.constant 0 : i32
    %dma_start3A_129 = tpu.memref_slice %arg9[%dma_start3A_120, %dma_start3A_127, %dma_start3A_128] : memref<16x8x64xf32, #tpu.memory_space<vmem>> -> memref<1x8x64xf32, #tpu.memory_space<vmem>>
    %dma_start3A_130 = tpu.memref_squeeze %dma_start3A_129 : memref<1x8x64xf32, #tpu.memory_space<vmem>> -> memref<8x64xf32, #tpu.memory_space<vmem>>
    %dma_start3A_131 = arith.constant 0 : i32
    %dma_start3A_132 = tpu.memref_slice %arg4[%multiple_of3A_116, %dma_start3A_131] : memref<100000x64xf32, #tpu.memory_space<hbm>> -> memref<8x64xf32, #tpu.memory_space<hbm>>
    tpu.enqueue_dma source(%dma_start3A_132 : memref<8x64xf32, #tpu.memory_space<hbm>>) target(%dma_start3A_130 : memref<8x64xf32, #tpu.memory_space<vmem>>) target_semaphore(%arg14 : memref<!tpu.dma_semaphore, #tpu.memory_space<semaphore_mem>>)
    %dma_start3A_133 = arith.constant 3 : i32
    %dma_start3A_134 = arith.constant 0 : i32
    %dma_start3A_135 = arith.constant 0 : i32
    %dma_start3A_136 = tpu.memref_slice %arg10[%dma_start3A_133, %dma_start3A_134, %dma_start3A_135] : memref<16x8x64xf32, #tpu.memory_space<vmem>> -> memref<1x8x64xf32, #tpu.memory_space<vmem>>
    %dma_start3A_137 = tpu.memref_squeeze %dma_start3A_136 : memref<1x8x64xf32, #tpu.memory_space<vmem>> -> memref<8x64xf32, #tpu.memory_space<vmem>>
    %dma_start3A_138 = arith.constant 0 : i32
    %dma_start3A_139 = tpu.memref_slice %arg5[%multiple_of3A_119, %dma_start3A_138] : memref<100001x64xf32, #tpu.memory_space<hbm>> -> memref<8x64xf32, #tpu.memory_space<hbm>>
    %dma_start3A_140 = arith.constant 0 : i32
    %dma_start3A_141 = arith.constant 0 : i32
    %dma_start3A_142 = tpu.memref_slice %arg10[%dma_start3A_133, %dma_start3A_140, %dma_start3A_141] : memref<16x8x64xf32, #tpu.memory_space<vmem>> -> memref<1x8x64xf32, #tpu.memory_space<vmem>>
    %dma_start3A_143 = tpu.memref_squeeze %dma_start3A_142 : memref<1x8x64xf32, #tpu.memory_space<vmem>> -> memref<8x64xf32, #tpu.memory_space<vmem>>
    %dma_start3A_144 = arith.constant 0 : i32
    %dma_start3A_145 = tpu.memref_slice %arg5[%multiple_of3A_119, %dma_start3A_144] : memref<100001x64xf32, #tpu.memory_space<hbm>> -> memref<8x64xf32, #tpu.memory_space<hbm>>
    tpu.enqueue_dma source(%dma_start3A_145 : memref<8x64xf32, #tpu.memory_space<hbm>>) target(%dma_start3A_143 : memref<8x64xf32, #tpu.memory_space<vmem>>) target_semaphore(%arg14 : memref<!tpu.dma_semaphore, #tpu.memory_space<semaphore_mem>>)
    %slice3A_146 = vector.extract_strided_slice %and3A_16 {offsets = [4], sizes = [1], strides = [1]} : vector<16xi32> to vector<1xi32>
    %squeeze3A_147 = vector.extract %slice3A_146[0] : i32 from vector<1xi32>
    %multiple_of3A_148 = tpu.assume_multiple %squeeze3A_147, 8 : i32
    %slice3A_149 = vector.extract_strided_slice %and3A_21 {offsets = [4], sizes = [1], strides = [1]} : vector<16xi32> to vector<1xi32>
    %squeeze3A_150 = vector.extract %slice3A_149[0] : i32 from vector<1xi32>
    %multiple_of3A_151 = tpu.assume_multiple %squeeze3A_150, 8 : i32
    %dma_start3A_152 = arith.constant 4 : i32
    %dma_start3A_153 = arith.constant 0 : i32
    %dma_start3A_154 = arith.constant 0 : i32
    %dma_start3A_155 = tpu.memref_slice %arg9[%dma_start3A_152, %dma_start3A_153, %dma_start3A_154] : memref<16x8x64xf32, #tpu.memory_space<vmem>> -> memref<1x8x64xf32, #tpu.memory_space<vmem>>
    %dma_start3A_156 = tpu.memref_squeeze %dma_start3A_155 : memref<1x8x64xf32, #tpu.memory_space<vmem>> -> memref<8x64xf32, #tpu.memory_space<vmem>>
    %dma_start3A_157 = arith.constant 0 : i32
    %dma_start3A_158 = tpu.memref_slice %arg4[%multiple_of3A_148, %dma_start3A_157] : memref<100000x64xf32, #tpu.memory_space<hbm>> -> memref<8x64xf32, #tpu.memory_space<hbm>>
    %dma_start3A_159 = arith.constant 0 : i32
    %dma_start3A_160 = arith.constant 0 : i32
    %dma_start3A_161 = tpu.memref_slice %arg9[%dma_start3A_152, %dma_start3A_159, %dma_start3A_160] : memref<16x8x64xf32, #tpu.memory_space<vmem>> -> memref<1x8x64xf32, #tpu.memory_space<vmem>>
    %dma_start3A_162 = tpu.memref_squeeze %dma_start3A_161 : memref<1x8x64xf32, #tpu.memory_space<vmem>> -> memref<8x64xf32, #tpu.memory_space<vmem>>
    %dma_start3A_163 = arith.constant 0 : i32
    %dma_start3A_164 = tpu.memref_slice %arg4[%multiple_of3A_148, %dma_start3A_163] : memref<100000x64xf32, #tpu.memory_space<hbm>> -> memref<8x64xf32, #tpu.memory_space<hbm>>
    tpu.enqueue_dma source(%dma_start3A_164 : memref<8x64xf32, #tpu.memory_space<hbm>>) target(%dma_start3A_162 : memref<8x64xf32, #tpu.memory_space<vmem>>) target_semaphore(%arg14 : memref<!tpu.dma_semaphore, #tpu.memory_space<semaphore_mem>>)
    %dma_start3A_165 = arith.constant 4 : i32
    %dma_start3A_166 = arith.constant 0 : i32
    %dma_start3A_167 = arith.constant 0 : i32
    %dma_start3A_168 = tpu.memref_slice %arg10[%dma_start3A_165, %dma_start3A_166, %dma_start3A_167] : memref<16x8x64xf32, #tpu.memory_space<vmem>> -> memref<1x8x64xf32, #tpu.memory_space<vmem>>
    %dma_start3A_169 = tpu.memref_squeeze %dma_start3A_168 : memref<1x8x64xf32, #tpu.memory_space<vmem>> -> memref<8x64xf32, #tpu.memory_space<vmem>>
    %dma_start3A_170 = arith.constant 0 : i32
    %dma_start3A_171 = tpu.memref_slice %arg5[%multiple_of3A_151, %dma_start3A_170] : memref<100001x64xf32, #tpu.memory_space<hbm>> -> memref<8x64xf32, #tpu.memory_space<hbm>>
    %dma_start3A_172 = arith.constant 0 : i32
    %dma_start3A_173 = arith.constant 0 : i32
    %dma_start3A_174 = tpu.memref_slice %arg10[%dma_start3A_165, %dma_start3A_172, %dma_start3A_173] : memref<16x8x64xf32, #tpu.memory_space<vmem>> -> memref<1x8x64xf32, #tpu.memory_space<vmem>>
    %dma_start3A_175 = tpu.memref_squeeze %dma_start3A_174 : memref<1x8x64xf32, #tpu.memory_space<vmem>> -> memref<8x64xf32, #tpu.memory_space<vmem>>
    %dma_start3A_176 = arith.constant 0 : i32
    %dma_start3A_177 = tpu.memref_slice %arg5[%multiple_of3A_151, %dma_start3A_176] : memref<100001x64xf32, #tpu.memory_space<hbm>> -> memref<8x64xf32, #tpu.memory_space<hbm>>
    tpu.enqueue_dma source(%dma_start3A_177 : memref<8x64xf32, #tpu.memory_space<hbm>>) target(%dma_start3A_175 : memref<8x64xf32, #tpu.memory_space<vmem>>) target_semaphore(%arg14 : memref<!tpu.dma_semaphore, #tpu.memory_space<semaphore_mem>>)
    %slice3A_178 = vector.extract_strided_slice %and3A_16 {offsets = [5], sizes = [1], strides = [1]} : vector<16xi32> to vector<1xi32>
    %squeeze3A_179 = vector.extract %slice3A_178[0] : i32 from vector<1xi32>
    %multiple_of3A_180 = tpu.assume_multiple %squeeze3A_179, 8 : i32
    %slice3A_181 = vector.extract_strided_slice %and3A_21 {offsets = [5], sizes = [1], strides = [1]} : vector<16xi32> to vector<1xi32>
    %squeeze3A_182 = vector.extract %slice3A_181[0] : i32 from vector<1xi32>
    %multiple_of3A_183 = tpu.assume_multiple %squeeze3A_182, 8 : i32
    %dma_start3A_184 = arith.constant 5 : i32
    %dma_start3A_185 = arith.constant 0 : i32
    %dma_start3A_186 = arith.constant 0 : i32
    %dma_start3A_187 = tpu.memref_slice %arg9[%dma_start3A_184, %dma_start3A_185, %dma_start3A_186] : memref<16x8x64xf32, #tpu.memory_space<vmem>> -> memref<1x8x64xf32, #tpu.memory_space<vmem>>
    %dma_start3A_188 = tpu.memref_squeeze %dma_start3A_187 : memref<1x8x64xf32, #tpu.memory_space<vmem>> -> memref<8x64xf32, #tpu.memory_space<vmem>>
    %dma_start3A_189 = arith.constant 0 : i32
    %dma_start3A_190 = tpu.memref_slice %arg4[%multiple_of3A_180, %dma_start3A_189] : memref<100000x64xf32, #tpu.memory_space<hbm>> -> memref<8x64xf32, #tpu.memory_space<hbm>>
    %dma_start3A_191 = arith.constant 0 : i32
    %dma_start3A_192 = arith.constant 0 : i32
    %dma_start3A_193 = tpu.memref_slice %arg9[%dma_start3A_184, %dma_start3A_191, %dma_start3A_192] : memref<16x8x64xf32, #tpu.memory_space<vmem>> -> memref<1x8x64xf32, #tpu.memory_space<vmem>>
    %dma_start3A_194 = tpu.memref_squeeze %dma_start3A_193 : memref<1x8x64xf32, #tpu.memory_space<vmem>> -> memref<8x64xf32, #tpu.memory_space<vmem>>
    %dma_start3A_195 = arith.constant 0 : i32
    %dma_start3A_196 = tpu.memref_slice %arg4[%multiple_of3A_180, %dma_start3A_195] : memref<100000x64xf32, #tpu.memory_space<hbm>> -> memref<8x64xf32, #tpu.memory_space<hbm>>
    tpu.enqueue_dma source(%dma_start3A_196 : memref<8x64xf32, #tpu.memory_space<hbm>>) target(%dma_start3A_194 : memref<8x64xf32, #tpu.memory_space<vmem>>) target_semaphore(%arg14 : memref<!tpu.dma_semaphore, #tpu.memory_space<semaphore_mem>>)
    %dma_start3A_197 = arith.constant 5 : i32
    %dma_start3A_198 = arith.constant 0 : i32
    %dma_start3A_199 = arith.constant 0 : i32
    %dma_start3A_200 = tpu.memref_slice %arg10[%dma_start3A_197, %dma_start3A_198, %dma_start3A_199] : memref<16x8x64xf32, #tpu.memory_space<vmem>> -> memref<1x8x64xf32, #tpu.memory_space<vmem>>
    %dma_start3A_201 = tpu.memref_squeeze %dma_start3A_200 : memref<1x8x64xf32, #tpu.memory_space<vmem>> -> memref<8x64xf32, #tpu.memory_space<vmem>>
    %dma_start3A_202 = arith.constant 0 : i32
    %dma_start3A_203 = tpu.memref_slice %arg5[%multiple_of3A_183, %dma_start3A_202] : memref<100001x64xf32, #tpu.memory_space<hbm>> -> memref<8x64xf32, #tpu.memory_space<hbm>>
    %dma_start3A_204 = arith.constant 0 : i32
    %dma_start3A_205 = arith.constant 0 : i32
    %dma_start3A_206 = tpu.memref_slice %arg10[%dma_start3A_197, %dma_start3A_204, %dma_start3A_205] : memref<16x8x64xf32, #tpu.memory_space<vmem>> -> memref<1x8x64xf32, #tpu.memory_space<vmem>>
    %dma_start3A_207 = tpu.memref_squeeze %dma_start3A_206 : memref<1x8x64xf32, #tpu.memory_space<vmem>> -> memref<8x64xf32, #tpu.memory_space<vmem>>
    %dma_start3A_208 = arith.constant 0 : i32
    %dma_start3A_209 = tpu.memref_slice %arg5[%multiple_of3A_183, %dma_start3A_208] : memref<100001x64xf32, #tpu.memory_space<hbm>> -> memref<8x64xf32, #tpu.memory_space<hbm>>
    tpu.enqueue_dma source(%dma_start3A_209 : memref<8x64xf32, #tpu.memory_space<hbm>>) target(%dma_start3A_207 : memref<8x64xf32, #tpu.memory_space<vmem>>) target_semaphore(%arg14 : memref<!tpu.dma_semaphore, #tpu.memory_space<semaphore_mem>>)
    %slice3A_210 = vector.extract_strided_slice %and3A_16 {offsets = [6], sizes = [1], strides = [1]} : vector<16xi32> to vector<1xi32>
    %squeeze3A_211 = vector.extract %slice3A_210[0] : i32 from vector<1xi32>
    %multiple_of3A_212 = tpu.assume_multiple %squeeze3A_211, 8 : i32
    %slice3A_213 = vector.extract_strided_slice %and3A_21 {offsets = [6], sizes = [1], strides = [1]} : vector<16xi32> to vector<1xi32>
    %squeeze3A_214 = vector.extract %slice3A_213[0] : i32 from vector<1xi32>
    %multiple_of3A_215 = tpu.assume_multiple %squeeze3A_214, 8 : i32
    %dma_start3A_216 = arith.constant 6 : i32
    %dma_start3A_217 = arith.constant 0 : i32
    %dma_start3A_218 = arith.constant 0 : i32
    %dma_start3A_219 = tpu.memref_slice %arg9[%dma_start3A_216, %dma_start3A_217, %dma_start3A_218] : memref<16x8x64xf32, #tpu.memory_space<vmem>> -> memref<1x8x64xf32, #tpu.memory_space<vmem>>
    %dma_start3A_220 = tpu.memref_squeeze %dma_start3A_219 : memref<1x8x64xf32, #tpu.memory_space<vmem>> -> memref<8x64xf32, #tpu.memory_space<vmem>>
    %dma_start3A_221 = arith.constant 0 : i32
    %dma_start3A_222 = tpu.memref_slice %arg4[%multiple_of3A_212, %dma_start3A_221] : memref<100000x64xf32, #tpu.memory_space<hbm>> -> memref<8x64xf32, #tpu.memory_space<hbm>>
    %dma_start3A_223 = arith.constant 0 : i32
    %dma_start3A_224 = arith.constant 0 : i32
    %dma_start3A_225 = tpu.memref_slice %arg9[%dma_start3A_216, %dma_start3A_223, %dma_start3A_224] : memref<16x8x64xf32, #tpu.memory_space<vmem>> -> memref<1x8x64xf32, #tpu.memory_space<vmem>>
    %dma_start3A_226 = tpu.memref_squeeze %dma_start3A_225 : memref<1x8x64xf32, #tpu.memory_space<vmem>> -> memref<8x64xf32, #tpu.memory_space<vmem>>
    %dma_start3A_227 = arith.constant 0 : i32
    %dma_start3A_228 = tpu.memref_slice %arg4[%multiple_of3A_212, %dma_start3A_227] : memref<100000x64xf32, #tpu.memory_space<hbm>> -> memref<8x64xf32, #tpu.memory_space<hbm>>
    tpu.enqueue_dma source(%dma_start3A_228 : memref<8x64xf32, #tpu.memory_space<hbm>>) target(%dma_start3A_226 : memref<8x64xf32, #tpu.memory_space<vmem>>) target_semaphore(%arg14 : memref<!tpu.dma_semaphore, #tpu.memory_space<semaphore_mem>>)
    %dma_start3A_229 = arith.constant 6 : i32
    %dma_start3A_230 = arith.constant 0 : i32
    %dma_start3A_231 = arith.constant 0 : i32
    %dma_start3A_232 = tpu.memref_slice %arg10[%dma_start3A_229, %dma_start3A_230, %dma_start3A_231] : memref<16x8x64xf32, #tpu.memory_space<vmem>> -> memref<1x8x64xf32, #tpu.memory_space<vmem>>
    %dma_start3A_233 = tpu.memref_squeeze %dma_start3A_232 : memref<1x8x64xf32, #tpu.memory_space<vmem>> -> memref<8x64xf32, #tpu.memory_space<vmem>>
    %dma_start3A_234 = arith.constant 0 : i32
    %dma_start3A_235 = tpu.memref_slice %arg5[%multiple_of3A_215, %dma_start3A_234] : memref<100001x64xf32, #tpu.memory_space<hbm>> -> memref<8x64xf32, #tpu.memory_space<hbm>>
    %dma_start3A_236 = arith.constant 0 : i32
    %dma_start3A_237 = arith.constant 0 : i32
    %dma_start3A_238 = tpu.memref_slice %arg10[%dma_start3A_229, %dma_start3A_236, %dma_start3A_237] : memref<16x8x64xf32, #tpu.memory_space<vmem>> -> memref<1x8x64xf32, #tpu.memory_space<vmem>>
    %dma_start3A_239 = tpu.memref_squeeze %dma_start3A_238 : memref<1x8x64xf32, #tpu.memory_space<vmem>> -> memref<8x64xf32, #tpu.memory_space<vmem>>
    %dma_start3A_240 = arith.constant 0 : i32
    %dma_start3A_241 = tpu.memref_slice %arg5[%multiple_of3A_215, %dma_start3A_240] : memref<100001x64xf32, #tpu.memory_space<hbm>> -> memref<8x64xf32, #tpu.memory_space<hbm>>
    tpu.enqueue_dma source(%dma_start3A_241 : memref<8x64xf32, #tpu.memory_space<hbm>>) target(%dma_start3A_239 : memref<8x64xf32, #tpu.memory_space<vmem>>) target_semaphore(%arg14 : memref<!tpu.dma_semaphore, #tpu.memory_space<semaphore_mem>>)
    %slice3A_242 = vector.extract_strided_slice %and3A_16 {offsets = [7], sizes = [1], strides = [1]} : vector<16xi32> to vector<1xi32>
    %squeeze3A_243 = vector.extract %slice3A_242[0] : i32 from vector<1xi32>
    %multiple_of3A_244 = tpu.assume_multiple %squeeze3A_243, 8 : i32
    %slice3A_245 = vector.extract_strided_slice %and3A_21 {offsets = [7], sizes = [1], strides = [1]} : vector<16xi32> to vector<1xi32>
    %squeeze3A_246 = vector.extract %slice3A_245[0] : i32 from vector<1xi32>
    %multiple_of3A_247 = tpu.assume_multiple %squeeze3A_246, 8 : i32
    %dma_start3A_248 = arith.constant 7 : i32
    %dma_start3A_249 = arith.constant 0 : i32
    %dma_start3A_250 = arith.constant 0 : i32
    %dma_start3A_251 = tpu.memref_slice %arg9[%dma_start3A_248, %dma_start3A_249, %dma_start3A_250] : memref<16x8x64xf32, #tpu.memory_space<vmem>> -> memref<1x8x64xf32, #tpu.memory_space<vmem>>
    %dma_start3A_252 = tpu.memref_squeeze %dma_start3A_251 : memref<1x8x64xf32, #tpu.memory_space<vmem>> -> memref<8x64xf32, #tpu.memory_space<vmem>>
    %dma_start3A_253 = arith.constant 0 : i32
    %dma_start3A_254 = tpu.memref_slice %arg4[%multiple_of3A_244, %dma_start3A_253] : memref<100000x64xf32, #tpu.memory_space<hbm>> -> memref<8x64xf32, #tpu.memory_space<hbm>>
    %dma_start3A_255 = arith.constant 0 : i32
    %dma_start3A_256 = arith.constant 0 : i32
    %dma_start3A_257 = tpu.memref_slice %arg9[%dma_start3A_248, %dma_start3A_255, %dma_start3A_256] : memref<16x8x64xf32, #tpu.memory_space<vmem>> -> memref<1x8x64xf32, #tpu.memory_space<vmem>>
    %dma_start3A_258 = tpu.memref_squeeze %dma_start3A_257 : memref<1x8x64xf32, #tpu.memory_space<vmem>> -> memref<8x64xf32, #tpu.memory_space<vmem>>
    %dma_start3A_259 = arith.constant 0 : i32
    %dma_start3A_260 = tpu.memref_slice %arg4[%multiple_of3A_244, %dma_start3A_259] : memref<100000x64xf32, #tpu.memory_space<hbm>> -> memref<8x64xf32, #tpu.memory_space<hbm>>
    tpu.enqueue_dma source(%dma_start3A_260 : memref<8x64xf32, #tpu.memory_space<hbm>>) target(%dma_start3A_258 : memref<8x64xf32, #tpu.memory_space<vmem>>) target_semaphore(%arg14 : memref<!tpu.dma_semaphore, #tpu.memory_space<semaphore_mem>>)
    %dma_start3A_261 = arith.constant 7 : i32
    %dma_start3A_262 = arith.constant 0 : i32
    %dma_start3A_263 = arith.constant 0 : i32
    %dma_start3A_264 = tpu.memref_slice %arg10[%dma_start3A_261, %dma_start3A_262, %dma_start3A_263] : memref<16x8x64xf32, #tpu.memory_space<vmem>> -> memref<1x8x64xf32, #tpu.memory_space<vmem>>
    %dma_start3A_265 = tpu.memref_squeeze %dma_start3A_264 : memref<1x8x64xf32, #tpu.memory_space<vmem>> -> memref<8x64xf32, #tpu.memory_space<vmem>>
    %dma_start3A_266 = arith.constant 0 : i32
    %dma_start3A_267 = tpu.memref_slice %arg5[%multiple_of3A_247, %dma_start3A_266] : memref<100001x64xf32, #tpu.memory_space<hbm>> -> memref<8x64xf32, #tpu.memory_space<hbm>>
    %dma_start3A_268 = arith.constant 0 : i32
    %dma_start3A_269 = arith.constant 0 : i32
    %dma_start3A_270 = tpu.memref_slice %arg10[%dma_start3A_261, %dma_start3A_268, %dma_start3A_269] : memref<16x8x64xf32, #tpu.memory_space<vmem>> -> memref<1x8x64xf32, #tpu.memory_space<vmem>>
    %dma_start3A_271 = tpu.memref_squeeze %dma_start3A_270 : memref<1x8x64xf32, #tpu.memory_space<vmem>> -> memref<8x64xf32, #tpu.memory_space<vmem>>
    %dma_start3A_272 = arith.constant 0 : i32
    %dma_start3A_273 = tpu.memref_slice %arg5[%multiple_of3A_247, %dma_start3A_272] : memref<100001x64xf32, #tpu.memory_space<hbm>> -> memref<8x64xf32, #tpu.memory_space<hbm>>
    tpu.enqueue_dma source(%dma_start3A_273 : memref<8x64xf32, #tpu.memory_space<hbm>>) target(%dma_start3A_271 : memref<8x64xf32, #tpu.memory_space<vmem>>) target_semaphore(%arg14 : memref<!tpu.dma_semaphore, #tpu.memory_space<semaphore_mem>>)
    %slice3A_274 = vector.extract_strided_slice %and3A_16 {offsets = [8], sizes = [1], strides = [1]} : vector<16xi32> to vector<1xi32>
    %squeeze3A_275 = vector.extract %slice3A_274[0] : i32 from vector<1xi32>
    %multiple_of3A_276 = tpu.assume_multiple %squeeze3A_275, 8 : i32
    %slice3A_277 = vector.extract_strided_slice %and3A_21 {offsets = [8], sizes = [1], strides = [1]} : vector<16xi32> to vector<1xi32>
    %squeeze3A_278 = vector.extract %slice3A_277[0] : i32 from vector<1xi32>
    %multiple_of3A_279 = tpu.assume_multiple %squeeze3A_278, 8 : i32
    %dma_start3A_280 = arith.constant 8 : i32
    %dma_start3A_281 = arith.constant 0 : i32
    %dma_start3A_282 = arith.constant 0 : i32
    %dma_start3A_283 = tpu.memref_slice %arg9[%dma_start3A_280, %dma_start3A_281, %dma_start3A_282] : memref<16x8x64xf32, #tpu.memory_space<vmem>> -> memref<1x8x64xf32, #tpu.memory_space<vmem>>
    %dma_start3A_284 = tpu.memref_squeeze %dma_start3A_283 : memref<1x8x64xf32, #tpu.memory_space<vmem>> -> memref<8x64xf32, #tpu.memory_space<vmem>>
    %dma_start3A_285 = arith.constant 0 : i32
    %dma_start3A_286 = tpu.memref_slice %arg4[%multiple_of3A_276, %dma_start3A_285] : memref<100000x64xf32, #tpu.memory_space<hbm>> -> memref<8x64xf32, #tpu.memory_space<hbm>>
    %dma_start3A_287 = arith.constant 0 : i32
    %dma_start3A_288 = arith.constant 0 : i32
    %dma_start3A_289 = tpu.memref_slice %arg9[%dma_start3A_280, %dma_start3A_287, %dma_start3A_288] : memref<16x8x64xf32, #tpu.memory_space<vmem>> -> memref<1x8x64xf32, #tpu.memory_space<vmem>>
    %dma_start3A_290 = tpu.memref_squeeze %dma_start3A_289 : memref<1x8x64xf32, #tpu.memory_space<vmem>> -> memref<8x64xf32, #tpu.memory_space<vmem>>
    %dma_start3A_291 = arith.constant 0 : i32
    %dma_start3A_292 = tpu.memref_slice %arg4[%multiple_of3A_276, %dma_start3A_291] : memref<100000x64xf32, #tpu.memory_space<hbm>> -> memref<8x64xf32, #tpu.memory_space<hbm>>
    tpu.enqueue_dma source(%dma_start3A_292 : memref<8x64xf32, #tpu.memory_space<hbm>>) target(%dma_start3A_290 : memref<8x64xf32, #tpu.memory_space<vmem>>) target_semaphore(%arg14 : memref<!tpu.dma_semaphore, #tpu.memory_space<semaphore_mem>>)
    %dma_start3A_293 = arith.constant 8 : i32
    %dma_start3A_294 = arith.constant 0 : i32
    %dma_start3A_295 = arith.constant 0 : i32
    %dma_start3A_296 = tpu.memref_slice %arg10[%dma_start3A_293, %dma_start3A_294, %dma_start3A_295] : memref<16x8x64xf32, #tpu.memory_space<vmem>> -> memref<1x8x64xf32, #tpu.memory_space<vmem>>
    %dma_start3A_297 = tpu.memref_squeeze %dma_start3A_296 : memref<1x8x64xf32, #tpu.memory_space<vmem>> -> memref<8x64xf32, #tpu.memory_space<vmem>>
    %dma_start3A_298 = arith.constant 0 : i32
    %dma_start3A_299 = tpu.memref_slice %arg5[%multiple_of3A_279, %dma_start3A_298] : memref<100001x64xf32, #tpu.memory_space<hbm>> -> memref<8x64xf32, #tpu.memory_space<hbm>>
    %dma_start3A_300 = arith.constant 0 : i32
    %dma_start3A_301 = arith.constant 0 : i32
    %dma_start3A_302 = tpu.memref_slice %arg10[%dma_start3A_293, %dma_start3A_300, %dma_start3A_301] : memref<16x8x64xf32, #tpu.memory_space<vmem>> -> memref<1x8x64xf32, #tpu.memory_space<vmem>>
    %dma_start3A_303 = tpu.memref_squeeze %dma_start3A_302 : memref<1x8x64xf32, #tpu.memory_space<vmem>> -> memref<8x64xf32, #tpu.memory_space<vmem>>
    %dma_start3A_304 = arith.constant 0 : i32
    %dma_start3A_305 = tpu.memref_slice %arg5[%multiple_of3A_279, %dma_start3A_304] : memref<100001x64xf32, #tpu.memory_space<hbm>> -> memref<8x64xf32, #tpu.memory_space<hbm>>
    tpu.enqueue_dma source(%dma_start3A_305 : memref<8x64xf32, #tpu.memory_space<hbm>>) target(%dma_start3A_303 : memref<8x64xf32, #tpu.memory_space<vmem>>) target_semaphore(%arg14 : memref<!tpu.dma_semaphore, #tpu.memory_space<semaphore_mem>>)
    %slice3A_306 = vector.extract_strided_slice %and3A_16 {offsets = [9], sizes = [1], strides = [1]} : vector<16xi32> to vector<1xi32>
    %squeeze3A_307 = vector.extract %slice3A_306[0] : i32 from vector<1xi32>
    %multiple_of3A_308 = tpu.assume_multiple %squeeze3A_307, 8 : i32
    %slice3A_309 = vector.extract_strided_slice %and3A_21 {offsets = [9], sizes = [1], strides = [1]} : vector<16xi32> to vector<1xi32>
    %squeeze3A_310 = vector.extract %slice3A_309[0] : i32 from vector<1xi32>
    %multiple_of3A_311 = tpu.assume_multiple %squeeze3A_310, 8 : i32
    %dma_start3A_312 = arith.constant 9 : i32
    %dma_start3A_313 = arith.constant 0 : i32
    %dma_start3A_314 = arith.constant 0 : i32
    %dma_start3A_315 = tpu.memref_slice %arg9[%dma_start3A_312, %dma_start3A_313, %dma_start3A_314] : memref<16x8x64xf32, #tpu.memory_space<vmem>> -> memref<1x8x64xf32, #tpu.memory_space<vmem>>
    %dma_start3A_316 = tpu.memref_squeeze %dma_start3A_315 : memref<1x8x64xf32, #tpu.memory_space<vmem>> -> memref<8x64xf32, #tpu.memory_space<vmem>>
    %dma_start3A_317 = arith.constant 0 : i32
    %dma_start3A_318 = tpu.memref_slice %arg4[%multiple_of3A_308, %dma_start3A_317] : memref<100000x64xf32, #tpu.memory_space<hbm>> -> memref<8x64xf32, #tpu.memory_space<hbm>>
    %dma_start3A_319 = arith.constant 0 : i32
    %dma_start3A_320 = arith.constant 0 : i32
    %dma_start3A_321 = tpu.memref_slice %arg9[%dma_start3A_312, %dma_start3A_319, %dma_start3A_320] : memref<16x8x64xf32, #tpu.memory_space<vmem>> -> memref<1x8x64xf32, #tpu.memory_space<vmem>>
    %dma_start3A_322 = tpu.memref_squeeze %dma_start3A_321 : memref<1x8x64xf32, #tpu.memory_space<vmem>> -> memref<8x64xf32, #tpu.memory_space<vmem>>
    %dma_start3A_323 = arith.constant 0 : i32
    %dma_start3A_324 = tpu.memref_slice %arg4[%multiple_of3A_308, %dma_start3A_323] : memref<100000x64xf32, #tpu.memory_space<hbm>> -> memref<8x64xf32, #tpu.memory_space<hbm>>
    tpu.enqueue_dma source(%dma_start3A_324 : memref<8x64xf32, #tpu.memory_space<hbm>>) target(%dma_start3A_322 : memref<8x64xf32, #tpu.memory_space<vmem>>) target_semaphore(%arg14 : memref<!tpu.dma_semaphore, #tpu.memory_space<semaphore_mem>>)
    %dma_start3A_325 = arith.constant 9 : i32
    %dma_start3A_326 = arith.constant 0 : i32
    %dma_start3A_327 = arith.constant 0 : i32
    %dma_start3A_328 = tpu.memref_slice %arg10[%dma_start3A_325, %dma_start3A_326, %dma_start3A_327] : memref<16x8x64xf32, #tpu.memory_space<vmem>> -> memref<1x8x64xf32, #tpu.memory_space<vmem>>
    %dma_start3A_329 = tpu.memref_squeeze %dma_start3A_328 : memref<1x8x64xf32, #tpu.memory_space<vmem>> -> memref<8x64xf32, #tpu.memory_space<vmem>>
    %dma_start3A_330 = arith.constant 0 : i32
    %dma_start3A_331 = tpu.memref_slice %arg5[%multiple_of3A_311, %dma_start3A_330] : memref<100001x64xf32, #tpu.memory_space<hbm>> -> memref<8x64xf32, #tpu.memory_space<hbm>>
    %dma_start3A_332 = arith.constant 0 : i32
    %dma_start3A_333 = arith.constant 0 : i32
    %dma_start3A_334 = tpu.memref_slice %arg10[%dma_start3A_325, %dma_start3A_332, %dma_start3A_333] : memref<16x8x64xf32, #tpu.memory_space<vmem>> -> memref<1x8x64xf32, #tpu.memory_space<vmem>>
    %dma_start3A_335 = tpu.memref_squeeze %dma_start3A_334 : memref<1x8x64xf32, #tpu.memory_space<vmem>> -> memref<8x64xf32, #tpu.memory_space<vmem>>
    %dma_start3A_336 = arith.constant 0 : i32
    %dma_start3A_337 = tpu.memref_slice %arg5[%multiple_of3A_311, %dma_start3A_336] : memref<100001x64xf32, #tpu.memory_space<hbm>> -> memref<8x64xf32, #tpu.memory_space<hbm>>
    tpu.enqueue_dma source(%dma_start3A_337 : memref<8x64xf32, #tpu.memory_space<hbm>>) target(%dma_start3A_335 : memref<8x64xf32, #tpu.memory_space<vmem>>) target_semaphore(%arg14 : memref<!tpu.dma_semaphore, #tpu.memory_space<semaphore_mem>>)
    %slice3A_338 = vector.extract_strided_slice %and3A_16 {offsets = [10], sizes = [1], strides = [1]} : vector<16xi32> to vector<1xi32>
    %squeeze3A_339 = vector.extract %slice3A_338[0] : i32 from vector<1xi32>
    %multiple_of3A_340 = tpu.assume_multiple %squeeze3A_339, 8 : i32
    %slice3A_341 = vector.extract_strided_slice %and3A_21 {offsets = [10], sizes = [1], strides = [1]} : vector<16xi32> to vector<1xi32>
    %squeeze3A_342 = vector.extract %slice3A_341[0] : i32 from vector<1xi32>
    %multiple_of3A_343 = tpu.assume_multiple %squeeze3A_342, 8 : i32
    %dma_start3A_344 = arith.constant 10 : i32
    %dma_start3A_345 = arith.constant 0 : i32
    %dma_start3A_346 = arith.constant 0 : i32
    %dma_start3A_347 = tpu.memref_slice %arg9[%dma_start3A_344, %dma_start3A_345, %dma_start3A_346] : memref<16x8x64xf32, #tpu.memory_space<vmem>> -> memref<1x8x64xf32, #tpu.memory_space<vmem>>
    %dma_start3A_348 = tpu.memref_squeeze %dma_start3A_347 : memref<1x8x64xf32, #tpu.memory_space<vmem>> -> memref<8x64xf32, #tpu.memory_space<vmem>>
    %dma_start3A_349 = arith.constant 0 : i32
    %dma_start3A_350 = tpu.memref_slice %arg4[%multiple_of3A_340, %dma_start3A_349] : memref<100000x64xf32, #tpu.memory_space<hbm>> -> memref<8x64xf32, #tpu.memory_space<hbm>>
    %dma_start3A_351 = arith.constant 0 : i32
    %dma_start3A_352 = arith.constant 0 : i32
    %dma_start3A_353 = tpu.memref_slice %arg9[%dma_start3A_344, %dma_start3A_351, %dma_start3A_352] : memref<16x8x64xf32, #tpu.memory_space<vmem>> -> memref<1x8x64xf32, #tpu.memory_space<vmem>>
    %dma_start3A_354 = tpu.memref_squeeze %dma_start3A_353 : memref<1x8x64xf32, #tpu.memory_space<vmem>> -> memref<8x64xf32, #tpu.memory_space<vmem>>
    %dma_start3A_355 = arith.constant 0 : i32
    %dma_start3A_356 = tpu.memref_slice %arg4[%multiple_of3A_340, %dma_start3A_355] : memref<100000x64xf32, #tpu.memory_space<hbm>> -> memref<8x64xf32, #tpu.memory_space<hbm>>
    tpu.enqueue_dma source(%dma_start3A_356 : memref<8x64xf32, #tpu.memory_space<hbm>>) target(%dma_start3A_354 : memref<8x64xf32, #tpu.memory_space<vmem>>) target_semaphore(%arg14 : memref<!tpu.dma_semaphore, #tpu.memory_space<semaphore_mem>>)
    %dma_start3A_357 = arith.constant 10 : i32
    %dma_start3A_358 = arith.constant 0 : i32
    %dma_start3A_359 = arith.constant 0 : i32
    %dma_start3A_360 = tpu.memref_slice %arg10[%dma_start3A_357, %dma_start3A_358, %dma_start3A_359] : memref<16x8x64xf32, #tpu.memory_space<vmem>> -> memref<1x8x64xf32, #tpu.memory_space<vmem>>
    %dma_start3A_361 = tpu.memref_squeeze %dma_start3A_360 : memref<1x8x64xf32, #tpu.memory_space<vmem>> -> memref<8x64xf32, #tpu.memory_space<vmem>>
    %dma_start3A_362 = arith.constant 0 : i32
    %dma_start3A_363 = tpu.memref_slice %arg5[%multiple_of3A_343, %dma_start3A_362] : memref<100001x64xf32, #tpu.memory_space<hbm>> -> memref<8x64xf32, #tpu.memory_space<hbm>>
    %dma_start3A_364 = arith.constant 0 : i32
    %dma_start3A_365 = arith.constant 0 : i32
    %dma_start3A_366 = tpu.memref_slice %arg10[%dma_start3A_357, %dma_start3A_364, %dma_start3A_365] : memref<16x8x64xf32, #tpu.memory_space<vmem>> -> memref<1x8x64xf32, #tpu.memory_space<vmem>>
    %dma_start3A_367 = tpu.memref_squeeze %dma_start3A_366 : memref<1x8x64xf32, #tpu.memory_space<vmem>> -> memref<8x64xf32, #tpu.memory_space<vmem>>
    %dma_start3A_368 = arith.constant 0 : i32
    %dma_start3A_369 = tpu.memref_slice %arg5[%multiple_of3A_343, %dma_start3A_368] : memref<100001x64xf32, #tpu.memory_space<hbm>> -> memref<8x64xf32, #tpu.memory_space<hbm>>
    tpu.enqueue_dma source(%dma_start3A_369 : memref<8x64xf32, #tpu.memory_space<hbm>>) target(%dma_start3A_367 : memref<8x64xf32, #tpu.memory_space<vmem>>) target_semaphore(%arg14 : memref<!tpu.dma_semaphore, #tpu.memory_space<semaphore_mem>>)
    %slice3A_370 = vector.extract_strided_slice %and3A_16 {offsets = [11], sizes = [1], strides = [1]} : vector<16xi32> to vector<1xi32>
    %squeeze3A_371 = vector.extract %slice3A_370[0] : i32 from vector<1xi32>
    %multiple_of3A_372 = tpu.assume_multiple %squeeze3A_371, 8 : i32
    %slice3A_373 = vector.extract_strided_slice %and3A_21 {offsets = [11], sizes = [1], strides = [1]} : vector<16xi32> to vector<1xi32>
    %squeeze3A_374 = vector.extract %slice3A_373[0] : i32 from vector<1xi32>
    %multiple_of3A_375 = tpu.assume_multiple %squeeze3A_374, 8 : i32
    %dma_start3A_376 = arith.constant 11 : i32
    %dma_start3A_377 = arith.constant 0 : i32
    %dma_start3A_378 = arith.constant 0 : i32
    %dma_start3A_379 = tpu.memref_slice %arg9[%dma_start3A_376, %dma_start3A_377, %dma_start3A_378] : memref<16x8x64xf32, #tpu.memory_space<vmem>> -> memref<1x8x64xf32, #tpu.memory_space<vmem>>
    %dma_start3A_380 = tpu.memref_squeeze %dma_start3A_379 : memref<1x8x64xf32, #tpu.memory_space<vmem>> -> memref<8x64xf32, #tpu.memory_space<vmem>>
    %dma_start3A_381 = arith.constant 0 : i32
    %dma_start3A_382 = tpu.memref_slice %arg4[%multiple_of3A_372, %dma_start3A_381] : memref<100000x64xf32, #tpu.memory_space<hbm>> -> memref<8x64xf32, #tpu.memory_space<hbm>>
    %dma_start3A_383 = arith.constant 0 : i32
    %dma_start3A_384 = arith.constant 0 : i32
    %dma_start3A_385 = tpu.memref_slice %arg9[%dma_start3A_376, %dma_start3A_383, %dma_start3A_384] : memref<16x8x64xf32, #tpu.memory_space<vmem>> -> memref<1x8x64xf32, #tpu.memory_space<vmem>>
    %dma_start3A_386 = tpu.memref_squeeze %dma_start3A_385 : memref<1x8x64xf32, #tpu.memory_space<vmem>> -> memref<8x64xf32, #tpu.memory_space<vmem>>
    %dma_start3A_387 = arith.constant 0 : i32
    %dma_start3A_388 = tpu.memref_slice %arg4[%multiple_of3A_372, %dma_start3A_387] : memref<100000x64xf32, #tpu.memory_space<hbm>> -> memref<8x64xf32, #tpu.memory_space<hbm>>
    tpu.enqueue_dma source(%dma_start3A_388 : memref<8x64xf32, #tpu.memory_space<hbm>>) target(%dma_start3A_386 : memref<8x64xf32, #tpu.memory_space<vmem>>) target_semaphore(%arg14 : memref<!tpu.dma_semaphore, #tpu.memory_space<semaphore_mem>>)
    %dma_start3A_389 = arith.constant 11 : i32
    %dma_start3A_390 = arith.constant 0 : i32
    %dma_start3A_391 = arith.constant 0 : i32
    %dma_start3A_392 = tpu.memref_slice %arg10[%dma_start3A_389, %dma_start3A_390, %dma_start3A_391] : memref<16x8x64xf32, #tpu.memory_space<vmem>> -> memref<1x8x64xf32, #tpu.memory_space<vmem>>
    %dma_start3A_393 = tpu.memref_squeeze %dma_start3A_392 : memref<1x8x64xf32, #tpu.memory_space<vmem>> -> memref<8x64xf32, #tpu.memory_space<vmem>>
    %dma_start3A_394 = arith.constant 0 : i32
    %dma_start3A_395 = tpu.memref_slice %arg5[%multiple_of3A_375, %dma_start3A_394] : memref<100001x64xf32, #tpu.memory_space<hbm>> -> memref<8x64xf32, #tpu.memory_space<hbm>>
    %dma_start3A_396 = arith.constant 0 : i32
    %dma_start3A_397 = arith.constant 0 : i32
    %dma_start3A_398 = tpu.memref_slice %arg10[%dma_start3A_389, %dma_start3A_396, %dma_start3A_397] : memref<16x8x64xf32, #tpu.memory_space<vmem>> -> memref<1x8x64xf32, #tpu.memory_space<vmem>>
    %dma_start3A_399 = tpu.memref_squeeze %dma_start3A_398 : memref<1x8x64xf32, #tpu.memory_space<vmem>> -> memref<8x64xf32, #tpu.memory_space<vmem>>
    %dma_start3A_400 = arith.constant 0 : i32
    %dma_start3A_401 = tpu.memref_slice %arg5[%multiple_of3A_375, %dma_start3A_400] : memref<100001x64xf32, #tpu.memory_space<hbm>> -> memref<8x64xf32, #tpu.memory_space<hbm>>
    tpu.enqueue_dma source(%dma_start3A_401 : memref<8x64xf32, #tpu.memory_space<hbm>>) target(%dma_start3A_399 : memref<8x64xf32, #tpu.memory_space<vmem>>) target_semaphore(%arg14 : memref<!tpu.dma_semaphore, #tpu.memory_space<semaphore_mem>>)
    %slice3A_402 = vector.extract_strided_slice %and3A_16 {offsets = [12], sizes = [1], strides = [1]} : vector<16xi32> to vector<1xi32>
    %squeeze3A_403 = vector.extract %slice3A_402[0] : i32 from vector<1xi32>
    %multiple_of3A_404 = tpu.assume_multiple %squeeze3A_403, 8 : i32
    %slice3A_405 = vector.extract_strided_slice %and3A_21 {offsets = [12], sizes = [1], strides = [1]} : vector<16xi32> to vector<1xi32>
    %squeeze3A_406 = vector.extract %slice3A_405[0] : i32 from vector<1xi32>
    %multiple_of3A_407 = tpu.assume_multiple %squeeze3A_406, 8 : i32
    %dma_start3A_408 = arith.constant 12 : i32
    %dma_start3A_409 = arith.constant 0 : i32
    %dma_start3A_410 = arith.constant 0 : i32
    %dma_start3A_411 = tpu.memref_slice %arg9[%dma_start3A_408, %dma_start3A_409, %dma_start3A_410] : memref<16x8x64xf32, #tpu.memory_space<vmem>> -> memref<1x8x64xf32, #tpu.memory_space<vmem>>
    %dma_start3A_412 = tpu.memref_squeeze %dma_start3A_411 : memref<1x8x64xf32, #tpu.memory_space<vmem>> -> memref<8x64xf32, #tpu.memory_space<vmem>>
    %dma_start3A_413 = arith.constant 0 : i32
    %dma_start3A_414 = tpu.memref_slice %arg4[%multiple_of3A_404, %dma_start3A_413] : memref<100000x64xf32, #tpu.memory_space<hbm>> -> memref<8x64xf32, #tpu.memory_space<hbm>>
    %dma_start3A_415 = arith.constant 0 : i32
    %dma_start3A_416 = arith.constant 0 : i32
    %dma_start3A_417 = tpu.memref_slice %arg9[%dma_start3A_408, %dma_start3A_415, %dma_start3A_416] : memref<16x8x64xf32, #tpu.memory_space<vmem>> -> memref<1x8x64xf32, #tpu.memory_space<vmem>>
    %dma_start3A_418 = tpu.memref_squeeze %dma_start3A_417 : memref<1x8x64xf32, #tpu.memory_space<vmem>> -> memref<8x64xf32, #tpu.memory_space<vmem>>
    %dma_start3A_419 = arith.constant 0 : i32
    %dma_start3A_420 = tpu.memref_slice %arg4[%multiple_of3A_404, %dma_start3A_419] : memref<100000x64xf32, #tpu.memory_space<hbm>> -> memref<8x64xf32, #tpu.memory_space<hbm>>
    tpu.enqueue_dma source(%dma_start3A_420 : memref<8x64xf32, #tpu.memory_space<hbm>>) target(%dma_start3A_418 : memref<8x64xf32, #tpu.memory_space<vmem>>) target_semaphore(%arg14 : memref<!tpu.dma_semaphore, #tpu.memory_space<semaphore_mem>>)
    %dma_start3A_421 = arith.constant 12 : i32
    %dma_start3A_422 = arith.constant 0 : i32
    %dma_start3A_423 = arith.constant 0 : i32
    %dma_start3A_424 = tpu.memref_slice %arg10[%dma_start3A_421, %dma_start3A_422, %dma_start3A_423] : memref<16x8x64xf32, #tpu.memory_space<vmem>> -> memref<1x8x64xf32, #tpu.memory_space<vmem>>
    %dma_start3A_425 = tpu.memref_squeeze %dma_start3A_424 : memref<1x8x64xf32, #tpu.memory_space<vmem>> -> memref<8x64xf32, #tpu.memory_space<vmem>>
    %dma_start3A_426 = arith.constant 0 : i32
    %dma_start3A_427 = tpu.memref_slice %arg5[%multiple_of3A_407, %dma_start3A_426] : memref<100001x64xf32, #tpu.memory_space<hbm>> -> memref<8x64xf32, #tpu.memory_space<hbm>>
    %dma_start3A_428 = arith.constant 0 : i32
    %dma_start3A_429 = arith.constant 0 : i32
    %dma_start3A_430 = tpu.memref_slice %arg10[%dma_start3A_421, %dma_start3A_428, %dma_start3A_429] : memref<16x8x64xf32, #tpu.memory_space<vmem>> -> memref<1x8x64xf32, #tpu.memory_space<vmem>>
    %dma_start3A_431 = tpu.memref_squeeze %dma_start3A_430 : memref<1x8x64xf32, #tpu.memory_space<vmem>> -> memref<8x64xf32, #tpu.memory_space<vmem>>
    %dma_start3A_432 = arith.constant 0 : i32
    %dma_start3A_433 = tpu.memref_slice %arg5[%multiple_of3A_407, %dma_start3A_432] : memref<100001x64xf32, #tpu.memory_space<hbm>> -> memref<8x64xf32, #tpu.memory_space<hbm>>
    tpu.enqueue_dma source(%dma_start3A_433 : memref<8x64xf32, #tpu.memory_space<hbm>>) target(%dma_start3A_431 : memref<8x64xf32, #tpu.memory_space<vmem>>) target_semaphore(%arg14 : memref<!tpu.dma_semaphore, #tpu.memory_space<semaphore_mem>>)
    %slice3A_434 = vector.extract_strided_slice %and3A_16 {offsets = [13], sizes = [1], strides = [1]} : vector<16xi32> to vector<1xi32>
    %squeeze3A_435 = vector.extract %slice3A_434[0] : i32 from vector<1xi32>
    %multiple_of3A_436 = tpu.assume_multiple %squeeze3A_435, 8 : i32
    %slice3A_437 = vector.extract_strided_slice %and3A_21 {offsets = [13], sizes = [1], strides = [1]} : vector<16xi32> to vector<1xi32>
    %squeeze3A_438 = vector.extract %slice3A_437[0] : i32 from vector<1xi32>
    %multiple_of3A_439 = tpu.assume_multiple %squeeze3A_438, 8 : i32
    %dma_start3A_440 = arith.constant 13 : i32
    %dma_start3A_441 = arith.constant 0 : i32
    %dma_start3A_442 = arith.constant 0 : i32
    %dma_start3A_443 = tpu.memref_slice %arg9[%dma_start3A_440, %dma_start3A_441, %dma_start3A_442] : memref<16x8x64xf32, #tpu.memory_space<vmem>> -> memref<1x8x64xf32, #tpu.memory_space<vmem>>
    %dma_start3A_444 = tpu.memref_squeeze %dma_start3A_443 : memref<1x8x64xf32, #tpu.memory_space<vmem>> -> memref<8x64xf32, #tpu.memory_space<vmem>>
    %dma_start3A_445 = arith.constant 0 : i32
    %dma_start3A_446 = tpu.memref_slice %arg4[%multiple_of3A_436, %dma_start3A_445] : memref<100000x64xf32, #tpu.memory_space<hbm>> -> memref<8x64xf32, #tpu.memory_space<hbm>>
    %dma_start3A_447 = arith.constant 0 : i32
    %dma_start3A_448 = arith.constant 0 : i32
    %dma_start3A_449 = tpu.memref_slice %arg9[%dma_start3A_440, %dma_start3A_447, %dma_start3A_448] : memref<16x8x64xf32, #tpu.memory_space<vmem>> -> memref<1x8x64xf32, #tpu.memory_space<vmem>>
    %dma_start3A_450 = tpu.memref_squeeze %dma_start3A_449 : memref<1x8x64xf32, #tpu.memory_space<vmem>> -> memref<8x64xf32, #tpu.memory_space<vmem>>
    %dma_start3A_451 = arith.constant 0 : i32
    %dma_start3A_452 = tpu.memref_slice %arg4[%multiple_of3A_436, %dma_start3A_451] : memref<100000x64xf32, #tpu.memory_space<hbm>> -> memref<8x64xf32, #tpu.memory_space<hbm>>
    tpu.enqueue_dma source(%dma_start3A_452 : memref<8x64xf32, #tpu.memory_space<hbm>>) target(%dma_start3A_450 : memref<8x64xf32, #tpu.memory_space<vmem>>) target_semaphore(%arg14 : memref<!tpu.dma_semaphore, #tpu.memory_space<semaphore_mem>>)
    %dma_start3A_453 = arith.constant 13 : i32
    %dma_start3A_454 = arith.constant 0 : i32
    %dma_start3A_455 = arith.constant 0 : i32
    %dma_start3A_456 = tpu.memref_slice %arg10[%dma_start3A_453, %dma_start3A_454, %dma_start3A_455] : memref<16x8x64xf32, #tpu.memory_space<vmem>> -> memref<1x8x64xf32, #tpu.memory_space<vmem>>
    %dma_start3A_457 = tpu.memref_squeeze %dma_start3A_456 : memref<1x8x64xf32, #tpu.memory_space<vmem>> -> memref<8x64xf32, #tpu.memory_space<vmem>>
    %dma_start3A_458 = arith.constant 0 : i32
    %dma_start3A_459 = tpu.memref_slice %arg5[%multiple_of3A_439, %dma_start3A_458] : memref<100001x64xf32, #tpu.memory_space<hbm>> -> memref<8x64xf32, #tpu.memory_space<hbm>>
    %dma_start3A_460 = arith.constant 0 : i32
    %dma_start3A_461 = arith.constant 0 : i32
    %dma_start3A_462 = tpu.memref_slice %arg10[%dma_start3A_453, %dma_start3A_460, %dma_start3A_461] : memref<16x8x64xf32, #tpu.memory_space<vmem>> -> memref<1x8x64xf32, #tpu.memory_space<vmem>>
    %dma_start3A_463 = tpu.memref_squeeze %dma_start3A_462 : memref<1x8x64xf32, #tpu.memory_space<vmem>> -> memref<8x64xf32, #tpu.memory_space<vmem>>
    %dma_start3A_464 = arith.constant 0 : i32
    %dma_start3A_465 = tpu.memref_slice %arg5[%multiple_of3A_439, %dma_start3A_464] : memref<100001x64xf32, #tpu.memory_space<hbm>> -> memref<8x64xf32, #tpu.memory_space<hbm>>
    tpu.enqueue_dma source(%dma_start3A_465 : memref<8x64xf32, #tpu.memory_space<hbm>>) target(%dma_start3A_463 : memref<8x64xf32, #tpu.memory_space<vmem>>) target_semaphore(%arg14 : memref<!tpu.dma_semaphore, #tpu.memory_space<semaphore_mem>>)
    %slice3A_466 = vector.extract_strided_slice %and3A_16 {offsets = [14], sizes = [1], strides = [1]} : vector<16xi32> to vector<1xi32>
    %squeeze3A_467 = vector.extract %slice3A_466[0] : i32 from vector<1xi32>
    %multiple_of3A_468 = tpu.assume_multiple %squeeze3A_467, 8 : i32
    %slice3A_469 = vector.extract_strided_slice %and3A_21 {offsets = [14], sizes = [1], strides = [1]} : vector<16xi32> to vector<1xi32>
    %squeeze3A_470 = vector.extract %slice3A_469[0] : i32 from vector<1xi32>
    %multiple_of3A_471 = tpu.assume_multiple %squeeze3A_470, 8 : i32
    %dma_start3A_472 = arith.constant 14 : i32
    %dma_start3A_473 = arith.constant 0 : i32
    %dma_start3A_474 = arith.constant 0 : i32
    %dma_start3A_475 = tpu.memref_slice %arg9[%dma_start3A_472, %dma_start3A_473, %dma_start3A_474] : memref<16x8x64xf32, #tpu.memory_space<vmem>> -> memref<1x8x64xf32, #tpu.memory_space<vmem>>
    %dma_start3A_476 = tpu.memref_squeeze %dma_start3A_475 : memref<1x8x64xf32, #tpu.memory_space<vmem>> -> memref<8x64xf32, #tpu.memory_space<vmem>>
    %dma_start3A_477 = arith.constant 0 : i32
    %dma_start3A_478 = tpu.memref_slice %arg4[%multiple_of3A_468, %dma_start3A_477] : memref<100000x64xf32, #tpu.memory_space<hbm>> -> memref<8x64xf32, #tpu.memory_space<hbm>>
    %dma_start3A_479 = arith.constant 0 : i32
    %dma_start3A_480 = arith.constant 0 : i32
    %dma_start3A_481 = tpu.memref_slice %arg9[%dma_start3A_472, %dma_start3A_479, %dma_start3A_480] : memref<16x8x64xf32, #tpu.memory_space<vmem>> -> memref<1x8x64xf32, #tpu.memory_space<vmem>>
    %dma_start3A_482 = tpu.memref_squeeze %dma_start3A_481 : memref<1x8x64xf32, #tpu.memory_space<vmem>> -> memref<8x64xf32, #tpu.memory_space<vmem>>
    %dma_start3A_483 = arith.constant 0 : i32
    %dma_start3A_484 = tpu.memref_slice %arg4[%multiple_of3A_468, %dma_start3A_483] : memref<100000x64xf32, #tpu.memory_space<hbm>> -> memref<8x64xf32, #tpu.memory_space<hbm>>
    tpu.enqueue_dma source(%dma_start3A_484 : memref<8x64xf32, #tpu.memory_space<hbm>>) target(%dma_start3A_482 : memref<8x64xf32, #tpu.memory_space<vmem>>) target_semaphore(%arg14 : memref<!tpu.dma_semaphore, #tpu.memory_space<semaphore_mem>>)
    %dma_start3A_485 = arith.constant 14 : i32
    %dma_start3A_486 = arith.constant 0 : i32
    %dma_start3A_487 = arith.constant 0 : i32
    %dma_start3A_488 = tpu.memref_slice %arg10[%dma_start3A_485, %dma_start3A_486, %dma_start3A_487] : memref<16x8x64xf32, #tpu.memory_space<vmem>> -> memref<1x8x64xf32, #tpu.memory_space<vmem>>
    %dma_start3A_489 = tpu.memref_squeeze %dma_start3A_488 : memref<1x8x64xf32, #tpu.memory_space<vmem>> -> memref<8x64xf32, #tpu.memory_space<vmem>>
    %dma_start3A_490 = arith.constant 0 : i32
    %dma_start3A_491 = tpu.memref_slice %arg5[%multiple_of3A_471, %dma_start3A_490] : memref<100001x64xf32, #tpu.memory_space<hbm>> -> memref<8x64xf32, #tpu.memory_space<hbm>>
    %dma_start3A_492 = arith.constant 0 : i32
    %dma_start3A_493 = arith.constant 0 : i32
    %dma_start3A_494 = tpu.memref_slice %arg10[%dma_start3A_485, %dma_start3A_492, %dma_start3A_493] : memref<16x8x64xf32, #tpu.memory_space<vmem>> -> memref<1x8x64xf32, #tpu.memory_space<vmem>>
    %dma_start3A_495 = tpu.memref_squeeze %dma_start3A_494 : memref<1x8x64xf32, #tpu.memory_space<vmem>> -> memref<8x64xf32, #tpu.memory_space<vmem>>
    %dma_start3A_496 = arith.constant 0 : i32
    %dma_start3A_497 = tpu.memref_slice %arg5[%multiple_of3A_471, %dma_start3A_496] : memref<100001x64xf32, #tpu.memory_space<hbm>> -> memref<8x64xf32, #tpu.memory_space<hbm>>
    tpu.enqueue_dma source(%dma_start3A_497 : memref<8x64xf32, #tpu.memory_space<hbm>>) target(%dma_start3A_495 : memref<8x64xf32, #tpu.memory_space<vmem>>) target_semaphore(%arg14 : memref<!tpu.dma_semaphore, #tpu.memory_space<semaphore_mem>>)
    %slice3A_498 = vector.extract_strided_slice %and3A_16 {offsets = [15], sizes = [1], strides = [1]} : vector<16xi32> to vector<1xi32>
    %squeeze3A_499 = vector.extract %slice3A_498[0] : i32 from vector<1xi32>
    %multiple_of3A_500 = tpu.assume_multiple %squeeze3A_499, 8 : i32
    %slice3A_501 = vector.extract_strided_slice %and3A_21 {offsets = [15], sizes = [1], strides = [1]} : vector<16xi32> to vector<1xi32>
    %squeeze3A_502 = vector.extract %slice3A_501[0] : i32 from vector<1xi32>
    %multiple_of3A_503 = tpu.assume_multiple %squeeze3A_502, 8 : i32
    %dma_start3A_504 = arith.constant 15 : i32
    %dma_start3A_505 = arith.constant 0 : i32
    %dma_start3A_506 = arith.constant 0 : i32
    %dma_start3A_507 = tpu.memref_slice %arg9[%dma_start3A_504, %dma_start3A_505, %dma_start3A_506] : memref<16x8x64xf32, #tpu.memory_space<vmem>> -> memref<1x8x64xf32, #tpu.memory_space<vmem>>
    %dma_start3A_508 = tpu.memref_squeeze %dma_start3A_507 : memref<1x8x64xf32, #tpu.memory_space<vmem>> -> memref<8x64xf32, #tpu.memory_space<vmem>>
    %dma_start3A_509 = arith.constant 0 : i32
    %dma_start3A_510 = tpu.memref_slice %arg4[%multiple_of3A_500, %dma_start3A_509] : memref<100000x64xf32, #tpu.memory_space<hbm>> -> memref<8x64xf32, #tpu.memory_space<hbm>>
    %dma_start3A_511 = arith.constant 0 : i32
    %dma_start3A_512 = arith.constant 0 : i32
    %dma_start3A_513 = tpu.memref_slice %arg9[%dma_start3A_504, %dma_start3A_511, %dma_start3A_512] : memref<16x8x64xf32, #tpu.memory_space<vmem>> -> memref<1x8x64xf32, #tpu.memory_space<vmem>>
    %dma_start3A_514 = tpu.memref_squeeze %dma_start3A_513 : memref<1x8x64xf32, #tpu.memory_space<vmem>> -> memref<8x64xf32, #tpu.memory_space<vmem>>
    %dma_start3A_515 = arith.constant 0 : i32
    %dma_start3A_516 = tpu.memref_slice %arg4[%multiple_of3A_500, %dma_start3A_515] : memref<100000x64xf32, #tpu.memory_space<hbm>> -> memref<8x64xf32, #tpu.memory_space<hbm>>
    tpu.enqueue_dma source(%dma_start3A_516 : memref<8x64xf32, #tpu.memory_space<hbm>>) target(%dma_start3A_514 : memref<8x64xf32, #tpu.memory_space<vmem>>) target_semaphore(%arg14 : memref<!tpu.dma_semaphore, #tpu.memory_space<semaphore_mem>>)
    %dma_start3A_517 = arith.constant 15 : i32
    %dma_start3A_518 = arith.constant 0 : i32
    %dma_start3A_519 = arith.constant 0 : i32
    %dma_start3A_520 = tpu.memref_slice %arg10[%dma_start3A_517, %dma_start3A_518, %dma_start3A_519] : memref<16x8x64xf32, #tpu.memory_space<vmem>> -> memref<1x8x64xf32, #tpu.memory_space<vmem>>
    %dma_start3A_521 = tpu.memref_squeeze %dma_start3A_520 : memref<1x8x64xf32, #tpu.memory_space<vmem>> -> memref<8x64xf32, #tpu.memory_space<vmem>>
    %dma_start3A_522 = arith.constant 0 : i32
    %dma_start3A_523 = tpu.memref_slice %arg5[%multiple_of3A_503, %dma_start3A_522] : memref<100001x64xf32, #tpu.memory_space<hbm>> -> memref<8x64xf32, #tpu.memory_space<hbm>>
    %dma_start3A_524 = arith.constant 0 : i32
    %dma_start3A_525 = arith.constant 0 : i32
    %dma_start3A_526 = tpu.memref_slice %arg10[%dma_start3A_517, %dma_start3A_524, %dma_start3A_525] : memref<16x8x64xf32, #tpu.memory_space<vmem>> -> memref<1x8x64xf32, #tpu.memory_space<vmem>>
    %dma_start3A_527 = tpu.memref_squeeze %dma_start3A_526 : memref<1x8x64xf32, #tpu.memory_space<vmem>> -> memref<8x64xf32, #tpu.memory_space<vmem>>
    %dma_start3A_528 = arith.constant 0 : i32
    %dma_start3A_529 = tpu.memref_slice %arg5[%multiple_of3A_503, %dma_start3A_528] : memref<100001x64xf32, #tpu.memory_space<hbm>> -> memref<8x64xf32, #tpu.memory_space<hbm>>
    tpu.enqueue_dma source(%dma_start3A_529 : memref<8x64xf32, #tpu.memory_space<hbm>>) target(%dma_start3A_527 : memref<8x64xf32, #tpu.memory_space<vmem>>) target_semaphore(%arg14 : memref<!tpu.dma_semaphore, #tpu.memory_space<semaphore_mem>>)
    %scan3A = arith.constant 0 : i32
    %scan3A_530 = arith.constant 0 : i32
    %scan3A_531 = arith.constant 16 : i32
    %scan3A_532 = arith.addi %scan3A_530, %scan3A_531 : i32
    %scan3A_533 = arith.constant 1 : i32
    scf.for %scan3A_554 = %scan3A_530 to %scan3A_532 step %scan3A_533  : i32 {
      %mul3A_555 = arith.constant 2 : i32
      %mul3A_556 = arith.muli %scan3A_554, %mul3A_555 : i32
      %add3A_557 = arith.constant 1 : i32
      %add3A_558 = arith.addi %mul3A_556, %add3A_557 : i32
      %mul3A_559 = arith.constant 16 : i32
      %mul3A_560 = arith.muli %add3A_558, %mul3A_559 : i32
      %add3A_561 = arith.constant 0 : i32
      %add3A_562 = arith.addi %mul3A_560, %add3A_561 : i32
      %get3A_563 = arith.index_cast %add3A_562 : i32 to index
      %get3A_564 = tpu.vector_load %arg7[%get3A_563] {strides = array<i32>} : memref<512xi32, #tpu.memory_space<vmem>>, vector<16xi32>,
      %and3A_565 = arith.constant -8 : i32
      %and3A_566 = vector.broadcast %and3A_565 : i32 to vector<16xi32>
      %and3A_567 = arith.andi %get3A_564, %and3A_566 : vector<16xi32>
      %get3A_568 = arith.index_cast %add3A_562 : i32 to index
      %get3A_569 = tpu.vector_load %arg8[%get3A_568] {strides = array<i32>} : memref<512xi32, #tpu.memory_space<vmem>>, vector<16xi32>,
      %and3A_570 = arith.constant -8 : i32
      %and3A_571 = vector.broadcast %and3A_570 : i32 to vector<16xi32>
      %and3A_572 = arith.andi %get3A_569, %and3A_571 : vector<16xi32>
      %slice3A_573 = vector.extract_strided_slice %and3A_567 {offsets = [0], sizes = [1], strides = [1]} : vector<16xi32> to vector<1xi32>
      %squeeze3A_574 = vector.extract %slice3A_573[0] : i32 from vector<1xi32>
      %multiple_of3A_575 = tpu.assume_multiple %squeeze3A_574, 8 : i32
      %slice3A_576 = vector.extract_strided_slice %and3A_572 {offsets = [0], sizes = [1], strides = [1]} : vector<16xi32> to vector<1xi32>
      %squeeze3A_577 = vector.extract %slice3A_576[0] : i32 from vector<1xi32>
      %multiple_of3A_578 = tpu.assume_multiple %squeeze3A_577, 8 : i32
      %dma_start3A_579 = arith.constant 0 : i32
      %dma_start3A_580 = arith.constant 0 : i32
      %dma_start3A_581 = arith.constant 0 : i32
      %dma_start3A_582 = tpu.memref_slice %arg11[%dma_start3A_579, %dma_start3A_580, %dma_start3A_581] : memref<16x8x64xf32, #tpu.memory_space<vmem>> -> memref<1x8x64xf32, #tpu.memory_space<vmem>>
      %dma_start3A_583 = tpu.memref_squeeze %dma_start3A_582 : memref<1x8x64xf32, #tpu.memory_space<vmem>> -> memref<8x64xf32, #tpu.memory_space<vmem>>
      %dma_start3A_584 = arith.constant 0 : i32
      %dma_start3A_585 = tpu.memref_slice %arg4[%multiple_of3A_575, %dma_start3A_584] : memref<100000x64xf32, #tpu.memory_space<hbm>> -> memref<8x64xf32, #tpu.memory_space<hbm>>
      %dma_start3A_586 = arith.constant 0 : i32
      %dma_start3A_587 = arith.constant 0 : i32
      %dma_start3A_588 = tpu.memref_slice %arg11[%dma_start3A_579, %dma_start3A_586, %dma_start3A_587] : memref<16x8x64xf32, #tpu.memory_space<vmem>> -> memref<1x8x64xf32, #tpu.memory_space<vmem>>
      %dma_start3A_589 = tpu.memref_squeeze %dma_start3A_588 : memref<1x8x64xf32, #tpu.memory_space<vmem>> -> memref<8x64xf32, #tpu.memory_space<vmem>>
      %dma_start3A_590 = arith.constant 0 : i32
      %dma_start3A_591 = tpu.memref_slice %arg4[%multiple_of3A_575, %dma_start3A_590] : memref<100000x64xf32, #tpu.memory_space<hbm>> -> memref<8x64xf32, #tpu.memory_space<hbm>>
      tpu.enqueue_dma source(%dma_start3A_591 : memref<8x64xf32, #tpu.memory_space<hbm>>) target(%dma_start3A_589 : memref<8x64xf32, #tpu.memory_space<vmem>>) target_semaphore(%arg14 : memref<!tpu.dma_semaphore, #tpu.memory_space<semaphore_mem>>)
      %dma_start3A_592 = arith.constant 0 : i32
      %dma_start3A_593 = arith.constant 0 : i32
      %dma_start3A_594 = arith.constant 0 : i32
      %dma_start3A_595 = tpu.memref_slice %arg12[%dma_start3A_592, %dma_start3A_593, %dma_start3A_594] : memref<16x8x64xf32, #tpu.memory_space<vmem>> -> memref<1x8x64xf32, #tpu.memory_space<vmem>>
      %dma_start3A_596 = tpu.memref_squeeze %dma_start3A_595 : memref<1x8x64xf32, #tpu.memory_space<vmem>> -> memref<8x64xf32, #tpu.memory_space<vmem>>
      %dma_start3A_597 = arith.constant 0 : i32
      %dma_start3A_598 = tpu.memref_slice %arg5[%multiple_of3A_578, %dma_start3A_597] : memref<100001x64xf32, #tpu.memory_space<hbm>> -> memref<8x64xf32, #tpu.memory_space<hbm>>
      %dma_start3A_599 = arith.constant 0 : i32
      %dma_start3A_600 = arith.constant 0 : i32
      %dma_start3A_601 = tpu.memref_slice %arg12[%dma_start3A_592, %dma_start3A_599, %dma_start3A_600] : memref<16x8x64xf32, #tpu.memory_space<vmem>> -> memref<1x8x64xf32, #tpu.memory_space<vmem>>
      %dma_start3A_602 = tpu.memref_squeeze %dma_start3A_601 : memref<1x8x64xf32, #tpu.memory_space<vmem>> -> memref<8x64xf32, #tpu.memory_space<vmem>>
      %dma_start3A_603 = arith.constant 0 : i32
      %dma_start3A_604 = tpu.memref_slice %arg5[%multiple_of3A_578, %dma_start3A_603] : memref<100001x64xf32, #tpu.memory_space<hbm>> -> memref<8x64xf32, #tpu.memory_space<hbm>>
      tpu.enqueue_dma source(%dma_start3A_604 : memref<8x64xf32, #tpu.memory_space<hbm>>) target(%dma_start3A_602 : memref<8x64xf32, #tpu.memory_space<vmem>>) target_semaphore(%arg14 : memref<!tpu.dma_semaphore, #tpu.memory_space<semaphore_mem>>)
      %slice3A_605 = vector.extract_strided_slice %and3A_567 {offsets = [1], sizes = [1], strides = [1]} : vector<16xi32> to vector<1xi32>
      %squeeze3A_606 = vector.extract %slice3A_605[0] : i32 from vector<1xi32>
      %multiple_of3A_607 = tpu.assume_multiple %squeeze3A_606, 8 : i32
      %slice3A_608 = vector.extract_strided_slice %and3A_572 {offsets = [1], sizes = [1], strides = [1]} : vector<16xi32> to vector<1xi32>
      %squeeze3A_609 = vector.extract %slice3A_608[0] : i32 from vector<1xi32>
      %multiple_of3A_610 = tpu.assume_multiple %squeeze3A_609, 8 : i32
      %dma_start3A_611 = arith.constant 1 : i32
      %dma_start3A_612 = arith.constant 0 : i32
      %dma_start3A_613 = arith.constant 0 : i32
      %dma_start3A_614 = tpu.memref_slice %arg11[%dma_start3A_611, %dma_start3A_612, %dma_start3A_613] : memref<16x8x64xf32, #tpu.memory_space<vmem>> -> memref<1x8x64xf32, #tpu.memory_space<vmem>>
      %dma_start3A_615 = tpu.memref_squeeze %dma_start3A_614 : memref<1x8x64xf32, #tpu.memory_space<vmem>> -> memref<8x64xf32, #tpu.memory_space<vmem>>
      %dma_start3A_616 = arith.constant 0 : i32
      %dma_start3A_617 = tpu.memref_slice %arg4[%multiple_of3A_607, %dma_start3A_616] : memref<100000x64xf32, #tpu.memory_space<hbm>> -> memref<8x64xf32, #tpu.memory_space<hbm>>
      %dma_start3A_618 = arith.constant 0 : i32
      %dma_start3A_619 = arith.constant 0 : i32
      %dma_start3A_620 = tpu.memref_slice %arg11[%dma_start3A_611, %dma_start3A_618, %dma_start3A_619] : memref<16x8x64xf32, #tpu.memory_space<vmem>> -> memref<1x8x64xf32, #tpu.memory_space<vmem>>
      %dma_start3A_621 = tpu.memref_squeeze %dma_start3A_620 : memref<1x8x64xf32, #tpu.memory_space<vmem>> -> memref<8x64xf32, #tpu.memory_space<vmem>>
      %dma_start3A_622 = arith.constant 0 : i32
      %dma_start3A_623 = tpu.memref_slice %arg4[%multiple_of3A_607, %dma_start3A_622] : memref<100000x64xf32, #tpu.memory_space<hbm>> -> memref<8x64xf32, #tpu.memory_space<hbm>>
      tpu.enqueue_dma source(%dma_start3A_623 : memref<8x64xf32, #tpu.memory_space<hbm>>) target(%dma_start3A_621 : memref<8x64xf32, #tpu.memory_space<vmem>>) target_semaphore(%arg14 : memref<!tpu.dma_semaphore, #tpu.memory_space<semaphore_mem>>)
      %dma_start3A_624 = arith.constant 1 : i32
      %dma_start3A_625 = arith.constant 0 : i32
      %dma_start3A_626 = arith.constant 0 : i32
      %dma_start3A_627 = tpu.memref_slice %arg12[%dma_start3A_624, %dma_start3A_625, %dma_start3A_626] : memref<16x8x64xf32, #tpu.memory_space<vmem>> -> memref<1x8x64xf32, #tpu.memory_space<vmem>>
      %dma_start3A_628 = tpu.memref_squeeze %dma_start3A_627 : memref<1x8x64xf32, #tpu.memory_space<vmem>> -> memref<8x64xf32, #tpu.memory_space<vmem>>
      %dma_start3A_629 = arith.constant 0 : i32
      %dma_start3A_630 = tpu.memref_slice %arg5[%multiple_of3A_610, %dma_start3A_629] : memref<100001x64xf32, #tpu.memory_space<hbm>> -> memref<8x64xf32, #tpu.memory_space<hbm>>
      %dma_start3A_631 = arith.constant 0 : i32
      %dma_start3A_632 = arith.constant 0 : i32
      %dma_start3A_633 = tpu.memref_slice %arg12[%dma_start3A_624, %dma_start3A_631, %dma_start3A_632] : memref<16x8x64xf32, #tpu.memory_space<vmem>> -> memref<1x8x64xf32, #tpu.memory_space<vmem>>
      %dma_start3A_634 = tpu.memref_squeeze %dma_start3A_633 : memref<1x8x64xf32, #tpu.memory_space<vmem>> -> memref<8x64xf32, #tpu.memory_space<vmem>>
      %dma_start3A_635 = arith.constant 0 : i32
      %dma_start3A_636 = tpu.memref_slice %arg5[%multiple_of3A_610, %dma_start3A_635] : memref<100001x64xf32, #tpu.memory_space<hbm>> -> memref<8x64xf32, #tpu.memory_space<hbm>>
      tpu.enqueue_dma source(%dma_start3A_636 : memref<8x64xf32, #tpu.memory_space<hbm>>) target(%dma_start3A_634 : memref<8x64xf32, #tpu.memory_space<vmem>>) target_semaphore(%arg14 : memref<!tpu.dma_semaphore, #tpu.memory_space<semaphore_mem>>)
      %slice3A_637 = vector.extract_strided_slice %and3A_567 {offsets = [2], sizes = [1], strides = [1]} : vector<16xi32> to vector<1xi32>
      %squeeze3A_638 = vector.extract %slice3A_637[0] : i32 from vector<1xi32>
      %multiple_of3A_639 = tpu.assume_multiple %squeeze3A_638, 8 : i32
      %slice3A_640 = vector.extract_strided_slice %and3A_572 {offsets = [2], sizes = [1], strides = [1]} : vector<16xi32> to vector<1xi32>
      %squeeze3A_641 = vector.extract %slice3A_640[0] : i32 from vector<1xi32>
      %multiple_of3A_642 = tpu.assume_multiple %squeeze3A_641, 8 : i32
      %dma_start3A_643 = arith.constant 2 : i32
      %dma_start3A_644 = arith.constant 0 : i32
      %dma_start3A_645 = arith.constant 0 : i32
      %dma_start3A_646 = tpu.memref_slice %arg11[%dma_start3A_643, %dma_start3A_644, %dma_start3A_645] : memref<16x8x64xf32, #tpu.memory_space<vmem>> -> memref<1x8x64xf32, #tpu.memory_space<vmem>>
      %dma_start3A_647 = tpu.memref_squeeze %dma_start3A_646 : memref<1x8x64xf32, #tpu.memory_space<vmem>> -> memref<8x64xf32, #tpu.memory_space<vmem>>
      %dma_start3A_648 = arith.constant 0 : i32
      %dma_start3A_649 = tpu.memref_slice %arg4[%multiple_of3A_639, %dma_start3A_648] : memref<100000x64xf32, #tpu.memory_space<hbm>> -> memref<8x64xf32, #tpu.memory_space<hbm>>
      %dma_start3A_650 = arith.constant 0 : i32
      %dma_start3A_651 = arith.constant 0 : i32
      %dma_start3A_652 = tpu.memref_slice %arg11[%dma_start3A_643, %dma_start3A_650, %dma_start3A_651] : memref<16x8x64xf32, #tpu.memory_space<vmem>> -> memref<1x8x64xf32, #tpu.memory_space<vmem>>
      %dma_start3A_653 = tpu.memref_squeeze %dma_start3A_652 : memref<1x8x64xf32, #tpu.memory_space<vmem>> -> memref<8x64xf32, #tpu.memory_space<vmem>>
      %dma_start3A_654 = arith.constant 0 : i32
      %dma_start3A_655 = tpu.memref_slice %arg4[%multiple_of3A_639, %dma_start3A_654] : memref<100000x64xf32, #tpu.memory_space<hbm>> -> memref<8x64xf32, #tpu.memory_space<hbm>>
      tpu.enqueue_dma source(%dma_start3A_655 : memref<8x64xf32, #tpu.memory_space<hbm>>) target(%dma_start3A_653 : memref<8x64xf32, #tpu.memory_space<vmem>>) target_semaphore(%arg14 : memref<!tpu.dma_semaphore, #tpu.memory_space<semaphore_mem>>)
      %dma_start3A_656 = arith.constant 2 : i32
      %dma_start3A_657 = arith.constant 0 : i32
      %dma_start3A_658 = arith.constant 0 : i32
      %dma_start3A_659 = tpu.memref_slice %arg12[%dma_start3A_656, %dma_start3A_657, %dma_start3A_658] : memref<16x8x64xf32, #tpu.memory_space<vmem>> -> memref<1x8x64xf32, #tpu.memory_space<vmem>>
      %dma_start3A_660 = tpu.memref_squeeze %dma_start3A_659 : memref<1x8x64xf32, #tpu.memory_space<vmem>> -> memref<8x64xf32, #tpu.memory_space<vmem>>
      %dma_start3A_661 = arith.constant 0 : i32
      %dma_start3A_662 = tpu.memref_slice %arg5[%multiple_of3A_642, %dma_start3A_661] : memref<100001x64xf32, #tpu.memory_space<hbm>> -> memref<8x64xf32, #tpu.memory_space<hbm>>
      %dma_start3A_663 = arith.constant 0 : i32
      %dma_start3A_664 = arith.constant 0 : i32
      %dma_start3A_665 = tpu.memref_slice %arg12[%dma_start3A_656, %dma_start3A_663, %dma_start3A_664] : memref<16x8x64xf32, #tpu.memory_space<vmem>> -> memref<1x8x64xf32, #tpu.memory_space<vmem>>
      %dma_start3A_666 = tpu.memref_squeeze %dma_start3A_665 : memref<1x8x64xf32, #tpu.memory_space<vmem>> -> memref<8x64xf32, #tpu.memory_space<vmem>>
      %dma_start3A_667 = arith.constant 0 : i32
      %dma_start3A_668 = tpu.memref_slice %arg5[%multiple_of3A_642, %dma_start3A_667] : memref<100001x64xf32, #tpu.memory_space<hbm>> -> memref<8x64xf32, #tpu.memory_space<hbm>>
      tpu.enqueue_dma source(%dma_start3A_668 : memref<8x64xf32, #tpu.memory_space<hbm>>) target(%dma_start3A_666 : memref<8x64xf32, #tpu.memory_space<vmem>>) target_semaphore(%arg14 : memref<!tpu.dma_semaphore, #tpu.memory_space<semaphore_mem>>)
      %slice3A_669 = vector.extract_strided_slice %and3A_567 {offsets = [3], sizes = [1], strides = [1]} : vector<16xi32> to vector<1xi32>
      %squeeze3A_670 = vector.extract %slice3A_669[0] : i32 from vector<1xi32>
      %multiple_of3A_671 = tpu.assume_multiple %squeeze3A_670, 8 : i32
      %slice3A_672 = vector.extract_strided_slice %and3A_572 {offsets = [3], sizes = [1], strides = [1]} : vector<16xi32> to vector<1xi32>
      %squeeze3A_673 = vector.extract %slice3A_672[0] : i32 from vector<1xi32>
      %multiple_of3A_674 = tpu.assume_multiple %squeeze3A_673, 8 : i32
      %dma_start3A_675 = arith.constant 3 : i32
      %dma_start3A_676 = arith.constant 0 : i32
      %dma_start3A_677 = arith.constant 0 : i32
      %dma_start3A_678 = tpu.memref_slice %arg11[%dma_start3A_675, %dma_start3A_676, %dma_start3A_677] : memref<16x8x64xf32, #tpu.memory_space<vmem>> -> memref<1x8x64xf32, #tpu.memory_space<vmem>>
      %dma_start3A_679 = tpu.memref_squeeze %dma_start3A_678 : memref<1x8x64xf32, #tpu.memory_space<vmem>> -> memref<8x64xf32, #tpu.memory_space<vmem>>
      %dma_start3A_680 = arith.constant 0 : i32
      %dma_start3A_681 = tpu.memref_slice %arg4[%multiple_of3A_671, %dma_start3A_680] : memref<100000x64xf32, #tpu.memory_space<hbm>> -> memref<8x64xf32, #tpu.memory_space<hbm>>
      %dma_start3A_682 = arith.constant 0 : i32
      %dma_start3A_683 = arith.constant 0 : i32
      %dma_start3A_684 = tpu.memref_slice %arg11[%dma_start3A_675, %dma_start3A_682, %dma_start3A_683] : memref<16x8x64xf32, #tpu.memory_space<vmem>> -> memref<1x8x64xf32, #tpu.memory_space<vmem>>
      %dma_start3A_685 = tpu.memref_squeeze %dma_start3A_684 : memref<1x8x64xf32, #tpu.memory_space<vmem>> -> memref<8x64xf32, #tpu.memory_space<vmem>>
      %dma_start3A_686 = arith.constant 0 : i32
      %dma_start3A_687 = tpu.memref_slice %arg4[%multiple_of3A_671, %dma_start3A_686] : memref<100000x64xf32, #tpu.memory_space<hbm>> -> memref<8x64xf32, #tpu.memory_space<hbm>>
      tpu.enqueue_dma source(%dma_start3A_687 : memref<8x64xf32, #tpu.memory_space<hbm>>) target(%dma_start3A_685 : memref<8x64xf32, #tpu.memory_space<vmem>>) target_semaphore(%arg14 : memref<!tpu.dma_semaphore, #tpu.memory_space<semaphore_mem>>)
      %dma_start3A_688 = arith.constant 3 : i32
      %dma_start3A_689 = arith.constant 0 : i32
      %dma_start3A_690 = arith.constant 0 : i32
      %dma_start3A_691 = tpu.memref_slice %arg12[%dma_start3A_688, %dma_start3A_689, %dma_start3A_690] : memref<16x8x64xf32, #tpu.memory_space<vmem>> -> memref<1x8x64xf32, #tpu.memory_space<vmem>>
      %dma_start3A_692 = tpu.memref_squeeze %dma_start3A_691 : memref<1x8x64xf32, #tpu.memory_space<vmem>> -> memref<8x64xf32, #tpu.memory_space<vmem>>
      %dma_start3A_693 = arith.constant 0 : i32
      %dma_start3A_694 = tpu.memref_slice %arg5[%multiple_of3A_674, %dma_start3A_693] : memref<100001x64xf32, #tpu.memory_space<hbm>> -> memref<8x64xf32, #tpu.memory_space<hbm>>
      %dma_start3A_695 = arith.constant 0 : i32
      %dma_start3A_696 = arith.constant 0 : i32
      %dma_start3A_697 = tpu.memref_slice %arg12[%dma_start3A_688, %dma_start3A_695, %dma_start3A_696] : memref<16x8x64xf32, #tpu.memory_space<vmem>> -> memref<1x8x64xf32, #tpu.memory_space<vmem>>
      %dma_start3A_698 = tpu.memref_squeeze %dma_start3A_697 : memref<1x8x64xf32, #tpu.memory_space<vmem>> -> memref<8x64xf32, #tpu.memory_space<vmem>>
      %dma_start3A_699 = arith.constant 0 : i32
      %dma_start3A_700 = tpu.memref_slice %arg5[%multiple_of3A_674, %dma_start3A_699] : memref<100001x64xf32, #tpu.memory_space<hbm>> -> memref<8x64xf32, #tpu.memory_space<hbm>>
      tpu.enqueue_dma source(%dma_start3A_700 : memref<8x64xf32, #tpu.memory_space<hbm>>) target(%dma_start3A_698 : memref<8x64xf32, #tpu.memory_space<vmem>>) target_semaphore(%arg14 : memref<!tpu.dma_semaphore, #tpu.memory_space<semaphore_mem>>)
      %slice3A_701 = vector.extract_strided_slice %and3A_567 {offsets = [4], sizes = [1], strides = [1]} : vector<16xi32> to vector<1xi32>
      %squeeze3A_702 = vector.extract %slice3A_701[0] : i32 from vector<1xi32>
      %multiple_of3A_703 = tpu.assume_multiple %squeeze3A_702, 8 : i32
      %slice3A_704 = vector.extract_strided_slice %and3A_572 {offsets = [4], sizes = [1], strides = [1]} : vector<16xi32> to vector<1xi32>
      %squeeze3A_705 = vector.extract %slice3A_704[0] : i32 from vector<1xi32>
      %multiple_of3A_706 = tpu.assume_multiple %squeeze3A_705, 8 : i32
      %dma_start3A_707 = arith.constant 4 : i32
      %dma_start3A_708 = arith.constant 0 : i32
      %dma_start3A_709 = arith.constant 0 : i32
      %dma_start3A_710 = tpu.memref_slice %arg11[%dma_start3A_707, %dma_start3A_708, %dma_start3A_709] : memref<16x8x64xf32, #tpu.memory_space<vmem>> -> memref<1x8x64xf32, #tpu.memory_space<vmem>>
      %dma_start3A_711 = tpu.memref_squeeze %dma_start3A_710 : memref<1x8x64xf32, #tpu.memory_space<vmem>> -> memref<8x64xf32, #tpu.memory_space<vmem>>
      %dma_start3A_712 = arith.constant 0 : i32
      %dma_start3A_713 = tpu.memref_slice %arg4[%multiple_of3A_703, %dma_start3A_712] : memref<100000x64xf32, #tpu.memory_space<hbm>> -> memref<8x64xf32, #tpu.memory_space<hbm>>
      %dma_start3A_714 = arith.constant 0 : i32
      %dma_start3A_715 = arith.constant 0 : i32
      %dma_start3A_716 = tpu.memref_slice %arg11[%dma_start3A_707, %dma_start3A_714, %dma_start3A_715] : memref<16x8x64xf32, #tpu.memory_space<vmem>> -> memref<1x8x64xf32, #tpu.memory_space<vmem>>
      %dma_start3A_717 = tpu.memref_squeeze %dma_start3A_716 : memref<1x8x64xf32, #tpu.memory_space<vmem>> -> memref<8x64xf32, #tpu.memory_space<vmem>>
      %dma_start3A_718 = arith.constant 0 : i32
      %dma_start3A_719 = tpu.memref_slice %arg4[%multiple_of3A_703, %dma_start3A_718] : memref<100000x64xf32, #tpu.memory_space<hbm>> -> memref<8x64xf32, #tpu.memory_space<hbm>>
      tpu.enqueue_dma source(%dma_start3A_719 : memref<8x64xf32, #tpu.memory_space<hbm>>) target(%dma_start3A_717 : memref<8x64xf32, #tpu.memory_space<vmem>>) target_semaphore(%arg14 : memref<!tpu.dma_semaphore, #tpu.memory_space<semaphore_mem>>)
      %dma_start3A_720 = arith.constant 4 : i32
      %dma_start3A_721 = arith.constant 0 : i32
      %dma_start3A_722 = arith.constant 0 : i32
      %dma_start3A_723 = tpu.memref_slice %arg12[%dma_start3A_720, %dma_start3A_721, %dma_start3A_722] : memref<16x8x64xf32, #tpu.memory_space<vmem>> -> memref<1x8x64xf32, #tpu.memory_space<vmem>>
      %dma_start3A_724 = tpu.memref_squeeze %dma_start3A_723 : memref<1x8x64xf32, #tpu.memory_space<vmem>> -> memref<8x64xf32, #tpu.memory_space<vmem>>
      %dma_start3A_725 = arith.constant 0 : i32
      %dma_start3A_726 = tpu.memref_slice %arg5[%multiple_of3A_706, %dma_start3A_725] : memref<100001x64xf32, #tpu.memory_space<hbm>> -> memref<8x64xf32, #tpu.memory_space<hbm>>
      %dma_start3A_727 = arith.constant 0 : i32
      %dma_start3A_728 = arith.constant 0 : i32
      %dma_start3A_729 = tpu.memref_slice %arg12[%dma_start3A_720, %dma_start3A_727, %dma_start3A_728] : memref<16x8x64xf32, #tpu.memory_space<vmem>> -> memref<1x8x64xf32, #tpu.memory_space<vmem>>
      %dma_start3A_730 = tpu.memref_squeeze %dma_start3A_729 : memref<1x8x64xf32, #tpu.memory_space<vmem>> -> memref<8x64xf32, #tpu.memory_space<vmem>>
      %dma_start3A_731 = arith.constant 0 : i32
      %dma_start3A_732 = tpu.memref_slice %arg5[%multiple_of3A_706, %dma_start3A_731] : memref<100001x64xf32, #tpu.memory_space<hbm>> -> memref<8x64xf32, #tpu.memory_space<hbm>>
      tpu.enqueue_dma source(%dma_start3A_732 : memref<8x64xf32, #tpu.memory_space<hbm>>) target(%dma_start3A_730 : memref<8x64xf32, #tpu.memory_space<vmem>>) target_semaphore(%arg14 : memref<!tpu.dma_semaphore, #tpu.memory_space<semaphore_mem>>)
      %slice3A_733 = vector.extract_strided_slice %and3A_567 {offsets = [5], sizes = [1], strides = [1]} : vector<16xi32> to vector<1xi32>
      %squeeze3A_734 = vector.extract %slice3A_733[0] : i32 from vector<1xi32>
      %multiple_of3A_735 = tpu.assume_multiple %squeeze3A_734, 8 : i32
      %slice3A_736 = vector.extract_strided_slice %and3A_572 {offsets = [5], sizes = [1], strides = [1]} : vector<16xi32> to vector<1xi32>
      %squeeze3A_737 = vector.extract %slice3A_736[0] : i32 from vector<1xi32>
      %multiple_of3A_738 = tpu.assume_multiple %squeeze3A_737, 8 : i32
      %dma_start3A_739 = arith.constant 5 : i32
      %dma_start3A_740 = arith.constant 0 : i32
      %dma_start3A_741 = arith.constant 0 : i32
      %dma_start3A_742 = tpu.memref_slice %arg11[%dma_start3A_739, %dma_start3A_740, %dma_start3A_741] : memref<16x8x64xf32, #tpu.memory_space<vmem>> -> memref<1x8x64xf32, #tpu.memory_space<vmem>>
      %dma_start3A_743 = tpu.memref_squeeze %dma_start3A_742 : memref<1x8x64xf32, #tpu.memory_space<vmem>> -> memref<8x64xf32, #tpu.memory_space<vmem>>
      %dma_start3A_744 = arith.constant 0 : i32
      %dma_start3A_745 = tpu.memref_slice %arg4[%multiple_of3A_735, %dma_start3A_744] : memref<100000x64xf32, #tpu.memory_space<hbm>> -> memref<8x64xf32, #tpu.memory_space<hbm>>
      %dma_start3A_746 = arith.constant 0 : i32
      %dma_start3A_747 = arith.constant 0 : i32
      %dma_start3A_748 = tpu.memref_slice %arg11[%dma_start3A_739, %dma_start3A_746, %dma_start3A_747] : memref<16x8x64xf32, #tpu.memory_space<vmem>> -> memref<1x8x64xf32, #tpu.memory_space<vmem>>
      %dma_start3A_749 = tpu.memref_squeeze %dma_start3A_748 : memref<1x8x64xf32, #tpu.memory_space<vmem>> -> memref<8x64xf32, #tpu.memory_space<vmem>>
      %dma_start3A_750 = arith.constant 0 : i32
      %dma_start3A_751 = tpu.memref_slice %arg4[%multiple_of3A_735, %dma_start3A_750] : memref<100000x64xf32, #tpu.memory_space<hbm>> -> memref<8x64xf32, #tpu.memory_space<hbm>>
      tpu.enqueue_dma source(%dma_start3A_751 : memref<8x64xf32, #tpu.memory_space<hbm>>) target(%dma_start3A_749 : memref<8x64xf32, #tpu.memory_space<vmem>>) target_semaphore(%arg14 : memref<!tpu.dma_semaphore, #tpu.memory_space<semaphore_mem>>)
      %dma_start3A_752 = arith.constant 5 : i32
      %dma_start3A_753 = arith.constant 0 : i32
      %dma_start3A_754 = arith.constant 0 : i32
      %dma_start3A_755 = tpu.memref_slice %arg12[%dma_start3A_752, %dma_start3A_753, %dma_start3A_754] : memref<16x8x64xf32, #tpu.memory_space<vmem>> -> memref<1x8x64xf32, #tpu.memory_space<vmem>>
      %dma_start3A_756 = tpu.memref_squeeze %dma_start3A_755 : memref<1x8x64xf32, #tpu.memory_space<vmem>> -> memref<8x64xf32, #tpu.memory_space<vmem>>
      %dma_start3A_757 = arith.constant 0 : i32
      %dma_start3A_758 = tpu.memref_slice %arg5[%multiple_of3A_738, %dma_start3A_757] : memref<100001x64xf32, #tpu.memory_space<hbm>> -> memref<8x64xf32, #tpu.memory_space<hbm>>
      %dma_start3A_759 = arith.constant 0 : i32
      %dma_start3A_760 = arith.constant 0 : i32
      %dma_start3A_761 = tpu.memref_slice %arg12[%dma_start3A_752, %dma_start3A_759, %dma_start3A_760] : memref<16x8x64xf32, #tpu.memory_space<vmem>> -> memref<1x8x64xf32, #tpu.memory_space<vmem>>
      %dma_start3A_762 = tpu.memref_squeeze %dma_start3A_761 : memref<1x8x64xf32, #tpu.memory_space<vmem>> -> memref<8x64xf32, #tpu.memory_space<vmem>>
      %dma_start3A_763 = arith.constant 0 : i32
      %dma_start3A_764 = tpu.memref_slice %arg5[%multiple_of3A_738, %dma_start3A_763] : memref<100001x64xf32, #tpu.memory_space<hbm>> -> memref<8x64xf32, #tpu.memory_space<hbm>>
      tpu.enqueue_dma source(%dma_start3A_764 : memref<8x64xf32, #tpu.memory_space<hbm>>) target(%dma_start3A_762 : memref<8x64xf32, #tpu.memory_space<vmem>>) target_semaphore(%arg14 : memref<!tpu.dma_semaphore, #tpu.memory_space<semaphore_mem>>)
      %slice3A_765 = vector.extract_strided_slice %and3A_567 {offsets = [6], sizes = [1], strides = [1]} : vector<16xi32> to vector<1xi32>
      %squeeze3A_766 = vector.extract %slice3A_765[0] : i32 from vector<1xi32>
      %multiple_of3A_767 = tpu.assume_multiple %squeeze3A_766, 8 : i32
      %slice3A_768 = vector.extract_strided_slice %and3A_572 {offsets = [6], sizes = [1], strides = [1]} : vector<16xi32> to vector<1xi32>
      %squeeze3A_769 = vector.extract %slice3A_768[0] : i32 from vector<1xi32>
      %multiple_of3A_770 = tpu.assume_multiple %squeeze3A_769, 8 : i32
      %dma_start3A_771 = arith.constant 6 : i32
      %dma_start3A_772 = arith.constant 0 : i32
      %dma_start3A_773 = arith.constant 0 : i32
      %dma_start3A_774 = tpu.memref_slice %arg11[%dma_start3A_771, %dma_start3A_772, %dma_start3A_773] : memref<16x8x64xf32, #tpu.memory_space<vmem>> -> memref<1x8x64xf32, #tpu.memory_space<vmem>>
      %dma_start3A_775 = tpu.memref_squeeze %dma_start3A_774 : memref<1x8x64xf32, #tpu.memory_space<vmem>> -> memref<8x64xf32, #tpu.memory_space<vmem>>
      %dma_start3A_776 = arith.constant 0 : i32
      %dma_start3A_777 = tpu.memref_slice %arg4[%multiple_of3A_767, %dma_start3A_776] : memref<100000x64xf32, #tpu.memory_space<hbm>> -> memref<8x64xf32, #tpu.memory_space<hbm>>
      %dma_start3A_778 = arith.constant 0 : i32
      %dma_start3A_779 = arith.constant 0 : i32
      %dma_start3A_780 = tpu.memref_slice %arg11[%dma_start3A_771, %dma_start3A_778, %dma_start3A_779] : memref<16x8x64xf32, #tpu.memory_space<vmem>> -> memref<1x8x64xf32, #tpu.memory_space<vmem>>
      %dma_start3A_781 = tpu.memref_squeeze %dma_start3A_780 : memref<1x8x64xf32, #tpu.memory_space<vmem>> -> memref<8x64xf32, #tpu.memory_space<vmem>>
      %dma_start3A_782 = arith.constant 0 : i32
      %dma_start3A_783 = tpu.memref_slice %arg4[%multiple_of3A_767, %dma_start3A_782] : memref<100000x64xf32, #tpu.memory_space<hbm>> -> memref<8x64xf32, #tpu.memory_space<hbm>>
      tpu.enqueue_dma source(%dma_start3A_783 : memref<8x64xf32, #tpu.memory_space<hbm>>) target(%dma_start3A_781 : memref<8x64xf32, #tpu.memory_space<vmem>>) target_semaphore(%arg14 : memref<!tpu.dma_semaphore, #tpu.memory_space<semaphore_mem>>)
      %dma_start3A_784 = arith.constant 6 : i32
      %dma_start3A_785 = arith.constant 0 : i32
      %dma_start3A_786 = arith.constant 0 : i32
      %dma_start3A_787 = tpu.memref_slice %arg12[%dma_start3A_784, %dma_start3A_785, %dma_start3A_786] : memref<16x8x64xf32, #tpu.memory_space<vmem>> -> memref<1x8x64xf32, #tpu.memory_space<vmem>>
      %dma_start3A_788 = tpu.memref_squeeze %dma_start3A_787 : memref<1x8x64xf32, #tpu.memory_space<vmem>> -> memref<8x64xf32, #tpu.memory_space<vmem>>
      %dma_start3A_789 = arith.constant 0 : i32
      %dma_start3A_790 = tpu.memref_slice %arg5[%multiple_of3A_770, %dma_start3A_789] : memref<100001x64xf32, #tpu.memory_space<hbm>> -> memref<8x64xf32, #tpu.memory_space<hbm>>
      %dma_start3A_791 = arith.constant 0 : i32
      %dma_start3A_792 = arith.constant 0 : i32
      %dma_start3A_793 = tpu.memref_slice %arg12[%dma_start3A_784, %dma_start3A_791, %dma_start3A_792] : memref<16x8x64xf32, #tpu.memory_space<vmem>> -> memref<1x8x64xf32, #tpu.memory_space<vmem>>
      %dma_start3A_794 = tpu.memref_squeeze %dma_start3A_793 : memref<1x8x64xf32, #tpu.memory_space<vmem>> -> memref<8x64xf32, #tpu.memory_space<vmem>>
      %dma_start3A_795 = arith.constant 0 : i32
      %dma_start3A_796 = tpu.memref_slice %arg5[%multiple_of3A_770, %dma_start3A_795] : memref<100001x64xf32, #tpu.memory_space<hbm>> -> memref<8x64xf32, #tpu.memory_space<hbm>>
      tpu.enqueue_dma source(%dma_start3A_796 : memref<8x64xf32, #tpu.memory_space<hbm>>) target(%dma_start3A_794 : memref<8x64xf32, #tpu.memory_space<vmem>>) target_semaphore(%arg14 : memref<!tpu.dma_semaphore, #tpu.memory_space<semaphore_mem>>)
      %slice3A_797 = vector.extract_strided_slice %and3A_567 {offsets = [7], sizes = [1], strides = [1]} : vector<16xi32> to vector<1xi32>
      %squeeze3A_798 = vector.extract %slice3A_797[0] : i32 from vector<1xi32>
      %multiple_of3A_799 = tpu.assume_multiple %squeeze3A_798, 8 : i32
      %slice3A_800 = vector.extract_strided_slice %and3A_572 {offsets = [7], sizes = [1], strides = [1]} : vector<16xi32> to vector<1xi32>
      %squeeze3A_801 = vector.extract %slice3A_800[0] : i32 from vector<1xi32>
      %multiple_of3A_802 = tpu.assume_multiple %squeeze3A_801, 8 : i32
      %dma_start3A_803 = arith.constant 7 : i32
      %dma_start3A_804 = arith.constant 0 : i32
      %dma_start3A_805 = arith.constant 0 : i32
      %dma_start3A_806 = tpu.memref_slice %arg11[%dma_start3A_803, %dma_start3A_804, %dma_start3A_805] : memref<16x8x64xf32, #tpu.memory_space<vmem>> -> memref<1x8x64xf32, #tpu.memory_space<vmem>>
      %dma_start3A_807 = tpu.memref_squeeze %dma_start3A_806 : memref<1x8x64xf32, #tpu.memory_space<vmem>> -> memref<8x64xf32, #tpu.memory_space<vmem>>
      %dma_start3A_808 = arith.constant 0 : i32
      %dma_start3A_809 = tpu.memref_slice %arg4[%multiple_of3A_799, %dma_start3A_808] : memref<100000x64xf32, #tpu.memory_space<hbm>> -> memref<8x64xf32, #tpu.memory_space<hbm>>
      %dma_start3A_810 = arith.constant 0 : i32
      %dma_start3A_811 = arith.constant 0 : i32
      %dma_start3A_812 = tpu.memref_slice %arg11[%dma_start3A_803, %dma_start3A_810, %dma_start3A_811] : memref<16x8x64xf32, #tpu.memory_space<vmem>> -> memref<1x8x64xf32, #tpu.memory_space<vmem>>
      %dma_start3A_813 = tpu.memref_squeeze %dma_start3A_812 : memref<1x8x64xf32, #tpu.memory_space<vmem>> -> memref<8x64xf32, #tpu.memory_space<vmem>>
      %dma_start3A_814 = arith.constant 0 : i32
      %dma_start3A_815 = tpu.memref_slice %arg4[%multiple_of3A_799, %dma_start3A_814] : memref<100000x64xf32, #tpu.memory_space<hbm>> -> memref<8x64xf32, #tpu.memory_space<hbm>>
      tpu.enqueue_dma source(%dma_start3A_815 : memref<8x64xf32, #tpu.memory_space<hbm>>) target(%dma_start3A_813 : memref<8x64xf32, #tpu.memory_space<vmem>>) target_semaphore(%arg14 : memref<!tpu.dma_semaphore, #tpu.memory_space<semaphore_mem>>)
      %dma_start3A_816 = arith.constant 7 : i32
      %dma_start3A_817 = arith.constant 0 : i32
      %dma_start3A_818 = arith.constant 0 : i32
      %dma_start3A_819 = tpu.memref_slice %arg12[%dma_start3A_816, %dma_start3A_817, %dma_start3A_818] : memref<16x8x64xf32, #tpu.memory_space<vmem>> -> memref<1x8x64xf32, #tpu.memory_space<vmem>>
      %dma_start3A_820 = tpu.memref_squeeze %dma_start3A_819 : memref<1x8x64xf32, #tpu.memory_space<vmem>> -> memref<8x64xf32, #tpu.memory_space<vmem>>
      %dma_start3A_821 = arith.constant 0 : i32
      %dma_start3A_822 = tpu.memref_slice %arg5[%multiple_of3A_802, %dma_start3A_821] : memref<100001x64xf32, #tpu.memory_space<hbm>> -> memref<8x64xf32, #tpu.memory_space<hbm>>
      %dma_start3A_823 = arith.constant 0 : i32
      %dma_start3A_824 = arith.constant 0 : i32
      %dma_start3A_825 = tpu.memref_slice %arg12[%dma_start3A_816, %dma_start3A_823, %dma_start3A_824] : memref<16x8x64xf32, #tpu.memory_space<vmem>> -> memref<1x8x64xf32, #tpu.memory_space<vmem>>
      %dma_start3A_826 = tpu.memref_squeeze %dma_start3A_825 : memref<1x8x64xf32, #tpu.memory_space<vmem>> -> memref<8x64xf32, #tpu.memory_space<vmem>>
      %dma_start3A_827 = arith.constant 0 : i32
      %dma_start3A_828 = tpu.memref_slice %arg5[%multiple_of3A_802, %dma_start3A_827] : memref<100001x64xf32, #tpu.memory_space<hbm>> -> memref<8x64xf32, #tpu.memory_space<hbm>>
      tpu.enqueue_dma source(%dma_start3A_828 : memref<8x64xf32, #tpu.memory_space<hbm>>) target(%dma_start3A_826 : memref<8x64xf32, #tpu.memory_space<vmem>>) target_semaphore(%arg14 : memref<!tpu.dma_semaphore, #tpu.memory_space<semaphore_mem>>)
      %slice3A_829 = vector.extract_strided_slice %and3A_567 {offsets = [8], sizes = [1], strides = [1]} : vector<16xi32> to vector<1xi32>
      %squeeze3A_830 = vector.extract %slice3A_829[0] : i32 from vector<1xi32>
      %multiple_of3A_831 = tpu.assume_multiple %squeeze3A_830, 8 : i32
      %slice3A_832 = vector.extract_strided_slice %and3A_572 {offsets = [8], sizes = [1], strides = [1]} : vector<16xi32> to vector<1xi32>
      %squeeze3A_833 = vector.extract %slice3A_832[0] : i32 from vector<1xi32>
      %multiple_of3A_834 = tpu.assume_multiple %squeeze3A_833, 8 : i32
      %dma_start3A_835 = arith.constant 8 : i32
      %dma_start3A_836 = arith.constant 0 : i32
      %dma_start3A_837 = arith.constant 0 : i32
      %dma_start3A_838 = tpu.memref_slice %arg11[%dma_start3A_835, %dma_start3A_836, %dma_start3A_837] : memref<16x8x64xf32, #tpu.memory_space<vmem>> -> memref<1x8x64xf32, #tpu.memory_space<vmem>>
      %dma_start3A_839 = tpu.memref_squeeze %dma_start3A_838 : memref<1x8x64xf32, #tpu.memory_space<vmem>> -> memref<8x64xf32, #tpu.memory_space<vmem>>
      %dma_start3A_840 = arith.constant 0 : i32
      %dma_start3A_841 = tpu.memref_slice %arg4[%multiple_of3A_831, %dma_start3A_840] : memref<100000x64xf32, #tpu.memory_space<hbm>> -> memref<8x64xf32, #tpu.memory_space<hbm>>
      %dma_start3A_842 = arith.constant 0 : i32
      %dma_start3A_843 = arith.constant 0 : i32
      %dma_start3A_844 = tpu.memref_slice %arg11[%dma_start3A_835, %dma_start3A_842, %dma_start3A_843] : memref<16x8x64xf32, #tpu.memory_space<vmem>> -> memref<1x8x64xf32, #tpu.memory_space<vmem>>
      %dma_start3A_845 = tpu.memref_squeeze %dma_start3A_844 : memref<1x8x64xf32, #tpu.memory_space<vmem>> -> memref<8x64xf32, #tpu.memory_space<vmem>>
      %dma_start3A_846 = arith.constant 0 : i32
      %dma_start3A_847 = tpu.memref_slice %arg4[%multiple_of3A_831, %dma_start3A_846] : memref<100000x64xf32, #tpu.memory_space<hbm>> -> memref<8x64xf32, #tpu.memory_space<hbm>>
      tpu.enqueue_dma source(%dma_start3A_847 : memref<8x64xf32, #tpu.memory_space<hbm>>) target(%dma_start3A_845 : memref<8x64xf32, #tpu.memory_space<vmem>>) target_semaphore(%arg14 : memref<!tpu.dma_semaphore, #tpu.memory_space<semaphore_mem>>)
      %dma_start3A_848 = arith.constant 8 : i32
      %dma_start3A_849 = arith.constant 0 : i32
      %dma_start3A_850 = arith.constant 0 : i32
      %dma_start3A_851 = tpu.memref_slice %arg12[%dma_start3A_848, %dma_start3A_849, %dma_start3A_850] : memref<16x8x64xf32, #tpu.memory_space<vmem>> -> memref<1x8x64xf32, #tpu.memory_space<vmem>>
      %dma_start3A_852 = tpu.memref_squeeze %dma_start3A_851 : memref<1x8x64xf32, #tpu.memory_space<vmem>> -> memref<8x64xf32, #tpu.memory_space<vmem>>
      %dma_start3A_853 = arith.constant 0 : i32
      %dma_start3A_854 = tpu.memref_slice %arg5[%multiple_of3A_834, %dma_start3A_853] : memref<100001x64xf32, #tpu.memory_space<hbm>> -> memref<8x64xf32, #tpu.memory_space<hbm>>
      %dma_start3A_855 = arith.constant 0 : i32
      %dma_start3A_856 = arith.constant 0 : i32
      %dma_start3A_857 = tpu.memref_slice %arg12[%dma_start3A_848, %dma_start3A_855, %dma_start3A_856] : memref<16x8x64xf32, #tpu.memory_space<vmem>> -> memref<1x8x64xf32, #tpu.memory_space<vmem>>
      %dma_start3A_858 = tpu.memref_squeeze %dma_start3A_857 : memref<1x8x64xf32, #tpu.memory_space<vmem>> -> memref<8x64xf32, #tpu.memory_space<vmem>>
      %dma_start3A_859 = arith.constant 0 : i32
      %dma_start3A_860 = tpu.memref_slice %arg5[%multiple_of3A_834, %dma_start3A_859] : memref<100001x64xf32, #tpu.memory_space<hbm>> -> memref<8x64xf32, #tpu.memory_space<hbm>>
      tpu.enqueue_dma source(%dma_start3A_860 : memref<8x64xf32, #tpu.memory_space<hbm>>) target(%dma_start3A_858 : memref<8x64xf32, #tpu.memory_space<vmem>>) target_semaphore(%arg14 : memref<!tpu.dma_semaphore, #tpu.memory_space<semaphore_mem>>)
      %slice3A_861 = vector.extract_strided_slice %and3A_567 {offsets = [9], sizes = [1], strides = [1]} : vector<16xi32> to vector<1xi32>
      %squeeze3A_862 = vector.extract %slice3A_861[0] : i32 from vector<1xi32>
      %multiple_of3A_863 = tpu.assume_multiple %squeeze3A_862, 8 : i32
      %slice3A_864 = vector.extract_strided_slice %and3A_572 {offsets = [9], sizes = [1], strides = [1]} : vector<16xi32> to vector<1xi32>
      %squeeze3A_865 = vector.extract %slice3A_864[0] : i32 from vector<1xi32>
      %multiple_of3A_866 = tpu.assume_multiple %squeeze3A_865, 8 : i32
      %dma_start3A_867 = arith.constant 9 : i32
      %dma_start3A_868 = arith.constant 0 : i32
      %dma_start3A_869 = arith.constant 0 : i32
      %dma_start3A_870 = tpu.memref_slice %arg11[%dma_start3A_867, %dma_start3A_868, %dma_start3A_869] : memref<16x8x64xf32, #tpu.memory_space<vmem>> -> memref<1x8x64xf32, #tpu.memory_space<vmem>>
      %dma_start3A_871 = tpu.memref_squeeze %dma_start3A_870 : memref<1x8x64xf32, #tpu.memory_space<vmem>> -> memref<8x64xf32, #tpu.memory_space<vmem>>
      %dma_start3A_872 = arith.constant 0 : i32
      %dma_start3A_873 = tpu.memref_slice %arg4[%multiple_of3A_863, %dma_start3A_872] : memref<100000x64xf32, #tpu.memory_space<hbm>> -> memref<8x64xf32, #tpu.memory_space<hbm>>
      %dma_start3A_874 = arith.constant 0 : i32
      %dma_start3A_875 = arith.constant 0 : i32
      %dma_start3A_876 = tpu.memref_slice %arg11[%dma_start3A_867, %dma_start3A_874, %dma_start3A_875] : memref<16x8x64xf32, #tpu.memory_space<vmem>> -> memref<1x8x64xf32, #tpu.memory_space<vmem>>
      %dma_start3A_877 = tpu.memref_squeeze %dma_start3A_876 : memref<1x8x64xf32, #tpu.memory_space<vmem>> -> memref<8x64xf32, #tpu.memory_space<vmem>>
      %dma_start3A_878 = arith.constant 0 : i32
      %dma_start3A_879 = tpu.memref_slice %arg4[%multiple_of3A_863, %dma_start3A_878] : memref<100000x64xf32, #tpu.memory_space<hbm>> -> memref<8x64xf32, #tpu.memory_space<hbm>>
      tpu.enqueue_dma source(%dma_start3A_879 : memref<8x64xf32, #tpu.memory_space<hbm>>) target(%dma_start3A_877 : memref<8x64xf32, #tpu.memory_space<vmem>>) target_semaphore(%arg14 : memref<!tpu.dma_semaphore, #tpu.memory_space<semaphore_mem>>)
      %dma_start3A_880 = arith.constant 9 : i32
      %dma_start3A_881 = arith.constant 0 : i32
      %dma_start3A_882 = arith.constant 0 : i32
      %dma_start3A_883 = tpu.memref_slice %arg12[%dma_start3A_880, %dma_start3A_881, %dma_start3A_882] : memref<16x8x64xf32, #tpu.memory_space<vmem>> -> memref<1x8x64xf32, #tpu.memory_space<vmem>>
      %dma_start3A_884 = tpu.memref_squeeze %dma_start3A_883 : memref<1x8x64xf32, #tpu.memory_space<vmem>> -> memref<8x64xf32, #tpu.memory_space<vmem>>
      %dma_start3A_885 = arith.constant 0 : i32
      %dma_start3A_886 = tpu.memref_slice %arg5[%multiple_of3A_866, %dma_start3A_885] : memref<100001x64xf32, #tpu.memory_space<hbm>> -> memref<8x64xf32, #tpu.memory_space<hbm>>
      %dma_start3A_887 = arith.constant 0 : i32
      %dma_start3A_888 = arith.constant 0 : i32
      %dma_start3A_889 = tpu.memref_slice %arg12[%dma_start3A_880, %dma_start3A_887, %dma_start3A_888] : memref<16x8x64xf32, #tpu.memory_space<vmem>> -> memref<1x8x64xf32, #tpu.memory_space<vmem>>
      %dma_start3A_890 = tpu.memref_squeeze %dma_start3A_889 : memref<1x8x64xf32, #tpu.memory_space<vmem>> -> memref<8x64xf32, #tpu.memory_space<vmem>>
      %dma_start3A_891 = arith.constant 0 : i32
      %dma_start3A_892 = tpu.memref_slice %arg5[%multiple_of3A_866, %dma_start3A_891] : memref<100001x64xf32, #tpu.memory_space<hbm>> -> memref<8x64xf32, #tpu.memory_space<hbm>>
      tpu.enqueue_dma source(%dma_start3A_892 : memref<8x64xf32, #tpu.memory_space<hbm>>) target(%dma_start3A_890 : memref<8x64xf32, #tpu.memory_space<vmem>>) target_semaphore(%arg14 : memref<!tpu.dma_semaphore, #tpu.memory_space<semaphore_mem>>)
      %slice3A_893 = vector.extract_strided_slice %and3A_567 {offsets = [10], sizes = [1], strides = [1]} : vector<16xi32> to vector<1xi32>
      %squeeze3A_894 = vector.extract %slice3A_893[0] : i32 from vector<1xi32>
      %multiple_of3A_895 = tpu.assume_multiple %squeeze3A_894, 8 : i32
      %slice3A_896 = vector.extract_strided_slice %and3A_572 {offsets = [10], sizes = [1], strides = [1]} : vector<16xi32> to vector<1xi32>
      %squeeze3A_897 = vector.extract %slice3A_896[0] : i32 from vector<1xi32>
      %multiple_of3A_898 = tpu.assume_multiple %squeeze3A_897, 8 : i32
      %dma_start3A_899 = arith.constant 10 : i32
      %dma_start3A_900 = arith.constant 0 : i32
      %dma_start3A_901 = arith.constant 0 : i32
      %dma_start3A_902 = tpu.memref_slice %arg11[%dma_start3A_899, %dma_start3A_900, %dma_start3A_901] : memref<16x8x64xf32, #tpu.memory_space<vmem>> -> memref<1x8x64xf32, #tpu.memory_space<vmem>>
      %dma_start3A_903 = tpu.memref_squeeze %dma_start3A_902 : memref<1x8x64xf32, #tpu.memory_space<vmem>> -> memref<8x64xf32, #tpu.memory_space<vmem>>
      %dma_start3A_904 = arith.constant 0 : i32
      %dma_start3A_905 = tpu.memref_slice %arg4[%multiple_of3A_895, %dma_start3A_904] : memref<100000x64xf32, #tpu.memory_space<hbm>> -> memref<8x64xf32, #tpu.memory_space<hbm>>
      %dma_start3A_906 = arith.constant 0 : i32
      %dma_start3A_907 = arith.constant 0 : i32
      %dma_start3A_908 = tpu.memref_slice %arg11[%dma_start3A_899, %dma_start3A_906, %dma_start3A_907] : memref<16x8x64xf32, #tpu.memory_space<vmem>> -> memref<1x8x64xf32, #tpu.memory_space<vmem>>
      %dma_start3A_909 = tpu.memref_squeeze %dma_start3A_908 : memref<1x8x64xf32, #tpu.memory_space<vmem>> -> memref<8x64xf32, #tpu.memory_space<vmem>>
      %dma_start3A_910 = arith.constant 0 : i32
      %dma_start3A_911 = tpu.memref_slice %arg4[%multiple_of3A_895, %dma_start3A_910] : memref<100000x64xf32, #tpu.memory_space<hbm>> -> memref<8x64xf32, #tpu.memory_space<hbm>>
      tpu.enqueue_dma source(%dma_start3A_911 : memref<8x64xf32, #tpu.memory_space<hbm>>) target(%dma_start3A_909 : memref<8x64xf32, #tpu.memory_space<vmem>>) target_semaphore(%arg14 : memref<!tpu.dma_semaphore, #tpu.memory_space<semaphore_mem>>)
      %dma_start3A_912 = arith.constant 10 : i32
      %dma_start3A_913 = arith.constant 0 : i32
      %dma_start3A_914 = arith.constant 0 : i32
      %dma_start3A_915 = tpu.memref_slice %arg12[%dma_start3A_912, %dma_start3A_913, %dma_start3A_914] : memref<16x8x64xf32, #tpu.memory_space<vmem>> -> memref<1x8x64xf32, #tpu.memory_space<vmem>>
      %dma_start3A_916 = tpu.memref_squeeze %dma_start3A_915 : memref<1x8x64xf32, #tpu.memory_space<vmem>> -> memref<8x64xf32, #tpu.memory_space<vmem>>
      %dma_start3A_917 = arith.constant 0 : i32
      %dma_start3A_918 = tpu.memref_slice %arg5[%multiple_of3A_898, %dma_start3A_917] : memref<100001x64xf32, #tpu.memory_space<hbm>> -> memref<8x64xf32, #tpu.memory_space<hbm>>
      %dma_start3A_919 = arith.constant 0 : i32
      %dma_start3A_920 = arith.constant 0 : i32
      %dma_start3A_921 = tpu.memref_slice %arg12[%dma_start3A_912, %dma_start3A_919, %dma_start3A_920] : memref<16x8x64xf32, #tpu.memory_space<vmem>> -> memref<1x8x64xf32, #tpu.memory_space<vmem>>
      %dma_start3A_922 = tpu.memref_squeeze %dma_start3A_921 : memref<1x8x64xf32, #tpu.memory_space<vmem>> -> memref<8x64xf32, #tpu.memory_space<vmem>>
      %dma_start3A_923 = arith.constant 0 : i32
      %dma_start3A_924 = tpu.memref_slice %arg5[%multiple_of3A_898, %dma_start3A_923] : memref<100001x64xf32, #tpu.memory_space<hbm>> -> memref<8x64xf32, #tpu.memory_space<hbm>>
      tpu.enqueue_dma source(%dma_start3A_924 : memref<8x64xf32, #tpu.memory_space<hbm>>) target(%dma_start3A_922 : memref<8x64xf32, #tpu.memory_space<vmem>>) target_semaphore(%arg14 : memref<!tpu.dma_semaphore, #tpu.memory_space<semaphore_mem>>)
      %slice3A_925 = vector.extract_strided_slice %and3A_567 {offsets = [11], sizes = [1], strides = [1]} : vector<16xi32> to vector<1xi32>
      %squeeze3A_926 = vector.extract %slice3A_925[0] : i32 from vector<1xi32>
      %multiple_of3A_927 = tpu.assume_multiple %squeeze3A_926, 8 : i32
      %slice3A_928 = vector.extract_strided_slice %and3A_572 {offsets = [11], sizes = [1], strides = [1]} : vector<16xi32> to vector<1xi32>
      %squeeze3A_929 = vector.extract %slice3A_928[0] : i32 from vector<1xi32>
      %multiple_of3A_930 = tpu.assume_multiple %squeeze3A_929, 8 : i32
      %dma_start3A_931 = arith.constant 11 : i32
      %dma_start3A_932 = arith.constant 0 : i32
      %dma_start3A_933 = arith.constant 0 : i32
      %dma_start3A_934 = tpu.memref_slice %arg11[%dma_start3A_931, %dma_start3A_932, %dma_start3A_933] : memref<16x8x64xf32, #tpu.memory_space<vmem>> -> memref<1x8x64xf32, #tpu.memory_space<vmem>>
      %dma_start3A_935 = tpu.memref_squeeze %dma_start3A_934 : memref<1x8x64xf32, #tpu.memory_space<vmem>> -> memref<8x64xf32, #tpu.memory_space<vmem>>
      %dma_start3A_936 = arith.constant 0 : i32
      %dma_start3A_937 = tpu.memref_slice %arg4[%multiple_of3A_927, %dma_start3A_936] : memref<100000x64xf32, #tpu.memory_space<hbm>> -> memref<8x64xf32, #tpu.memory_space<hbm>>
      %dma_start3A_938 = arith.constant 0 : i32
      %dma_start3A_939 = arith.constant 0 : i32
      %dma_start3A_940 = tpu.memref_slice %arg11[%dma_start3A_931, %dma_start3A_938, %dma_start3A_939] : memref<16x8x64xf32, #tpu.memory_space<vmem>> -> memref<1x8x64xf32, #tpu.memory_space<vmem>>
      %dma_start3A_941 = tpu.memref_squeeze %dma_start3A_940 : memref<1x8x64xf32, #tpu.memory_space<vmem>> -> memref<8x64xf32, #tpu.memory_space<vmem>>
      %dma_start3A_942 = arith.constant 0 : i32
      %dma_start3A_943 = tpu.memref_slice %arg4[%multiple_of3A_927, %dma_start3A_942] : memref<100000x64xf32, #tpu.memory_space<hbm>> -> memref<8x64xf32, #tpu.memory_space<hbm>>
      tpu.enqueue_dma source(%dma_start3A_943 : memref<8x64xf32, #tpu.memory_space<hbm>>) target(%dma_start3A_941 : memref<8x64xf32, #tpu.memory_space<vmem>>) target_semaphore(%arg14 : memref<!tpu.dma_semaphore, #tpu.memory_space<semaphore_mem>>)
      %dma_start3A_944 = arith.constant 11 : i32
      %dma_start3A_945 = arith.constant 0 : i32
      %dma_start3A_946 = arith.constant 0 : i32
      %dma_start3A_947 = tpu.memref_slice %arg12[%dma_start3A_944, %dma_start3A_945, %dma_start3A_946] : memref<16x8x64xf32, #tpu.memory_space<vmem>> -> memref<1x8x64xf32, #tpu.memory_space<vmem>>
      %dma_start3A_948 = tpu.memref_squeeze %dma_start3A_947 : memref<1x8x64xf32, #tpu.memory_space<vmem>> -> memref<8x64xf32, #tpu.memory_space<vmem>>
      %dma_start3A_949 = arith.constant 0 : i32
      %dma_start3A_950 = tpu.memref_slice %arg5[%multiple_of3A_930, %dma_start3A_949] : memref<100001x64xf32, #tpu.memory_space<hbm>> -> memref<8x64xf32, #tpu.memory_space<hbm>>
      %dma_start3A_951 = arith.constant 0 : i32
      %dma_start3A_952 = arith.constant 0 : i32
      %dma_start3A_953 = tpu.memref_slice %arg12[%dma_start3A_944, %dma_start3A_951, %dma_start3A_952] : memref<16x8x64xf32, #tpu.memory_space<vmem>> -> memref<1x8x64xf32, #tpu.memory_space<vmem>>
      %dma_start3A_954 = tpu.memref_squeeze %dma_start3A_953 : memref<1x8x64xf32, #tpu.memory_space<vmem>> -> memref<8x64xf32, #tpu.memory_space<vmem>>
      %dma_start3A_955 = arith.constant 0 : i32
      %dma_start3A_956 = tpu.memref_slice %arg5[%multiple_of3A_930, %dma_start3A_955] : memref<100001x64xf32, #tpu.memory_space<hbm>> -> memref<8x64xf32, #tpu.memory_space<hbm>>
      tpu.enqueue_dma source(%dma_start3A_956 : memref<8x64xf32, #tpu.memory_space<hbm>>) target(%dma_start3A_954 : memref<8x64xf32, #tpu.memory_space<vmem>>) target_semaphore(%arg14 : memref<!tpu.dma_semaphore, #tpu.memory_space<semaphore_mem>>)
      %slice3A_957 = vector.extract_strided_slice %and3A_567 {offsets = [12], sizes = [1], strides = [1]} : vector<16xi32> to vector<1xi32>
      %squeeze3A_958 = vector.extract %slice3A_957[0] : i32 from vector<1xi32>
      %multiple_of3A_959 = tpu.assume_multiple %squeeze3A_958, 8 : i32
      %slice3A_960 = vector.extract_strided_slice %and3A_572 {offsets = [12], sizes = [1], strides = [1]} : vector<16xi32> to vector<1xi32>
      %squeeze3A_961 = vector.extract %slice3A_960[0] : i32 from vector<1xi32>
      %multiple_of3A_962 = tpu.assume_multiple %squeeze3A_961, 8 : i32
      %dma_start3A_963 = arith.constant 12 : i32
      %dma_start3A_964 = arith.constant 0 : i32
      %dma_start3A_965 = arith.constant 0 : i32
      %dma_start3A_966 = tpu.memref_slice %arg11[%dma_start3A_963, %dma_start3A_964, %dma_start3A_965] : memref<16x8x64xf32, #tpu.memory_space<vmem>> -> memref<1x8x64xf32, #tpu.memory_space<vmem>>
      %dma_start3A_967 = tpu.memref_squeeze %dma_start3A_966 : memref<1x8x64xf32, #tpu.memory_space<vmem>> -> memref<8x64xf32, #tpu.memory_space<vmem>>
      %dma_start3A_968 = arith.constant 0 : i32
      %dma_start3A_969 = tpu.memref_slice %arg4[%multiple_of3A_959, %dma_start3A_968] : memref<100000x64xf32, #tpu.memory_space<hbm>> -> memref<8x64xf32, #tpu.memory_space<hbm>>
      %dma_start3A_970 = arith.constant 0 : i32
      %dma_start3A_971 = arith.constant 0 : i32
      %dma_start3A_972 = tpu.memref_slice %arg11[%dma_start3A_963, %dma_start3A_970, %dma_start3A_971] : memref<16x8x64xf32, #tpu.memory_space<vmem>> -> memref<1x8x64xf32, #tpu.memory_space<vmem>>
      %dma_start3A_973 = tpu.memref_squeeze %dma_start3A_972 : memref<1x8x64xf32, #tpu.memory_space<vmem>> -> memref<8x64xf32, #tpu.memory_space<vmem>>
      %dma_start3A_974 = arith.constant 0 : i32
      %dma_start3A_975 = tpu.memref_slice %arg4[%multiple_of3A_959, %dma_start3A_974] : memref<100000x64xf32, #tpu.memory_space<hbm>> -> memref<8x64xf32, #tpu.memory_space<hbm>>
      tpu.enqueue_dma source(%dma_start3A_975 : memref<8x64xf32, #tpu.memory_space<hbm>>) target(%dma_start3A_973 : memref<8x64xf32, #tpu.memory_space<vmem>>) target_semaphore(%arg14 : memref<!tpu.dma_semaphore, #tpu.memory_space<semaphore_mem>>)
      %dma_start3A_976 = arith.constant 12 : i32
      %dma_start3A_977 = arith.constant 0 : i32
      %dma_start3A_978 = arith.constant 0 : i32
      %dma_start3A_979 = tpu.memref_slice %arg12[%dma_start3A_976, %dma_start3A_977, %dma_start3A_978] : memref<16x8x64xf32, #tpu.memory_space<vmem>> -> memref<1x8x64xf32, #tpu.memory_space<vmem>>
      %dma_start3A_980 = tpu.memref_squeeze %dma_start3A_979 : memref<1x8x64xf32, #tpu.memory_space<vmem>> -> memref<8x64xf32, #tpu.memory_space<vmem>>
      %dma_start3A_981 = arith.constant 0 : i32
      %dma_start3A_982 = tpu.memref_slice %arg5[%multiple_of3A_962, %dma_start3A_981] : memref<100001x64xf32, #tpu.memory_space<hbm>> -> memref<8x64xf32, #tpu.memory_space<hbm>>
      %dma_start3A_983 = arith.constant 0 : i32
      %dma_start3A_984 = arith.constant 0 : i32
      %dma_start3A_985 = tpu.memref_slice %arg12[%dma_start3A_976, %dma_start3A_983, %dma_start3A_984] : memref<16x8x64xf32, #tpu.memory_space<vmem>> -> memref<1x8x64xf32, #tpu.memory_space<vmem>>
      %dma_start3A_986 = tpu.memref_squeeze %dma_start3A_985 : memref<1x8x64xf32, #tpu.memory_space<vmem>> -> memref<8x64xf32, #tpu.memory_space<vmem>>
      %dma_start3A_987 = arith.constant 0 : i32
      %dma_start3A_988 = tpu.memref_slice %arg5[%multiple_of3A_962, %dma_start3A_987] : memref<100001x64xf32, #tpu.memory_space<hbm>> -> memref<8x64xf32, #tpu.memory_space<hbm>>
      tpu.enqueue_dma source(%dma_start3A_988 : memref<8x64xf32, #tpu.memory_space<hbm>>) target(%dma_start3A_986 : memref<8x64xf32, #tpu.memory_space<vmem>>) target_semaphore(%arg14 : memref<!tpu.dma_semaphore, #tpu.memory_space<semaphore_mem>>)
      %slice3A_989 = vector.extract_strided_slice %and3A_567 {offsets = [13], sizes = [1], strides = [1]} : vector<16xi32> to vector<1xi32>
      %squeeze3A_990 = vector.extract %slice3A_989[0] : i32 from vector<1xi32>
      %multiple_of3A_991 = tpu.assume_multiple %squeeze3A_990, 8 : i32
      %slice3A_992 = vector.extract_strided_slice %and3A_572 {offsets = [13], sizes = [1], strides = [1]} : vector<16xi32> to vector<1xi32>
      %squeeze3A_993 = vector.extract %slice3A_992[0] : i32 from vector<1xi32>
      %multiple_of3A_994 = tpu.assume_multiple %squeeze3A_993, 8 : i32
      %dma_start3A_995 = arith.constant 13 : i32
      %dma_start3A_996 = arith.constant 0 : i32
      %dma_start3A_997 = arith.constant 0 : i32
      %dma_start3A_998 = tpu.memref_slice %arg11[%dma_start3A_995, %dma_start3A_996, %dma_start3A_997] : memref<16x8x64xf32, #tpu.memory_space<vmem>> -> memref<1x8x64xf32, #tpu.memory_space<vmem>>
      %dma_start3A_999 = tpu.memref_squeeze %dma_start3A_998 : memref<1x8x64xf32, #tpu.memory_space<vmem>> -> memref<8x64xf32, #tpu.memory_space<vmem>>
      %dma_start3A_1000 = arith.constant 0 : i32
      %dma_start3A_1001 = tpu.memref_slice %arg4[%multiple_of3A_991, %dma_start3A_1000] : memref<100000x64xf32, #tpu.memory_space<hbm>> -> memref<8x64xf32, #tpu.memory_space<hbm>>
      %dma_start3A_1002 = arith.constant 0 : i32
      %dma_start3A_1003 = arith.constant 0 : i32
      %dma_start3A_1004 = tpu.memref_slice %arg11[%dma_start3A_995, %dma_start3A_1002, %dma_start3A_1003] : memref<16x8x64xf32, #tpu.memory_space<vmem>> -> memref<1x8x64xf32, #tpu.memory_space<vmem>>
      %dma_start3A_1005 = tpu.memref_squeeze %dma_start3A_1004 : memref<1x8x64xf32, #tpu.memory_space<vmem>> -> memref<8x64xf32, #tpu.memory_space<vmem>>
      %dma_start3A_1006 = arith.constant 0 : i32
      %dma_start3A_1007 = tpu.memref_slice %arg4[%multiple_of3A_991, %dma_start3A_1006] : memref<100000x64xf32, #tpu.memory_space<hbm>> -> memref<8x64xf32, #tpu.memory_space<hbm>>
      tpu.enqueue_dma source(%dma_start3A_1007 : memref<8x64xf32, #tpu.memory_space<hbm>>) target(%dma_start3A_1005 : memref<8x64xf32, #tpu.memory_space<vmem>>) target_semaphore(%arg14 : memref<!tpu.dma_semaphore, #tpu.memory_space<semaphore_mem>>)
      %dma_start3A_1008 = arith.constant 13 : i32
      %dma_start3A_1009 = arith.constant 0 : i32
      %dma_start3A_1010 = arith.constant 0 : i32
      %dma_start3A_1011 = tpu.memref_slice %arg12[%dma_start3A_1008, %dma_start3A_1009, %dma_start3A_1010] : memref<16x8x64xf32, #tpu.memory_space<vmem>> -> memref<1x8x64xf32, #tpu.memory_space<vmem>>
      %dma_start3A_1012 = tpu.memref_squeeze %dma_start3A_1011 : memref<1x8x64xf32, #tpu.memory_space<vmem>> -> memref<8x64xf32, #tpu.memory_space<vmem>>
      %dma_start3A_1013 = arith.constant 0 : i32
      %dma_start3A_1014 = tpu.memref_slice %arg5[%multiple_of3A_994, %dma_start3A_1013] : memref<100001x64xf32, #tpu.memory_space<hbm>> -> memref<8x64xf32, #tpu.memory_space<hbm>>
      %dma_start3A_1015 = arith.constant 0 : i32
      %dma_start3A_1016 = arith.constant 0 : i32
      %dma_start3A_1017 = tpu.memref_slice %arg12[%dma_start3A_1008, %dma_start3A_1015, %dma_start3A_1016] : memref<16x8x64xf32, #tpu.memory_space<vmem>> -> memref<1x8x64xf32, #tpu.memory_space<vmem>>
      %dma_start3A_1018 = tpu.memref_squeeze %dma_start3A_1017 : memref<1x8x64xf32, #tpu.memory_space<vmem>> -> memref<8x64xf32, #tpu.memory_space<vmem>>
      %dma_start3A_1019 = arith.constant 0 : i32
      %dma_start3A_1020 = tpu.memref_slice %arg5[%multiple_of3A_994, %dma_start3A_1019] : memref<100001x64xf32, #tpu.memory_space<hbm>> -> memref<8x64xf32, #tpu.memory_space<hbm>>
      tpu.enqueue_dma source(%dma_start3A_1020 : memref<8x64xf32, #tpu.memory_space<hbm>>) target(%dma_start3A_1018 : memref<8x64xf32, #tpu.memory_space<vmem>>) target_semaphore(%arg14 : memref<!tpu.dma_semaphore, #tpu.memory_space<semaphore_mem>>)
      %slice3A_1021 = vector.extract_strided_slice %and3A_567 {offsets = [14], sizes = [1], strides = [1]} : vector<16xi32> to vector<1xi32>
      %squeeze3A_1022 = vector.extract %slice3A_1021[0] : i32 from vector<1xi32>
      %multiple_of3A_1023 = tpu.assume_multiple %squeeze3A_1022, 8 : i32
      %slice3A_1024 = vector.extract_strided_slice %and3A_572 {offsets = [14], sizes = [1], strides = [1]} : vector<16xi32> to vector<1xi32>
      %squeeze3A_1025 = vector.extract %slice3A_1024[0] : i32 from vector<1xi32>
      %multiple_of3A_1026 = tpu.assume_multiple %squeeze3A_1025, 8 : i32
      %dma_start3A_1027 = arith.constant 14 : i32
      %dma_start3A_1028 = arith.constant 0 : i32
      %dma_start3A_1029 = arith.constant 0 : i32
      %dma_start3A_1030 = tpu.memref_slice %arg11[%dma_start3A_1027, %dma_start3A_1028, %dma_start3A_1029] : memref<16x8x64xf32, #tpu.memory_space<vmem>> -> memref<1x8x64xf32, #tpu.memory_space<vmem>>
      %dma_start3A_1031 = tpu.memref_squeeze %dma_start3A_1030 : memref<1x8x64xf32, #tpu.memory_space<vmem>> -> memref<8x64xf32, #tpu.memory_space<vmem>>
      %dma_start3A_1032 = arith.constant 0 : i32
      %dma_start3A_1033 = tpu.memref_slice %arg4[%multiple_of3A_1023, %dma_start3A_1032] : memref<100000x64xf32, #tpu.memory_space<hbm>> -> memref<8x64xf32, #tpu.memory_space<hbm>>
      %dma_start3A_1034 = arith.constant 0 : i32
      %dma_start3A_1035 = arith.constant 0 : i32
      %dma_start3A_1036 = tpu.memref_slice %arg11[%dma_start3A_1027, %dma_start3A_1034, %dma_start3A_1035] : memref<16x8x64xf32, #tpu.memory_space<vmem>> -> memref<1x8x64xf32, #tpu.memory_space<vmem>>
      %dma_start3A_1037 = tpu.memref_squeeze %dma_start3A_1036 : memref<1x8x64xf32, #tpu.memory_space<vmem>> -> memref<8x64xf32, #tpu.memory_space<vmem>>
      %dma_start3A_1038 = arith.constant 0 : i32
      %dma_start3A_1039 = tpu.memref_slice %arg4[%multiple_of3A_1023, %dma_start3A_1038] : memref<100000x64xf32, #tpu.memory_space<hbm>> -> memref<8x64xf32, #tpu.memory_space<hbm>>
      tpu.enqueue_dma source(%dma_start3A_1039 : memref<8x64xf32, #tpu.memory_space<hbm>>) target(%dma_start3A_1037 : memref<8x64xf32, #tpu.memory_space<vmem>>) target_semaphore(%arg14 : memref<!tpu.dma_semaphore, #tpu.memory_space<semaphore_mem>>)
      %dma_start3A_1040 = arith.constant 14 : i32
      %dma_start3A_1041 = arith.constant 0 : i32
      %dma_start3A_1042 = arith.constant 0 : i32
      %dma_start3A_1043 = tpu.memref_slice %arg12[%dma_start3A_1040, %dma_start3A_1041, %dma_start3A_1042] : memref<16x8x64xf32, #tpu.memory_space<vmem>> -> memref<1x8x64xf32, #tpu.memory_space<vmem>>
      %dma_start3A_1044 = tpu.memref_squeeze %dma_start3A_1043 : memref<1x8x64xf32, #tpu.memory_space<vmem>> -> memref<8x64xf32, #tpu.memory_space<vmem>>
      %dma_start3A_1045 = arith.constant 0 : i32
      %dma_start3A_1046 = tpu.memref_slice %arg5[%multiple_of3A_1026, %dma_start3A_1045] : memref<100001x64xf32, #tpu.memory_space<hbm>> -> memref<8x64xf32, #tpu.memory_space<hbm>>
      %dma_start3A_1047 = arith.constant 0 : i32
      %dma_start3A_1048 = arith.constant 0 : i32
      %dma_start3A_1049 = tpu.memref_slice %arg12[%dma_start3A_1040, %dma_start3A_1047, %dma_start3A_1048] : memref<16x8x64xf32, #tpu.memory_space<vmem>> -> memref<1x8x64xf32, #tpu.memory_space<vmem>>
      %dma_start3A_1050 = tpu.memref_squeeze %dma_start3A_1049 : memref<1x8x64xf32, #tpu.memory_space<vmem>> -> memref<8x64xf32, #tpu.memory_space<vmem>>
      %dma_start3A_1051 = arith.constant 0 : i32
      %dma_start3A_1052 = tpu.memref_slice %arg5[%multiple_of3A_1026, %dma_start3A_1051] : memref<100001x64xf32, #tpu.memory_space<hbm>> -> memref<8x64xf32, #tpu.memory_space<hbm>>
      tpu.enqueue_dma source(%dma_start3A_1052 : memref<8x64xf32, #tpu.memory_space<hbm>>) target(%dma_start3A_1050 : memref<8x64xf32, #tpu.memory_space<vmem>>) target_semaphore(%arg14 : memref<!tpu.dma_semaphore, #tpu.memory_space<semaphore_mem>>)
      %slice3A_1053 = vector.extract_strided_slice %and3A_567 {offsets = [15], sizes = [1], strides = [1]} : vector<16xi32> to vector<1xi32>
      %squeeze3A_1054 = vector.extract %slice3A_1053[0] : i32 from vector<1xi32>
      %multiple_of3A_1055 = tpu.assume_multiple %squeeze3A_1054, 8 : i32
      %slice3A_1056 = vector.extract_strided_slice %and3A_572 {offsets = [15], sizes = [1], strides = [1]} : vector<16xi32> to vector<1xi32>
      %squeeze3A_1057 = vector.extract %slice3A_1056[0] : i32 from vector<1xi32>
      %multiple_of3A_1058 = tpu.assume_multiple %squeeze3A_1057, 8 : i32
      %dma_start3A_1059 = arith.constant 15 : i32
      %dma_start3A_1060 = arith.constant 0 : i32
      %dma_start3A_1061 = arith.constant 0 : i32
      %dma_start3A_1062 = tpu.memref_slice %arg11[%dma_start3A_1059, %dma_start3A_1060, %dma_start3A_1061] : memref<16x8x64xf32, #tpu.memory_space<vmem>> -> memref<1x8x64xf32, #tpu.memory_space<vmem>>
      %dma_start3A_1063 = tpu.memref_squeeze %dma_start3A_1062 : memref<1x8x64xf32, #tpu.memory_space<vmem>> -> memref<8x64xf32, #tpu.memory_space<vmem>>
      %dma_start3A_1064 = arith.constant 0 : i32
      %dma_start3A_1065 = tpu.memref_slice %arg4[%multiple_of3A_1055, %dma_start3A_1064] : memref<100000x64xf32, #tpu.memory_space<hbm>> -> memref<8x64xf32, #tpu.memory_space<hbm>>
      %dma_start3A_1066 = arith.constant 0 : i32
      %dma_start3A_1067 = arith.constant 0 : i32
      %dma_start3A_1068 = tpu.memref_slice %arg11[%dma_start3A_1059, %dma_start3A_1066, %dma_start3A_1067] : memref<16x8x64xf32, #tpu.memory_space<vmem>> -> memref<1x8x64xf32, #tpu.memory_space<vmem>>
      %dma_start3A_1069 = tpu.memref_squeeze %dma_start3A_1068 : memref<1x8x64xf32, #tpu.memory_space<vmem>> -> memref<8x64xf32, #tpu.memory_space<vmem>>
      %dma_start3A_1070 = arith.constant 0 : i32
      %dma_start3A_1071 = tpu.memref_slice %arg4[%multiple_of3A_1055, %dma_start3A_1070] : memref<100000x64xf32, #tpu.memory_space<hbm>> -> memref<8x64xf32, #tpu.memory_space<hbm>>
      tpu.enqueue_dma source(%dma_start3A_1071 : memref<8x64xf32, #tpu.memory_space<hbm>>) target(%dma_start3A_1069 : memref<8x64xf32, #tpu.memory_space<vmem>>) target_semaphore(%arg14 : memref<!tpu.dma_semaphore, #tpu.memory_space<semaphore_mem>>)
      %dma_start3A_1072 = arith.constant 15 : i32
      %dma_start3A_1073 = arith.constant 0 : i32
      %dma_start3A_1074 = arith.constant 0 : i32
      %dma_start3A_1075 = tpu.memref_slice %arg12[%dma_start3A_1072, %dma_start3A_1073, %dma_start3A_1074] : memref<16x8x64xf32, #tpu.memory_space<vmem>> -> memref<1x8x64xf32, #tpu.memory_space<vmem>>
      %dma_start3A_1076 = tpu.memref_squeeze %dma_start3A_1075 : memref<1x8x64xf32, #tpu.memory_space<vmem>> -> memref<8x64xf32, #tpu.memory_space<vmem>>
      %dma_start3A_1077 = arith.constant 0 : i32
      %dma_start3A_1078 = tpu.memref_slice %arg5[%multiple_of3A_1058, %dma_start3A_1077] : memref<100001x64xf32, #tpu.memory_space<hbm>> -> memref<8x64xf32, #tpu.memory_space<hbm>>
      %dma_start3A_1079 = arith.constant 0 : i32
      %dma_start3A_1080 = arith.constant 0 : i32
      %dma_start3A_1081 = tpu.memref_slice %arg12[%dma_start3A_1072, %dma_start3A_1079, %dma_start3A_1080] : memref<16x8x64xf32, #tpu.memory_space<vmem>> -> memref<1x8x64xf32, #tpu.memory_space<vmem>>
      %dma_start3A_1082 = tpu.memref_squeeze %dma_start3A_1081 : memref<1x8x64xf32, #tpu.memory_space<vmem>> -> memref<8x64xf32, #tpu.memory_space<vmem>>
      %dma_start3A_1083 = arith.constant 0 : i32
      %dma_start3A_1084 = tpu.memref_slice %arg5[%multiple_of3A_1058, %dma_start3A_1083] : memref<100001x64xf32, #tpu.memory_space<hbm>> -> memref<8x64xf32, #tpu.memory_space<hbm>>
      tpu.enqueue_dma source(%dma_start3A_1084 : memref<8x64xf32, #tpu.memory_space<hbm>>) target(%dma_start3A_1082 : memref<8x64xf32, #tpu.memory_space<vmem>>) target_semaphore(%arg14 : memref<!tpu.dma_semaphore, #tpu.memory_space<semaphore_mem>>)
      %dma_wait3A_1085 = tpu.memref_reshape %arg4 : memref<100000x64xf32, #tpu.memory_space<hbm>> -> memref<12500x8x64xf32, #tpu.memory_space<hbm>>
      %dma_wait3A_1086 = arith.constant 0 : i32
      %dma_wait3A_1087 = arith.constant 0 : i32
      %dma_wait3A_1088 = arith.constant 0 : i32
      %dma_wait3A_1089 = tpu.memref_slice %dma_wait3A_1085[%dma_wait3A_1086, %dma_wait3A_1087, %dma_wait3A_1088] : memref<12500x8x64xf32, #tpu.memory_space<hbm>> -> memref<16x8x64xf32, #tpu.memory_space<hbm>>
      %dma_wait3A_1090 = tpu.memref_reshape %arg4 : memref<100000x64xf32, #tpu.memory_space<hbm>> -> memref<12500x8x64xf32, #tpu.memory_space<hbm>>
      %dma_wait3A_1091 = arith.constant 0 : i32
      %dma_wait3A_1092 = arith.constant 0 : i32
      %dma_wait3A_1093 = arith.constant 0 : i32
      %dma_wait3A_1094 = tpu.memref_slice %dma_wait3A_1090[%dma_wait3A_1091, %dma_wait3A_1092, %dma_wait3A_1093] : memref<12500x8x64xf32, #tpu.memory_space<hbm>> -> memref<16x8x64xf32, #tpu.memory_space<hbm>>
      tpu.wait_dma2 semaphore(%arg14 : memref<!tpu.dma_semaphore, #tpu.memory_space<semaphore_mem>>) src(%dma_wait3A_1094 : memref<16x8x64xf32, #tpu.memory_space<hbm>>) dst(%arg9 : memref<16x8x64xf32, #tpu.memory_space<vmem>>)
      %dma_wait3A_1095 = tpu.memref_reshape %arg4 : memref<100000x64xf32, #tpu.memory_space<hbm>> -> memref<12500x8x64xf32, #tpu.memory_space<hbm>>
      %dma_wait3A_1096 = arith.constant 0 : i32
      %dma_wait3A_1097 = arith.constant 0 : i32
      %dma_wait3A_1098 = arith.constant 0 : i32
      %dma_wait3A_1099 = tpu.memref_slice %dma_wait3A_1095[%dma_wait3A_1096, %dma_wait3A_1097, %dma_wait3A_1098] : memref<12500x8x64xf32, #tpu.memory_space<hbm>> -> memref<16x8x64xf32, #tpu.memory_space<hbm>>
      %dma_wait3A_1100 = tpu.memref_reshape %arg4 : memref<100000x64xf32, #tpu.memory_space<hbm>> -> memref<12500x8x64xf32, #tpu.memory_space<hbm>>
      %dma_wait3A_1101 = arith.constant 0 : i32
      %dma_wait3A_1102 = arith.constant 0 : i32
      %dma_wait3A_1103 = arith.constant 0 : i32
      %dma_wait3A_1104 = tpu.memref_slice %dma_wait3A_1100[%dma_wait3A_1101, %dma_wait3A_1102, %dma_wait3A_1103] : memref<12500x8x64xf32, #tpu.memory_space<hbm>> -> memref<16x8x64xf32, #tpu.memory_space<hbm>>
      tpu.wait_dma2 semaphore(%arg14 : memref<!tpu.dma_semaphore, #tpu.memory_space<semaphore_mem>>) src(%dma_wait3A_1104 : memref<16x8x64xf32, #tpu.memory_space<hbm>>) dst(%arg10 : memref<16x8x64xf32, #tpu.memory_space<vmem>>)
      %mul3A_1105 = arith.constant 16 : i32
      %mul3A_1106 = arith.muli %mul3A_556, %mul3A_1105 : i32
      %add3A_1107 = arith.constant 0 : i32
      %add3A_1108 = arith.addi %mul3A_1106, %add3A_1107 : i32
      %get3A_1109 = arith.index_cast %add3A_1108 : i32 to index
      %get3A_1110 = tpu.vector_load %arg7[%get3A_1109] {strides = array<i32>} : memref<512xi32, #tpu.memory_space<vmem>>, vector<16xi32>,
      %and3A_1111 = arith.constant 7 : i32
      %and3A_1112 = vector.broadcast %and3A_1111 : i32 to vector<16xi32>
      %and3A_1113 = arith.andi %get3A_1110, %and3A_1112 : vector<16xi32>
      %get3A_1114 = arith.index_cast %add3A_1108 : i32 to index
      %get3A_1115 = tpu.vector_load %arg8[%get3A_1114] {strides = array<i32>} : memref<512xi32, #tpu.memory_space<vmem>>, vector<16xi32>,
      %and3A_1116 = arith.constant 7 : i32
      %and3A_1117 = vector.broadcast %and3A_1116 : i32 to vector<16xi32>
      %and3A_1118 = arith.andi %get3A_1115, %and3A_1117 : vector<16xi32>
      %broadcast_in_dim3A = arith.constant 0.000000e+00 : f32
      %broadcast_in_dim3A_1119 = vector.broadcast %broadcast_in_dim3A : f32 to vector<16xf32>
      %slice3A_1120 = vector.extract_strided_slice %and3A_1113 {offsets = [0], sizes = [1], strides = [1]} : vector<16xi32> to vector<1xi32>
      %squeeze3A_1121 = vector.extract %slice3A_1120[0] : i32 from vector<1xi32>
      %slice3A_1122 = vector.extract_strided_slice %and3A_1118 {offsets = [0], sizes = [1], strides = [1]} : vector<16xi32> to vector<1xi32>
      %squeeze3A_1123 = vector.extract %slice3A_1122[0] : i32 from vector<1xi32>
      %get3A_1124 = arith.constant 0 : i32
      %get3A_1125 = arith.index_cast %get3A_1124 : i32 to index
      %get3A_1126 = arith.index_cast %squeeze3A_1121 : i32 to index
      %get3A_1127 = arith.constant 0 : index
      %get3A_1128 = tpu.vector_load %arg9[%get3A_1125, %get3A_1126, %get3A_1127] {strides = array<i32>} : memref<16x8x64xf32, #tpu.memory_space<vmem>>, vector<16xf32>,
      %get3A_1129 = arith.constant 0 : i32
      %get3A_1130 = arith.index_cast %get3A_1129 : i32 to index
      %get3A_1131 = arith.index_cast %squeeze3A_1123 : i32 to index
      %get3A_1132 = arith.constant 0 : index
      %get3A_1133 = tpu.vector_load %arg10[%get3A_1130, %get3A_1131, %get3A_1132] {strides = array<i32>} : memref<16x8x64xf32, #tpu.memory_space<vmem>>, vector<16xf32>,
      %mul3A_1134 = arith.mulf %get3A_1128, %get3A_1133 : vector<16xf32>
      %get3A_1135 = arith.constant 0 : i32
      %get3A_1136 = arith.index_cast %get3A_1135 : i32 to index
      %get3A_1137 = arith.index_cast %squeeze3A_1121 : i32 to index
      %get3A_1138 = arith.constant 16 : index
      %get3A_1139 = tpu.vector_load %arg9[%get3A_1136, %get3A_1137, %get3A_1138] {strides = array<i32>} : memref<16x8x64xf32, #tpu.memory_space<vmem>>, vector<16xf32>,
      %get3A_1140 = arith.constant 0 : i32
      %get3A_1141 = arith.index_cast %get3A_1140 : i32 to index
      %get3A_1142 = arith.index_cast %squeeze3A_1123 : i32 to index
      %get3A_1143 = arith.constant 16 : index
      %get3A_1144 = tpu.vector_load %arg10[%get3A_1141, %get3A_1142, %get3A_1143] {strides = array<i32>} : memref<16x8x64xf32, #tpu.memory_space<vmem>>, vector<16xf32>,
      %mul3A_1145 = arith.mulf %get3A_1139, %get3A_1144 : vector<16xf32>
      %add3A_1146 = arith.addf %mul3A_1134, %mul3A_1145 : vector<16xf32>
      %get3A_1147 = arith.constant 0 : i32
      %get3A_1148 = arith.index_cast %get3A_1147 : i32 to index
      %get3A_1149 = arith.index_cast %squeeze3A_1121 : i32 to index
      %get3A_1150 = arith.constant 32 : index
      %get3A_1151 = tpu.vector_load %arg9[%get3A_1148, %get3A_1149, %get3A_1150] {strides = array<i32>} : memref<16x8x64xf32, #tpu.memory_space<vmem>>, vector<16xf32>,
      %get3A_1152 = arith.constant 0 : i32
      %get3A_1153 = arith.index_cast %get3A_1152 : i32 to index
      %get3A_1154 = arith.index_cast %squeeze3A_1123 : i32 to index
      %get3A_1155 = arith.constant 32 : index
      %get3A_1156 = tpu.vector_load %arg10[%get3A_1153, %get3A_1154, %get3A_1155] {strides = array<i32>} : memref<16x8x64xf32, #tpu.memory_space<vmem>>, vector<16xf32>,
      %mul3A_1157 = arith.mulf %get3A_1151, %get3A_1156 : vector<16xf32>
      %add3A_1158 = arith.addf %add3A_1146, %mul3A_1157 : vector<16xf32>
      %get3A_1159 = arith.constant 0 : i32
      %get3A_1160 = arith.index_cast %get3A_1159 : i32 to index
      %get3A_1161 = arith.index_cast %squeeze3A_1121 : i32 to index
      %get3A_1162 = arith.constant 48 : index
      %get3A_1163 = tpu.vector_load %arg9[%get3A_1160, %get3A_1161, %get3A_1162] {strides = array<i32>} : memref<16x8x64xf32, #tpu.memory_space<vmem>>, vector<16xf32>,
      %get3A_1164 = arith.constant 0 : i32
      %get3A_1165 = arith.index_cast %get3A_1164 : i32 to index
      %get3A_1166 = arith.index_cast %squeeze3A_1123 : i32 to index
      %get3A_1167 = arith.constant 48 : index
      %get3A_1168 = tpu.vector_load %arg10[%get3A_1165, %get3A_1166, %get3A_1167] {strides = array<i32>} : memref<16x8x64xf32, #tpu.memory_space<vmem>>, vector<16xf32>,
      %mul3A_1169 = arith.mulf %get3A_1163, %get3A_1168 : vector<16xf32>
      %add3A_1170 = arith.addf %add3A_1158, %mul3A_1169 : vector<16xf32>
      %reshape3A = vector.shape_cast %xor3A_4 : vector<16xi32> to vector<16x1xi32>
      %gather3A = vector.shape_cast %reshape3A : vector<16x1xi32> to vector<16xi32>
      %gather3A_1171 = tpu.dynamic_gather %add3A_1170[%gather3A] in [0] : vector<16xf32>, vector<16xi32> -> vector<16xf32>
      %add3A_1172 = arith.addf %add3A_1170, %gather3A_1171 : vector<16xf32>
      %reshape3A_1173 = vector.shape_cast %xor3A_7 : vector<16xi32> to vector<16x1xi32>
      %gather3A_1174 = vector.shape_cast %reshape3A_1173 : vector<16x1xi32> to vector<16xi32>
      %gather3A_1175 = tpu.dynamic_gather %add3A_1172[%gather3A_1174] in [0] : vector<16xf32>, vector<16xi32> -> vector<16xf32>
      %add3A_1176 = arith.addf %add3A_1172, %gather3A_1175 : vector<16xf32>
      %reshape3A_1177 = vector.shape_cast %xor3A_10 : vector<16xi32> to vector<16x1xi32>
      %gather3A_1178 = vector.shape_cast %reshape3A_1177 : vector<16x1xi32> to vector<16xi32>
      %gather3A_1179 = tpu.dynamic_gather %add3A_1176[%gather3A_1178] in [0] : vector<16xf32>, vector<16xi32> -> vector<16xf32>
      %add3A_1180 = arith.addf %add3A_1176, %gather3A_1179 : vector<16xf32>
      %reshape3A_1181 = vector.shape_cast %xor3A_13 : vector<16xi32> to vector<16x1xi32>
      %gather3A_1182 = vector.shape_cast %reshape3A_1181 : vector<16x1xi32> to vector<16xi32>
      %gather3A_1183 = tpu.dynamic_gather %add3A_1180[%gather3A_1182] in [0] : vector<16xf32>, vector<16xi32> -> vector<16xf32>
      %add3A_1184 = arith.addf %add3A_1180, %gather3A_1183 : vector<16xf32>
      %eq3A = arith.constant 0 : i32
      %eq3A_1185 = vector.broadcast %eq3A : i32 to vector<16xi32>
      %eq3A_1186 = arith.cmpi eq, %iota3A, %eq3A_1185 : vector<16xi32>
      %select_n3A = arith.select %eq3A_1186, %add3A_1184, %broadcast_in_dim3A_1119 : vector<16xi1>, vector<16xf32>
      %slice3A_1187 = vector.extract_strided_slice %and3A_1113 {offsets = [1], sizes = [1], strides = [1]} : vector<16xi32> to vector<1xi32>
      %squeeze3A_1188 = vector.extract %slice3A_1187[0] : i32 from vector<1xi32>
      %slice3A_1189 = vector.extract_strided_slice %and3A_1118 {offsets = [1], sizes = [1], strides = [1]} : vector<16xi32> to vector<1xi32>
      %squeeze3A_1190 = vector.extract %slice3A_1189[0] : i32 from vector<1xi32>
      %get3A_1191 = arith.constant 1 : i32
      %get3A_1192 = arith.index_cast %get3A_1191 : i32 to index
      %get3A_1193 = arith.index_cast %squeeze3A_1188 : i32 to index
      %get3A_1194 = arith.constant 0 : index
      %get3A_1195 = tpu.vector_load %arg9[%get3A_1192, %get3A_1193, %get3A_1194] {strides = array<i32>} : memref<16x8x64xf32, #tpu.memory_space<vmem>>, vector<16xf32>,
      %get3A_1196 = arith.constant 1 : i32
      %get3A_1197 = arith.index_cast %get3A_1196 : i32 to index
      %get3A_1198 = arith.index_cast %squeeze3A_1190 : i32 to index
      %get3A_1199 = arith.constant 0 : index
      %get3A_1200 = tpu.vector_load %arg10[%get3A_1197, %get3A_1198, %get3A_1199] {strides = array<i32>} : memref<16x8x64xf32, #tpu.memory_space<vmem>>, vector<16xf32>,
      %mul3A_1201 = arith.mulf %get3A_1195, %get3A_1200 : vector<16xf32>
      %get3A_1202 = arith.constant 1 : i32
      %get3A_1203 = arith.index_cast %get3A_1202 : i32 to index
      %get3A_1204 = arith.index_cast %squeeze3A_1188 : i32 to index
      %get3A_1205 = arith.constant 16 : index
      %get3A_1206 = tpu.vector_load %arg9[%get3A_1203, %get3A_1204, %get3A_1205] {strides = array<i32>} : memref<16x8x64xf32, #tpu.memory_space<vmem>>, vector<16xf32>,
      %get3A_1207 = arith.constant 1 : i32
      %get3A_1208 = arith.index_cast %get3A_1207 : i32 to index
      %get3A_1209 = arith.index_cast %squeeze3A_1190 : i32 to index
      %get3A_1210 = arith.constant 16 : index
      %get3A_1211 = tpu.vector_load %arg10[%get3A_1208, %get3A_1209, %get3A_1210] {strides = array<i32>} : memref<16x8x64xf32, #tpu.memory_space<vmem>>, vector<16xf32>,
      %mul3A_1212 = arith.mulf %get3A_1206, %get3A_1211 : vector<16xf32>
      %add3A_1213 = arith.addf %mul3A_1201, %mul3A_1212 : vector<16xf32>
      %get3A_1214 = arith.constant 1 : i32
      %get3A_1215 = arith.index_cast %get3A_1214 : i32 to index
      %get3A_1216 = arith.index_cast %squeeze3A_1188 : i32 to index
      %get3A_1217 = arith.constant 32 : index
      %get3A_1218 = tpu.vector_load %arg9[%get3A_1215, %get3A_1216, %get3A_1217] {strides = array<i32>} : memref<16x8x64xf32, #tpu.memory_space<vmem>>, vector<16xf32>,
      %get3A_1219 = arith.constant 1 : i32
      %get3A_1220 = arith.index_cast %get3A_1219 : i32 to index
      %get3A_1221 = arith.index_cast %squeeze3A_1190 : i32 to index
      %get3A_1222 = arith.constant 32 : index
      %get3A_1223 = tpu.vector_load %arg10[%get3A_1220, %get3A_1221, %get3A_1222] {strides = array<i32>} : memref<16x8x64xf32, #tpu.memory_space<vmem>>, vector<16xf32>,
      %mul3A_1224 = arith.mulf %get3A_1218, %get3A_1223 : vector<16xf32>
      %add3A_1225 = arith.addf %add3A_1213, %mul3A_1224 : vector<16xf32>
      %get3A_1226 = arith.constant 1 : i32
      %get3A_1227 = arith.index_cast %get3A_1226 : i32 to index
      %get3A_1228 = arith.index_cast %squeeze3A_1188 : i32 to index
      %get3A_1229 = arith.constant 48 : index
      %get3A_1230 = tpu.vector_load %arg9[%get3A_1227, %get3A_1228, %get3A_1229] {strides = array<i32>} : memref<16x8x64xf32, #tpu.memory_space<vmem>>, vector<16xf32>,
      %get3A_1231 = arith.constant 1 : i32
      %get3A_1232 = arith.index_cast %get3A_1231 : i32 to index
      %get3A_1233 = arith.index_cast %squeeze3A_1190 : i32 to index
      %get3A_1234 = arith.constant 48 : index
      %get3A_1235 = tpu.vector_load %arg10[%get3A_1232, %get3A_1233, %get3A_1234] {strides = array<i32>} : memref<16x8x64xf32, #tpu.memory_space<vmem>>, vector<16xf32>,
      %mul3A_1236 = arith.mulf %get3A_1230, %get3A_1235 : vector<16xf32>
      %add3A_1237 = arith.addf %add3A_1225, %mul3A_1236 : vector<16xf32>
      %reshape3A_1238 = vector.shape_cast %xor3A_4 : vector<16xi32> to vector<16x1xi32>
      %gather3A_1239 = vector.shape_cast %reshape3A_1238 : vector<16x1xi32> to vector<16xi32>
      %gather3A_1240 = tpu.dynamic_gather %add3A_1237[%gather3A_1239] in [0] : vector<16xf32>, vector<16xi32> -> vector<16xf32>
      %add3A_1241 = arith.addf %add3A_1237, %gather3A_1240 : vector<16xf32>
      %reshape3A_1242 = vector.shape_cast %xor3A_7 : vector<16xi32> to vector<16x1xi32>
      %gather3A_1243 = vector.shape_cast %reshape3A_1242 : vector<16x1xi32> to vector<16xi32>
      %gather3A_1244 = tpu.dynamic_gather %add3A_1241[%gather3A_1243] in [0] : vector<16xf32>, vector<16xi32> -> vector<16xf32>
      %add3A_1245 = arith.addf %add3A_1241, %gather3A_1244 : vector<16xf32>
      %reshape3A_1246 = vector.shape_cast %xor3A_10 : vector<16xi32> to vector<16x1xi32>
      %gather3A_1247 = vector.shape_cast %reshape3A_1246 : vector<16x1xi32> to vector<16xi32>
      %gather3A_1248 = tpu.dynamic_gather %add3A_1245[%gather3A_1247] in [0] : vector<16xf32>, vector<16xi32> -> vector<16xf32>
      %add3A_1249 = arith.addf %add3A_1245, %gather3A_1248 : vector<16xf32>
      %reshape3A_1250 = vector.shape_cast %xor3A_13 : vector<16xi32> to vector<16x1xi32>
      %gather3A_1251 = vector.shape_cast %reshape3A_1250 : vector<16x1xi32> to vector<16xi32>
      %gather3A_1252 = tpu.dynamic_gather %add3A_1249[%gather3A_1251] in [0] : vector<16xf32>, vector<16xi32> -> vector<16xf32>
      %add3A_1253 = arith.addf %add3A_1249, %gather3A_1252 : vector<16xf32>
      %eq3A_1254 = arith.constant 1 : i32
      %eq3A_1255 = vector.broadcast %eq3A_1254 : i32 to vector<16xi32>
      %eq3A_1256 = arith.cmpi eq, %iota3A, %eq3A_1255 : vector<16xi32>
      %select_n3A_1257 = arith.select %eq3A_1256, %add3A_1253, %select_n3A : vector<16xi1>, vector<16xf32>
      %slice3A_1258 = vector.extract_strided_slice %and3A_1113 {offsets = [2], sizes = [1], strides = [1]} : vector<16xi32> to vector<1xi32>
      %squeeze3A_1259 = vector.extract %slice3A_1258[0] : i32 from vector<1xi32>
      %slice3A_1260 = vector.extract_strided_slice %and3A_1118 {offsets = [2], sizes = [1], strides = [1]} : vector<16xi32> to vector<1xi32>
      %squeeze3A_1261 = vector.extract %slice3A_1260[0] : i32 from vector<1xi32>
      %get3A_1262 = arith.constant 2 : i32
      %get3A_1263 = arith.index_cast %get3A_1262 : i32 to index
      %get3A_1264 = arith.index_cast %squeeze3A_1259 : i32 to index
      %get3A_1265 = arith.constant 0 : index
      %get3A_1266 = tpu.vector_load %arg9[%get3A_1263, %get3A_1264, %get3A_1265] {strides = array<i32>} : memref<16x8x64xf32, #tpu.memory_space<vmem>>, vector<16xf32>,
      %get3A_1267 = arith.constant 2 : i32
      %get3A_1268 = arith.index_cast %get3A_1267 : i32 to index
      %get3A_1269 = arith.index_cast %squeeze3A_1261 : i32 to index
      %get3A_1270 = arith.constant 0 : index
      %get3A_1271 = tpu.vector_load %arg10[%get3A_1268, %get3A_1269, %get3A_1270] {strides = array<i32>} : memref<16x8x64xf32, #tpu.memory_space<vmem>>, vector<16xf32>,
      %mul3A_1272 = arith.mulf %get3A_1266, %get3A_1271 : vector<16xf32>
      %get3A_1273 = arith.constant 2 : i32
      %get3A_1274 = arith.index_cast %get3A_1273 : i32 to index
      %get3A_1275 = arith.index_cast %squeeze3A_1259 : i32 to index
      %get3A_1276 = arith.constant 16 : index
      %get3A_1277 = tpu.vector_load %arg9[%get3A_1274, %get3A_1275, %get3A_1276] {strides = array<i32>} : memref<16x8x64xf32, #tpu.memory_space<vmem>>, vector<16xf32>,
      %get3A_1278 = arith.constant 2 : i32
      %get3A_1279 = arith.index_cast %get3A_1278 : i32 to index
      %get3A_1280 = arith.index_cast %squeeze3A_1261 : i32 to index
      %get3A_1281 = arith.constant 16 : index
      %get3A_1282 = tpu.vector_load %arg10[%get3A_1279, %get3A_1280, %get3A_1281] {strides = array<i32>} : memref<16x8x64xf32, #tpu.memory_space<vmem>>, vector<16xf32>,
      %mul3A_1283 = arith.mulf %get3A_1277, %get3A_1282 : vector<16xf32>
      %add3A_1284 = arith.addf %mul3A_1272, %mul3A_1283 : vector<16xf32>
      %get3A_1285 = arith.constant 2 : i32
      %get3A_1286 = arith.index_cast %get3A_1285 : i32 to index
      %get3A_1287 = arith.index_cast %squeeze3A_1259 : i32 to index
      %get3A_1288 = arith.constant 32 : index
      %get3A_1289 = tpu.vector_load %arg9[%get3A_1286, %get3A_1287, %get3A_1288] {strides = array<i32>} : memref<16x8x64xf32, #tpu.memory_space<vmem>>, vector<16xf32>,
      %get3A_1290 = arith.constant 2 : i32
      %get3A_1291 = arith.index_cast %get3A_1290 : i32 to index
      %get3A_1292 = arith.index_cast %squeeze3A_1261 : i32 to index
      %get3A_1293 = arith.constant 32 : index
      %get3A_1294 = tpu.vector_load %arg10[%get3A_1291, %get3A_1292, %get3A_1293] {strides = array<i32>} : memref<16x8x64xf32, #tpu.memory_space<vmem>>, vector<16xf32>,
      %mul3A_1295 = arith.mulf %get3A_1289, %get3A_1294 : vector<16xf32>
      %add3A_1296 = arith.addf %add3A_1284, %mul3A_1295 : vector<16xf32>
      %get3A_1297 = arith.constant 2 : i32
      %get3A_1298 = arith.index_cast %get3A_1297 : i32 to index
      %get3A_1299 = arith.index_cast %squeeze3A_1259 : i32 to index
      %get3A_1300 = arith.constant 48 : index
      %get3A_1301 = tpu.vector_load %arg9[%get3A_1298, %get3A_1299, %get3A_1300] {strides = array<i32>} : memref<16x8x64xf32, #tpu.memory_space<vmem>>, vector<16xf32>,
      %get3A_1302 = arith.constant 2 : i32
      %get3A_1303 = arith.index_cast %get3A_1302 : i32 to index
      %get3A_1304 = arith.index_cast %squeeze3A_1261 : i32 to index
      %get3A_1305 = arith.constant 48 : index
      %get3A_1306 = tpu.vector_load %arg10[%get3A_1303, %get3A_1304, %get3A_1305] {strides = array<i32>} : memref<16x8x64xf32, #tpu.memory_space<vmem>>, vector<16xf32>,
      %mul3A_1307 = arith.mulf %get3A_1301, %get3A_1306 : vector<16xf32>
      %add3A_1308 = arith.addf %add3A_1296, %mul3A_1307 : vector<16xf32>
      %reshape3A_1309 = vector.shape_cast %xor3A_4 : vector<16xi32> to vector<16x1xi32>
      %gather3A_1310 = vector.shape_cast %reshape3A_1309 : vector<16x1xi32> to vector<16xi32>
      %gather3A_1311 = tpu.dynamic_gather %add3A_1308[%gather3A_1310] in [0] : vector<16xf32>, vector<16xi32> -> vector<16xf32>
      %add3A_1312 = arith.addf %add3A_1308, %gather3A_1311 : vector<16xf32>
      %reshape3A_1313 = vector.shape_cast %xor3A_7 : vector<16xi32> to vector<16x1xi32>
      %gather3A_1314 = vector.shape_cast %reshape3A_1313 : vector<16x1xi32> to vector<16xi32>
      %gather3A_1315 = tpu.dynamic_gather %add3A_1312[%gather3A_1314] in [0] : vector<16xf32>, vector<16xi32> -> vector<16xf32>
      %add3A_1316 = arith.addf %add3A_1312, %gather3A_1315 : vector<16xf32>
      %reshape3A_1317 = vector.shape_cast %xor3A_10 : vector<16xi32> to vector<16x1xi32>
      %gather3A_1318 = vector.shape_cast %reshape3A_1317 : vector<16x1xi32> to vector<16xi32>
      %gather3A_1319 = tpu.dynamic_gather %add3A_1316[%gather3A_1318] in [0] : vector<16xf32>, vector<16xi32> -> vector<16xf32>
      %add3A_1320 = arith.addf %add3A_1316, %gather3A_1319 : vector<16xf32>
      %reshape3A_1321 = vector.shape_cast %xor3A_13 : vector<16xi32> to vector<16x1xi32>
      %gather3A_1322 = vector.shape_cast %reshape3A_1321 : vector<16x1xi32> to vector<16xi32>
      %gather3A_1323 = tpu.dynamic_gather %add3A_1320[%gather3A_1322] in [0] : vector<16xf32>, vector<16xi32> -> vector<16xf32>
      %add3A_1324 = arith.addf %add3A_1320, %gather3A_1323 : vector<16xf32>
      %eq3A_1325 = arith.constant 2 : i32
      %eq3A_1326 = vector.broadcast %eq3A_1325 : i32 to vector<16xi32>
      %eq3A_1327 = arith.cmpi eq, %iota3A, %eq3A_1326 : vector<16xi32>
      %select_n3A_1328 = arith.select %eq3A_1327, %add3A_1324, %select_n3A_1257 : vector<16xi1>, vector<16xf32>
      %slice3A_1329 = vector.extract_strided_slice %and3A_1113 {offsets = [3], sizes = [1], strides = [1]} : vector<16xi32> to vector<1xi32>
      %squeeze3A_1330 = vector.extract %slice3A_1329[0] : i32 from vector<1xi32>
      %slice3A_1331 = vector.extract_strided_slice %and3A_1118 {offsets = [3], sizes = [1], strides = [1]} : vector<16xi32> to vector<1xi32>
      %squeeze3A_1332 = vector.extract %slice3A_1331[0] : i32 from vector<1xi32>
      %get3A_1333 = arith.constant 3 : i32
      %get3A_1334 = arith.index_cast %get3A_1333 : i32 to index
      %get3A_1335 = arith.index_cast %squeeze3A_1330 : i32 to index
      %get3A_1336 = arith.constant 0 : index
      %get3A_1337 = tpu.vector_load %arg9[%get3A_1334, %get3A_1335, %get3A_1336] {strides = array<i32>} : memref<16x8x64xf32, #tpu.memory_space<vmem>>, vector<16xf32>,
      %get3A_1338 = arith.constant 3 : i32
      %get3A_1339 = arith.index_cast %get3A_1338 : i32 to index
      %get3A_1340 = arith.index_cast %squeeze3A_1332 : i32 to index
      %get3A_1341 = arith.constant 0 : index
      %get3A_1342 = tpu.vector_load %arg10[%get3A_1339, %get3A_1340, %get3A_1341] {strides = array<i32>} : memref<16x8x64xf32, #tpu.memory_space<vmem>>, vector<16xf32>,
      %mul3A_1343 = arith.mulf %get3A_1337, %get3A_1342 : vector<16xf32>
      %get3A_1344 = arith.constant 3 : i32
      %get3A_1345 = arith.index_cast %get3A_1344 : i32 to index
      %get3A_1346 = arith.index_cast %squeeze3A_1330 : i32 to index
      %get3A_1347 = arith.constant 16 : index
      %get3A_1348 = tpu.vector_load %arg9[%get3A_1345, %get3A_1346, %get3A_1347] {strides = array<i32>} : memref<16x8x64xf32, #tpu.memory_space<vmem>>, vector<16xf32>,
      %get3A_1349 = arith.constant 3 : i32
      %get3A_1350 = arith.index_cast %get3A_1349 : i32 to index
      %get3A_1351 = arith.index_cast %squeeze3A_1332 : i32 to index
      %get3A_1352 = arith.constant 16 : index
      %get3A_1353 = tpu.vector_load %arg10[%get3A_1350, %get3A_1351, %get3A_1352] {strides = array<i32>} : memref<16x8x64xf32, #tpu.memory_space<vmem>>, vector<16xf32>,
      %mul3A_1354 = arith.mulf %get3A_1348, %get3A_1353 : vector<16xf32>
      %add3A_1355 = arith.addf %mul3A_1343, %mul3A_1354 : vector<16xf32>
      %get3A_1356 = arith.constant 3 : i32
      %get3A_1357 = arith.index_cast %get3A_1356 : i32 to index
      %get3A_1358 = arith.index_cast %squeeze3A_1330 : i32 to index
      %get3A_1359 = arith.constant 32 : index
      %get3A_1360 = tpu.vector_load %arg9[%get3A_1357, %get3A_1358, %get3A_1359] {strides = array<i32>} : memref<16x8x64xf32, #tpu.memory_space<vmem>>, vector<16xf32>,
      %get3A_1361 = arith.constant 3 : i32
      %get3A_1362 = arith.index_cast %get3A_1361 : i32 to index
      %get3A_1363 = arith.index_cast %squeeze3A_1332 : i32 to index
      %get3A_1364 = arith.constant 32 : index
      %get3A_1365 = tpu.vector_load %arg10[%get3A_1362, %get3A_1363, %get3A_1364] {strides = array<i32>} : memref<16x8x64xf32, #tpu.memory_space<vmem>>, vector<16xf32>,
      %mul3A_1366 = arith.mulf %get3A_1360, %get3A_1365 : vector<16xf32>
      %add3A_1367 = arith.addf %add3A_1355, %mul3A_1366 : vector<16xf32>
      %get3A_1368 = arith.constant 3 : i32
      %get3A_1369 = arith.index_cast %get3A_1368 : i32 to index
      %get3A_1370 = arith.index_cast %squeeze3A_1330 : i32 to index
      %get3A_1371 = arith.constant 48 : index
      %get3A_1372 = tpu.vector_load %arg9[%get3A_1369, %get3A_1370, %get3A_1371] {strides = array<i32>} : memref<16x8x64xf32, #tpu.memory_space<vmem>>, vector<16xf32>,
      %get3A_1373 = arith.constant 3 : i32
      %get3A_1374 = arith.index_cast %get3A_1373 : i32 to index
      %get3A_1375 = arith.index_cast %squeeze3A_1332 : i32 to index
      %get3A_1376 = arith.constant 48 : index
      %get3A_1377 = tpu.vector_load %arg10[%get3A_1374, %get3A_1375, %get3A_1376] {strides = array<i32>} : memref<16x8x64xf32, #tpu.memory_space<vmem>>, vector<16xf32>,
      %mul3A_1378 = arith.mulf %get3A_1372, %get3A_1377 : vector<16xf32>
      %add3A_1379 = arith.addf %add3A_1367, %mul3A_1378 : vector<16xf32>
      %reshape3A_1380 = vector.shape_cast %xor3A_4 : vector<16xi32> to vector<16x1xi32>
      %gather3A_1381 = vector.shape_cast %reshape3A_1380 : vector<16x1xi32> to vector<16xi32>
      %gather3A_1382 = tpu.dynamic_gather %add3A_1379[%gather3A_1381] in [0] : vector<16xf32>, vector<16xi32> -> vector<16xf32>
      %add3A_1383 = arith.addf %add3A_1379, %gather3A_1382 : vector<16xf32>
      %reshape3A_1384 = vector.shape_cast %xor3A_7 : vector<16xi32> to vector<16x1xi32>
      %gather3A_1385 = vector.shape_cast %reshape3A_1384 : vector<16x1xi32> to vector<16xi32>
      %gather3A_1386 = tpu.dynamic_gather %add3A_1383[%gather3A_1385] in [0] : vector<16xf32>, vector<16xi32> -> vector<16xf32>
      %add3A_1387 = arith.addf %add3A_1383, %gather3A_1386 : vector<16xf32>
      %reshape3A_1388 = vector.shape_cast %xor3A_10 : vector<16xi32> to vector<16x1xi32>
      %gather3A_1389 = vector.shape_cast %reshape3A_1388 : vector<16x1xi32> to vector<16xi32>
      %gather3A_1390 = tpu.dynamic_gather %add3A_1387[%gather3A_1389] in [0] : vector<16xf32>, vector<16xi32> -> vector<16xf32>
      %add3A_1391 = arith.addf %add3A_1387, %gather3A_1390 : vector<16xf32>
      %reshape3A_1392 = vector.shape_cast %xor3A_13 : vector<16xi32> to vector<16x1xi32>
      %gather3A_1393 = vector.shape_cast %reshape3A_1392 : vector<16x1xi32> to vector<16xi32>
      %gather3A_1394 = tpu.dynamic_gather %add3A_1391[%gather3A_1393] in [0] : vector<16xf32>, vector<16xi32> -> vector<16xf32>
      %add3A_1395 = arith.addf %add3A_1391, %gather3A_1394 : vector<16xf32>
      %eq3A_1396 = arith.constant 3 : i32
      %eq3A_1397 = vector.broadcast %eq3A_1396 : i32 to vector<16xi32>
      %eq3A_1398 = arith.cmpi eq, %iota3A, %eq3A_1397 : vector<16xi32>
      %select_n3A_1399 = arith.select %eq3A_1398, %add3A_1395, %select_n3A_1328 : vector<16xi1>, vector<16xf32>
      %slice3A_1400 = vector.extract_strided_slice %and3A_1113 {offsets = [4], sizes = [1], strides = [1]} : vector<16xi32> to vector<1xi32>
      %squeeze3A_1401 = vector.extract %slice3A_1400[0] : i32 from vector<1xi32>
      %slice3A_1402 = vector.extract_strided_slice %and3A_1118 {offsets = [4], sizes = [1], strides = [1]} : vector<16xi32> to vector<1xi32>
      %squeeze3A_1403 = vector.extract %slice3A_1402[0] : i32 from vector<1xi32>
      %get3A_1404 = arith.constant 4 : i32
      %get3A_1405 = arith.index_cast %get3A_1404 : i32 to index
      %get3A_1406 = arith.index_cast %squeeze3A_1401 : i32 to index
      %get3A_1407 = arith.constant 0 : index
      %get3A_1408 = tpu.vector_load %arg9[%get3A_1405, %get3A_1406, %get3A_1407] {strides = array<i32>} : memref<16x8x64xf32, #tpu.memory_space<vmem>>, vector<16xf32>,
      %get3A_1409 = arith.constant 4 : i32
      %get3A_1410 = arith.index_cast %get3A_1409 : i32 to index
      %get3A_1411 = arith.index_cast %squeeze3A_1403 : i32 to index
      %get3A_1412 = arith.constant 0 : index
      %get3A_1413 = tpu.vector_load %arg10[%get3A_1410, %get3A_1411, %get3A_1412] {strides = array<i32>} : memref<16x8x64xf32, #tpu.memory_space<vmem>>, vector<16xf32>,
      %mul3A_1414 = arith.mulf %get3A_1408, %get3A_1413 : vector<16xf32>
      %get3A_1415 = arith.constant 4 : i32
      %get3A_1416 = arith.index_cast %get3A_1415 : i32 to index
      %get3A_1417 = arith.index_cast %squeeze3A_1401 : i32 to index
      %get3A_1418 = arith.constant 16 : index
      %get3A_1419 = tpu.vector_load %arg9[%get3A_1416, %get3A_1417, %get3A_1418] {strides = array<i32>} : memref<16x8x64xf32, #tpu.memory_space<vmem>>, vector<16xf32>,
      %get3A_1420 = arith.constant 4 : i32
      %get3A_1421 = arith.index_cast %get3A_1420 : i32 to index
      %get3A_1422 = arith.index_cast %squeeze3A_1403 : i32 to index
      %get3A_1423 = arith.constant 16 : index
      %get3A_1424 = tpu.vector_load %arg10[%get3A_1421, %get3A_1422, %get3A_1423] {strides = array<i32>} : memref<16x8x64xf32, #tpu.memory_space<vmem>>, vector<16xf32>,
      %mul3A_1425 = arith.mulf %get3A_1419, %get3A_1424 : vector<16xf32>
      %add3A_1426 = arith.addf %mul3A_1414, %mul3A_1425 : vector<16xf32>
      %get3A_1427 = arith.constant 4 : i32
      %get3A_1428 = arith.index_cast %get3A_1427 : i32 to index
      %get3A_1429 = arith.index_cast %squeeze3A_1401 : i32 to index
      %get3A_1430 = arith.constant 32 : index
      %get3A_1431 = tpu.vector_load %arg9[%get3A_1428, %get3A_1429, %get3A_1430] {strides = array<i32>} : memref<16x8x64xf32, #tpu.memory_space<vmem>>, vector<16xf32>,
      %get3A_1432 = arith.constant 4 : i32
      %get3A_1433 = arith.index_cast %get3A_1432 : i32 to index
      %get3A_1434 = arith.index_cast %squeeze3A_1403 : i32 to index
      %get3A_1435 = arith.constant 32 : index
      %get3A_1436 = tpu.vector_load %arg10[%get3A_1433, %get3A_1434, %get3A_1435] {strides = array<i32>} : memref<16x8x64xf32, #tpu.memory_space<vmem>>, vector<16xf32>,
      %mul3A_1437 = arith.mulf %get3A_1431, %get3A_1436 : vector<16xf32>
      %add3A_1438 = arith.addf %add3A_1426, %mul3A_1437 : vector<16xf32>
      %get3A_1439 = arith.constant 4 : i32
      %get3A_1440 = arith.index_cast %get3A_1439 : i32 to index
      %get3A_1441 = arith.index_cast %squeeze3A_1401 : i32 to index
      %get3A_1442 = arith.constant 48 : index
      %get3A_1443 = tpu.vector_load %arg9[%get3A_1440, %get3A_1441, %get3A_1442] {strides = array<i32>} : memref<16x8x64xf32, #tpu.memory_space<vmem>>, vector<16xf32>,
      %get3A_1444 = arith.constant 4 : i32
      %get3A_1445 = arith.index_cast %get3A_1444 : i32 to index
      %get3A_1446 = arith.index_cast %squeeze3A_1403 : i32 to index
      %get3A_1447 = arith.constant 48 : index
      %get3A_1448 = tpu.vector_load %arg10[%get3A_1445, %get3A_1446, %get3A_1447] {strides = array<i32>} : memref<16x8x64xf32, #tpu.memory_space<vmem>>, vector<16xf32>,
      %mul3A_1449 = arith.mulf %get3A_1443, %get3A_1448 : vector<16xf32>
      %add3A_1450 = arith.addf %add3A_1438, %mul3A_1449 : vector<16xf32>
      %reshape3A_1451 = vector.shape_cast %xor3A_4 : vector<16xi32> to vector<16x1xi32>
      %gather3A_1452 = vector.shape_cast %reshape3A_1451 : vector<16x1xi32> to vector<16xi32>
      %gather3A_1453 = tpu.dynamic_gather %add3A_1450[%gather3A_1452] in [0] : vector<16xf32>, vector<16xi32> -> vector<16xf32>
      %add3A_1454 = arith.addf %add3A_1450, %gather3A_1453 : vector<16xf32>
      %reshape3A_1455 = vector.shape_cast %xor3A_7 : vector<16xi32> to vector<16x1xi32>
      %gather3A_1456 = vector.shape_cast %reshape3A_1455 : vector<16x1xi32> to vector<16xi32>
      %gather3A_1457 = tpu.dynamic_gather %add3A_1454[%gather3A_1456] in [0] : vector<16xf32>, vector<16xi32> -> vector<16xf32>
      %add3A_1458 = arith.addf %add3A_1454, %gather3A_1457 : vector<16xf32>
      %reshape3A_1459 = vector.shape_cast %xor3A_10 : vector<16xi32> to vector<16x1xi32>
      %gather3A_1460 = vector.shape_cast %reshape3A_1459 : vector<16x1xi32> to vector<16xi32>
      %gather3A_1461 = tpu.dynamic_gather %add3A_1458[%gather3A_1460] in [0] : vector<16xf32>, vector<16xi32> -> vector<16xf32>
      %add3A_1462 = arith.addf %add3A_1458, %gather3A_1461 : vector<16xf32>
      %reshape3A_1463 = vector.shape_cast %xor3A_13 : vector<16xi32> to vector<16x1xi32>
      %gather3A_1464 = vector.shape_cast %reshape3A_1463 : vector<16x1xi32> to vector<16xi32>
      %gather3A_1465 = tpu.dynamic_gather %add3A_1462[%gather3A_1464] in [0] : vector<16xf32>, vector<16xi32> -> vector<16xf32>
      %add3A_1466 = arith.addf %add3A_1462, %gather3A_1465 : vector<16xf32>
      %eq3A_1467 = arith.constant 4 : i32
      %eq3A_1468 = vector.broadcast %eq3A_1467 : i32 to vector<16xi32>
      %eq3A_1469 = arith.cmpi eq, %iota3A, %eq3A_1468 : vector<16xi32>
      %select_n3A_1470 = arith.select %eq3A_1469, %add3A_1466, %select_n3A_1399 : vector<16xi1>, vector<16xf32>
      %slice3A_1471 = vector.extract_strided_slice %and3A_1113 {offsets = [5], sizes = [1], strides = [1]} : vector<16xi32> to vector<1xi32>
      %squeeze3A_1472 = vector.extract %slice3A_1471[0] : i32 from vector<1xi32>
      %slice3A_1473 = vector.extract_strided_slice %and3A_1118 {offsets = [5], sizes = [1], strides = [1]} : vector<16xi32> to vector<1xi32>
      %squeeze3A_1474 = vector.extract %slice3A_1473[0] : i32 from vector<1xi32>
      %get3A_1475 = arith.constant 5 : i32
      %get3A_1476 = arith.index_cast %get3A_1475 : i32 to index
      %get3A_1477 = arith.index_cast %squeeze3A_1472 : i32 to index
      %get3A_1478 = arith.constant 0 : index
      %get3A_1479 = tpu.vector_load %arg9[%get3A_1476, %get3A_1477, %get3A_1478] {strides = array<i32>} : memref<16x8x64xf32, #tpu.memory_space<vmem>>, vector<16xf32>,
      %get3A_1480 = arith.constant 5 : i32
      %get3A_1481 = arith.index_cast %get3A_1480 : i32 to index
      %get3A_1482 = arith.index_cast %squeeze3A_1474 : i32 to index
      %get3A_1483 = arith.constant 0 : index
      %get3A_1484 = tpu.vector_load %arg10[%get3A_1481, %get3A_1482, %get3A_1483] {strides = array<i32>} : memref<16x8x64xf32, #tpu.memory_space<vmem>>, vector<16xf32>,
      %mul3A_1485 = arith.mulf %get3A_1479, %get3A_1484 : vector<16xf32>
      %get3A_1486 = arith.constant 5 : i32
      %get3A_1487 = arith.index_cast %get3A_1486 : i32 to index
      %get3A_1488 = arith.index_cast %squeeze3A_1472 : i32 to index
      %get3A_1489 = arith.constant 16 : index
      %get3A_1490 = tpu.vector_load %arg9[%get3A_1487, %get3A_1488, %get3A_1489] {strides = array<i32>} : memref<16x8x64xf32, #tpu.memory_space<vmem>>, vector<16xf32>,
      %get3A_1491 = arith.constant 5 : i32
      %get3A_1492 = arith.index_cast %get3A_1491 : i32 to index
      %get3A_1493 = arith.index_cast %squeeze3A_1474 : i32 to index
      %get3A_1494 = arith.constant 16 : index
      %get3A_1495 = tpu.vector_load %arg10[%get3A_1492, %get3A_1493, %get3A_1494] {strides = array<i32>} : memref<16x8x64xf32, #tpu.memory_space<vmem>>, vector<16xf32>,
      %mul3A_1496 = arith.mulf %get3A_1490, %get3A_1495 : vector<16xf32>
      %add3A_1497 = arith.addf %mul3A_1485, %mul3A_1496 : vector<16xf32>
      %get3A_1498 = arith.constant 5 : i32
      %get3A_1499 = arith.index_cast %get3A_1498 : i32 to index
      %get3A_1500 = arith.index_cast %squeeze3A_1472 : i32 to index
      %get3A_1501 = arith.constant 32 : index
      %get3A_1502 = tpu.vector_load %arg9[%get3A_1499, %get3A_1500, %get3A_1501] {strides = array<i32>} : memref<16x8x64xf32, #tpu.memory_space<vmem>>, vector<16xf32>,
      %get3A_1503 = arith.constant 5 : i32
      %get3A_1504 = arith.index_cast %get3A_1503 : i32 to index
      %get3A_1505 = arith.index_cast %squeeze3A_1474 : i32 to index
      %get3A_1506 = arith.constant 32 : index
      %get3A_1507 = tpu.vector_load %arg10[%get3A_1504, %get3A_1505, %get3A_1506] {strides = array<i32>} : memref<16x8x64xf32, #tpu.memory_space<vmem>>, vector<16xf32>,
      %mul3A_1508 = arith.mulf %get3A_1502, %get3A_1507 : vector<16xf32>
      %add3A_1509 = arith.addf %add3A_1497, %mul3A_1508 : vector<16xf32>
      %get3A_1510 = arith.constant 5 : i32
      %get3A_1511 = arith.index_cast %get3A_1510 : i32 to index
      %get3A_1512 = arith.index_cast %squeeze3A_1472 : i32 to index
      %get3A_1513 = arith.constant 48 : index
      %get3A_1514 = tpu.vector_load %arg9[%get3A_1511, %get3A_1512, %get3A_1513] {strides = array<i32>} : memref<16x8x64xf32, #tpu.memory_space<vmem>>, vector<16xf32>,
      %get3A_1515 = arith.constant 5 : i32
      %get3A_1516 = arith.index_cast %get3A_1515 : i32 to index
      %get3A_1517 = arith.index_cast %squeeze3A_1474 : i32 to index
      %get3A_1518 = arith.constant 48 : index
      %get3A_1519 = tpu.vector_load %arg10[%get3A_1516, %get3A_1517, %get3A_1518] {strides = array<i32>} : memref<16x8x64xf32, #tpu.memory_space<vmem>>, vector<16xf32>,
      %mul3A_1520 = arith.mulf %get3A_1514, %get3A_1519 : vector<16xf32>
      %add3A_1521 = arith.addf %add3A_1509, %mul3A_1520 : vector<16xf32>
      %reshape3A_1522 = vector.shape_cast %xor3A_4 : vector<16xi32> to vector<16x1xi32>
      %gather3A_1523 = vector.shape_cast %reshape3A_1522 : vector<16x1xi32> to vector<16xi32>
      %gather3A_1524 = tpu.dynamic_gather %add3A_1521[%gather3A_1523] in [0] : vector<16xf32>, vector<16xi32> -> vector<16xf32>
      %add3A_1525 = arith.addf %add3A_1521, %gather3A_1524 : vector<16xf32>
      %reshape3A_1526 = vector.shape_cast %xor3A_7 : vector<16xi32> to vector<16x1xi32>
      %gather3A_1527 = vector.shape_cast %reshape3A_1526 : vector<16x1xi32> to vector<16xi32>
      %gather3A_1528 = tpu.dynamic_gather %add3A_1525[%gather3A_1527] in [0] : vector<16xf32>, vector<16xi32> -> vector<16xf32>
      %add3A_1529 = arith.addf %add3A_1525, %gather3A_1528 : vector<16xf32>
      %reshape3A_1530 = vector.shape_cast %xor3A_10 : vector<16xi32> to vector<16x1xi32>
      %gather3A_1531 = vector.shape_cast %reshape3A_1530 : vector<16x1xi32> to vector<16xi32>
      %gather3A_1532 = tpu.dynamic_gather %add3A_1529[%gather3A_1531] in [0] : vector<16xf32>, vector<16xi32> -> vector<16xf32>
      %add3A_1533 = arith.addf %add3A_1529, %gather3A_1532 : vector<16xf32>
      %reshape3A_1534 = vector.shape_cast %xor3A_13 : vector<16xi32> to vector<16x1xi32>
      %gather3A_1535 = vector.shape_cast %reshape3A_1534 : vector<16x1xi32> to vector<16xi32>
      %gather3A_1536 = tpu.dynamic_gather %add3A_1533[%gather3A_1535] in [0] : vector<16xf32>, vector<16xi32> -> vector<16xf32>
      %add3A_1537 = arith.addf %add3A_1533, %gather3A_1536 : vector<16xf32>
      %eq3A_1538 = arith.constant 5 : i32
      %eq3A_1539 = vector.broadcast %eq3A_1538 : i32 to vector<16xi32>
      %eq3A_1540 = arith.cmpi eq, %iota3A, %eq3A_1539 : vector<16xi32>
      %select_n3A_1541 = arith.select %eq3A_1540, %add3A_1537, %select_n3A_1470 : vector<16xi1>, vector<16xf32>
      %slice3A_1542 = vector.extract_strided_slice %and3A_1113 {offsets = [6], sizes = [1], strides = [1]} : vector<16xi32> to vector<1xi32>
      %squeeze3A_1543 = vector.extract %slice3A_1542[0] : i32 from vector<1xi32>
      %slice3A_1544 = vector.extract_strided_slice %and3A_1118 {offsets = [6], sizes = [1], strides = [1]} : vector<16xi32> to vector<1xi32>
      %squeeze3A_1545 = vector.extract %slice3A_1544[0] : i32 from vector<1xi32>
      %get3A_1546 = arith.constant 6 : i32
      %get3A_1547 = arith.index_cast %get3A_1546 : i32 to index
      %get3A_1548 = arith.index_cast %squeeze3A_1543 : i32 to index
      %get3A_1549 = arith.constant 0 : index
      %get3A_1550 = tpu.vector_load %arg9[%get3A_1547, %get3A_1548, %get3A_1549] {strides = array<i32>} : memref<16x8x64xf32, #tpu.memory_space<vmem>>, vector<16xf32>,
      %get3A_1551 = arith.constant 6 : i32
      %get3A_1552 = arith.index_cast %get3A_1551 : i32 to index
      %get3A_1553 = arith.index_cast %squeeze3A_1545 : i32 to index
      %get3A_1554 = arith.constant 0 : index
      %get3A_1555 = tpu.vector_load %arg10[%get3A_1552, %get3A_1553, %get3A_1554] {strides = array<i32>} : memref<16x8x64xf32, #tpu.memory_space<vmem>>, vector<16xf32>,
      %mul3A_1556 = arith.mulf %get3A_1550, %get3A_1555 : vector<16xf32>
      %get3A_1557 = arith.constant 6 : i32
      %get3A_1558 = arith.index_cast %get3A_1557 : i32 to index
      %get3A_1559 = arith.index_cast %squeeze3A_1543 : i32 to index
      %get3A_1560 = arith.constant 16 : index
      %get3A_1561 = tpu.vector_load %arg9[%get3A_1558, %get3A_1559, %get3A_1560] {strides = array<i32>} : memref<16x8x64xf32, #tpu.memory_space<vmem>>, vector<16xf32>,
      %get3A_1562 = arith.constant 6 : i32
      %get3A_1563 = arith.index_cast %get3A_1562 : i32 to index
      %get3A_1564 = arith.index_cast %squeeze3A_1545 : i32 to index
      %get3A_1565 = arith.constant 16 : index
      %get3A_1566 = tpu.vector_load %arg10[%get3A_1563, %get3A_1564, %get3A_1565] {strides = array<i32>} : memref<16x8x64xf32, #tpu.memory_space<vmem>>, vector<16xf32>,
      %mul3A_1567 = arith.mulf %get3A_1561, %get3A_1566 : vector<16xf32>
      %add3A_1568 = arith.addf %mul3A_1556, %mul3A_1567 : vector<16xf32>
      %get3A_1569 = arith.constant 6 : i32
      %get3A_1570 = arith.index_cast %get3A_1569 : i32 to index
      %get3A_1571 = arith.index_cast %squeeze3A_1543 : i32 to index
      %get3A_1572 = arith.constant 32 : index
      %get3A_1573 = tpu.vector_load %arg9[%get3A_1570, %get3A_1571, %get3A_1572] {strides = array<i32>} : memref<16x8x64xf32, #tpu.memory_space<vmem>>, vector<16xf32>,
      %get3A_1574 = arith.constant 6 : i32
      %get3A_1575 = arith.index_cast %get3A_1574 : i32 to index
      %get3A_1576 = arith.index_cast %squeeze3A_1545 : i32 to index
      %get3A_1577 = arith.constant 32 : index
      %get3A_1578 = tpu.vector_load %arg10[%get3A_1575, %get3A_1576, %get3A_1577] {strides = array<i32>} : memref<16x8x64xf32, #tpu.memory_space<vmem>>, vector<16xf32>,
      %mul3A_1579 = arith.mulf %get3A_1573, %get3A_1578 : vector<16xf32>
      %add3A_1580 = arith.addf %add3A_1568, %mul3A_1579 : vector<16xf32>
      %get3A_1581 = arith.constant 6 : i32
      %get3A_1582 = arith.index_cast %get3A_1581 : i32 to index
      %get3A_1583 = arith.index_cast %squeeze3A_1543 : i32 to index
      %get3A_1584 = arith.constant 48 : index
      %get3A_1585 = tpu.vector_load %arg9[%get3A_1582, %get3A_1583, %get3A_1584] {strides = array<i32>} : memref<16x8x64xf32, #tpu.memory_space<vmem>>, vector<16xf32>,
      %get3A_1586 = arith.constant 6 : i32
      %get3A_1587 = arith.index_cast %get3A_1586 : i32 to index
      %get3A_1588 = arith.index_cast %squeeze3A_1545 : i32 to index
      %get3A_1589 = arith.constant 48 : index
      %get3A_1590 = tpu.vector_load %arg10[%get3A_1587, %get3A_1588, %get3A_1589] {strides = array<i32>} : memref<16x8x64xf32, #tpu.memory_space<vmem>>, vector<16xf32>,
      %mul3A_1591 = arith.mulf %get3A_1585, %get3A_1590 : vector<16xf32>
      %add3A_1592 = arith.addf %add3A_1580, %mul3A_1591 : vector<16xf32>
      %reshape3A_1593 = vector.shape_cast %xor3A_4 : vector<16xi32> to vector<16x1xi32>
      %gather3A_1594 = vector.shape_cast %reshape3A_1593 : vector<16x1xi32> to vector<16xi32>
      %gather3A_1595 = tpu.dynamic_gather %add3A_1592[%gather3A_1594] in [0] : vector<16xf32>, vector<16xi32> -> vector<16xf32>
      %add3A_1596 = arith.addf %add3A_1592, %gather3A_1595 : vector<16xf32>
      %reshape3A_1597 = vector.shape_cast %xor3A_7 : vector<16xi32> to vector<16x1xi32>
      %gather3A_1598 = vector.shape_cast %reshape3A_1597 : vector<16x1xi32> to vector<16xi32>
      %gather3A_1599 = tpu.dynamic_gather %add3A_1596[%gather3A_1598] in [0] : vector<16xf32>, vector<16xi32> -> vector<16xf32>
      %add3A_1600 = arith.addf %add3A_1596, %gather3A_1599 : vector<16xf32>
      %reshape3A_1601 = vector.shape_cast %xor3A_10 : vector<16xi32> to vector<16x1xi32>
      %gather3A_1602 = vector.shape_cast %reshape3A_1601 : vector<16x1xi32> to vector<16xi32>
      %gather3A_1603 = tpu.dynamic_gather %add3A_1600[%gather3A_1602] in [0] : vector<16xf32>, vector<16xi32> -> vector<16xf32>
      %add3A_1604 = arith.addf %add3A_1600, %gather3A_1603 : vector<16xf32>
      %reshape3A_1605 = vector.shape_cast %xor3A_13 : vector<16xi32> to vector<16x1xi32>
      %gather3A_1606 = vector.shape_cast %reshape3A_1605 : vector<16x1xi32> to vector<16xi32>
      %gather3A_1607 = tpu.dynamic_gather %add3A_1604[%gather3A_1606] in [0] : vector<16xf32>, vector<16xi32> -> vector<16xf32>
      %add3A_1608 = arith.addf %add3A_1604, %gather3A_1607 : vector<16xf32>
      %eq3A_1609 = arith.constant 6 : i32
      %eq3A_1610 = vector.broadcast %eq3A_1609 : i32 to vector<16xi32>
      %eq3A_1611 = arith.cmpi eq, %iota3A, %eq3A_1610 : vector<16xi32>
      %select_n3A_1612 = arith.select %eq3A_1611, %add3A_1608, %select_n3A_1541 : vector<16xi1>, vector<16xf32>
      %slice3A_1613 = vector.extract_strided_slice %and3A_1113 {offsets = [7], sizes = [1], strides = [1]} : vector<16xi32> to vector<1xi32>
      %squeeze3A_1614 = vector.extract %slice3A_1613[0] : i32 from vector<1xi32>
      %slice3A_1615 = vector.extract_strided_slice %and3A_1118 {offsets = [7], sizes = [1], strides = [1]} : vector<16xi32> to vector<1xi32>
      %squeeze3A_1616 = vector.extract %slice3A_1615[0] : i32 from vector<1xi32>
      %get3A_1617 = arith.constant 7 : i32
      %get3A_1618 = arith.index_cast %get3A_1617 : i32 to index
      %get3A_1619 = arith.index_cast %squeeze3A_1614 : i32 to index
      %get3A_1620 = arith.constant 0 : index
      %get3A_1621 = tpu.vector_load %arg9[%get3A_1618, %get3A_1619, %get3A_1620] {strides = array<i32>} : memref<16x8x64xf32, #tpu.memory_space<vmem>>, vector<16xf32>,
      %get3A_1622 = arith.constant 7 : i32
      %get3A_1623 = arith.index_cast %get3A_1622 : i32 to index
      %get3A_1624 = arith.index_cast %squeeze3A_1616 : i32 to index
      %get3A_1625 = arith.constant 0 : index
      %get3A_1626 = tpu.vector_load %arg10[%get3A_1623, %get3A_1624, %get3A_1625] {strides = array<i32>} : memref<16x8x64xf32, #tpu.memory_space<vmem>>, vector<16xf32>,
      %mul3A_1627 = arith.mulf %get3A_1621, %get3A_1626 : vector<16xf32>
      %get3A_1628 = arith.constant 7 : i32
      %get3A_1629 = arith.index_cast %get3A_1628 : i32 to index
      %get3A_1630 = arith.index_cast %squeeze3A_1614 : i32 to index
      %get3A_1631 = arith.constant 16 : index
      %get3A_1632 = tpu.vector_load %arg9[%get3A_1629, %get3A_1630, %get3A_1631] {strides = array<i32>} : memref<16x8x64xf32, #tpu.memory_space<vmem>>, vector<16xf32>,
      %get3A_1633 = arith.constant 7 : i32
      %get3A_1634 = arith.index_cast %get3A_1633 : i32 to index
      %get3A_1635 = arith.index_cast %squeeze3A_1616 : i32 to index
      %get3A_1636 = arith.constant 16 : index
      %get3A_1637 = tpu.vector_load %arg10[%get3A_1634, %get3A_1635, %get3A_1636] {strides = array<i32>} : memref<16x8x64xf32, #tpu.memory_space<vmem>>, vector<16xf32>,
      %mul3A_1638 = arith.mulf %get3A_1632, %get3A_1637 : vector<16xf32>
      %add3A_1639 = arith.addf %mul3A_1627, %mul3A_1638 : vector<16xf32>
      %get3A_1640 = arith.constant 7 : i32
      %get3A_1641 = arith.index_cast %get3A_1640 : i32 to index
      %get3A_1642 = arith.index_cast %squeeze3A_1614 : i32 to index
      %get3A_1643 = arith.constant 32 : index
      %get3A_1644 = tpu.vector_load %arg9[%get3A_1641, %get3A_1642, %get3A_1643] {strides = array<i32>} : memref<16x8x64xf32, #tpu.memory_space<vmem>>, vector<16xf32>,
      %get3A_1645 = arith.constant 7 : i32
      %get3A_1646 = arith.index_cast %get3A_1645 : i32 to index
      %get3A_1647 = arith.index_cast %squeeze3A_1616 : i32 to index
      %get3A_1648 = arith.constant 32 : index
      %get3A_1649 = tpu.vector_load %arg10[%get3A_1646, %get3A_1647, %get3A_1648] {strides = array<i32>} : memref<16x8x64xf32, #tpu.memory_space<vmem>>, vector<16xf32>,
      %mul3A_1650 = arith.mulf %get3A_1644, %get3A_1649 : vector<16xf32>
      %add3A_1651 = arith.addf %add3A_1639, %mul3A_1650 : vector<16xf32>
      %get3A_1652 = arith.constant 7 : i32
      %get3A_1653 = arith.index_cast %get3A_1652 : i32 to index
      %get3A_1654 = arith.index_cast %squeeze3A_1614 : i32 to index
      %get3A_1655 = arith.constant 48 : index
      %get3A_1656 = tpu.vector_load %arg9[%get3A_1653, %get3A_1654, %get3A_1655] {strides = array<i32>} : memref<16x8x64xf32, #tpu.memory_space<vmem>>, vector<16xf32>,
      %get3A_1657 = arith.constant 7 : i32
      %get3A_1658 = arith.index_cast %get3A_1657 : i32 to index
      %get3A_1659 = arith.index_cast %squeeze3A_1616 : i32 to index
      %get3A_1660 = arith.constant 48 : index
      %get3A_1661 = tpu.vector_load %arg10[%get3A_1658, %get3A_1659, %get3A_1660] {strides = array<i32>} : memref<16x8x64xf32, #tpu.memory_space<vmem>>, vector<16xf32>,
      %mul3A_1662 = arith.mulf %get3A_1656, %get3A_1661 : vector<16xf32>
      %add3A_1663 = arith.addf %add3A_1651, %mul3A_1662 : vector<16xf32>
      %reshape3A_1664 = vector.shape_cast %xor3A_4 : vector<16xi32> to vector<16x1xi32>
      %gather3A_1665 = vector.shape_cast %reshape3A_1664 : vector<16x1xi32> to vector<16xi32>
      %gather3A_1666 = tpu.dynamic_gather %add3A_1663[%gather3A_1665] in [0] : vector<16xf32>, vector<16xi32> -> vector<16xf32>
      %add3A_1667 = arith.addf %add3A_1663, %gather3A_1666 : vector<16xf32>
      %reshape3A_1668 = vector.shape_cast %xor3A_7 : vector<16xi32> to vector<16x1xi32>
      %gather3A_1669 = vector.shape_cast %reshape3A_1668 : vector<16x1xi32> to vector<16xi32>
      %gather3A_1670 = tpu.dynamic_gather %add3A_1667[%gather3A_1669] in [0] : vector<16xf32>, vector<16xi32> -> vector<16xf32>
      %add3A_1671 = arith.addf %add3A_1667, %gather3A_1670 : vector<16xf32>
      %reshape3A_1672 = vector.shape_cast %xor3A_10 : vector<16xi32> to vector<16x1xi32>
      %gather3A_1673 = vector.shape_cast %reshape3A_1672 : vector<16x1xi32> to vector<16xi32>
      %gather3A_1674 = tpu.dynamic_gather %add3A_1671[%gather3A_1673] in [0] : vector<16xf32>, vector<16xi32> -> vector<16xf32>
      %add3A_1675 = arith.addf %add3A_1671, %gather3A_1674 : vector<16xf32>
      %reshape3A_1676 = vector.shape_cast %xor3A_13 : vector<16xi32> to vector<16x1xi32>
      %gather3A_1677 = vector.shape_cast %reshape3A_1676 : vector<16x1xi32> to vector<16xi32>
      %gather3A_1678 = tpu.dynamic_gather %add3A_1675[%gather3A_1677] in [0] : vector<16xf32>, vector<16xi32> -> vector<16xf32>
      %add3A_1679 = arith.addf %add3A_1675, %gather3A_1678 : vector<16xf32>
      %eq3A_1680 = arith.constant 7 : i32
      %eq3A_1681 = vector.broadcast %eq3A_1680 : i32 to vector<16xi32>
      %eq3A_1682 = arith.cmpi eq, %iota3A, %eq3A_1681 : vector<16xi32>
      %select_n3A_1683 = arith.select %eq3A_1682, %add3A_1679, %select_n3A_1612 : vector<16xi1>, vector<16xf32>
      %slice3A_1684 = vector.extract_strided_slice %and3A_1113 {offsets = [8], sizes = [1], strides = [1]} : vector<16xi32> to vector<1xi32>
      %squeeze3A_1685 = vector.extract %slice3A_1684[0] : i32 from vector<1xi32>
      %slice3A_1686 = vector.extract_strided_slice %and3A_1118 {offsets = [8], sizes = [1], strides = [1]} : vector<16xi32> to vector<1xi32>
      %squeeze3A_1687 = vector.extract %slice3A_1686[0] : i32 from vector<1xi32>
      %get3A_1688 = arith.constant 8 : i32
      %get3A_1689 = arith.index_cast %get3A_1688 : i32 to index
      %get3A_1690 = arith.index_cast %squeeze3A_1685 : i32 to index
      %get3A_1691 = arith.constant 0 : index
      %get3A_1692 = tpu.vector_load %arg9[%get3A_1689, %get3A_1690, %get3A_1691] {strides = array<i32>} : memref<16x8x64xf32, #tpu.memory_space<vmem>>, vector<16xf32>,
      %get3A_1693 = arith.constant 8 : i32
      %get3A_1694 = arith.index_cast %get3A_1693 : i32 to index
      %get3A_1695 = arith.index_cast %squeeze3A_1687 : i32 to index
      %get3A_1696 = arith.constant 0 : index
      %get3A_1697 = tpu.vector_load %arg10[%get3A_1694, %get3A_1695, %get3A_1696] {strides = array<i32>} : memref<16x8x64xf32, #tpu.memory_space<vmem>>, vector<16xf32>,
      %mul3A_1698 = arith.mulf %get3A_1692, %get3A_1697 : vector<16xf32>
      %get3A_1699 = arith.constant 8 : i32
      %get3A_1700 = arith.index_cast %get3A_1699 : i32 to index
      %get3A_1701 = arith.index_cast %squeeze3A_1685 : i32 to index
      %get3A_1702 = arith.constant 16 : index
      %get3A_1703 = tpu.vector_load %arg9[%get3A_1700, %get3A_1701, %get3A_1702] {strides = array<i32>} : memref<16x8x64xf32, #tpu.memory_space<vmem>>, vector<16xf32>,
      %get3A_1704 = arith.constant 8 : i32
      %get3A_1705 = arith.index_cast %get3A_1704 : i32 to index
      %get3A_1706 = arith.index_cast %squeeze3A_1687 : i32 to index
      %get3A_1707 = arith.constant 16 : index
      %get3A_1708 = tpu.vector_load %arg10[%get3A_1705, %get3A_1706, %get3A_1707] {strides = array<i32>} : memref<16x8x64xf32, #tpu.memory_space<vmem>>, vector<16xf32>,
      %mul3A_1709 = arith.mulf %get3A_1703, %get3A_1708 : vector<16xf32>
      %add3A_1710 = arith.addf %mul3A_1698, %mul3A_1709 : vector<16xf32>
      %get3A_1711 = arith.constant 8 : i32
      %get3A_1712 = arith.index_cast %get3A_1711 : i32 to index
      %get3A_1713 = arith.index_cast %squeeze3A_1685 : i32 to index
      %get3A_1714 = arith.constant 32 : index
      %get3A_1715 = tpu.vector_load %arg9[%get3A_1712, %get3A_1713, %get3A_1714] {strides = array<i32>} : memref<16x8x64xf32, #tpu.memory_space<vmem>>, vector<16xf32>,
      %get3A_1716 = arith.constant 8 : i32
      %get3A_1717 = arith.index_cast %get3A_1716 : i32 to index
      %get3A_1718 = arith.index_cast %squeeze3A_1687 : i32 to index
      %get3A_1719 = arith.constant 32 : index
      %get3A_1720 = tpu.vector_load %arg10[%get3A_1717, %get3A_1718, %get3A_1719] {strides = array<i32>} : memref<16x8x64xf32, #tpu.memory_space<vmem>>, vector<16xf32>,
      %mul3A_1721 = arith.mulf %get3A_1715, %get3A_1720 : vector<16xf32>
      %add3A_1722 = arith.addf %add3A_1710, %mul3A_1721 : vector<16xf32>
      %get3A_1723 = arith.constant 8 : i32
      %get3A_1724 = arith.index_cast %get3A_1723 : i32 to index
      %get3A_1725 = arith.index_cast %squeeze3A_1685 : i32 to index
      %get3A_1726 = arith.constant 48 : index
      %get3A_1727 = tpu.vector_load %arg9[%get3A_1724, %get3A_1725, %get3A_1726] {strides = array<i32>} : memref<16x8x64xf32, #tpu.memory_space<vmem>>, vector<16xf32>,
      %get3A_1728 = arith.constant 8 : i32
      %get3A_1729 = arith.index_cast %get3A_1728 : i32 to index
      %get3A_1730 = arith.index_cast %squeeze3A_1687 : i32 to index
      %get3A_1731 = arith.constant 48 : index
      %get3A_1732 = tpu.vector_load %arg10[%get3A_1729, %get3A_1730, %get3A_1731] {strides = array<i32>} : memref<16x8x64xf32, #tpu.memory_space<vmem>>, vector<16xf32>,
      %mul3A_1733 = arith.mulf %get3A_1727, %get3A_1732 : vector<16xf32>
      %add3A_1734 = arith.addf %add3A_1722, %mul3A_1733 : vector<16xf32>
      %reshape3A_1735 = vector.shape_cast %xor3A_4 : vector<16xi32> to vector<16x1xi32>
      %gather3A_1736 = vector.shape_cast %reshape3A_1735 : vector<16x1xi32> to vector<16xi32>
      %gather3A_1737 = tpu.dynamic_gather %add3A_1734[%gather3A_1736] in [0] : vector<16xf32>, vector<16xi32> -> vector<16xf32>
      %add3A_1738 = arith.addf %add3A_1734, %gather3A_1737 : vector<16xf32>
      %reshape3A_1739 = vector.shape_cast %xor3A_7 : vector<16xi32> to vector<16x1xi32>
      %gather3A_1740 = vector.shape_cast %reshape3A_1739 : vector<16x1xi32> to vector<16xi32>
      %gather3A_1741 = tpu.dynamic_gather %add3A_1738[%gather3A_1740] in [0] : vector<16xf32>, vector<16xi32> -> vector<16xf32>
      %add3A_1742 = arith.addf %add3A_1738, %gather3A_1741 : vector<16xf32>
      %reshape3A_1743 = vector.shape_cast %xor3A_10 : vector<16xi32> to vector<16x1xi32>
      %gather3A_1744 = vector.shape_cast %reshape3A_1743 : vector<16x1xi32> to vector<16xi32>
      %gather3A_1745 = tpu.dynamic_gather %add3A_1742[%gather3A_1744] in [0] : vector<16xf32>, vector<16xi32> -> vector<16xf32>
      %add3A_1746 = arith.addf %add3A_1742, %gather3A_1745 : vector<16xf32>
      %reshape3A_1747 = vector.shape_cast %xor3A_13 : vector<16xi32> to vector<16x1xi32>
      %gather3A_1748 = vector.shape_cast %reshape3A_1747 : vector<16x1xi32> to vector<16xi32>
      %gather3A_1749 = tpu.dynamic_gather %add3A_1746[%gather3A_1748] in [0] : vector<16xf32>, vector<16xi32> -> vector<16xf32>
      %add3A_1750 = arith.addf %add3A_1746, %gather3A_1749 : vector<16xf32>
      %eq3A_1751 = arith.constant 8 : i32
      %eq3A_1752 = vector.broadcast %eq3A_1751 : i32 to vector<16xi32>
      %eq3A_1753 = arith.cmpi eq, %iota3A, %eq3A_1752 : vector<16xi32>
      %select_n3A_1754 = arith.select %eq3A_1753, %add3A_1750, %select_n3A_1683 : vector<16xi1>, vector<16xf32>
      %slice3A_1755 = vector.extract_strided_slice %and3A_1113 {offsets = [9], sizes = [1], strides = [1]} : vector<16xi32> to vector<1xi32>
      %squeeze3A_1756 = vector.extract %slice3A_1755[0] : i32 from vector<1xi32>
      %slice3A_1757 = vector.extract_strided_slice %and3A_1118 {offsets = [9], sizes = [1], strides = [1]} : vector<16xi32> to vector<1xi32>
      %squeeze3A_1758 = vector.extract %slice3A_1757[0] : i32 from vector<1xi32>
      %get3A_1759 = arith.constant 9 : i32
      %get3A_1760 = arith.index_cast %get3A_1759 : i32 to index
      %get3A_1761 = arith.index_cast %squeeze3A_1756 : i32 to index
      %get3A_1762 = arith.constant 0 : index
      %get3A_1763 = tpu.vector_load %arg9[%get3A_1760, %get3A_1761, %get3A_1762] {strides = array<i32>} : memref<16x8x64xf32, #tpu.memory_space<vmem>>, vector<16xf32>,
      %get3A_1764 = arith.constant 9 : i32
      %get3A_1765 = arith.index_cast %get3A_1764 : i32 to index
      %get3A_1766 = arith.index_cast %squeeze3A_1758 : i32 to index
      %get3A_1767 = arith.constant 0 : index
      %get3A_1768 = tpu.vector_load %arg10[%get3A_1765, %get3A_1766, %get3A_1767] {strides = array<i32>} : memref<16x8x64xf32, #tpu.memory_space<vmem>>, vector<16xf32>,
      %mul3A_1769 = arith.mulf %get3A_1763, %get3A_1768 : vector<16xf32>
      %get3A_1770 = arith.constant 9 : i32
      %get3A_1771 = arith.index_cast %get3A_1770 : i32 to index
      %get3A_1772 = arith.index_cast %squeeze3A_1756 : i32 to index
      %get3A_1773 = arith.constant 16 : index
      %get3A_1774 = tpu.vector_load %arg9[%get3A_1771, %get3A_1772, %get3A_1773] {strides = array<i32>} : memref<16x8x64xf32, #tpu.memory_space<vmem>>, vector<16xf32>,
      %get3A_1775 = arith.constant 9 : i32
      %get3A_1776 = arith.index_cast %get3A_1775 : i32 to index
      %get3A_1777 = arith.index_cast %squeeze3A_1758 : i32 to index
      %get3A_1778 = arith.constant 16 : index
      %get3A_1779 = tpu.vector_load %arg10[%get3A_1776, %get3A_1777, %get3A_1778] {strides = array<i32>} : memref<16x8x64xf32, #tpu.memory_space<vmem>>, vector<16xf32>,
      %mul3A_1780 = arith.mulf %get3A_1774, %get3A_1779 : vector<16xf32>
      %add3A_1781 = arith.addf %mul3A_1769, %mul3A_1780 : vector<16xf32>
      %get3A_1782 = arith.constant 9 : i32
      %get3A_1783 = arith.index_cast %get3A_1782 : i32 to index
      %get3A_1784 = arith.index_cast %squeeze3A_1756 : i32 to index
      %get3A_1785 = arith.constant 32 : index
      %get3A_1786 = tpu.vector_load %arg9[%get3A_1783, %get3A_1784, %get3A_1785] {strides = array<i32>} : memref<16x8x64xf32, #tpu.memory_space<vmem>>, vector<16xf32>,
      %get3A_1787 = arith.constant 9 : i32
      %get3A_1788 = arith.index_cast %get3A_1787 : i32 to index
      %get3A_1789 = arith.index_cast %squeeze3A_1758 : i32 to index
      %get3A_1790 = arith.constant 32 : index
      %get3A_1791 = tpu.vector_load %arg10[%get3A_1788, %get3A_1789, %get3A_1790] {strides = array<i32>} : memref<16x8x64xf32, #tpu.memory_space<vmem>>, vector<16xf32>,
      %mul3A_1792 = arith.mulf %get3A_1786, %get3A_1791 : vector<16xf32>
      %add3A_1793 = arith.addf %add3A_1781, %mul3A_1792 : vector<16xf32>
      %get3A_1794 = arith.constant 9 : i32
      %get3A_1795 = arith.index_cast %get3A_1794 : i32 to index
      %get3A_1796 = arith.index_cast %squeeze3A_1756 : i32 to index
      %get3A_1797 = arith.constant 48 : index
      %get3A_1798 = tpu.vector_load %arg9[%get3A_1795, %get3A_1796, %get3A_1797] {strides = array<i32>} : memref<16x8x64xf32, #tpu.memory_space<vmem>>, vector<16xf32>,
      %get3A_1799 = arith.constant 9 : i32
      %get3A_1800 = arith.index_cast %get3A_1799 : i32 to index
      %get3A_1801 = arith.index_cast %squeeze3A_1758 : i32 to index
      %get3A_1802 = arith.constant 48 : index
      %get3A_1803 = tpu.vector_load %arg10[%get3A_1800, %get3A_1801, %get3A_1802] {strides = array<i32>} : memref<16x8x64xf32, #tpu.memory_space<vmem>>, vector<16xf32>,
      %mul3A_1804 = arith.mulf %get3A_1798, %get3A_1803 : vector<16xf32>
      %add3A_1805 = arith.addf %add3A_1793, %mul3A_1804 : vector<16xf32>
      %reshape3A_1806 = vector.shape_cast %xor3A_4 : vector<16xi32> to vector<16x1xi32>
      %gather3A_1807 = vector.shape_cast %reshape3A_1806 : vector<16x1xi32> to vector<16xi32>
      %gather3A_1808 = tpu.dynamic_gather %add3A_1805[%gather3A_1807] in [0] : vector<16xf32>, vector<16xi32> -> vector<16xf32>
      %add3A_1809 = arith.addf %add3A_1805, %gather3A_1808 : vector<16xf32>
      %reshape3A_1810 = vector.shape_cast %xor3A_7 : vector<16xi32> to vector<16x1xi32>
      %gather3A_1811 = vector.shape_cast %reshape3A_1810 : vector<16x1xi32> to vector<16xi32>
      %gather3A_1812 = tpu.dynamic_gather %add3A_1809[%gather3A_1811] in [0] : vector<16xf32>, vector<16xi32> -> vector<16xf32>
      %add3A_1813 = arith.addf %add3A_1809, %gather3A_1812 : vector<16xf32>
      %reshape3A_1814 = vector.shape_cast %xor3A_10 : vector<16xi32> to vector<16x1xi32>
      %gather3A_1815 = vector.shape_cast %reshape3A_1814 : vector<16x1xi32> to vector<16xi32>
      %gather3A_1816 = tpu.dynamic_gather %add3A_1813[%gather3A_1815] in [0] : vector<16xf32>, vector<16xi32> -> vector<16xf32>
      %add3A_1817 = arith.addf %add3A_1813, %gather3A_1816 : vector<16xf32>
      %reshape3A_1818 = vector.shape_cast %xor3A_13 : vector<16xi32> to vector<16x1xi32>
      %gather3A_1819 = vector.shape_cast %reshape3A_1818 : vector<16x1xi32> to vector<16xi32>
      %gather3A_1820 = tpu.dynamic_gather %add3A_1817[%gather3A_1819] in [0] : vector<16xf32>, vector<16xi32> -> vector<16xf32>
      %add3A_1821 = arith.addf %add3A_1817, %gather3A_1820 : vector<16xf32>
      %eq3A_1822 = arith.constant 9 : i32
      %eq3A_1823 = vector.broadcast %eq3A_1822 : i32 to vector<16xi32>
      %eq3A_1824 = arith.cmpi eq, %iota3A, %eq3A_1823 : vector<16xi32>
      %select_n3A_1825 = arith.select %eq3A_1824, %add3A_1821, %select_n3A_1754 : vector<16xi1>, vector<16xf32>
      %slice3A_1826 = vector.extract_strided_slice %and3A_1113 {offsets = [10], sizes = [1], strides = [1]} : vector<16xi32> to vector<1xi32>
      %squeeze3A_1827 = vector.extract %slice3A_1826[0] : i32 from vector<1xi32>
      %slice3A_1828 = vector.extract_strided_slice %and3A_1118 {offsets = [10], sizes = [1], strides = [1]} : vector<16xi32> to vector<1xi32>
      %squeeze3A_1829 = vector.extract %slice3A_1828[0] : i32 from vector<1xi32>
      %get3A_1830 = arith.constant 10 : i32
      %get3A_1831 = arith.index_cast %get3A_1830 : i32 to index
      %get3A_1832 = arith.index_cast %squeeze3A_1827 : i32 to index
      %get3A_1833 = arith.constant 0 : index
      %get3A_1834 = tpu.vector_load %arg9[%get3A_1831, %get3A_1832, %get3A_1833] {strides = array<i32>} : memref<16x8x64xf32, #tpu.memory_space<vmem>>, vector<16xf32>,
      %get3A_1835 = arith.constant 10 : i32
      %get3A_1836 = arith.index_cast %get3A_1835 : i32 to index
      %get3A_1837 = arith.index_cast %squeeze3A_1829 : i32 to index
      %get3A_1838 = arith.constant 0 : index
      %get3A_1839 = tpu.vector_load %arg10[%get3A_1836, %get3A_1837, %get3A_1838] {strides = array<i32>} : memref<16x8x64xf32, #tpu.memory_space<vmem>>, vector<16xf32>,
      %mul3A_1840 = arith.mulf %get3A_1834, %get3A_1839 : vector<16xf32>
      %get3A_1841 = arith.constant 10 : i32
      %get3A_1842 = arith.index_cast %get3A_1841 : i32 to index
      %get3A_1843 = arith.index_cast %squeeze3A_1827 : i32 to index
      %get3A_1844 = arith.constant 16 : index
      %get3A_1845 = tpu.vector_load %arg9[%get3A_1842, %get3A_1843, %get3A_1844] {strides = array<i32>} : memref<16x8x64xf32, #tpu.memory_space<vmem>>, vector<16xf32>,
      %get3A_1846 = arith.constant 10 : i32
      %get3A_1847 = arith.index_cast %get3A_1846 : i32 to index
      %get3A_1848 = arith.index_cast %squeeze3A_1829 : i32 to index
      %get3A_1849 = arith.constant 16 : index
      %get3A_1850 = tpu.vector_load %arg10[%get3A_1847, %get3A_1848, %get3A_1849] {strides = array<i32>} : memref<16x8x64xf32, #tpu.memory_space<vmem>>, vector<16xf32>,
      %mul3A_1851 = arith.mulf %get3A_1845, %get3A_1850 : vector<16xf32>
      %add3A_1852 = arith.addf %mul3A_1840, %mul3A_1851 : vector<16xf32>
      %get3A_1853 = arith.constant 10 : i32
      %get3A_1854 = arith.index_cast %get3A_1853 : i32 to index
      %get3A_1855 = arith.index_cast %squeeze3A_1827 : i32 to index
      %get3A_1856 = arith.constant 32 : index
      %get3A_1857 = tpu.vector_load %arg9[%get3A_1854, %get3A_1855, %get3A_1856] {strides = array<i32>} : memref<16x8x64xf32, #tpu.memory_space<vmem>>, vector<16xf32>,
      %get3A_1858 = arith.constant 10 : i32
      %get3A_1859 = arith.index_cast %get3A_1858 : i32 to index
      %get3A_1860 = arith.index_cast %squeeze3A_1829 : i32 to index
      %get3A_1861 = arith.constant 32 : index
      %get3A_1862 = tpu.vector_load %arg10[%get3A_1859, %get3A_1860, %get3A_1861] {strides = array<i32>} : memref<16x8x64xf32, #tpu.memory_space<vmem>>, vector<16xf32>,
      %mul3A_1863 = arith.mulf %get3A_1857, %get3A_1862 : vector<16xf32>
      %add3A_1864 = arith.addf %add3A_1852, %mul3A_1863 : vector<16xf32>
      %get3A_1865 = arith.constant 10 : i32
      %get3A_1866 = arith.index_cast %get3A_1865 : i32 to index
      %get3A_1867 = arith.index_cast %squeeze3A_1827 : i32 to index
      %get3A_1868 = arith.constant 48 : index
      %get3A_1869 = tpu.vector_load %arg9[%get3A_1866, %get3A_1867, %get3A_1868] {strides = array<i32>} : memref<16x8x64xf32, #tpu.memory_space<vmem>>, vector<16xf32>,
      %get3A_1870 = arith.constant 10 : i32
      %get3A_1871 = arith.index_cast %get3A_1870 : i32 to index
      %get3A_1872 = arith.index_cast %squeeze3A_1829 : i32 to index
      %get3A_1873 = arith.constant 48 : index
      %get3A_1874 = tpu.vector_load %arg10[%get3A_1871, %get3A_1872, %get3A_1873] {strides = array<i32>} : memref<16x8x64xf32, #tpu.memory_space<vmem>>, vector<16xf32>,
      %mul3A_1875 = arith.mulf %get3A_1869, %get3A_1874 : vector<16xf32>
      %add3A_1876 = arith.addf %add3A_1864, %mul3A_1875 : vector<16xf32>
      %reshape3A_1877 = vector.shape_cast %xor3A_4 : vector<16xi32> to vector<16x1xi32>
      %gather3A_1878 = vector.shape_cast %reshape3A_1877 : vector<16x1xi32> to vector<16xi32>
      %gather3A_1879 = tpu.dynamic_gather %add3A_1876[%gather3A_1878] in [0] : vector<16xf32>, vector<16xi32> -> vector<16xf32>
      %add3A_1880 = arith.addf %add3A_1876, %gather3A_1879 : vector<16xf32>
      %reshape3A_1881 = vector.shape_cast %xor3A_7 : vector<16xi32> to vector<16x1xi32>
      %gather3A_1882 = vector.shape_cast %reshape3A_1881 : vector<16x1xi32> to vector<16xi32>
      %gather3A_1883 = tpu.dynamic_gather %add3A_1880[%gather3A_1882] in [0] : vector<16xf32>, vector<16xi32> -> vector<16xf32>
      %add3A_1884 = arith.addf %add3A_1880, %gather3A_1883 : vector<16xf32>
      %reshape3A_1885 = vector.shape_cast %xor3A_10 : vector<16xi32> to vector<16x1xi32>
      %gather3A_1886 = vector.shape_cast %reshape3A_1885 : vector<16x1xi32> to vector<16xi32>
      %gather3A_1887 = tpu.dynamic_gather %add3A_1884[%gather3A_1886] in [0] : vector<16xf32>, vector<16xi32> -> vector<16xf32>
      %add3A_1888 = arith.addf %add3A_1884, %gather3A_1887 : vector<16xf32>
      %reshape3A_1889 = vector.shape_cast %xor3A_13 : vector<16xi32> to vector<16x1xi32>
      %gather3A_1890 = vector.shape_cast %reshape3A_1889 : vector<16x1xi32> to vector<16xi32>
      %gather3A_1891 = tpu.dynamic_gather %add3A_1888[%gather3A_1890] in [0] : vector<16xf32>, vector<16xi32> -> vector<16xf32>
      %add3A_1892 = arith.addf %add3A_1888, %gather3A_1891 : vector<16xf32>
      %eq3A_1893 = arith.constant 10 : i32
      %eq3A_1894 = vector.broadcast %eq3A_1893 : i32 to vector<16xi32>
      %eq3A_1895 = arith.cmpi eq, %iota3A, %eq3A_1894 : vector<16xi32>
      %select_n3A_1896 = arith.select %eq3A_1895, %add3A_1892, %select_n3A_1825 : vector<16xi1>, vector<16xf32>
      %slice3A_1897 = vector.extract_strided_slice %and3A_1113 {offsets = [11], sizes = [1], strides = [1]} : vector<16xi32> to vector<1xi32>
      %squeeze3A_1898 = vector.extract %slice3A_1897[0] : i32 from vector<1xi32>
      %slice3A_1899 = vector.extract_strided_slice %and3A_1118 {offsets = [11], sizes = [1], strides = [1]} : vector<16xi32> to vector<1xi32>
      %squeeze3A_1900 = vector.extract %slice3A_1899[0] : i32 from vector<1xi32>
      %get3A_1901 = arith.constant 11 : i32
      %get3A_1902 = arith.index_cast %get3A_1901 : i32 to index
      %get3A_1903 = arith.index_cast %squeeze3A_1898 : i32 to index
      %get3A_1904 = arith.constant 0 : index
      %get3A_1905 = tpu.vector_load %arg9[%get3A_1902, %get3A_1903, %get3A_1904] {strides = array<i32>} : memref<16x8x64xf32, #tpu.memory_space<vmem>>, vector<16xf32>,
      %get3A_1906 = arith.constant 11 : i32
      %get3A_1907 = arith.index_cast %get3A_1906 : i32 to index
      %get3A_1908 = arith.index_cast %squeeze3A_1900 : i32 to index
      %get3A_1909 = arith.constant 0 : index
      %get3A_1910 = tpu.vector_load %arg10[%get3A_1907, %get3A_1908, %get3A_1909] {strides = array<i32>} : memref<16x8x64xf32, #tpu.memory_space<vmem>>, vector<16xf32>,
      %mul3A_1911 = arith.mulf %get3A_1905, %get3A_1910 : vector<16xf32>
      %get3A_1912 = arith.constant 11 : i32
      %get3A_1913 = arith.index_cast %get3A_1912 : i32 to index
      %get3A_1914 = arith.index_cast %squeeze3A_1898 : i32 to index
      %get3A_1915 = arith.constant 16 : index
      %get3A_1916 = tpu.vector_load %arg9[%get3A_1913, %get3A_1914, %get3A_1915] {strides = array<i32>} : memref<16x8x64xf32, #tpu.memory_space<vmem>>, vector<16xf32>,
      %get3A_1917 = arith.constant 11 : i32
      %get3A_1918 = arith.index_cast %get3A_1917 : i32 to index
      %get3A_1919 = arith.index_cast %squeeze3A_1900 : i32 to index
      %get3A_1920 = arith.constant 16 : index
      %get3A_1921 = tpu.vector_load %arg10[%get3A_1918, %get3A_1919, %get3A_1920] {strides = array<i32>} : memref<16x8x64xf32, #tpu.memory_space<vmem>>, vector<16xf32>,
      %mul3A_1922 = arith.mulf %get3A_1916, %get3A_1921 : vector<16xf32>
      %add3A_1923 = arith.addf %mul3A_1911, %mul3A_1922 : vector<16xf32>
      %get3A_1924 = arith.constant 11 : i32
      %get3A_1925 = arith.index_cast %get3A_1924 : i32 to index
      %get3A_1926 = arith.index_cast %squeeze3A_1898 : i32 to index
      %get3A_1927 = arith.constant 32 : index
      %get3A_1928 = tpu.vector_load %arg9[%get3A_1925, %get3A_1926, %get3A_1927] {strides = array<i32>} : memref<16x8x64xf32, #tpu.memory_space<vmem>>, vector<16xf32>,
      %get3A_1929 = arith.constant 11 : i32
      %get3A_1930 = arith.index_cast %get3A_1929 : i32 to index
      %get3A_1931 = arith.index_cast %squeeze3A_1900 : i32 to index
      %get3A_1932 = arith.constant 32 : index
      %get3A_1933 = tpu.vector_load %arg10[%get3A_1930, %get3A_1931, %get3A_1932] {strides = array<i32>} : memref<16x8x64xf32, #tpu.memory_space<vmem>>, vector<16xf32>,
      %mul3A_1934 = arith.mulf %get3A_1928, %get3A_1933 : vector<16xf32>
      %add3A_1935 = arith.addf %add3A_1923, %mul3A_1934 : vector<16xf32>
      %get3A_1936 = arith.constant 11 : i32
      %get3A_1937 = arith.index_cast %get3A_1936 : i32 to index
      %get3A_1938 = arith.index_cast %squeeze3A_1898 : i32 to index
      %get3A_1939 = arith.constant 48 : index
      %get3A_1940 = tpu.vector_load %arg9[%get3A_1937, %get3A_1938, %get3A_1939] {strides = array<i32>} : memref<16x8x64xf32, #tpu.memory_space<vmem>>, vector<16xf32>,
      %get3A_1941 = arith.constant 11 : i32
      %get3A_1942 = arith.index_cast %get3A_1941 : i32 to index
      %get3A_1943 = arith.index_cast %squeeze3A_1900 : i32 to index
      %get3A_1944 = arith.constant 48 : index
      %get3A_1945 = tpu.vector_load %arg10[%get3A_1942, %get3A_1943, %get3A_1944] {strides = array<i32>} : memref<16x8x64xf32, #tpu.memory_space<vmem>>, vector<16xf32>,
      %mul3A_1946 = arith.mulf %get3A_1940, %get3A_1945 : vector<16xf32>
      %add3A_1947 = arith.addf %add3A_1935, %mul3A_1946 : vector<16xf32>
      %reshape3A_1948 = vector.shape_cast %xor3A_4 : vector<16xi32> to vector<16x1xi32>
      %gather3A_1949 = vector.shape_cast %reshape3A_1948 : vector<16x1xi32> to vector<16xi32>
      %gather3A_1950 = tpu.dynamic_gather %add3A_1947[%gather3A_1949] in [0] : vector<16xf32>, vector<16xi32> -> vector<16xf32>
      %add3A_1951 = arith.addf %add3A_1947, %gather3A_1950 : vector<16xf32>
      %reshape3A_1952 = vector.shape_cast %xor3A_7 : vector<16xi32> to vector<16x1xi32>
      %gather3A_1953 = vector.shape_cast %reshape3A_1952 : vector<16x1xi32> to vector<16xi32>
      %gather3A_1954 = tpu.dynamic_gather %add3A_1951[%gather3A_1953] in [0] : vector<16xf32>, vector<16xi32> -> vector<16xf32>
      %add3A_1955 = arith.addf %add3A_1951, %gather3A_1954 : vector<16xf32>
      %reshape3A_1956 = vector.shape_cast %xor3A_10 : vector<16xi32> to vector<16x1xi32>
      %gather3A_1957 = vector.shape_cast %reshape3A_1956 : vector<16x1xi32> to vector<16xi32>
      %gather3A_1958 = tpu.dynamic_gather %add3A_1955[%gather3A_1957] in [0] : vector<16xf32>, vector<16xi32> -> vector<16xf32>
      %add3A_1959 = arith.addf %add3A_1955, %gather3A_1958 : vector<16xf32>
      %reshape3A_1960 = vector.shape_cast %xor3A_13 : vector<16xi32> to vector<16x1xi32>
      %gather3A_1961 = vector.shape_cast %reshape3A_1960 : vector<16x1xi32> to vector<16xi32>
      %gather3A_1962 = tpu.dynamic_gather %add3A_1959[%gather3A_1961] in [0] : vector<16xf32>, vector<16xi32> -> vector<16xf32>
      %add3A_1963 = arith.addf %add3A_1959, %gather3A_1962 : vector<16xf32>
      %eq3A_1964 = arith.constant 11 : i32
      %eq3A_1965 = vector.broadcast %eq3A_1964 : i32 to vector<16xi32>
      %eq3A_1966 = arith.cmpi eq, %iota3A, %eq3A_1965 : vector<16xi32>
      %select_n3A_1967 = arith.select %eq3A_1966, %add3A_1963, %select_n3A_1896 : vector<16xi1>, vector<16xf32>
      %slice3A_1968 = vector.extract_strided_slice %and3A_1113 {offsets = [12], sizes = [1], strides = [1]} : vector<16xi32> to vector<1xi32>
      %squeeze3A_1969 = vector.extract %slice3A_1968[0] : i32 from vector<1xi32>
      %slice3A_1970 = vector.extract_strided_slice %and3A_1118 {offsets = [12], sizes = [1], strides = [1]} : vector<16xi32> to vector<1xi32>
      %squeeze3A_1971 = vector.extract %slice3A_1970[0] : i32 from vector<1xi32>
      %get3A_1972 = arith.constant 12 : i32
      %get3A_1973 = arith.index_cast %get3A_1972 : i32 to index
      %get3A_1974 = arith.index_cast %squeeze3A_1969 : i32 to index
      %get3A_1975 = arith.constant 0 : index
      %get3A_1976 = tpu.vector_load %arg9[%get3A_1973, %get3A_1974, %get3A_1975] {strides = array<i32>} : memref<16x8x64xf32, #tpu.memory_space<vmem>>, vector<16xf32>,
      %get3A_1977 = arith.constant 12 : i32
      %get3A_1978 = arith.index_cast %get3A_1977 : i32 to index
      %get3A_1979 = arith.index_cast %squeeze3A_1971 : i32 to index
      %get3A_1980 = arith.constant 0 : index
      %get3A_1981 = tpu.vector_load %arg10[%get3A_1978, %get3A_1979, %get3A_1980] {strides = array<i32>} : memref<16x8x64xf32, #tpu.memory_space<vmem>>, vector<16xf32>,
      %mul3A_1982 = arith.mulf %get3A_1976, %get3A_1981 : vector<16xf32>
      %get3A_1983 = arith.constant 12 : i32
      %get3A_1984 = arith.index_cast %get3A_1983 : i32 to index
      %get3A_1985 = arith.index_cast %squeeze3A_1969 : i32 to index
      %get3A_1986 = arith.constant 16 : index
      %get3A_1987 = tpu.vector_load %arg9[%get3A_1984, %get3A_1985, %get3A_1986] {strides = array<i32>} : memref<16x8x64xf32, #tpu.memory_space<vmem>>, vector<16xf32>,
      %get3A_1988 = arith.constant 12 : i32
      %get3A_1989 = arith.index_cast %get3A_1988 : i32 to index
      %get3A_1990 = arith.index_cast %squeeze3A_1971 : i32 to index
      %get3A_1991 = arith.constant 16 : index
      %get3A_1992 = tpu.vector_load %arg10[%get3A_1989, %get3A_1990, %get3A_1991] {strides = array<i32>} : memref<16x8x64xf32, #tpu.memory_space<vmem>>, vector<16xf32>,
      %mul3A_1993 = arith.mulf %get3A_1987, %get3A_1992 : vector<16xf32>
      %add3A_1994 = arith.addf %mul3A_1982, %mul3A_1993 : vector<16xf32>
      %get3A_1995 = arith.constant 12 : i32
      %get3A_1996 = arith.index_cast %get3A_1995 : i32 to index
      %get3A_1997 = arith.index_cast %squeeze3A_1969 : i32 to index
      %get3A_1998 = arith.constant 32 : index
      %get3A_1999 = tpu.vector_load %arg9[%get3A_1996, %get3A_1997, %get3A_1998] {strides = array<i32>} : memref<16x8x64xf32, #tpu.memory_space<vmem>>, vector<16xf32>,
      %get3A_2000 = arith.constant 12 : i32
      %get3A_2001 = arith.index_cast %get3A_2000 : i32 to index
      %get3A_2002 = arith.index_cast %squeeze3A_1971 : i32 to index
      %get3A_2003 = arith.constant 32 : index
      %get3A_2004 = tpu.vector_load %arg10[%get3A_2001, %get3A_2002, %get3A_2003] {strides = array<i32>} : memref<16x8x64xf32, #tpu.memory_space<vmem>>, vector<16xf32>,
      %mul3A_2005 = arith.mulf %get3A_1999, %get3A_2004 : vector<16xf32>
      %add3A_2006 = arith.addf %add3A_1994, %mul3A_2005 : vector<16xf32>
      %get3A_2007 = arith.constant 12 : i32
      %get3A_2008 = arith.index_cast %get3A_2007 : i32 to index
      %get3A_2009 = arith.index_cast %squeeze3A_1969 : i32 to index
      %get3A_2010 = arith.constant 48 : index
      %get3A_2011 = tpu.vector_load %arg9[%get3A_2008, %get3A_2009, %get3A_2010] {strides = array<i32>} : memref<16x8x64xf32, #tpu.memory_space<vmem>>, vector<16xf32>,
      %get3A_2012 = arith.constant 12 : i32
      %get3A_2013 = arith.index_cast %get3A_2012 : i32 to index
      %get3A_2014 = arith.index_cast %squeeze3A_1971 : i32 to index
      %get3A_2015 = arith.constant 48 : index
      %get3A_2016 = tpu.vector_load %arg10[%get3A_2013, %get3A_2014, %get3A_2015] {strides = array<i32>} : memref<16x8x64xf32, #tpu.memory_space<vmem>>, vector<16xf32>,
      %mul3A_2017 = arith.mulf %get3A_2011, %get3A_2016 : vector<16xf32>
      %add3A_2018 = arith.addf %add3A_2006, %mul3A_2017 : vector<16xf32>
      %reshape3A_2019 = vector.shape_cast %xor3A_4 : vector<16xi32> to vector<16x1xi32>
      %gather3A_2020 = vector.shape_cast %reshape3A_2019 : vector<16x1xi32> to vector<16xi32>
      %gather3A_2021 = tpu.dynamic_gather %add3A_2018[%gather3A_2020] in [0] : vector<16xf32>, vector<16xi32> -> vector<16xf32>
      %add3A_2022 = arith.addf %add3A_2018, %gather3A_2021 : vector<16xf32>
      %reshape3A_2023 = vector.shape_cast %xor3A_7 : vector<16xi32> to vector<16x1xi32>
      %gather3A_2024 = vector.shape_cast %reshape3A_2023 : vector<16x1xi32> to vector<16xi32>
      %gather3A_2025 = tpu.dynamic_gather %add3A_2022[%gather3A_2024] in [0] : vector<16xf32>, vector<16xi32> -> vector<16xf32>
      %add3A_2026 = arith.addf %add3A_2022, %gather3A_2025 : vector<16xf32>
      %reshape3A_2027 = vector.shape_cast %xor3A_10 : vector<16xi32> to vector<16x1xi32>
      %gather3A_2028 = vector.shape_cast %reshape3A_2027 : vector<16x1xi32> to vector<16xi32>
      %gather3A_2029 = tpu.dynamic_gather %add3A_2026[%gather3A_2028] in [0] : vector<16xf32>, vector<16xi32> -> vector<16xf32>
      %add3A_2030 = arith.addf %add3A_2026, %gather3A_2029 : vector<16xf32>
      %reshape3A_2031 = vector.shape_cast %xor3A_13 : vector<16xi32> to vector<16x1xi32>
      %gather3A_2032 = vector.shape_cast %reshape3A_2031 : vector<16x1xi32> to vector<16xi32>
      %gather3A_2033 = tpu.dynamic_gather %add3A_2030[%gather3A_2032] in [0] : vector<16xf32>, vector<16xi32> -> vector<16xf32>
      %add3A_2034 = arith.addf %add3A_2030, %gather3A_2033 : vector<16xf32>
      %eq3A_2035 = arith.constant 12 : i32
      %eq3A_2036 = vector.broadcast %eq3A_2035 : i32 to vector<16xi32>
      %eq3A_2037 = arith.cmpi eq, %iota3A, %eq3A_2036 : vector<16xi32>
      %select_n3A_2038 = arith.select %eq3A_2037, %add3A_2034, %select_n3A_1967 : vector<16xi1>, vector<16xf32>
      %slice3A_2039 = vector.extract_strided_slice %and3A_1113 {offsets = [13], sizes = [1], strides = [1]} : vector<16xi32> to vector<1xi32>
      %squeeze3A_2040 = vector.extract %slice3A_2039[0] : i32 from vector<1xi32>
      %slice3A_2041 = vector.extract_strided_slice %and3A_1118 {offsets = [13], sizes = [1], strides = [1]} : vector<16xi32> to vector<1xi32>
      %squeeze3A_2042 = vector.extract %slice3A_2041[0] : i32 from vector<1xi32>
      %get3A_2043 = arith.constant 13 : i32
      %get3A_2044 = arith.index_cast %get3A_2043 : i32 to index
      %get3A_2045 = arith.index_cast %squeeze3A_2040 : i32 to index
      %get3A_2046 = arith.constant 0 : index
      %get3A_2047 = tpu.vector_load %arg9[%get3A_2044, %get3A_2045, %get3A_2046] {strides = array<i32>} : memref<16x8x64xf32, #tpu.memory_space<vmem>>, vector<16xf32>,
      %get3A_2048 = arith.constant 13 : i32
      %get3A_2049 = arith.index_cast %get3A_2048 : i32 to index
      %get3A_2050 = arith.index_cast %squeeze3A_2042 : i32 to index
      %get3A_2051 = arith.constant 0 : index
      %get3A_2052 = tpu.vector_load %arg10[%get3A_2049, %get3A_2050, %get3A_2051] {strides = array<i32>} : memref<16x8x64xf32, #tpu.memory_space<vmem>>, vector<16xf32>,
      %mul3A_2053 = arith.mulf %get3A_2047, %get3A_2052 : vector<16xf32>
      %get3A_2054 = arith.constant 13 : i32
      %get3A_2055 = arith.index_cast %get3A_2054 : i32 to index
      %get3A_2056 = arith.index_cast %squeeze3A_2040 : i32 to index
      %get3A_2057 = arith.constant 16 : index
      %get3A_2058 = tpu.vector_load %arg9[%get3A_2055, %get3A_2056, %get3A_2057] {strides = array<i32>} : memref<16x8x64xf32, #tpu.memory_space<vmem>>, vector<16xf32>,
      %get3A_2059 = arith.constant 13 : i32
      %get3A_2060 = arith.index_cast %get3A_2059 : i32 to index
      %get3A_2061 = arith.index_cast %squeeze3A_2042 : i32 to index
      %get3A_2062 = arith.constant 16 : index
      %get3A_2063 = tpu.vector_load %arg10[%get3A_2060, %get3A_2061, %get3A_2062] {strides = array<i32>} : memref<16x8x64xf32, #tpu.memory_space<vmem>>, vector<16xf32>,
      %mul3A_2064 = arith.mulf %get3A_2058, %get3A_2063 : vector<16xf32>
      %add3A_2065 = arith.addf %mul3A_2053, %mul3A_2064 : vector<16xf32>
      %get3A_2066 = arith.constant 13 : i32
      %get3A_2067 = arith.index_cast %get3A_2066 : i32 to index
      %get3A_2068 = arith.index_cast %squeeze3A_2040 : i32 to index
      %get3A_2069 = arith.constant 32 : index
      %get3A_2070 = tpu.vector_load %arg9[%get3A_2067, %get3A_2068, %get3A_2069] {strides = array<i32>} : memref<16x8x64xf32, #tpu.memory_space<vmem>>, vector<16xf32>,
      %get3A_2071 = arith.constant 13 : i32
      %get3A_2072 = arith.index_cast %get3A_2071 : i32 to index
      %get3A_2073 = arith.index_cast %squeeze3A_2042 : i32 to index
      %get3A_2074 = arith.constant 32 : index
      %get3A_2075 = tpu.vector_load %arg10[%get3A_2072, %get3A_2073, %get3A_2074] {strides = array<i32>} : memref<16x8x64xf32, #tpu.memory_space<vmem>>, vector<16xf32>,
      %mul3A_2076 = arith.mulf %get3A_2070, %get3A_2075 : vector<16xf32>
      %add3A_2077 = arith.addf %add3A_2065, %mul3A_2076 : vector<16xf32>
      %get3A_2078 = arith.constant 13 : i32
      %get3A_2079 = arith.index_cast %get3A_2078 : i32 to index
      %get3A_2080 = arith.index_cast %squeeze3A_2040 : i32 to index
      %get3A_2081 = arith.constant 48 : index
      %get3A_2082 = tpu.vector_load %arg9[%get3A_2079, %get3A_2080, %get3A_2081] {strides = array<i32>} : memref<16x8x64xf32, #tpu.memory_space<vmem>>, vector<16xf32>,
      %get3A_2083 = arith.constant 13 : i32
      %get3A_2084 = arith.index_cast %get3A_2083 : i32 to index
      %get3A_2085 = arith.index_cast %squeeze3A_2042 : i32 to index
      %get3A_2086 = arith.constant 48 : index
      %get3A_2087 = tpu.vector_load %arg10[%get3A_2084, %get3A_2085, %get3A_2086] {strides = array<i32>} : memref<16x8x64xf32, #tpu.memory_space<vmem>>, vector<16xf32>,
      %mul3A_2088 = arith.mulf %get3A_2082, %get3A_2087 : vector<16xf32>
      %add3A_2089 = arith.addf %add3A_2077, %mul3A_2088 : vector<16xf32>
      %reshape3A_2090 = vector.shape_cast %xor3A_4 : vector<16xi32> to vector<16x1xi32>
      %gather3A_2091 = vector.shape_cast %reshape3A_2090 : vector<16x1xi32> to vector<16xi32>
      %gather3A_2092 = tpu.dynamic_gather %add3A_2089[%gather3A_2091] in [0] : vector<16xf32>, vector<16xi32> -> vector<16xf32>
      %add3A_2093 = arith.addf %add3A_2089, %gather3A_2092 : vector<16xf32>
      %reshape3A_2094 = vector.shape_cast %xor3A_7 : vector<16xi32> to vector<16x1xi32>
      %gather3A_2095 = vector.shape_cast %reshape3A_2094 : vector<16x1xi32> to vector<16xi32>
      %gather3A_2096 = tpu.dynamic_gather %add3A_2093[%gather3A_2095] in [0] : vector<16xf32>, vector<16xi32> -> vector<16xf32>
      %add3A_2097 = arith.addf %add3A_2093, %gather3A_2096 : vector<16xf32>
      %reshape3A_2098 = vector.shape_cast %xor3A_10 : vector<16xi32> to vector<16x1xi32>
      %gather3A_2099 = vector.shape_cast %reshape3A_2098 : vector<16x1xi32> to vector<16xi32>
      %gather3A_2100 = tpu.dynamic_gather %add3A_2097[%gather3A_2099] in [0] : vector<16xf32>, vector<16xi32> -> vector<16xf32>
      %add3A_2101 = arith.addf %add3A_2097, %gather3A_2100 : vector<16xf32>
      %reshape3A_2102 = vector.shape_cast %xor3A_13 : vector<16xi32> to vector<16x1xi32>
      %gather3A_2103 = vector.shape_cast %reshape3A_2102 : vector<16x1xi32> to vector<16xi32>
      %gather3A_2104 = tpu.dynamic_gather %add3A_2101[%gather3A_2103] in [0] : vector<16xf32>, vector<16xi32> -> vector<16xf32>
      %add3A_2105 = arith.addf %add3A_2101, %gather3A_2104 : vector<16xf32>
      %eq3A_2106 = arith.constant 13 : i32
      %eq3A_2107 = vector.broadcast %eq3A_2106 : i32 to vector<16xi32>
      %eq3A_2108 = arith.cmpi eq, %iota3A, %eq3A_2107 : vector<16xi32>
      %select_n3A_2109 = arith.select %eq3A_2108, %add3A_2105, %select_n3A_2038 : vector<16xi1>, vector<16xf32>
      %slice3A_2110 = vector.extract_strided_slice %and3A_1113 {offsets = [14], sizes = [1], strides = [1]} : vector<16xi32> to vector<1xi32>
      %squeeze3A_2111 = vector.extract %slice3A_2110[0] : i32 from vector<1xi32>
      %slice3A_2112 = vector.extract_strided_slice %and3A_1118 {offsets = [14], sizes = [1], strides = [1]} : vector<16xi32> to vector<1xi32>
      %squeeze3A_2113 = vector.extract %slice3A_2112[0] : i32 from vector<1xi32>
      %get3A_2114 = arith.constant 14 : i32
      %get3A_2115 = arith.index_cast %get3A_2114 : i32 to index
      %get3A_2116 = arith.index_cast %squeeze3A_2111 : i32 to index
      %get3A_2117 = arith.constant 0 : index
      %get3A_2118 = tpu.vector_load %arg9[%get3A_2115, %get3A_2116, %get3A_2117] {strides = array<i32>} : memref<16x8x64xf32, #tpu.memory_space<vmem>>, vector<16xf32>,
      %get3A_2119 = arith.constant 14 : i32
      %get3A_2120 = arith.index_cast %get3A_2119 : i32 to index
      %get3A_2121 = arith.index_cast %squeeze3A_2113 : i32 to index
      %get3A_2122 = arith.constant 0 : index
      %get3A_2123 = tpu.vector_load %arg10[%get3A_2120, %get3A_2121, %get3A_2122] {strides = array<i32>} : memref<16x8x64xf32, #tpu.memory_space<vmem>>, vector<16xf32>,
      %mul3A_2124 = arith.mulf %get3A_2118, %get3A_2123 : vector<16xf32>
      %get3A_2125 = arith.constant 14 : i32
      %get3A_2126 = arith.index_cast %get3A_2125 : i32 to index
      %get3A_2127 = arith.index_cast %squeeze3A_2111 : i32 to index
      %get3A_2128 = arith.constant 16 : index
      %get3A_2129 = tpu.vector_load %arg9[%get3A_2126, %get3A_2127, %get3A_2128] {strides = array<i32>} : memref<16x8x64xf32, #tpu.memory_space<vmem>>, vector<16xf32>,
      %get3A_2130 = arith.constant 14 : i32
      %get3A_2131 = arith.index_cast %get3A_2130 : i32 to index
      %get3A_2132 = arith.index_cast %squeeze3A_2113 : i32 to index
      %get3A_2133 = arith.constant 16 : index
      %get3A_2134 = tpu.vector_load %arg10[%get3A_2131, %get3A_2132, %get3A_2133] {strides = array<i32>} : memref<16x8x64xf32, #tpu.memory_space<vmem>>, vector<16xf32>,
      %mul3A_2135 = arith.mulf %get3A_2129, %get3A_2134 : vector<16xf32>
      %add3A_2136 = arith.addf %mul3A_2124, %mul3A_2135 : vector<16xf32>
      %get3A_2137 = arith.constant 14 : i32
      %get3A_2138 = arith.index_cast %get3A_2137 : i32 to index
      %get3A_2139 = arith.index_cast %squeeze3A_2111 : i32 to index
      %get3A_2140 = arith.constant 32 : index
      %get3A_2141 = tpu.vector_load %arg9[%get3A_2138, %get3A_2139, %get3A_2140] {strides = array<i32>} : memref<16x8x64xf32, #tpu.memory_space<vmem>>, vector<16xf32>,
      %get3A_2142 = arith.constant 14 : i32
      %get3A_2143 = arith.index_cast %get3A_2142 : i32 to index
      %get3A_2144 = arith.index_cast %squeeze3A_2113 : i32 to index
      %get3A_2145 = arith.constant 32 : index
      %get3A_2146 = tpu.vector_load %arg10[%get3A_2143, %get3A_2144, %get3A_2145] {strides = array<i32>} : memref<16x8x64xf32, #tpu.memory_space<vmem>>, vector<16xf32>,
      %mul3A_2147 = arith.mulf %get3A_2141, %get3A_2146 : vector<16xf32>
      %add3A_2148 = arith.addf %add3A_2136, %mul3A_2147 : vector<16xf32>
      %get3A_2149 = arith.constant 14 : i32
      %get3A_2150 = arith.index_cast %get3A_2149 : i32 to index
      %get3A_2151 = arith.index_cast %squeeze3A_2111 : i32 to index
      %get3A_2152 = arith.constant 48 : index
      %get3A_2153 = tpu.vector_load %arg9[%get3A_2150, %get3A_2151, %get3A_2152] {strides = array<i32>} : memref<16x8x64xf32, #tpu.memory_space<vmem>>, vector<16xf32>,
      %get3A_2154 = arith.constant 14 : i32
      %get3A_2155 = arith.index_cast %get3A_2154 : i32 to index
      %get3A_2156 = arith.index_cast %squeeze3A_2113 : i32 to index
      %get3A_2157 = arith.constant 48 : index
      %get3A_2158 = tpu.vector_load %arg10[%get3A_2155, %get3A_2156, %get3A_2157] {strides = array<i32>} : memref<16x8x64xf32, #tpu.memory_space<vmem>>, vector<16xf32>,
      %mul3A_2159 = arith.mulf %get3A_2153, %get3A_2158 : vector<16xf32>
      %add3A_2160 = arith.addf %add3A_2148, %mul3A_2159 : vector<16xf32>
      %reshape3A_2161 = vector.shape_cast %xor3A_4 : vector<16xi32> to vector<16x1xi32>
      %gather3A_2162 = vector.shape_cast %reshape3A_2161 : vector<16x1xi32> to vector<16xi32>
      %gather3A_2163 = tpu.dynamic_gather %add3A_2160[%gather3A_2162] in [0] : vector<16xf32>, vector<16xi32> -> vector<16xf32>
      %add3A_2164 = arith.addf %add3A_2160, %gather3A_2163 : vector<16xf32>
      %reshape3A_2165 = vector.shape_cast %xor3A_7 : vector<16xi32> to vector<16x1xi32>
      %gather3A_2166 = vector.shape_cast %reshape3A_2165 : vector<16x1xi32> to vector<16xi32>
      %gather3A_2167 = tpu.dynamic_gather %add3A_2164[%gather3A_2166] in [0] : vector<16xf32>, vector<16xi32> -> vector<16xf32>
      %add3A_2168 = arith.addf %add3A_2164, %gather3A_2167 : vector<16xf32>
      %reshape3A_2169 = vector.shape_cast %xor3A_10 : vector<16xi32> to vector<16x1xi32>
      %gather3A_2170 = vector.shape_cast %reshape3A_2169 : vector<16x1xi32> to vector<16xi32>
      %gather3A_2171 = tpu.dynamic_gather %add3A_2168[%gather3A_2170] in [0] : vector<16xf32>, vector<16xi32> -> vector<16xf32>
      %add3A_2172 = arith.addf %add3A_2168, %gather3A_2171 : vector<16xf32>
      %reshape3A_2173 = vector.shape_cast %xor3A_13 : vector<16xi32> to vector<16x1xi32>
      %gather3A_2174 = vector.shape_cast %reshape3A_2173 : vector<16x1xi32> to vector<16xi32>
      %gather3A_2175 = tpu.dynamic_gather %add3A_2172[%gather3A_2174] in [0] : vector<16xf32>, vector<16xi32> -> vector<16xf32>
      %add3A_2176 = arith.addf %add3A_2172, %gather3A_2175 : vector<16xf32>
      %eq3A_2177 = arith.constant 14 : i32
      %eq3A_2178 = vector.broadcast %eq3A_2177 : i32 to vector<16xi32>
      %eq3A_2179 = arith.cmpi eq, %iota3A, %eq3A_2178 : vector<16xi32>
      %select_n3A_2180 = arith.select %eq3A_2179, %add3A_2176, %select_n3A_2109 : vector<16xi1>, vector<16xf32>
      %slice3A_2181 = vector.extract_strided_slice %and3A_1113 {offsets = [15], sizes = [1], strides = [1]} : vector<16xi32> to vector<1xi32>
      %squeeze3A_2182 = vector.extract %slice3A_2181[0] : i32 from vector<1xi32>
      %slice3A_2183 = vector.extract_strided_slice %and3A_1118 {offsets = [15], sizes = [1], strides = [1]} : vector<16xi32> to vector<1xi32>
      %squeeze3A_2184 = vector.extract %slice3A_2183[0] : i32 from vector<1xi32>
      %get3A_2185 = arith.constant 15 : i32
      %get3A_2186 = arith.index_cast %get3A_2185 : i32 to index
      %get3A_2187 = arith.index_cast %squeeze3A_2182 : i32 to index
      %get3A_2188 = arith.constant 0 : index
      %get3A_2189 = tpu.vector_load %arg9[%get3A_2186, %get3A_2187, %get3A_2188] {strides = array<i32>} : memref<16x8x64xf32, #tpu.memory_space<vmem>>, vector<16xf32>,
      %get3A_2190 = arith.constant 15 : i32
      %get3A_2191 = arith.index_cast %get3A_2190 : i32 to index
      %get3A_2192 = arith.index_cast %squeeze3A_2184 : i32 to index
      %get3A_2193 = arith.constant 0 : index
      %get3A_2194 = tpu.vector_load %arg10[%get3A_2191, %get3A_2192, %get3A_2193] {strides = array<i32>} : memref<16x8x64xf32, #tpu.memory_space<vmem>>, vector<16xf32>,
      %mul3A_2195 = arith.mulf %get3A_2189, %get3A_2194 : vector<16xf32>
      %get3A_2196 = arith.constant 15 : i32
      %get3A_2197 = arith.index_cast %get3A_2196 : i32 to index
      %get3A_2198 = arith.index_cast %squeeze3A_2182 : i32 to index
      %get3A_2199 = arith.constant 16 : index
      %get3A_2200 = tpu.vector_load %arg9[%get3A_2197, %get3A_2198, %get3A_2199] {strides = array<i32>} : memref<16x8x64xf32, #tpu.memory_space<vmem>>, vector<16xf32>,
      %get3A_2201 = arith.constant 15 : i32
      %get3A_2202 = arith.index_cast %get3A_2201 : i32 to index
      %get3A_2203 = arith.index_cast %squeeze3A_2184 : i32 to index
      %get3A_2204 = arith.constant 16 : index
      %get3A_2205 = tpu.vector_load %arg10[%get3A_2202, %get3A_2203, %get3A_2204] {strides = array<i32>} : memref<16x8x64xf32, #tpu.memory_space<vmem>>, vector<16xf32>,
      %mul3A_2206 = arith.mulf %get3A_2200, %get3A_2205 : vector<16xf32>
      %add3A_2207 = arith.addf %mul3A_2195, %mul3A_2206 : vector<16xf32>
      %get3A_2208 = arith.constant 15 : i32
      %get3A_2209 = arith.index_cast %get3A_2208 : i32 to index
      %get3A_2210 = arith.index_cast %squeeze3A_2182 : i32 to index
      %get3A_2211 = arith.constant 32 : index
      %get3A_2212 = tpu.vector_load %arg9[%get3A_2209, %get3A_2210, %get3A_2211] {strides = array<i32>} : memref<16x8x64xf32, #tpu.memory_space<vmem>>, vector<16xf32>,
      %get3A_2213 = arith.constant 15 : i32
      %get3A_2214 = arith.index_cast %get3A_2213 : i32 to index
      %get3A_2215 = arith.index_cast %squeeze3A_2184 : i32 to index
      %get3A_2216 = arith.constant 32 : index
      %get3A_2217 = tpu.vector_load %arg10[%get3A_2214, %get3A_2215, %get3A_2216] {strides = array<i32>} : memref<16x8x64xf32, #tpu.memory_space<vmem>>, vector<16xf32>,
      %mul3A_2218 = arith.mulf %get3A_2212, %get3A_2217 : vector<16xf32>
      %add3A_2219 = arith.addf %add3A_2207, %mul3A_2218 : vector<16xf32>
      %get3A_2220 = arith.constant 15 : i32
      %get3A_2221 = arith.index_cast %get3A_2220 : i32 to index
      %get3A_2222 = arith.index_cast %squeeze3A_2182 : i32 to index
      %get3A_2223 = arith.constant 48 : index
      %get3A_2224 = tpu.vector_load %arg9[%get3A_2221, %get3A_2222, %get3A_2223] {strides = array<i32>} : memref<16x8x64xf32, #tpu.memory_space<vmem>>, vector<16xf32>,
      %get3A_2225 = arith.constant 15 : i32
      %get3A_2226 = arith.index_cast %get3A_2225 : i32 to index
      %get3A_2227 = arith.index_cast %squeeze3A_2184 : i32 to index
      %get3A_2228 = arith.constant 48 : index
      %get3A_2229 = tpu.vector_load %arg10[%get3A_2226, %get3A_2227, %get3A_2228] {strides = array<i32>} : memref<16x8x64xf32, #tpu.memory_space<vmem>>, vector<16xf32>,
      %mul3A_2230 = arith.mulf %get3A_2224, %get3A_2229 : vector<16xf32>
      %add3A_2231 = arith.addf %add3A_2219, %mul3A_2230 : vector<16xf32>
      %reshape3A_2232 = vector.shape_cast %xor3A_4 : vector<16xi32> to vector<16x1xi32>
      %gather3A_2233 = vector.shape_cast %reshape3A_2232 : vector<16x1xi32> to vector<16xi32>
      %gather3A_2234 = tpu.dynamic_gather %add3A_2231[%gather3A_2233] in [0] : vector<16xf32>, vector<16xi32> -> vector<16xf32>
      %add3A_2235 = arith.addf %add3A_2231, %gather3A_2234 : vector<16xf32>
      %reshape3A_2236 = vector.shape_cast %xor3A_7 : vector<16xi32> to vector<16x1xi32>
      %gather3A_2237 = vector.shape_cast %reshape3A_2236 : vector<16x1xi32> to vector<16xi32>
      %gather3A_2238 = tpu.dynamic_gather %add3A_2235[%gather3A_2237] in [0] : vector<16xf32>, vector<16xi32> -> vector<16xf32>
      %add3A_2239 = arith.addf %add3A_2235, %gather3A_2238 : vector<16xf32>
      %reshape3A_2240 = vector.shape_cast %xor3A_10 : vector<16xi32> to vector<16x1xi32>
      %gather3A_2241 = vector.shape_cast %reshape3A_2240 : vector<16x1xi32> to vector<16xi32>
      %gather3A_2242 = tpu.dynamic_gather %add3A_2239[%gather3A_2241] in [0] : vector<16xf32>, vector<16xi32> -> vector<16xf32>
      %add3A_2243 = arith.addf %add3A_2239, %gather3A_2242 : vector<16xf32>
      %reshape3A_2244 = vector.shape_cast %xor3A_13 : vector<16xi32> to vector<16x1xi32>
      %gather3A_2245 = vector.shape_cast %reshape3A_2244 : vector<16x1xi32> to vector<16xi32>
      %gather3A_2246 = tpu.dynamic_gather %add3A_2243[%gather3A_2245] in [0] : vector<16xf32>, vector<16xi32> -> vector<16xf32>
      %add3A_2247 = arith.addf %add3A_2243, %gather3A_2246 : vector<16xf32>
      %eq3A_2248 = arith.constant 15 : i32
      %eq3A_2249 = vector.broadcast %eq3A_2248 : i32 to vector<16xi32>
      %eq3A_2250 = arith.cmpi eq, %iota3A, %eq3A_2249 : vector<16xi32>
      %select_n3A_2251 = arith.select %eq3A_2250, %add3A_2247, %select_n3A_2180 : vector<16xi1>, vector<16xf32>
      %add3A_2252 = arith.constant 0 : i32
      %add3A_2253 = arith.addi %mul3A_1106, %add3A_2252 : i32
      %swap3A = arith.index_cast %add3A_2253 : i32 to index
      %swap3A_2254 = tpu.vector_load %arg13[%swap3A] {strides = array<i32>} : memref<512xf32, #tpu.memory_space<vmem>>, vector<16xf32>,
      tpu.vector_store %arg13[%swap3A], %select_n3A_2251 {strides = array<i32>} : memref<512xf32, #tpu.memory_space<vmem>>, vector<16xf32>,
      %add3A_2255 = arith.constant 2 : i32
      %add3A_2256 = arith.addi %mul3A_556, %add3A_2255 : i32
      %min3A = arith.constant 31 : i32
      %min3A_2257 = arith.minsi %add3A_2256, %min3A : i32
      %mul3A_2258 = arith.constant 16 : i32
      %mul3A_2259 = arith.muli %min3A_2257, %mul3A_2258 : i32
      %add3A_2260 = arith.constant 0 : i32
      %add3A_2261 = arith.addi %mul3A_2259, %add3A_2260 : i32
      %get3A_2262 = arith.index_cast %add3A_2261 : i32 to index
      %get3A_2263 = tpu.vector_load %arg7[%get3A_2262] {strides = array<i32>} : memref<512xi32, #tpu.memory_space<vmem>>, vector<16xi32>,
      %and3A_2264 = arith.constant -8 : i32
      %and3A_2265 = vector.broadcast %and3A_2264 : i32 to vector<16xi32>
      %and3A_2266 = arith.andi %get3A_2263, %and3A_2265 : vector<16xi32>
      %get3A_2267 = arith.index_cast %add3A_2261 : i32 to index
      %get3A_2268 = tpu.vector_load %arg8[%get3A_2267] {strides = array<i32>} : memref<512xi32, #tpu.memory_space<vmem>>, vector<16xi32>,
      %and3A_2269 = arith.constant -8 : i32
      %and3A_2270 = vector.broadcast %and3A_2269 : i32 to vector<16xi32>
      %and3A_2271 = arith.andi %get3A_2268, %and3A_2270 : vector<16xi32>
      %slice3A_2272 = vector.extract_strided_slice %and3A_2266 {offsets = [0], sizes = [1], strides = [1]} : vector<16xi32> to vector<1xi32>
      %squeeze3A_2273 = vector.extract %slice3A_2272[0] : i32 from vector<1xi32>
      %multiple_of3A_2274 = tpu.assume_multiple %squeeze3A_2273, 8 : i32
      %slice3A_2275 = vector.extract_strided_slice %and3A_2271 {offsets = [0], sizes = [1], strides = [1]} : vector<16xi32> to vector<1xi32>
      %squeeze3A_2276 = vector.extract %slice3A_2275[0] : i32 from vector<1xi32>
      %multiple_of3A_2277 = tpu.assume_multiple %squeeze3A_2276, 8 : i32
      %dma_start3A_2278 = arith.constant 0 : i32
      %dma_start3A_2279 = arith.constant 0 : i32
      %dma_start3A_2280 = arith.constant 0 : i32
      %dma_start3A_2281 = tpu.memref_slice %arg9[%dma_start3A_2278, %dma_start3A_2279, %dma_start3A_2280] : memref<16x8x64xf32, #tpu.memory_space<vmem>> -> memref<1x8x64xf32, #tpu.memory_space<vmem>>
      %dma_start3A_2282 = tpu.memref_squeeze %dma_start3A_2281 : memref<1x8x64xf32, #tpu.memory_space<vmem>> -> memref<8x64xf32, #tpu.memory_space<vmem>>
      %dma_start3A_2283 = arith.constant 0 : i32
      %dma_start3A_2284 = tpu.memref_slice %arg4[%multiple_of3A_2274, %dma_start3A_2283] : memref<100000x64xf32, #tpu.memory_space<hbm>> -> memref<8x64xf32, #tpu.memory_space<hbm>>
      %dma_start3A_2285 = arith.constant 0 : i32
      %dma_start3A_2286 = arith.constant 0 : i32
      %dma_start3A_2287 = tpu.memref_slice %arg9[%dma_start3A_2278, %dma_start3A_2285, %dma_start3A_2286] : memref<16x8x64xf32, #tpu.memory_space<vmem>> -> memref<1x8x64xf32, #tpu.memory_space<vmem>>
      %dma_start3A_2288 = tpu.memref_squeeze %dma_start3A_2287 : memref<1x8x64xf32, #tpu.memory_space<vmem>> -> memref<8x64xf32, #tpu.memory_space<vmem>>
      %dma_start3A_2289 = arith.constant 0 : i32
      %dma_start3A_2290 = tpu.memref_slice %arg4[%multiple_of3A_2274, %dma_start3A_2289] : memref<100000x64xf32, #tpu.memory_space<hbm>> -> memref<8x64xf32, #tpu.memory_space<hbm>>
      tpu.enqueue_dma source(%dma_start3A_2290 : memref<8x64xf32, #tpu.memory_space<hbm>>) target(%dma_start3A_2288 : memref<8x64xf32, #tpu.memory_space<vmem>>) target_semaphore(%arg14 : memref<!tpu.dma_semaphore, #tpu.memory_space<semaphore_mem>>)
      %dma_start3A_2291 = arith.constant 0 : i32
      %dma_start3A_2292 = arith.constant 0 : i32
      %dma_start3A_2293 = arith.constant 0 : i32
      %dma_start3A_2294 = tpu.memref_slice %arg10[%dma_start3A_2291, %dma_start3A_2292, %dma_start3A_2293] : memref<16x8x64xf32, #tpu.memory_space<vmem>> -> memref<1x8x64xf32, #tpu.memory_space<vmem>>
      %dma_start3A_2295 = tpu.memref_squeeze %dma_start3A_2294 : memref<1x8x64xf32, #tpu.memory_space<vmem>> -> memref<8x64xf32, #tpu.memory_space<vmem>>
      %dma_start3A_2296 = arith.constant 0 : i32
      %dma_start3A_2297 = tpu.memref_slice %arg5[%multiple_of3A_2277, %dma_start3A_2296] : memref<100001x64xf32, #tpu.memory_space<hbm>> -> memref<8x64xf32, #tpu.memory_space<hbm>>
      %dma_start3A_2298 = arith.constant 0 : i32
      %dma_start3A_2299 = arith.constant 0 : i32
      %dma_start3A_2300 = tpu.memref_slice %arg10[%dma_start3A_2291, %dma_start3A_2298, %dma_start3A_2299] : memref<16x8x64xf32, #tpu.memory_space<vmem>> -> memref<1x8x64xf32, #tpu.memory_space<vmem>>
      %dma_start3A_2301 = tpu.memref_squeeze %dma_start3A_2300 : memref<1x8x64xf32, #tpu.memory_space<vmem>> -> memref<8x64xf32, #tpu.memory_space<vmem>>
      %dma_start3A_2302 = arith.constant 0 : i32
      %dma_start3A_2303 = tpu.memref_slice %arg5[%multiple_of3A_2277, %dma_start3A_2302] : memref<100001x64xf32, #tpu.memory_space<hbm>> -> memref<8x64xf32, #tpu.memory_space<hbm>>
      tpu.enqueue_dma source(%dma_start3A_2303 : memref<8x64xf32, #tpu.memory_space<hbm>>) target(%dma_start3A_2301 : memref<8x64xf32, #tpu.memory_space<vmem>>) target_semaphore(%arg14 : memref<!tpu.dma_semaphore, #tpu.memory_space<semaphore_mem>>)
      %slice3A_2304 = vector.extract_strided_slice %and3A_2266 {offsets = [1], sizes = [1], strides = [1]} : vector<16xi32> to vector<1xi32>
      %squeeze3A_2305 = vector.extract %slice3A_2304[0] : i32 from vector<1xi32>
      %multiple_of3A_2306 = tpu.assume_multiple %squeeze3A_2305, 8 : i32
      %slice3A_2307 = vector.extract_strided_slice %and3A_2271 {offsets = [1], sizes = [1], strides = [1]} : vector<16xi32> to vector<1xi32>
      %squeeze3A_2308 = vector.extract %slice3A_2307[0] : i32 from vector<1xi32>
      %multiple_of3A_2309 = tpu.assume_multiple %squeeze3A_2308, 8 : i32
      %dma_start3A_2310 = arith.constant 1 : i32
      %dma_start3A_2311 = arith.constant 0 : i32
      %dma_start3A_2312 = arith.constant 0 : i32
      %dma_start3A_2313 = tpu.memref_slice %arg9[%dma_start3A_2310, %dma_start3A_2311, %dma_start3A_2312] : memref<16x8x64xf32, #tpu.memory_space<vmem>> -> memref<1x8x64xf32, #tpu.memory_space<vmem>>
      %dma_start3A_2314 = tpu.memref_squeeze %dma_start3A_2313 : memref<1x8x64xf32, #tpu.memory_space<vmem>> -> memref<8x64xf32, #tpu.memory_space<vmem>>
      %dma_start3A_2315 = arith.constant 0 : i32
      %dma_start3A_2316 = tpu.memref_slice %arg4[%multiple_of3A_2306, %dma_start3A_2315] : memref<100000x64xf32, #tpu.memory_space<hbm>> -> memref<8x64xf32, #tpu.memory_space<hbm>>
      %dma_start3A_2317 = arith.constant 0 : i32
      %dma_start3A_2318 = arith.constant 0 : i32
      %dma_start3A_2319 = tpu.memref_slice %arg9[%dma_start3A_2310, %dma_start3A_2317, %dma_start3A_2318] : memref<16x8x64xf32, #tpu.memory_space<vmem>> -> memref<1x8x64xf32, #tpu.memory_space<vmem>>
      %dma_start3A_2320 = tpu.memref_squeeze %dma_start3A_2319 : memref<1x8x64xf32, #tpu.memory_space<vmem>> -> memref<8x64xf32, #tpu.memory_space<vmem>>
      %dma_start3A_2321 = arith.constant 0 : i32
      %dma_start3A_2322 = tpu.memref_slice %arg4[%multiple_of3A_2306, %dma_start3A_2321] : memref<100000x64xf32, #tpu.memory_space<hbm>> -> memref<8x64xf32, #tpu.memory_space<hbm>>
      tpu.enqueue_dma source(%dma_start3A_2322 : memref<8x64xf32, #tpu.memory_space<hbm>>) target(%dma_start3A_2320 : memref<8x64xf32, #tpu.memory_space<vmem>>) target_semaphore(%arg14 : memref<!tpu.dma_semaphore, #tpu.memory_space<semaphore_mem>>)
      %dma_start3A_2323 = arith.constant 1 : i32
      %dma_start3A_2324 = arith.constant 0 : i32
      %dma_start3A_2325 = arith.constant 0 : i32
      %dma_start3A_2326 = tpu.memref_slice %arg10[%dma_start3A_2323, %dma_start3A_2324, %dma_start3A_2325] : memref<16x8x64xf32, #tpu.memory_space<vmem>> -> memref<1x8x64xf32, #tpu.memory_space<vmem>>
      %dma_start3A_2327 = tpu.memref_squeeze %dma_start3A_2326 : memref<1x8x64xf32, #tpu.memory_space<vmem>> -> memref<8x64xf32, #tpu.memory_space<vmem>>
      %dma_start3A_2328 = arith.constant 0 : i32
      %dma_start3A_2329 = tpu.memref_slice %arg5[%multiple_of3A_2309, %dma_start3A_2328] : memref<100001x64xf32, #tpu.memory_space<hbm>> -> memref<8x64xf32, #tpu.memory_space<hbm>>
      %dma_start3A_2330 = arith.constant 0 : i32
      %dma_start3A_2331 = arith.constant 0 : i32
      %dma_start3A_2332 = tpu.memref_slice %arg10[%dma_start3A_2323, %dma_start3A_2330, %dma_start3A_2331] : memref<16x8x64xf32, #tpu.memory_space<vmem>> -> memref<1x8x64xf32, #tpu.memory_space<vmem>>
      %dma_start3A_2333 = tpu.memref_squeeze %dma_start3A_2332 : memref<1x8x64xf32, #tpu.memory_space<vmem>> -> memref<8x64xf32, #tpu.memory_space<vmem>>
      %dma_start3A_2334 = arith.constant 0 : i32
      %dma_start3A_2335 = tpu.memref_slice %arg5[%multiple_of3A_2309, %dma_start3A_2334] : memref<100001x64xf32, #tpu.memory_space<hbm>> -> memref<8x64xf32, #tpu.memory_space<hbm>>
      tpu.enqueue_dma source(%dma_start3A_2335 : memref<8x64xf32, #tpu.memory_space<hbm>>) target(%dma_start3A_2333 : memref<8x64xf32, #tpu.memory_space<vmem>>) target_semaphore(%arg14 : memref<!tpu.dma_semaphore, #tpu.memory_space<semaphore_mem>>)
      %slice3A_2336 = vector.extract_strided_slice %and3A_2266 {offsets = [2], sizes = [1], strides = [1]} : vector<16xi32> to vector<1xi32>
      %squeeze3A_2337 = vector.extract %slice3A_2336[0] : i32 from vector<1xi32>
      %multiple_of3A_2338 = tpu.assume_multiple %squeeze3A_2337, 8 : i32
      %slice3A_2339 = vector.extract_strided_slice %and3A_2271 {offsets = [2], sizes = [1], strides = [1]} : vector<16xi32> to vector<1xi32>
      %squeeze3A_2340 = vector.extract %slice3A_2339[0] : i32 from vector<1xi32>
      %multiple_of3A_2341 = tpu.assume_multiple %squeeze3A_2340, 8 : i32
      %dma_start3A_2342 = arith.constant 2 : i32
      %dma_start3A_2343 = arith.constant 0 : i32
      %dma_start3A_2344 = arith.constant 0 : i32
      %dma_start3A_2345 = tpu.memref_slice %arg9[%dma_start3A_2342, %dma_start3A_2343, %dma_start3A_2344] : memref<16x8x64xf32, #tpu.memory_space<vmem>> -> memref<1x8x64xf32, #tpu.memory_space<vmem>>
      %dma_start3A_2346 = tpu.memref_squeeze %dma_start3A_2345 : memref<1x8x64xf32, #tpu.memory_space<vmem>> -> memref<8x64xf32, #tpu.memory_space<vmem>>
      %dma_start3A_2347 = arith.constant 0 : i32
      %dma_start3A_2348 = tpu.memref_slice %arg4[%multiple_of3A_2338, %dma_start3A_2347] : memref<100000x64xf32, #tpu.memory_space<hbm>> -> memref<8x64xf32, #tpu.memory_space<hbm>>
      %dma_start3A_2349 = arith.constant 0 : i32
      %dma_start3A_2350 = arith.constant 0 : i32
      %dma_start3A_2351 = tpu.memref_slice %arg9[%dma_start3A_2342, %dma_start3A_2349, %dma_start3A_2350] : memref<16x8x64xf32, #tpu.memory_space<vmem>> -> memref<1x8x64xf32, #tpu.memory_space<vmem>>
      %dma_start3A_2352 = tpu.memref_squeeze %dma_start3A_2351 : memref<1x8x64xf32, #tpu.memory_space<vmem>> -> memref<8x64xf32, #tpu.memory_space<vmem>>
      %dma_start3A_2353 = arith.constant 0 : i32
      %dma_start3A_2354 = tpu.memref_slice %arg4[%multiple_of3A_2338, %dma_start3A_2353] : memref<100000x64xf32, #tpu.memory_space<hbm>> -> memref<8x64xf32, #tpu.memory_space<hbm>>
      tpu.enqueue_dma source(%dma_start3A_2354 : memref<8x64xf32, #tpu.memory_space<hbm>>) target(%dma_start3A_2352 : memref<8x64xf32, #tpu.memory_space<vmem>>) target_semaphore(%arg14 : memref<!tpu.dma_semaphore, #tpu.memory_space<semaphore_mem>>)
      %dma_start3A_2355 = arith.constant 2 : i32
      %dma_start3A_2356 = arith.constant 0 : i32
      %dma_start3A_2357 = arith.constant 0 : i32
      %dma_start3A_2358 = tpu.memref_slice %arg10[%dma_start3A_2355, %dma_start3A_2356, %dma_start3A_2357] : memref<16x8x64xf32, #tpu.memory_space<vmem>> -> memref<1x8x64xf32, #tpu.memory_space<vmem>>
      %dma_start3A_2359 = tpu.memref_squeeze %dma_start3A_2358 : memref<1x8x64xf32, #tpu.memory_space<vmem>> -> memref<8x64xf32, #tpu.memory_space<vmem>>
      %dma_start3A_2360 = arith.constant 0 : i32
      %dma_start3A_2361 = tpu.memref_slice %arg5[%multiple_of3A_2341, %dma_start3A_2360] : memref<100001x64xf32, #tpu.memory_space<hbm>> -> memref<8x64xf32, #tpu.memory_space<hbm>>
      %dma_start3A_2362 = arith.constant 0 : i32
      %dma_start3A_2363 = arith.constant 0 : i32
      %dma_start3A_2364 = tpu.memref_slice %arg10[%dma_start3A_2355, %dma_start3A_2362, %dma_start3A_2363] : memref<16x8x64xf32, #tpu.memory_space<vmem>> -> memref<1x8x64xf32, #tpu.memory_space<vmem>>
      %dma_start3A_2365 = tpu.memref_squeeze %dma_start3A_2364 : memref<1x8x64xf32, #tpu.memory_space<vmem>> -> memref<8x64xf32, #tpu.memory_space<vmem>>
      %dma_start3A_2366 = arith.constant 0 : i32
      %dma_start3A_2367 = tpu.memref_slice %arg5[%multiple_of3A_2341, %dma_start3A_2366] : memref<100001x64xf32, #tpu.memory_space<hbm>> -> memref<8x64xf32, #tpu.memory_space<hbm>>
      tpu.enqueue_dma source(%dma_start3A_2367 : memref<8x64xf32, #tpu.memory_space<hbm>>) target(%dma_start3A_2365 : memref<8x64xf32, #tpu.memory_space<vmem>>) target_semaphore(%arg14 : memref<!tpu.dma_semaphore, #tpu.memory_space<semaphore_mem>>)
      %slice3A_2368 = vector.extract_strided_slice %and3A_2266 {offsets = [3], sizes = [1], strides = [1]} : vector<16xi32> to vector<1xi32>
      %squeeze3A_2369 = vector.extract %slice3A_2368[0] : i32 from vector<1xi32>
      %multiple_of3A_2370 = tpu.assume_multiple %squeeze3A_2369, 8 : i32
      %slice3A_2371 = vector.extract_strided_slice %and3A_2271 {offsets = [3], sizes = [1], strides = [1]} : vector<16xi32> to vector<1xi32>
      %squeeze3A_2372 = vector.extract %slice3A_2371[0] : i32 from vector<1xi32>
      %multiple_of3A_2373 = tpu.assume_multiple %squeeze3A_2372, 8 : i32
      %dma_start3A_2374 = arith.constant 3 : i32
      %dma_start3A_2375 = arith.constant 0 : i32
      %dma_start3A_2376 = arith.constant 0 : i32
      %dma_start3A_2377 = tpu.memref_slice %arg9[%dma_start3A_2374, %dma_start3A_2375, %dma_start3A_2376] : memref<16x8x64xf32, #tpu.memory_space<vmem>> -> memref<1x8x64xf32, #tpu.memory_space<vmem>>
      %dma_start3A_2378 = tpu.memref_squeeze %dma_start3A_2377 : memref<1x8x64xf32, #tpu.memory_space<vmem>> -> memref<8x64xf32, #tpu.memory_space<vmem>>
      %dma_start3A_2379 = arith.constant 0 : i32
      %dma_start3A_2380 = tpu.memref_slice %arg4[%multiple_of3A_2370, %dma_start3A_2379] : memref<100000x64xf32, #tpu.memory_space<hbm>> -> memref<8x64xf32, #tpu.memory_space<hbm>>
      %dma_start3A_2381 = arith.constant 0 : i32
      %dma_start3A_2382 = arith.constant 0 : i32
      %dma_start3A_2383 = tpu.memref_slice %arg9[%dma_start3A_2374, %dma_start3A_2381, %dma_start3A_2382] : memref<16x8x64xf32, #tpu.memory_space<vmem>> -> memref<1x8x64xf32, #tpu.memory_space<vmem>>
      %dma_start3A_2384 = tpu.memref_squeeze %dma_start3A_2383 : memref<1x8x64xf32, #tpu.memory_space<vmem>> -> memref<8x64xf32, #tpu.memory_space<vmem>>
      %dma_start3A_2385 = arith.constant 0 : i32
      %dma_start3A_2386 = tpu.memref_slice %arg4[%multiple_of3A_2370, %dma_start3A_2385] : memref<100000x64xf32, #tpu.memory_space<hbm>> -> memref<8x64xf32, #tpu.memory_space<hbm>>
      tpu.enqueue_dma source(%dma_start3A_2386 : memref<8x64xf32, #tpu.memory_space<hbm>>) target(%dma_start3A_2384 : memref<8x64xf32, #tpu.memory_space<vmem>>) target_semaphore(%arg14 : memref<!tpu.dma_semaphore, #tpu.memory_space<semaphore_mem>>)
      %dma_start3A_2387 = arith.constant 3 : i32
      %dma_start3A_2388 = arith.constant 0 : i32
      %dma_start3A_2389 = arith.constant 0 : i32
      %dma_start3A_2390 = tpu.memref_slice %arg10[%dma_start3A_2387, %dma_start3A_2388, %dma_start3A_2389] : memref<16x8x64xf32, #tpu.memory_space<vmem>> -> memref<1x8x64xf32, #tpu.memory_space<vmem>>
      %dma_start3A_2391 = tpu.memref_squeeze %dma_start3A_2390 : memref<1x8x64xf32, #tpu.memory_space<vmem>> -> memref<8x64xf32, #tpu.memory_space<vmem>>
      %dma_start3A_2392 = arith.constant 0 : i32
      %dma_start3A_2393 = tpu.memref_slice %arg5[%multiple_of3A_2373, %dma_start3A_2392] : memref<100001x64xf32, #tpu.memory_space<hbm>> -> memref<8x64xf32, #tpu.memory_space<hbm>>
      %dma_start3A_2394 = arith.constant 0 : i32
      %dma_start3A_2395 = arith.constant 0 : i32
      %dma_start3A_2396 = tpu.memref_slice %arg10[%dma_start3A_2387, %dma_start3A_2394, %dma_start3A_2395] : memref<16x8x64xf32, #tpu.memory_space<vmem>> -> memref<1x8x64xf32, #tpu.memory_space<vmem>>
      %dma_start3A_2397 = tpu.memref_squeeze %dma_start3A_2396 : memref<1x8x64xf32, #tpu.memory_space<vmem>> -> memref<8x64xf32, #tpu.memory_space<vmem>>
      %dma_start3A_2398 = arith.constant 0 : i32
      %dma_start3A_2399 = tpu.memref_slice %arg5[%multiple_of3A_2373, %dma_start3A_2398] : memref<100001x64xf32, #tpu.memory_space<hbm>> -> memref<8x64xf32, #tpu.memory_space<hbm>>
      tpu.enqueue_dma source(%dma_start3A_2399 : memref<8x64xf32, #tpu.memory_space<hbm>>) target(%dma_start3A_2397 : memref<8x64xf32, #tpu.memory_space<vmem>>) target_semaphore(%arg14 : memref<!tpu.dma_semaphore, #tpu.memory_space<semaphore_mem>>)
      %slice3A_2400 = vector.extract_strided_slice %and3A_2266 {offsets = [4], sizes = [1], strides = [1]} : vector<16xi32> to vector<1xi32>
      %squeeze3A_2401 = vector.extract %slice3A_2400[0] : i32 from vector<1xi32>
      %multiple_of3A_2402 = tpu.assume_multiple %squeeze3A_2401, 8 : i32
      %slice3A_2403 = vector.extract_strided_slice %and3A_2271 {offsets = [4], sizes = [1], strides = [1]} : vector<16xi32> to vector<1xi32>
      %squeeze3A_2404 = vector.extract %slice3A_2403[0] : i32 from vector<1xi32>
      %multiple_of3A_2405 = tpu.assume_multiple %squeeze3A_2404, 8 : i32
      %dma_start3A_2406 = arith.constant 4 : i32
      %dma_start3A_2407 = arith.constant 0 : i32
      %dma_start3A_2408 = arith.constant 0 : i32
      %dma_start3A_2409 = tpu.memref_slice %arg9[%dma_start3A_2406, %dma_start3A_2407, %dma_start3A_2408] : memref<16x8x64xf32, #tpu.memory_space<vmem>> -> memref<1x8x64xf32, #tpu.memory_space<vmem>>
      %dma_start3A_2410 = tpu.memref_squeeze %dma_start3A_2409 : memref<1x8x64xf32, #tpu.memory_space<vmem>> -> memref<8x64xf32, #tpu.memory_space<vmem>>
      %dma_start3A_2411 = arith.constant 0 : i32
      %dma_start3A_2412 = tpu.memref_slice %arg4[%multiple_of3A_2402, %dma_start3A_2411] : memref<100000x64xf32, #tpu.memory_space<hbm>> -> memref<8x64xf32, #tpu.memory_space<hbm>>
      %dma_start3A_2413 = arith.constant 0 : i32
      %dma_start3A_2414 = arith.constant 0 : i32
      %dma_start3A_2415 = tpu.memref_slice %arg9[%dma_start3A_2406, %dma_start3A_2413, %dma_start3A_2414] : memref<16x8x64xf32, #tpu.memory_space<vmem>> -> memref<1x8x64xf32, #tpu.memory_space<vmem>>
      %dma_start3A_2416 = tpu.memref_squeeze %dma_start3A_2415 : memref<1x8x64xf32, #tpu.memory_space<vmem>> -> memref<8x64xf32, #tpu.memory_space<vmem>>
      %dma_start3A_2417 = arith.constant 0 : i32
      %dma_start3A_2418 = tpu.memref_slice %arg4[%multiple_of3A_2402, %dma_start3A_2417] : memref<100000x64xf32, #tpu.memory_space<hbm>> -> memref<8x64xf32, #tpu.memory_space<hbm>>
      tpu.enqueue_dma source(%dma_start3A_2418 : memref<8x64xf32, #tpu.memory_space<hbm>>) target(%dma_start3A_2416 : memref<8x64xf32, #tpu.memory_space<vmem>>) target_semaphore(%arg14 : memref<!tpu.dma_semaphore, #tpu.memory_space<semaphore_mem>>)
      %dma_start3A_2419 = arith.constant 4 : i32
      %dma_start3A_2420 = arith.constant 0 : i32
      %dma_start3A_2421 = arith.constant 0 : i32
      %dma_start3A_2422 = tpu.memref_slice %arg10[%dma_start3A_2419, %dma_start3A_2420, %dma_start3A_2421] : memref<16x8x64xf32, #tpu.memory_space<vmem>> -> memref<1x8x64xf32, #tpu.memory_space<vmem>>
      %dma_start3A_2423 = tpu.memref_squeeze %dma_start3A_2422 : memref<1x8x64xf32, #tpu.memory_space<vmem>> -> memref<8x64xf32, #tpu.memory_space<vmem>>
      %dma_start3A_2424 = arith.constant 0 : i32
      %dma_start3A_2425 = tpu.memref_slice %arg5[%multiple_of3A_2405, %dma_start3A_2424] : memref<100001x64xf32, #tpu.memory_space<hbm>> -> memref<8x64xf32, #tpu.memory_space<hbm>>
      %dma_start3A_2426 = arith.constant 0 : i32
      %dma_start3A_2427 = arith.constant 0 : i32
      %dma_start3A_2428 = tpu.memref_slice %arg10[%dma_start3A_2419, %dma_start3A_2426, %dma_start3A_2427] : memref<16x8x64xf32, #tpu.memory_space<vmem>> -> memref<1x8x64xf32, #tpu.memory_space<vmem>>
      %dma_start3A_2429 = tpu.memref_squeeze %dma_start3A_2428 : memref<1x8x64xf32, #tpu.memory_space<vmem>> -> memref<8x64xf32, #tpu.memory_space<vmem>>
      %dma_start3A_2430 = arith.constant 0 : i32
      %dma_start3A_2431 = tpu.memref_slice %arg5[%multiple_of3A_2405, %dma_start3A_2430] : memref<100001x64xf32, #tpu.memory_space<hbm>> -> memref<8x64xf32, #tpu.memory_space<hbm>>
      tpu.enqueue_dma source(%dma_start3A_2431 : memref<8x64xf32, #tpu.memory_space<hbm>>) target(%dma_start3A_2429 : memref<8x64xf32, #tpu.memory_space<vmem>>) target_semaphore(%arg14 : memref<!tpu.dma_semaphore, #tpu.memory_space<semaphore_mem>>)
      %slice3A_2432 = vector.extract_strided_slice %and3A_2266 {offsets = [5], sizes = [1], strides = [1]} : vector<16xi32> to vector<1xi32>
      %squeeze3A_2433 = vector.extract %slice3A_2432[0] : i32 from vector<1xi32>
      %multiple_of3A_2434 = tpu.assume_multiple %squeeze3A_2433, 8 : i32
      %slice3A_2435 = vector.extract_strided_slice %and3A_2271 {offsets = [5], sizes = [1], strides = [1]} : vector<16xi32> to vector<1xi32>
      %squeeze3A_2436 = vector.extract %slice3A_2435[0] : i32 from vector<1xi32>
      %multiple_of3A_2437 = tpu.assume_multiple %squeeze3A_2436, 8 : i32
      %dma_start3A_2438 = arith.constant 5 : i32
      %dma_start3A_2439 = arith.constant 0 : i32
      %dma_start3A_2440 = arith.constant 0 : i32
      %dma_start3A_2441 = tpu.memref_slice %arg9[%dma_start3A_2438, %dma_start3A_2439, %dma_start3A_2440] : memref<16x8x64xf32, #tpu.memory_space<vmem>> -> memref<1x8x64xf32, #tpu.memory_space<vmem>>
      %dma_start3A_2442 = tpu.memref_squeeze %dma_start3A_2441 : memref<1x8x64xf32, #tpu.memory_space<vmem>> -> memref<8x64xf32, #tpu.memory_space<vmem>>
      %dma_start3A_2443 = arith.constant 0 : i32
      %dma_start3A_2444 = tpu.memref_slice %arg4[%multiple_of3A_2434, %dma_start3A_2443] : memref<100000x64xf32, #tpu.memory_space<hbm>> -> memref<8x64xf32, #tpu.memory_space<hbm>>
      %dma_start3A_2445 = arith.constant 0 : i32
      %dma_start3A_2446 = arith.constant 0 : i32
      %dma_start3A_2447 = tpu.memref_slice %arg9[%dma_start3A_2438, %dma_start3A_2445, %dma_start3A_2446] : memref<16x8x64xf32, #tpu.memory_space<vmem>> -> memref<1x8x64xf32, #tpu.memory_space<vmem>>
      %dma_start3A_2448 = tpu.memref_squeeze %dma_start3A_2447 : memref<1x8x64xf32, #tpu.memory_space<vmem>> -> memref<8x64xf32, #tpu.memory_space<vmem>>
      %dma_start3A_2449 = arith.constant 0 : i32
      %dma_start3A_2450 = tpu.memref_slice %arg4[%multiple_of3A_2434, %dma_start3A_2449] : memref<100000x64xf32, #tpu.memory_space<hbm>> -> memref<8x64xf32, #tpu.memory_space<hbm>>
      tpu.enqueue_dma source(%dma_start3A_2450 : memref<8x64xf32, #tpu.memory_space<hbm>>) target(%dma_start3A_2448 : memref<8x64xf32, #tpu.memory_space<vmem>>) target_semaphore(%arg14 : memref<!tpu.dma_semaphore, #tpu.memory_space<semaphore_mem>>)
      %dma_start3A_2451 = arith.constant 5 : i32
      %dma_start3A_2452 = arith.constant 0 : i32
      %dma_start3A_2453 = arith.constant 0 : i32
      %dma_start3A_2454 = tpu.memref_slice %arg10[%dma_start3A_2451, %dma_start3A_2452, %dma_start3A_2453] : memref<16x8x64xf32, #tpu.memory_space<vmem>> -> memref<1x8x64xf32, #tpu.memory_space<vmem>>
      %dma_start3A_2455 = tpu.memref_squeeze %dma_start3A_2454 : memref<1x8x64xf32, #tpu.memory_space<vmem>> -> memref<8x64xf32, #tpu.memory_space<vmem>>
      %dma_start3A_2456 = arith.constant 0 : i32
      %dma_start3A_2457 = tpu.memref_slice %arg5[%multiple_of3A_2437, %dma_start3A_2456] : memref<100001x64xf32, #tpu.memory_space<hbm>> -> memref<8x64xf32, #tpu.memory_space<hbm>>
      %dma_start3A_2458 = arith.constant 0 : i32
      %dma_start3A_2459 = arith.constant 0 : i32
      %dma_start3A_2460 = tpu.memref_slice %arg10[%dma_start3A_2451, %dma_start3A_2458, %dma_start3A_2459] : memref<16x8x64xf32, #tpu.memory_space<vmem>> -> memref<1x8x64xf32, #tpu.memory_space<vmem>>
      %dma_start3A_2461 = tpu.memref_squeeze %dma_start3A_2460 : memref<1x8x64xf32, #tpu.memory_space<vmem>> -> memref<8x64xf32, #tpu.memory_space<vmem>>
      %dma_start3A_2462 = arith.constant 0 : i32
      %dma_start3A_2463 = tpu.memref_slice %arg5[%multiple_of3A_2437, %dma_start3A_2462] : memref<100001x64xf32, #tpu.memory_space<hbm>> -> memref<8x64xf32, #tpu.memory_space<hbm>>
      tpu.enqueue_dma source(%dma_start3A_2463 : memref<8x64xf32, #tpu.memory_space<hbm>>) target(%dma_start3A_2461 : memref<8x64xf32, #tpu.memory_space<vmem>>) target_semaphore(%arg14 : memref<!tpu.dma_semaphore, #tpu.memory_space<semaphore_mem>>)
      %slice3A_2464 = vector.extract_strided_slice %and3A_2266 {offsets = [6], sizes = [1], strides = [1]} : vector<16xi32> to vector<1xi32>
      %squeeze3A_2465 = vector.extract %slice3A_2464[0] : i32 from vector<1xi32>
      %multiple_of3A_2466 = tpu.assume_multiple %squeeze3A_2465, 8 : i32
      %slice3A_2467 = vector.extract_strided_slice %and3A_2271 {offsets = [6], sizes = [1], strides = [1]} : vector<16xi32> to vector<1xi32>
      %squeeze3A_2468 = vector.extract %slice3A_2467[0] : i32 from vector<1xi32>
      %multiple_of3A_2469 = tpu.assume_multiple %squeeze3A_2468, 8 : i32
      %dma_start3A_2470 = arith.constant 6 : i32
      %dma_start3A_2471 = arith.constant 0 : i32
      %dma_start3A_2472 = arith.constant 0 : i32
      %dma_start3A_2473 = tpu.memref_slice %arg9[%dma_start3A_2470, %dma_start3A_2471, %dma_start3A_2472] : memref<16x8x64xf32, #tpu.memory_space<vmem>> -> memref<1x8x64xf32, #tpu.memory_space<vmem>>
      %dma_start3A_2474 = tpu.memref_squeeze %dma_start3A_2473 : memref<1x8x64xf32, #tpu.memory_space<vmem>> -> memref<8x64xf32, #tpu.memory_space<vmem>>
      %dma_start3A_2475 = arith.constant 0 : i32
      %dma_start3A_2476 = tpu.memref_slice %arg4[%multiple_of3A_2466, %dma_start3A_2475] : memref<100000x64xf32, #tpu.memory_space<hbm>> -> memref<8x64xf32, #tpu.memory_space<hbm>>
      %dma_start3A_2477 = arith.constant 0 : i32
      %dma_start3A_2478 = arith.constant 0 : i32
      %dma_start3A_2479 = tpu.memref_slice %arg9[%dma_start3A_2470, %dma_start3A_2477, %dma_start3A_2478] : memref<16x8x64xf32, #tpu.memory_space<vmem>> -> memref<1x8x64xf32, #tpu.memory_space<vmem>>
      %dma_start3A_2480 = tpu.memref_squeeze %dma_start3A_2479 : memref<1x8x64xf32, #tpu.memory_space<vmem>> -> memref<8x64xf32, #tpu.memory_space<vmem>>
      %dma_start3A_2481 = arith.constant 0 : i32
      %dma_start3A_2482 = tpu.memref_slice %arg4[%multiple_of3A_2466, %dma_start3A_2481] : memref<100000x64xf32, #tpu.memory_space<hbm>> -> memref<8x64xf32, #tpu.memory_space<hbm>>
      tpu.enqueue_dma source(%dma_start3A_2482 : memref<8x64xf32, #tpu.memory_space<hbm>>) target(%dma_start3A_2480 : memref<8x64xf32, #tpu.memory_space<vmem>>) target_semaphore(%arg14 : memref<!tpu.dma_semaphore, #tpu.memory_space<semaphore_mem>>)
      %dma_start3A_2483 = arith.constant 6 : i32
      %dma_start3A_2484 = arith.constant 0 : i32
      %dma_start3A_2485 = arith.constant 0 : i32
      %dma_start3A_2486 = tpu.memref_slice %arg10[%dma_start3A_2483, %dma_start3A_2484, %dma_start3A_2485] : memref<16x8x64xf32, #tpu.memory_space<vmem>> -> memref<1x8x64xf32, #tpu.memory_space<vmem>>
      %dma_start3A_2487 = tpu.memref_squeeze %dma_start3A_2486 : memref<1x8x64xf32, #tpu.memory_space<vmem>> -> memref<8x64xf32, #tpu.memory_space<vmem>>
      %dma_start3A_2488 = arith.constant 0 : i32
      %dma_start3A_2489 = tpu.memref_slice %arg5[%multiple_of3A_2469, %dma_start3A_2488] : memref<100001x64xf32, #tpu.memory_space<hbm>> -> memref<8x64xf32, #tpu.memory_space<hbm>>
      %dma_start3A_2490 = arith.constant 0 : i32
      %dma_start3A_2491 = arith.constant 0 : i32
      %dma_start3A_2492 = tpu.memref_slice %arg10[%dma_start3A_2483, %dma_start3A_2490, %dma_start3A_2491] : memref<16x8x64xf32, #tpu.memory_space<vmem>> -> memref<1x8x64xf32, #tpu.memory_space<vmem>>
      %dma_start3A_2493 = tpu.memref_squeeze %dma_start3A_2492 : memref<1x8x64xf32, #tpu.memory_space<vmem>> -> memref<8x64xf32, #tpu.memory_space<vmem>>
      %dma_start3A_2494 = arith.constant 0 : i32
      %dma_start3A_2495 = tpu.memref_slice %arg5[%multiple_of3A_2469, %dma_start3A_2494] : memref<100001x64xf32, #tpu.memory_space<hbm>> -> memref<8x64xf32, #tpu.memory_space<hbm>>
      tpu.enqueue_dma source(%dma_start3A_2495 : memref<8x64xf32, #tpu.memory_space<hbm>>) target(%dma_start3A_2493 : memref<8x64xf32, #tpu.memory_space<vmem>>) target_semaphore(%arg14 : memref<!tpu.dma_semaphore, #tpu.memory_space<semaphore_mem>>)
      %slice3A_2496 = vector.extract_strided_slice %and3A_2266 {offsets = [7], sizes = [1], strides = [1]} : vector<16xi32> to vector<1xi32>
      %squeeze3A_2497 = vector.extract %slice3A_2496[0] : i32 from vector<1xi32>
      %multiple_of3A_2498 = tpu.assume_multiple %squeeze3A_2497, 8 : i32
      %slice3A_2499 = vector.extract_strided_slice %and3A_2271 {offsets = [7], sizes = [1], strides = [1]} : vector<16xi32> to vector<1xi32>
      %squeeze3A_2500 = vector.extract %slice3A_2499[0] : i32 from vector<1xi32>
      %multiple_of3A_2501 = tpu.assume_multiple %squeeze3A_2500, 8 : i32
      %dma_start3A_2502 = arith.constant 7 : i32
      %dma_start3A_2503 = arith.constant 0 : i32
      %dma_start3A_2504 = arith.constant 0 : i32
      %dma_start3A_2505 = tpu.memref_slice %arg9[%dma_start3A_2502, %dma_start3A_2503, %dma_start3A_2504] : memref<16x8x64xf32, #tpu.memory_space<vmem>> -> memref<1x8x64xf32, #tpu.memory_space<vmem>>
      %dma_start3A_2506 = tpu.memref_squeeze %dma_start3A_2505 : memref<1x8x64xf32, #tpu.memory_space<vmem>> -> memref<8x64xf32, #tpu.memory_space<vmem>>
      %dma_start3A_2507 = arith.constant 0 : i32
      %dma_start3A_2508 = tpu.memref_slice %arg4[%multiple_of3A_2498, %dma_start3A_2507] : memref<100000x64xf32, #tpu.memory_space<hbm>> -> memref<8x64xf32, #tpu.memory_space<hbm>>
      %dma_start3A_2509 = arith.constant 0 : i32
      %dma_start3A_2510 = arith.constant 0 : i32
      %dma_start3A_2511 = tpu.memref_slice %arg9[%dma_start3A_2502, %dma_start3A_2509, %dma_start3A_2510] : memref<16x8x64xf32, #tpu.memory_space<vmem>> -> memref<1x8x64xf32, #tpu.memory_space<vmem>>
      %dma_start3A_2512 = tpu.memref_squeeze %dma_start3A_2511 : memref<1x8x64xf32, #tpu.memory_space<vmem>> -> memref<8x64xf32, #tpu.memory_space<vmem>>
      %dma_start3A_2513 = arith.constant 0 : i32
      %dma_start3A_2514 = tpu.memref_slice %arg4[%multiple_of3A_2498, %dma_start3A_2513] : memref<100000x64xf32, #tpu.memory_space<hbm>> -> memref<8x64xf32, #tpu.memory_space<hbm>>
      tpu.enqueue_dma source(%dma_start3A_2514 : memref<8x64xf32, #tpu.memory_space<hbm>>) target(%dma_start3A_2512 : memref<8x64xf32, #tpu.memory_space<vmem>>) target_semaphore(%arg14 : memref<!tpu.dma_semaphore, #tpu.memory_space<semaphore_mem>>)
      %dma_start3A_2515 = arith.constant 7 : i32
      %dma_start3A_2516 = arith.constant 0 : i32
      %dma_start3A_2517 = arith.constant 0 : i32
      %dma_start3A_2518 = tpu.memref_slice %arg10[%dma_start3A_2515, %dma_start3A_2516, %dma_start3A_2517] : memref<16x8x64xf32, #tpu.memory_space<vmem>> -> memref<1x8x64xf32, #tpu.memory_space<vmem>>
      %dma_start3A_2519 = tpu.memref_squeeze %dma_start3A_2518 : memref<1x8x64xf32, #tpu.memory_space<vmem>> -> memref<8x64xf32, #tpu.memory_space<vmem>>
      %dma_start3A_2520 = arith.constant 0 : i32
      %dma_start3A_2521 = tpu.memref_slice %arg5[%multiple_of3A_2501, %dma_start3A_2520] : memref<100001x64xf32, #tpu.memory_space<hbm>> -> memref<8x64xf32, #tpu.memory_space<hbm>>
      %dma_start3A_2522 = arith.constant 0 : i32
      %dma_start3A_2523 = arith.constant 0 : i32
      %dma_start3A_2524 = tpu.memref_slice %arg10[%dma_start3A_2515, %dma_start3A_2522, %dma_start3A_2523] : memref<16x8x64xf32, #tpu.memory_space<vmem>> -> memref<1x8x64xf32, #tpu.memory_space<vmem>>
      %dma_start3A_2525 = tpu.memref_squeeze %dma_start3A_2524 : memref<1x8x64xf32, #tpu.memory_space<vmem>> -> memref<8x64xf32, #tpu.memory_space<vmem>>
      %dma_start3A_2526 = arith.constant 0 : i32
      %dma_start3A_2527 = tpu.memref_slice %arg5[%multiple_of3A_2501, %dma_start3A_2526] : memref<100001x64xf32, #tpu.memory_space<hbm>> -> memref<8x64xf32, #tpu.memory_space<hbm>>
      tpu.enqueue_dma source(%dma_start3A_2527 : memref<8x64xf32, #tpu.memory_space<hbm>>) target(%dma_start3A_2525 : memref<8x64xf32, #tpu.memory_space<vmem>>) target_semaphore(%arg14 : memref<!tpu.dma_semaphore, #tpu.memory_space<semaphore_mem>>)
      %slice3A_2528 = vector.extract_strided_slice %and3A_2266 {offsets = [8], sizes = [1], strides = [1]} : vector<16xi32> to vector<1xi32>
      %squeeze3A_2529 = vector.extract %slice3A_2528[0] : i32 from vector<1xi32>
      %multiple_of3A_2530 = tpu.assume_multiple %squeeze3A_2529, 8 : i32
      %slice3A_2531 = vector.extract_strided_slice %and3A_2271 {offsets = [8], sizes = [1], strides = [1]} : vector<16xi32> to vector<1xi32>
      %squeeze3A_2532 = vector.extract %slice3A_2531[0] : i32 from vector<1xi32>
      %multiple_of3A_2533 = tpu.assume_multiple %squeeze3A_2532, 8 : i32
      %dma_start3A_2534 = arith.constant 8 : i32
      %dma_start3A_2535 = arith.constant 0 : i32
      %dma_start3A_2536 = arith.constant 0 : i32
      %dma_start3A_2537 = tpu.memref_slice %arg9[%dma_start3A_2534, %dma_start3A_2535, %dma_start3A_2536] : memref<16x8x64xf32, #tpu.memory_space<vmem>> -> memref<1x8x64xf32, #tpu.memory_space<vmem>>
      %dma_start3A_2538 = tpu.memref_squeeze %dma_start3A_2537 : memref<1x8x64xf32, #tpu.memory_space<vmem>> -> memref<8x64xf32, #tpu.memory_space<vmem>>
      %dma_start3A_2539 = arith.constant 0 : i32
      %dma_start3A_2540 = tpu.memref_slice %arg4[%multiple_of3A_2530, %dma_start3A_2539] : memref<100000x64xf32, #tpu.memory_space<hbm>> -> memref<8x64xf32, #tpu.memory_space<hbm>>
      %dma_start3A_2541 = arith.constant 0 : i32
      %dma_start3A_2542 = arith.constant 0 : i32
      %dma_start3A_2543 = tpu.memref_slice %arg9[%dma_start3A_2534, %dma_start3A_2541, %dma_start3A_2542] : memref<16x8x64xf32, #tpu.memory_space<vmem>> -> memref<1x8x64xf32, #tpu.memory_space<vmem>>
      %dma_start3A_2544 = tpu.memref_squeeze %dma_start3A_2543 : memref<1x8x64xf32, #tpu.memory_space<vmem>> -> memref<8x64xf32, #tpu.memory_space<vmem>>
      %dma_start3A_2545 = arith.constant 0 : i32
      %dma_start3A_2546 = tpu.memref_slice %arg4[%multiple_of3A_2530, %dma_start3A_2545] : memref<100000x64xf32, #tpu.memory_space<hbm>> -> memref<8x64xf32, #tpu.memory_space<hbm>>
      tpu.enqueue_dma source(%dma_start3A_2546 : memref<8x64xf32, #tpu.memory_space<hbm>>) target(%dma_start3A_2544 : memref<8x64xf32, #tpu.memory_space<vmem>>) target_semaphore(%arg14 : memref<!tpu.dma_semaphore, #tpu.memory_space<semaphore_mem>>)
      %dma_start3A_2547 = arith.constant 8 : i32
      %dma_start3A_2548 = arith.constant 0 : i32
      %dma_start3A_2549 = arith.constant 0 : i32
      %dma_start3A_2550 = tpu.memref_slice %arg10[%dma_start3A_2547, %dma_start3A_2548, %dma_start3A_2549] : memref<16x8x64xf32, #tpu.memory_space<vmem>> -> memref<1x8x64xf32, #tpu.memory_space<vmem>>
      %dma_start3A_2551 = tpu.memref_squeeze %dma_start3A_2550 : memref<1x8x64xf32, #tpu.memory_space<vmem>> -> memref<8x64xf32, #tpu.memory_space<vmem>>
      %dma_start3A_2552 = arith.constant 0 : i32
      %dma_start3A_2553 = tpu.memref_slice %arg5[%multiple_of3A_2533, %dma_start3A_2552] : memref<100001x64xf32, #tpu.memory_space<hbm>> -> memref<8x64xf32, #tpu.memory_space<hbm>>
      %dma_start3A_2554 = arith.constant 0 : i32
      %dma_start3A_2555 = arith.constant 0 : i32
      %dma_start3A_2556 = tpu.memref_slice %arg10[%dma_start3A_2547, %dma_start3A_2554, %dma_start3A_2555] : memref<16x8x64xf32, #tpu.memory_space<vmem>> -> memref<1x8x64xf32, #tpu.memory_space<vmem>>
      %dma_start3A_2557 = tpu.memref_squeeze %dma_start3A_2556 : memref<1x8x64xf32, #tpu.memory_space<vmem>> -> memref<8x64xf32, #tpu.memory_space<vmem>>
      %dma_start3A_2558 = arith.constant 0 : i32
      %dma_start3A_2559 = tpu.memref_slice %arg5[%multiple_of3A_2533, %dma_start3A_2558] : memref<100001x64xf32, #tpu.memory_space<hbm>> -> memref<8x64xf32, #tpu.memory_space<hbm>>
      tpu.enqueue_dma source(%dma_start3A_2559 : memref<8x64xf32, #tpu.memory_space<hbm>>) target(%dma_start3A_2557 : memref<8x64xf32, #tpu.memory_space<vmem>>) target_semaphore(%arg14 : memref<!tpu.dma_semaphore, #tpu.memory_space<semaphore_mem>>)
      %slice3A_2560 = vector.extract_strided_slice %and3A_2266 {offsets = [9], sizes = [1], strides = [1]} : vector<16xi32> to vector<1xi32>
      %squeeze3A_2561 = vector.extract %slice3A_2560[0] : i32 from vector<1xi32>
      %multiple_of3A_2562 = tpu.assume_multiple %squeeze3A_2561, 8 : i32
      %slice3A_2563 = vector.extract_strided_slice %and3A_2271 {offsets = [9], sizes = [1], strides = [1]} : vector<16xi32> to vector<1xi32>
      %squeeze3A_2564 = vector.extract %slice3A_2563[0] : i32 from vector<1xi32>
      %multiple_of3A_2565 = tpu.assume_multiple %squeeze3A_2564, 8 : i32
      %dma_start3A_2566 = arith.constant 9 : i32
      %dma_start3A_2567 = arith.constant 0 : i32
      %dma_start3A_2568 = arith.constant 0 : i32
      %dma_start3A_2569 = tpu.memref_slice %arg9[%dma_start3A_2566, %dma_start3A_2567, %dma_start3A_2568] : memref<16x8x64xf32, #tpu.memory_space<vmem>> -> memref<1x8x64xf32, #tpu.memory_space<vmem>>
      %dma_start3A_2570 = tpu.memref_squeeze %dma_start3A_2569 : memref<1x8x64xf32, #tpu.memory_space<vmem>> -> memref<8x64xf32, #tpu.memory_space<vmem>>
      %dma_start3A_2571 = arith.constant 0 : i32
      %dma_start3A_2572 = tpu.memref_slice %arg4[%multiple_of3A_2562, %dma_start3A_2571] : memref<100000x64xf32, #tpu.memory_space<hbm>> -> memref<8x64xf32, #tpu.memory_space<hbm>>
      %dma_start3A_2573 = arith.constant 0 : i32
      %dma_start3A_2574 = arith.constant 0 : i32
      %dma_start3A_2575 = tpu.memref_slice %arg9[%dma_start3A_2566, %dma_start3A_2573, %dma_start3A_2574] : memref<16x8x64xf32, #tpu.memory_space<vmem>> -> memref<1x8x64xf32, #tpu.memory_space<vmem>>
      %dma_start3A_2576 = tpu.memref_squeeze %dma_start3A_2575 : memref<1x8x64xf32, #tpu.memory_space<vmem>> -> memref<8x64xf32, #tpu.memory_space<vmem>>
      %dma_start3A_2577 = arith.constant 0 : i32
      %dma_start3A_2578 = tpu.memref_slice %arg4[%multiple_of3A_2562, %dma_start3A_2577] : memref<100000x64xf32, #tpu.memory_space<hbm>> -> memref<8x64xf32, #tpu.memory_space<hbm>>
      tpu.enqueue_dma source(%dma_start3A_2578 : memref<8x64xf32, #tpu.memory_space<hbm>>) target(%dma_start3A_2576 : memref<8x64xf32, #tpu.memory_space<vmem>>) target_semaphore(%arg14 : memref<!tpu.dma_semaphore, #tpu.memory_space<semaphore_mem>>)
      %dma_start3A_2579 = arith.constant 9 : i32
      %dma_start3A_2580 = arith.constant 0 : i32
      %dma_start3A_2581 = arith.constant 0 : i32
      %dma_start3A_2582 = tpu.memref_slice %arg10[%dma_start3A_2579, %dma_start3A_2580, %dma_start3A_2581] : memref<16x8x64xf32, #tpu.memory_space<vmem>> -> memref<1x8x64xf32, #tpu.memory_space<vmem>>
      %dma_start3A_2583 = tpu.memref_squeeze %dma_start3A_2582 : memref<1x8x64xf32, #tpu.memory_space<vmem>> -> memref<8x64xf32, #tpu.memory_space<vmem>>
      %dma_start3A_2584 = arith.constant 0 : i32
      %dma_start3A_2585 = tpu.memref_slice %arg5[%multiple_of3A_2565, %dma_start3A_2584] : memref<100001x64xf32, #tpu.memory_space<hbm>> -> memref<8x64xf32, #tpu.memory_space<hbm>>
      %dma_start3A_2586 = arith.constant 0 : i32
      %dma_start3A_2587 = arith.constant 0 : i32
      %dma_start3A_2588 = tpu.memref_slice %arg10[%dma_start3A_2579, %dma_start3A_2586, %dma_start3A_2587] : memref<16x8x64xf32, #tpu.memory_space<vmem>> -> memref<1x8x64xf32, #tpu.memory_space<vmem>>
      %dma_start3A_2589 = tpu.memref_squeeze %dma_start3A_2588 : memref<1x8x64xf32, #tpu.memory_space<vmem>> -> memref<8x64xf32, #tpu.memory_space<vmem>>
      %dma_start3A_2590 = arith.constant 0 : i32
      %dma_start3A_2591 = tpu.memref_slice %arg5[%multiple_of3A_2565, %dma_start3A_2590] : memref<100001x64xf32, #tpu.memory_space<hbm>> -> memref<8x64xf32, #tpu.memory_space<hbm>>
      tpu.enqueue_dma source(%dma_start3A_2591 : memref<8x64xf32, #tpu.memory_space<hbm>>) target(%dma_start3A_2589 : memref<8x64xf32, #tpu.memory_space<vmem>>) target_semaphore(%arg14 : memref<!tpu.dma_semaphore, #tpu.memory_space<semaphore_mem>>)
      %slice3A_2592 = vector.extract_strided_slice %and3A_2266 {offsets = [10], sizes = [1], strides = [1]} : vector<16xi32> to vector<1xi32>
      %squeeze3A_2593 = vector.extract %slice3A_2592[0] : i32 from vector<1xi32>
      %multiple_of3A_2594 = tpu.assume_multiple %squeeze3A_2593, 8 : i32
      %slice3A_2595 = vector.extract_strided_slice %and3A_2271 {offsets = [10], sizes = [1], strides = [1]} : vector<16xi32> to vector<1xi32>
      %squeeze3A_2596 = vector.extract %slice3A_2595[0] : i32 from vector<1xi32>
      %multiple_of3A_2597 = tpu.assume_multiple %squeeze3A_2596, 8 : i32
      %dma_start3A_2598 = arith.constant 10 : i32
      %dma_start3A_2599 = arith.constant 0 : i32
      %dma_start3A_2600 = arith.constant 0 : i32
      %dma_start3A_2601 = tpu.memref_slice %arg9[%dma_start3A_2598, %dma_start3A_2599, %dma_start3A_2600] : memref<16x8x64xf32, #tpu.memory_space<vmem>> -> memref<1x8x64xf32, #tpu.memory_space<vmem>>
      %dma_start3A_2602 = tpu.memref_squeeze %dma_start3A_2601 : memref<1x8x64xf32, #tpu.memory_space<vmem>> -> memref<8x64xf32, #tpu.memory_space<vmem>>
      %dma_start3A_2603 = arith.constant 0 : i32
      %dma_start3A_2604 = tpu.memref_slice %arg4[%multiple_of3A_2594, %dma_start3A_2603] : memref<100000x64xf32, #tpu.memory_space<hbm>> -> memref<8x64xf32, #tpu.memory_space<hbm>>
      %dma_start3A_2605 = arith.constant 0 : i32
      %dma_start3A_2606 = arith.constant 0 : i32
      %dma_start3A_2607 = tpu.memref_slice %arg9[%dma_start3A_2598, %dma_start3A_2605, %dma_start3A_2606] : memref<16x8x64xf32, #tpu.memory_space<vmem>> -> memref<1x8x64xf32, #tpu.memory_space<vmem>>
      %dma_start3A_2608 = tpu.memref_squeeze %dma_start3A_2607 : memref<1x8x64xf32, #tpu.memory_space<vmem>> -> memref<8x64xf32, #tpu.memory_space<vmem>>
      %dma_start3A_2609 = arith.constant 0 : i32
      %dma_start3A_2610 = tpu.memref_slice %arg4[%multiple_of3A_2594, %dma_start3A_2609] : memref<100000x64xf32, #tpu.memory_space<hbm>> -> memref<8x64xf32, #tpu.memory_space<hbm>>
      tpu.enqueue_dma source(%dma_start3A_2610 : memref<8x64xf32, #tpu.memory_space<hbm>>) target(%dma_start3A_2608 : memref<8x64xf32, #tpu.memory_space<vmem>>) target_semaphore(%arg14 : memref<!tpu.dma_semaphore, #tpu.memory_space<semaphore_mem>>)
      %dma_start3A_2611 = arith.constant 10 : i32
      %dma_start3A_2612 = arith.constant 0 : i32
      %dma_start3A_2613 = arith.constant 0 : i32
      %dma_start3A_2614 = tpu.memref_slice %arg10[%dma_start3A_2611, %dma_start3A_2612, %dma_start3A_2613] : memref<16x8x64xf32, #tpu.memory_space<vmem>> -> memref<1x8x64xf32, #tpu.memory_space<vmem>>
      %dma_start3A_2615 = tpu.memref_squeeze %dma_start3A_2614 : memref<1x8x64xf32, #tpu.memory_space<vmem>> -> memref<8x64xf32, #tpu.memory_space<vmem>>
      %dma_start3A_2616 = arith.constant 0 : i32
      %dma_start3A_2617 = tpu.memref_slice %arg5[%multiple_of3A_2597, %dma_start3A_2616] : memref<100001x64xf32, #tpu.memory_space<hbm>> -> memref<8x64xf32, #tpu.memory_space<hbm>>
      %dma_start3A_2618 = arith.constant 0 : i32
      %dma_start3A_2619 = arith.constant 0 : i32
      %dma_start3A_2620 = tpu.memref_slice %arg10[%dma_start3A_2611, %dma_start3A_2618, %dma_start3A_2619] : memref<16x8x64xf32, #tpu.memory_space<vmem>> -> memref<1x8x64xf32, #tpu.memory_space<vmem>>
      %dma_start3A_2621 = tpu.memref_squeeze %dma_start3A_2620 : memref<1x8x64xf32, #tpu.memory_space<vmem>> -> memref<8x64xf32, #tpu.memory_space<vmem>>
      %dma_start3A_2622 = arith.constant 0 : i32
      %dma_start3A_2623 = tpu.memref_slice %arg5[%multiple_of3A_2597, %dma_start3A_2622] : memref<100001x64xf32, #tpu.memory_space<hbm>> -> memref<8x64xf32, #tpu.memory_space<hbm>>
      tpu.enqueue_dma source(%dma_start3A_2623 : memref<8x64xf32, #tpu.memory_space<hbm>>) target(%dma_start3A_2621 : memref<8x64xf32, #tpu.memory_space<vmem>>) target_semaphore(%arg14 : memref<!tpu.dma_semaphore, #tpu.memory_space<semaphore_mem>>)
      %slice3A_2624 = vector.extract_strided_slice %and3A_2266 {offsets = [11], sizes = [1], strides = [1]} : vector<16xi32> to vector<1xi32>
      %squeeze3A_2625 = vector.extract %slice3A_2624[0] : i32 from vector<1xi32>
      %multiple_of3A_2626 = tpu.assume_multiple %squeeze3A_2625, 8 : i32
      %slice3A_2627 = vector.extract_strided_slice %and3A_2271 {offsets = [11], sizes = [1], strides = [1]} : vector<16xi32> to vector<1xi32>
      %squeeze3A_2628 = vector.extract %slice3A_2627[0] : i32 from vector<1xi32>
      %multiple_of3A_2629 = tpu.assume_multiple %squeeze3A_2628, 8 : i32
      %dma_start3A_2630 = arith.constant 11 : i32
      %dma_start3A_2631 = arith.constant 0 : i32
      %dma_start3A_2632 = arith.constant 0 : i32
      %dma_start3A_2633 = tpu.memref_slice %arg9[%dma_start3A_2630, %dma_start3A_2631, %dma_start3A_2632] : memref<16x8x64xf32, #tpu.memory_space<vmem>> -> memref<1x8x64xf32, #tpu.memory_space<vmem>>
      %dma_start3A_2634 = tpu.memref_squeeze %dma_start3A_2633 : memref<1x8x64xf32, #tpu.memory_space<vmem>> -> memref<8x64xf32, #tpu.memory_space<vmem>>
      %dma_start3A_2635 = arith.constant 0 : i32
      %dma_start3A_2636 = tpu.memref_slice %arg4[%multiple_of3A_2626, %dma_start3A_2635] : memref<100000x64xf32, #tpu.memory_space<hbm>> -> memref<8x64xf32, #tpu.memory_space<hbm>>
      %dma_start3A_2637 = arith.constant 0 : i32
      %dma_start3A_2638 = arith.constant 0 : i32
      %dma_start3A_2639 = tpu.memref_slice %arg9[%dma_start3A_2630, %dma_start3A_2637, %dma_start3A_2638] : memref<16x8x64xf32, #tpu.memory_space<vmem>> -> memref<1x8x64xf32, #tpu.memory_space<vmem>>
      %dma_start3A_2640 = tpu.memref_squeeze %dma_start3A_2639 : memref<1x8x64xf32, #tpu.memory_space<vmem>> -> memref<8x64xf32, #tpu.memory_space<vmem>>
      %dma_start3A_2641 = arith.constant 0 : i32
      %dma_start3A_2642 = tpu.memref_slice %arg4[%multiple_of3A_2626, %dma_start3A_2641] : memref<100000x64xf32, #tpu.memory_space<hbm>> -> memref<8x64xf32, #tpu.memory_space<hbm>>
      tpu.enqueue_dma source(%dma_start3A_2642 : memref<8x64xf32, #tpu.memory_space<hbm>>) target(%dma_start3A_2640 : memref<8x64xf32, #tpu.memory_space<vmem>>) target_semaphore(%arg14 : memref<!tpu.dma_semaphore, #tpu.memory_space<semaphore_mem>>)
      %dma_start3A_2643 = arith.constant 11 : i32
      %dma_start3A_2644 = arith.constant 0 : i32
      %dma_start3A_2645 = arith.constant 0 : i32
      %dma_start3A_2646 = tpu.memref_slice %arg10[%dma_start3A_2643, %dma_start3A_2644, %dma_start3A_2645] : memref<16x8x64xf32, #tpu.memory_space<vmem>> -> memref<1x8x64xf32, #tpu.memory_space<vmem>>
      %dma_start3A_2647 = tpu.memref_squeeze %dma_start3A_2646 : memref<1x8x64xf32, #tpu.memory_space<vmem>> -> memref<8x64xf32, #tpu.memory_space<vmem>>
      %dma_start3A_2648 = arith.constant 0 : i32
      %dma_start3A_2649 = tpu.memref_slice %arg5[%multiple_of3A_2629, %dma_start3A_2648] : memref<100001x64xf32, #tpu.memory_space<hbm>> -> memref<8x64xf32, #tpu.memory_space<hbm>>
      %dma_start3A_2650 = arith.constant 0 : i32
      %dma_start3A_2651 = arith.constant 0 : i32
      %dma_start3A_2652 = tpu.memref_slice %arg10[%dma_start3A_2643, %dma_start3A_2650, %dma_start3A_2651] : memref<16x8x64xf32, #tpu.memory_space<vmem>> -> memref<1x8x64xf32, #tpu.memory_space<vmem>>
      %dma_start3A_2653 = tpu.memref_squeeze %dma_start3A_2652 : memref<1x8x64xf32, #tpu.memory_space<vmem>> -> memref<8x64xf32, #tpu.memory_space<vmem>>
      %dma_start3A_2654 = arith.constant 0 : i32
      %dma_start3A_2655 = tpu.memref_slice %arg5[%multiple_of3A_2629, %dma_start3A_2654] : memref<100001x64xf32, #tpu.memory_space<hbm>> -> memref<8x64xf32, #tpu.memory_space<hbm>>
      tpu.enqueue_dma source(%dma_start3A_2655 : memref<8x64xf32, #tpu.memory_space<hbm>>) target(%dma_start3A_2653 : memref<8x64xf32, #tpu.memory_space<vmem>>) target_semaphore(%arg14 : memref<!tpu.dma_semaphore, #tpu.memory_space<semaphore_mem>>)
      %slice3A_2656 = vector.extract_strided_slice %and3A_2266 {offsets = [12], sizes = [1], strides = [1]} : vector<16xi32> to vector<1xi32>
      %squeeze3A_2657 = vector.extract %slice3A_2656[0] : i32 from vector<1xi32>
      %multiple_of3A_2658 = tpu.assume_multiple %squeeze3A_2657, 8 : i32
      %slice3A_2659 = vector.extract_strided_slice %and3A_2271 {offsets = [12], sizes = [1], strides = [1]} : vector<16xi32> to vector<1xi32>
      %squeeze3A_2660 = vector.extract %slice3A_2659[0] : i32 from vector<1xi32>
      %multiple_of3A_2661 = tpu.assume_multiple %squeeze3A_2660, 8 : i32
      %dma_start3A_2662 = arith.constant 12 : i32
      %dma_start3A_2663 = arith.constant 0 : i32
      %dma_start3A_2664 = arith.constant 0 : i32
      %dma_start3A_2665 = tpu.memref_slice %arg9[%dma_start3A_2662, %dma_start3A_2663, %dma_start3A_2664] : memref<16x8x64xf32, #tpu.memory_space<vmem>> -> memref<1x8x64xf32, #tpu.memory_space<vmem>>
      %dma_start3A_2666 = tpu.memref_squeeze %dma_start3A_2665 : memref<1x8x64xf32, #tpu.memory_space<vmem>> -> memref<8x64xf32, #tpu.memory_space<vmem>>
      %dma_start3A_2667 = arith.constant 0 : i32
      %dma_start3A_2668 = tpu.memref_slice %arg4[%multiple_of3A_2658, %dma_start3A_2667] : memref<100000x64xf32, #tpu.memory_space<hbm>> -> memref<8x64xf32, #tpu.memory_space<hbm>>
      %dma_start3A_2669 = arith.constant 0 : i32
      %dma_start3A_2670 = arith.constant 0 : i32
      %dma_start3A_2671 = tpu.memref_slice %arg9[%dma_start3A_2662, %dma_start3A_2669, %dma_start3A_2670] : memref<16x8x64xf32, #tpu.memory_space<vmem>> -> memref<1x8x64xf32, #tpu.memory_space<vmem>>
      %dma_start3A_2672 = tpu.memref_squeeze %dma_start3A_2671 : memref<1x8x64xf32, #tpu.memory_space<vmem>> -> memref<8x64xf32, #tpu.memory_space<vmem>>
      %dma_start3A_2673 = arith.constant 0 : i32
      %dma_start3A_2674 = tpu.memref_slice %arg4[%multiple_of3A_2658, %dma_start3A_2673] : memref<100000x64xf32, #tpu.memory_space<hbm>> -> memref<8x64xf32, #tpu.memory_space<hbm>>
      tpu.enqueue_dma source(%dma_start3A_2674 : memref<8x64xf32, #tpu.memory_space<hbm>>) target(%dma_start3A_2672 : memref<8x64xf32, #tpu.memory_space<vmem>>) target_semaphore(%arg14 : memref<!tpu.dma_semaphore, #tpu.memory_space<semaphore_mem>>)
      %dma_start3A_2675 = arith.constant 12 : i32
      %dma_start3A_2676 = arith.constant 0 : i32
      %dma_start3A_2677 = arith.constant 0 : i32
      %dma_start3A_2678 = tpu.memref_slice %arg10[%dma_start3A_2675, %dma_start3A_2676, %dma_start3A_2677] : memref<16x8x64xf32, #tpu.memory_space<vmem>> -> memref<1x8x64xf32, #tpu.memory_space<vmem>>
      %dma_start3A_2679 = tpu.memref_squeeze %dma_start3A_2678 : memref<1x8x64xf32, #tpu.memory_space<vmem>> -> memref<8x64xf32, #tpu.memory_space<vmem>>
      %dma_start3A_2680 = arith.constant 0 : i32
      %dma_start3A_2681 = tpu.memref_slice %arg5[%multiple_of3A_2661, %dma_start3A_2680] : memref<100001x64xf32, #tpu.memory_space<hbm>> -> memref<8x64xf32, #tpu.memory_space<hbm>>
      %dma_start3A_2682 = arith.constant 0 : i32
      %dma_start3A_2683 = arith.constant 0 : i32
      %dma_start3A_2684 = tpu.memref_slice %arg10[%dma_start3A_2675, %dma_start3A_2682, %dma_start3A_2683] : memref<16x8x64xf32, #tpu.memory_space<vmem>> -> memref<1x8x64xf32, #tpu.memory_space<vmem>>
      %dma_start3A_2685 = tpu.memref_squeeze %dma_start3A_2684 : memref<1x8x64xf32, #tpu.memory_space<vmem>> -> memref<8x64xf32, #tpu.memory_space<vmem>>
      %dma_start3A_2686 = arith.constant 0 : i32
      %dma_start3A_2687 = tpu.memref_slice %arg5[%multiple_of3A_2661, %dma_start3A_2686] : memref<100001x64xf32, #tpu.memory_space<hbm>> -> memref<8x64xf32, #tpu.memory_space<hbm>>
      tpu.enqueue_dma source(%dma_start3A_2687 : memref<8x64xf32, #tpu.memory_space<hbm>>) target(%dma_start3A_2685 : memref<8x64xf32, #tpu.memory_space<vmem>>) target_semaphore(%arg14 : memref<!tpu.dma_semaphore, #tpu.memory_space<semaphore_mem>>)
      %slice3A_2688 = vector.extract_strided_slice %and3A_2266 {offsets = [13], sizes = [1], strides = [1]} : vector<16xi32> to vector<1xi32>
      %squeeze3A_2689 = vector.extract %slice3A_2688[0] : i32 from vector<1xi32>
      %multiple_of3A_2690 = tpu.assume_multiple %squeeze3A_2689, 8 : i32
      %slice3A_2691 = vector.extract_strided_slice %and3A_2271 {offsets = [13], sizes = [1], strides = [1]} : vector<16xi32> to vector<1xi32>
      %squeeze3A_2692 = vector.extract %slice3A_2691[0] : i32 from vector<1xi32>
      %multiple_of3A_2693 = tpu.assume_multiple %squeeze3A_2692, 8 : i32
      %dma_start3A_2694 = arith.constant 13 : i32
      %dma_start3A_2695 = arith.constant 0 : i32
      %dma_start3A_2696 = arith.constant 0 : i32
      %dma_start3A_2697 = tpu.memref_slice %arg9[%dma_start3A_2694, %dma_start3A_2695, %dma_start3A_2696] : memref<16x8x64xf32, #tpu.memory_space<vmem>> -> memref<1x8x64xf32, #tpu.memory_space<vmem>>
      %dma_start3A_2698 = tpu.memref_squeeze %dma_start3A_2697 : memref<1x8x64xf32, #tpu.memory_space<vmem>> -> memref<8x64xf32, #tpu.memory_space<vmem>>
      %dma_start3A_2699 = arith.constant 0 : i32
      %dma_start3A_2700 = tpu.memref_slice %arg4[%multiple_of3A_2690, %dma_start3A_2699] : memref<100000x64xf32, #tpu.memory_space<hbm>> -> memref<8x64xf32, #tpu.memory_space<hbm>>
      %dma_start3A_2701 = arith.constant 0 : i32
      %dma_start3A_2702 = arith.constant 0 : i32
      %dma_start3A_2703 = tpu.memref_slice %arg9[%dma_start3A_2694, %dma_start3A_2701, %dma_start3A_2702] : memref<16x8x64xf32, #tpu.memory_space<vmem>> -> memref<1x8x64xf32, #tpu.memory_space<vmem>>
      %dma_start3A_2704 = tpu.memref_squeeze %dma_start3A_2703 : memref<1x8x64xf32, #tpu.memory_space<vmem>> -> memref<8x64xf32, #tpu.memory_space<vmem>>
      %dma_start3A_2705 = arith.constant 0 : i32
      %dma_start3A_2706 = tpu.memref_slice %arg4[%multiple_of3A_2690, %dma_start3A_2705] : memref<100000x64xf32, #tpu.memory_space<hbm>> -> memref<8x64xf32, #tpu.memory_space<hbm>>
      tpu.enqueue_dma source(%dma_start3A_2706 : memref<8x64xf32, #tpu.memory_space<hbm>>) target(%dma_start3A_2704 : memref<8x64xf32, #tpu.memory_space<vmem>>) target_semaphore(%arg14 : memref<!tpu.dma_semaphore, #tpu.memory_space<semaphore_mem>>)
      %dma_start3A_2707 = arith.constant 13 : i32
      %dma_start3A_2708 = arith.constant 0 : i32
      %dma_start3A_2709 = arith.constant 0 : i32
      %dma_start3A_2710 = tpu.memref_slice %arg10[%dma_start3A_2707, %dma_start3A_2708, %dma_start3A_2709] : memref<16x8x64xf32, #tpu.memory_space<vmem>> -> memref<1x8x64xf32, #tpu.memory_space<vmem>>
      %dma_start3A_2711 = tpu.memref_squeeze %dma_start3A_2710 : memref<1x8x64xf32, #tpu.memory_space<vmem>> -> memref<8x64xf32, #tpu.memory_space<vmem>>
      %dma_start3A_2712 = arith.constant 0 : i32
      %dma_start3A_2713 = tpu.memref_slice %arg5[%multiple_of3A_2693, %dma_start3A_2712] : memref<100001x64xf32, #tpu.memory_space<hbm>> -> memref<8x64xf32, #tpu.memory_space<hbm>>
      %dma_start3A_2714 = arith.constant 0 : i32
      %dma_start3A_2715 = arith.constant 0 : i32
      %dma_start3A_2716 = tpu.memref_slice %arg10[%dma_start3A_2707, %dma_start3A_2714, %dma_start3A_2715] : memref<16x8x64xf32, #tpu.memory_space<vmem>> -> memref<1x8x64xf32, #tpu.memory_space<vmem>>
      %dma_start3A_2717 = tpu.memref_squeeze %dma_start3A_2716 : memref<1x8x64xf32, #tpu.memory_space<vmem>> -> memref<8x64xf32, #tpu.memory_space<vmem>>
      %dma_start3A_2718 = arith.constant 0 : i32
      %dma_start3A_2719 = tpu.memref_slice %arg5[%multiple_of3A_2693, %dma_start3A_2718] : memref<100001x64xf32, #tpu.memory_space<hbm>> -> memref<8x64xf32, #tpu.memory_space<hbm>>
      tpu.enqueue_dma source(%dma_start3A_2719 : memref<8x64xf32, #tpu.memory_space<hbm>>) target(%dma_start3A_2717 : memref<8x64xf32, #tpu.memory_space<vmem>>) target_semaphore(%arg14 : memref<!tpu.dma_semaphore, #tpu.memory_space<semaphore_mem>>)
      %slice3A_2720 = vector.extract_strided_slice %and3A_2266 {offsets = [14], sizes = [1], strides = [1]} : vector<16xi32> to vector<1xi32>
      %squeeze3A_2721 = vector.extract %slice3A_2720[0] : i32 from vector<1xi32>
      %multiple_of3A_2722 = tpu.assume_multiple %squeeze3A_2721, 8 : i32
      %slice3A_2723 = vector.extract_strided_slice %and3A_2271 {offsets = [14], sizes = [1], strides = [1]} : vector<16xi32> to vector<1xi32>
      %squeeze3A_2724 = vector.extract %slice3A_2723[0] : i32 from vector<1xi32>
      %multiple_of3A_2725 = tpu.assume_multiple %squeeze3A_2724, 8 : i32
      %dma_start3A_2726 = arith.constant 14 : i32
      %dma_start3A_2727 = arith.constant 0 : i32
      %dma_start3A_2728 = arith.constant 0 : i32
      %dma_start3A_2729 = tpu.memref_slice %arg9[%dma_start3A_2726, %dma_start3A_2727, %dma_start3A_2728] : memref<16x8x64xf32, #tpu.memory_space<vmem>> -> memref<1x8x64xf32, #tpu.memory_space<vmem>>
      %dma_start3A_2730 = tpu.memref_squeeze %dma_start3A_2729 : memref<1x8x64xf32, #tpu.memory_space<vmem>> -> memref<8x64xf32, #tpu.memory_space<vmem>>
      %dma_start3A_2731 = arith.constant 0 : i32
      %dma_start3A_2732 = tpu.memref_slice %arg4[%multiple_of3A_2722, %dma_start3A_2731] : memref<100000x64xf32, #tpu.memory_space<hbm>> -> memref<8x64xf32, #tpu.memory_space<hbm>>
      %dma_start3A_2733 = arith.constant 0 : i32
      %dma_start3A_2734 = arith.constant 0 : i32
      %dma_start3A_2735 = tpu.memref_slice %arg9[%dma_start3A_2726, %dma_start3A_2733, %dma_start3A_2734] : memref<16x8x64xf32, #tpu.memory_space<vmem>> -> memref<1x8x64xf32, #tpu.memory_space<vmem>>
      %dma_start3A_2736 = tpu.memref_squeeze %dma_start3A_2735 : memref<1x8x64xf32, #tpu.memory_space<vmem>> -> memref<8x64xf32, #tpu.memory_space<vmem>>
      %dma_start3A_2737 = arith.constant 0 : i32
      %dma_start3A_2738 = tpu.memref_slice %arg4[%multiple_of3A_2722, %dma_start3A_2737] : memref<100000x64xf32, #tpu.memory_space<hbm>> -> memref<8x64xf32, #tpu.memory_space<hbm>>
      tpu.enqueue_dma source(%dma_start3A_2738 : memref<8x64xf32, #tpu.memory_space<hbm>>) target(%dma_start3A_2736 : memref<8x64xf32, #tpu.memory_space<vmem>>) target_semaphore(%arg14 : memref<!tpu.dma_semaphore, #tpu.memory_space<semaphore_mem>>)
      %dma_start3A_2739 = arith.constant 14 : i32
      %dma_start3A_2740 = arith.constant 0 : i32
      %dma_start3A_2741 = arith.constant 0 : i32
      %dma_start3A_2742 = tpu.memref_slice %arg10[%dma_start3A_2739, %dma_start3A_2740, %dma_start3A_2741] : memref<16x8x64xf32, #tpu.memory_space<vmem>> -> memref<1x8x64xf32, #tpu.memory_space<vmem>>
      %dma_start3A_2743 = tpu.memref_squeeze %dma_start3A_2742 : memref<1x8x64xf32, #tpu.memory_space<vmem>> -> memref<8x64xf32, #tpu.memory_space<vmem>>
      %dma_start3A_2744 = arith.constant 0 : i32
      %dma_start3A_2745 = tpu.memref_slice %arg5[%multiple_of3A_2725, %dma_start3A_2744] : memref<100001x64xf32, #tpu.memory_space<hbm>> -> memref<8x64xf32, #tpu.memory_space<hbm>>
      %dma_start3A_2746 = arith.constant 0 : i32
      %dma_start3A_2747 = arith.constant 0 : i32
      %dma_start3A_2748 = tpu.memref_slice %arg10[%dma_start3A_2739, %dma_start3A_2746, %dma_start3A_2747] : memref<16x8x64xf32, #tpu.memory_space<vmem>> -> memref<1x8x64xf32, #tpu.memory_space<vmem>>
      %dma_start3A_2749 = tpu.memref_squeeze %dma_start3A_2748 : memref<1x8x64xf32, #tpu.memory_space<vmem>> -> memref<8x64xf32, #tpu.memory_space<vmem>>
      %dma_start3A_2750 = arith.constant 0 : i32
      %dma_start3A_2751 = tpu.memref_slice %arg5[%multiple_of3A_2725, %dma_start3A_2750] : memref<100001x64xf32, #tpu.memory_space<hbm>> -> memref<8x64xf32, #tpu.memory_space<hbm>>
      tpu.enqueue_dma source(%dma_start3A_2751 : memref<8x64xf32, #tpu.memory_space<hbm>>) target(%dma_start3A_2749 : memref<8x64xf32, #tpu.memory_space<vmem>>) target_semaphore(%arg14 : memref<!tpu.dma_semaphore, #tpu.memory_space<semaphore_mem>>)
      %slice3A_2752 = vector.extract_strided_slice %and3A_2266 {offsets = [15], sizes = [1], strides = [1]} : vector<16xi32> to vector<1xi32>
      %squeeze3A_2753 = vector.extract %slice3A_2752[0] : i32 from vector<1xi32>
      %multiple_of3A_2754 = tpu.assume_multiple %squeeze3A_2753, 8 : i32
      %slice3A_2755 = vector.extract_strided_slice %and3A_2271 {offsets = [15], sizes = [1], strides = [1]} : vector<16xi32> to vector<1xi32>
      %squeeze3A_2756 = vector.extract %slice3A_2755[0] : i32 from vector<1xi32>
      %multiple_of3A_2757 = tpu.assume_multiple %squeeze3A_2756, 8 : i32
      %dma_start3A_2758 = arith.constant 15 : i32
      %dma_start3A_2759 = arith.constant 0 : i32
      %dma_start3A_2760 = arith.constant 0 : i32
      %dma_start3A_2761 = tpu.memref_slice %arg9[%dma_start3A_2758, %dma_start3A_2759, %dma_start3A_2760] : memref<16x8x64xf32, #tpu.memory_space<vmem>> -> memref<1x8x64xf32, #tpu.memory_space<vmem>>
      %dma_start3A_2762 = tpu.memref_squeeze %dma_start3A_2761 : memref<1x8x64xf32, #tpu.memory_space<vmem>> -> memref<8x64xf32, #tpu.memory_space<vmem>>
      %dma_start3A_2763 = arith.constant 0 : i32
      %dma_start3A_2764 = tpu.memref_slice %arg4[%multiple_of3A_2754, %dma_start3A_2763] : memref<100000x64xf32, #tpu.memory_space<hbm>> -> memref<8x64xf32, #tpu.memory_space<hbm>>
      %dma_start3A_2765 = arith.constant 0 : i32
      %dma_start3A_2766 = arith.constant 0 : i32
      %dma_start3A_2767 = tpu.memref_slice %arg9[%dma_start3A_2758, %dma_start3A_2765, %dma_start3A_2766] : memref<16x8x64xf32, #tpu.memory_space<vmem>> -> memref<1x8x64xf32, #tpu.memory_space<vmem>>
      %dma_start3A_2768 = tpu.memref_squeeze %dma_start3A_2767 : memref<1x8x64xf32, #tpu.memory_space<vmem>> -> memref<8x64xf32, #tpu.memory_space<vmem>>
      %dma_start3A_2769 = arith.constant 0 : i32
      %dma_start3A_2770 = tpu.memref_slice %arg4[%multiple_of3A_2754, %dma_start3A_2769] : memref<100000x64xf32, #tpu.memory_space<hbm>> -> memref<8x64xf32, #tpu.memory_space<hbm>>
      tpu.enqueue_dma source(%dma_start3A_2770 : memref<8x64xf32, #tpu.memory_space<hbm>>) target(%dma_start3A_2768 : memref<8x64xf32, #tpu.memory_space<vmem>>) target_semaphore(%arg14 : memref<!tpu.dma_semaphore, #tpu.memory_space<semaphore_mem>>)
      %dma_start3A_2771 = arith.constant 15 : i32
      %dma_start3A_2772 = arith.constant 0 : i32
      %dma_start3A_2773 = arith.constant 0 : i32
      %dma_start3A_2774 = tpu.memref_slice %arg10[%dma_start3A_2771, %dma_start3A_2772, %dma_start3A_2773] : memref<16x8x64xf32, #tpu.memory_space<vmem>> -> memref<1x8x64xf32, #tpu.memory_space<vmem>>
      %dma_start3A_2775 = tpu.memref_squeeze %dma_start3A_2774 : memref<1x8x64xf32, #tpu.memory_space<vmem>> -> memref<8x64xf32, #tpu.memory_space<vmem>>
      %dma_start3A_2776 = arith.constant 0 : i32
      %dma_start3A_2777 = tpu.memref_slice %arg5[%multiple_of3A_2757, %dma_start3A_2776] : memref<100001x64xf32, #tpu.memory_space<hbm>> -> memref<8x64xf32, #tpu.memory_space<hbm>>
      %dma_start3A_2778 = arith.constant 0 : i32
      %dma_start3A_2779 = arith.constant 0 : i32
      %dma_start3A_2780 = tpu.memref_slice %arg10[%dma_start3A_2771, %dma_start3A_2778, %dma_start3A_2779] : memref<16x8x64xf32, #tpu.memory_space<vmem>> -> memref<1x8x64xf32, #tpu.memory_space<vmem>>
      %dma_start3A_2781 = tpu.memref_squeeze %dma_start3A_2780 : memref<1x8x64xf32, #tpu.memory_space<vmem>> -> memref<8x64xf32, #tpu.memory_space<vmem>>
      %dma_start3A_2782 = arith.constant 0 : i32
      %dma_start3A_2783 = tpu.memref_slice %arg5[%multiple_of3A_2757, %dma_start3A_2782] : memref<100001x64xf32, #tpu.memory_space<hbm>> -> memref<8x64xf32, #tpu.memory_space<hbm>>
      tpu.enqueue_dma source(%dma_start3A_2783 : memref<8x64xf32, #tpu.memory_space<hbm>>) target(%dma_start3A_2781 : memref<8x64xf32, #tpu.memory_space<vmem>>) target_semaphore(%arg14 : memref<!tpu.dma_semaphore, #tpu.memory_space<semaphore_mem>>)
      %dma_wait3A_2784 = tpu.memref_reshape %arg4 : memref<100000x64xf32, #tpu.memory_space<hbm>> -> memref<12500x8x64xf32, #tpu.memory_space<hbm>>
      %dma_wait3A_2785 = arith.constant 0 : i32
      %dma_wait3A_2786 = arith.constant 0 : i32
      %dma_wait3A_2787 = arith.constant 0 : i32
      %dma_wait3A_2788 = tpu.memref_slice %dma_wait3A_2784[%dma_wait3A_2785, %dma_wait3A_2786, %dma_wait3A_2787] : memref<12500x8x64xf32, #tpu.memory_space<hbm>> -> memref<16x8x64xf32, #tpu.memory_space<hbm>>
      %dma_wait3A_2789 = tpu.memref_reshape %arg4 : memref<100000x64xf32, #tpu.memory_space<hbm>> -> memref<12500x8x64xf32, #tpu.memory_space<hbm>>
      %dma_wait3A_2790 = arith.constant 0 : i32
      %dma_wait3A_2791 = arith.constant 0 : i32
      %dma_wait3A_2792 = arith.constant 0 : i32
      %dma_wait3A_2793 = tpu.memref_slice %dma_wait3A_2789[%dma_wait3A_2790, %dma_wait3A_2791, %dma_wait3A_2792] : memref<12500x8x64xf32, #tpu.memory_space<hbm>> -> memref<16x8x64xf32, #tpu.memory_space<hbm>>
      tpu.wait_dma2 semaphore(%arg14 : memref<!tpu.dma_semaphore, #tpu.memory_space<semaphore_mem>>) src(%dma_wait3A_2793 : memref<16x8x64xf32, #tpu.memory_space<hbm>>) dst(%arg11 : memref<16x8x64xf32, #tpu.memory_space<vmem>>)
      %dma_wait3A_2794 = tpu.memref_reshape %arg4 : memref<100000x64xf32, #tpu.memory_space<hbm>> -> memref<12500x8x64xf32, #tpu.memory_space<hbm>>
      %dma_wait3A_2795 = arith.constant 0 : i32
      %dma_wait3A_2796 = arith.constant 0 : i32
      %dma_wait3A_2797 = arith.constant 0 : i32
      %dma_wait3A_2798 = tpu.memref_slice %dma_wait3A_2794[%dma_wait3A_2795, %dma_wait3A_2796, %dma_wait3A_2797] : memref<12500x8x64xf32, #tpu.memory_space<hbm>> -> memref<16x8x64xf32, #tpu.memory_space<hbm>>
      %dma_wait3A_2799 = tpu.memref_reshape %arg4 : memref<100000x64xf32, #tpu.memory_space<hbm>> -> memref<12500x8x64xf32, #tpu.memory_space<hbm>>
      %dma_wait3A_2800 = arith.constant 0 : i32
      %dma_wait3A_2801 = arith.constant 0 : i32
      %dma_wait3A_2802 = arith.constant 0 : i32
      %dma_wait3A_2803 = tpu.memref_slice %dma_wait3A_2799[%dma_wait3A_2800, %dma_wait3A_2801, %dma_wait3A_2802] : memref<12500x8x64xf32, #tpu.memory_space<hbm>> -> memref<16x8x64xf32, #tpu.memory_space<hbm>>
      tpu.wait_dma2 semaphore(%arg14 : memref<!tpu.dma_semaphore, #tpu.memory_space<semaphore_mem>>) src(%dma_wait3A_2803 : memref<16x8x64xf32, #tpu.memory_space<hbm>>) dst(%arg12 : memref<16x8x64xf32, #tpu.memory_space<vmem>>)
      %mul3A_2804 = arith.constant 16 : i32
      %mul3A_2805 = arith.muli %add3A_558, %mul3A_2804 : i32
      %add3A_2806 = arith.constant 0 : i32
      %add3A_2807 = arith.addi %mul3A_2805, %add3A_2806 : i32
      %get3A_2808 = arith.index_cast %add3A_2807 : i32 to index
      %get3A_2809 = tpu.vector_load %arg7[%get3A_2808] {strides = array<i32>} : memref<512xi32, #tpu.memory_space<vmem>>, vector<16xi32>,
      %and3A_2810 = arith.constant 7 : i32
      %and3A_2811 = vector.broadcast %and3A_2810 : i32 to vector<16xi32>
      %and3A_2812 = arith.andi %get3A_2809, %and3A_2811 : vector<16xi32>
      %get3A_2813 = arith.index_cast %add3A_2807 : i32 to index
      %get3A_2814 = tpu.vector_load %arg8[%get3A_2813] {strides = array<i32>} : memref<512xi32, #tpu.memory_space<vmem>>, vector<16xi32>,
      %and3A_2815 = arith.constant 7 : i32
      %and3A_2816 = vector.broadcast %and3A_2815 : i32 to vector<16xi32>
      %and3A_2817 = arith.andi %get3A_2814, %and3A_2816 : vector<16xi32>
      %broadcast_in_dim3A_2818 = arith.constant 0.000000e+00 : f32
      %broadcast_in_dim3A_2819 = vector.broadcast %broadcast_in_dim3A_2818 : f32 to vector<16xf32>
      %slice3A_2820 = vector.extract_strided_slice %and3A_2812 {offsets = [0], sizes = [1], strides = [1]} : vector<16xi32> to vector<1xi32>
      %squeeze3A_2821 = vector.extract %slice3A_2820[0] : i32 from vector<1xi32>
      %slice3A_2822 = vector.extract_strided_slice %and3A_2817 {offsets = [0], sizes = [1], strides = [1]} : vector<16xi32> to vector<1xi32>
      %squeeze3A_2823 = vector.extract %slice3A_2822[0] : i32 from vector<1xi32>
      %get3A_2824 = arith.constant 0 : i32
      %get3A_2825 = arith.index_cast %get3A_2824 : i32 to index
      %get3A_2826 = arith.index_cast %squeeze3A_2821 : i32 to index
      %get3A_2827 = arith.constant 0 : index
      %get3A_2828 = tpu.vector_load %arg11[%get3A_2825, %get3A_2826, %get3A_2827] {strides = array<i32>} : memref<16x8x64xf32, #tpu.memory_space<vmem>>, vector<16xf32>,
      %get3A_2829 = arith.constant 0 : i32
      %get3A_2830 = arith.index_cast %get3A_2829 : i32 to index
      %get3A_2831 = arith.index_cast %squeeze3A_2823 : i32 to index
      %get3A_2832 = arith.constant 0 : index
      %get3A_2833 = tpu.vector_load %arg12[%get3A_2830, %get3A_2831, %get3A_2832] {strides = array<i32>} : memref<16x8x64xf32, #tpu.memory_space<vmem>>, vector<16xf32>,
      %mul3A_2834 = arith.mulf %get3A_2828, %get3A_2833 : vector<16xf32>
      %get3A_2835 = arith.constant 0 : i32
      %get3A_2836 = arith.index_cast %get3A_2835 : i32 to index
      %get3A_2837 = arith.index_cast %squeeze3A_2821 : i32 to index
      %get3A_2838 = arith.constant 16 : index
      %get3A_2839 = tpu.vector_load %arg11[%get3A_2836, %get3A_2837, %get3A_2838] {strides = array<i32>} : memref<16x8x64xf32, #tpu.memory_space<vmem>>, vector<16xf32>,
      %get3A_2840 = arith.constant 0 : i32
      %get3A_2841 = arith.index_cast %get3A_2840 : i32 to index
      %get3A_2842 = arith.index_cast %squeeze3A_2823 : i32 to index
      %get3A_2843 = arith.constant 16 : index
      %get3A_2844 = tpu.vector_load %arg12[%get3A_2841, %get3A_2842, %get3A_2843] {strides = array<i32>} : memref<16x8x64xf32, #tpu.memory_space<vmem>>, vector<16xf32>,
      %mul3A_2845 = arith.mulf %get3A_2839, %get3A_2844 : vector<16xf32>
      %add3A_2846 = arith.addf %mul3A_2834, %mul3A_2845 : vector<16xf32>
      %get3A_2847 = arith.constant 0 : i32
      %get3A_2848 = arith.index_cast %get3A_2847 : i32 to index
      %get3A_2849 = arith.index_cast %squeeze3A_2821 : i32 to index
      %get3A_2850 = arith.constant 32 : index
      %get3A_2851 = tpu.vector_load %arg11[%get3A_2848, %get3A_2849, %get3A_2850] {strides = array<i32>} : memref<16x8x64xf32, #tpu.memory_space<vmem>>, vector<16xf32>,
      %get3A_2852 = arith.constant 0 : i32
      %get3A_2853 = arith.index_cast %get3A_2852 : i32 to index
      %get3A_2854 = arith.index_cast %squeeze3A_2823 : i32 to index
      %get3A_2855 = arith.constant 32 : index
      %get3A_2856 = tpu.vector_load %arg12[%get3A_2853, %get3A_2854, %get3A_2855] {strides = array<i32>} : memref<16x8x64xf32, #tpu.memory_space<vmem>>, vector<16xf32>,
      %mul3A_2857 = arith.mulf %get3A_2851, %get3A_2856 : vector<16xf32>
      %add3A_2858 = arith.addf %add3A_2846, %mul3A_2857 : vector<16xf32>
      %get3A_2859 = arith.constant 0 : i32
      %get3A_2860 = arith.index_cast %get3A_2859 : i32 to index
      %get3A_2861 = arith.index_cast %squeeze3A_2821 : i32 to index
      %get3A_2862 = arith.constant 48 : index
      %get3A_2863 = tpu.vector_load %arg11[%get3A_2860, %get3A_2861, %get3A_2862] {strides = array<i32>} : memref<16x8x64xf32, #tpu.memory_space<vmem>>, vector<16xf32>,
      %get3A_2864 = arith.constant 0 : i32
      %get3A_2865 = arith.index_cast %get3A_2864 : i32 to index
      %get3A_2866 = arith.index_cast %squeeze3A_2823 : i32 to index
      %get3A_2867 = arith.constant 48 : index
      %get3A_2868 = tpu.vector_load %arg12[%get3A_2865, %get3A_2866, %get3A_2867] {strides = array<i32>} : memref<16x8x64xf32, #tpu.memory_space<vmem>>, vector<16xf32>,
      %mul3A_2869 = arith.mulf %get3A_2863, %get3A_2868 : vector<16xf32>
      %add3A_2870 = arith.addf %add3A_2858, %mul3A_2869 : vector<16xf32>
      %reshape3A_2871 = vector.shape_cast %xor3A_4 : vector<16xi32> to vector<16x1xi32>
      %gather3A_2872 = vector.shape_cast %reshape3A_2871 : vector<16x1xi32> to vector<16xi32>
      %gather3A_2873 = tpu.dynamic_gather %add3A_2870[%gather3A_2872] in [0] : vector<16xf32>, vector<16xi32> -> vector<16xf32>
      %add3A_2874 = arith.addf %add3A_2870, %gather3A_2873 : vector<16xf32>
      %reshape3A_2875 = vector.shape_cast %xor3A_7 : vector<16xi32> to vector<16x1xi32>
      %gather3A_2876 = vector.shape_cast %reshape3A_2875 : vector<16x1xi32> to vector<16xi32>
      %gather3A_2877 = tpu.dynamic_gather %add3A_2874[%gather3A_2876] in [0] : vector<16xf32>, vector<16xi32> -> vector<16xf32>
      %add3A_2878 = arith.addf %add3A_2874, %gather3A_2877 : vector<16xf32>
      %reshape3A_2879 = vector.shape_cast %xor3A_10 : vector<16xi32> to vector<16x1xi32>
      %gather3A_2880 = vector.shape_cast %reshape3A_2879 : vector<16x1xi32> to vector<16xi32>
      %gather3A_2881 = tpu.dynamic_gather %add3A_2878[%gather3A_2880] in [0] : vector<16xf32>, vector<16xi32> -> vector<16xf32>
      %add3A_2882 = arith.addf %add3A_2878, %gather3A_2881 : vector<16xf32>
      %reshape3A_2883 = vector.shape_cast %xor3A_13 : vector<16xi32> to vector<16x1xi32>
      %gather3A_2884 = vector.shape_cast %reshape3A_2883 : vector<16x1xi32> to vector<16xi32>
      %gather3A_2885 = tpu.dynamic_gather %add3A_2882[%gather3A_2884] in [0] : vector<16xf32>, vector<16xi32> -> vector<16xf32>
      %add3A_2886 = arith.addf %add3A_2882, %gather3A_2885 : vector<16xf32>
      %eq3A_2887 = arith.constant 0 : i32
      %eq3A_2888 = vector.broadcast %eq3A_2887 : i32 to vector<16xi32>
      %eq3A_2889 = arith.cmpi eq, %iota3A, %eq3A_2888 : vector<16xi32>
      %select_n3A_2890 = arith.select %eq3A_2889, %add3A_2886, %broadcast_in_dim3A_2819 : vector<16xi1>, vector<16xf32>
      %slice3A_2891 = vector.extract_strided_slice %and3A_2812 {offsets = [1], sizes = [1], strides = [1]} : vector<16xi32> to vector<1xi32>
      %squeeze3A_2892 = vector.extract %slice3A_2891[0] : i32 from vector<1xi32>
      %slice3A_2893 = vector.extract_strided_slice %and3A_2817 {offsets = [1], sizes = [1], strides = [1]} : vector<16xi32> to vector<1xi32>
      %squeeze3A_2894 = vector.extract %slice3A_2893[0] : i32 from vector<1xi32>
      %get3A_2895 = arith.constant 1 : i32
      %get3A_2896 = arith.index_cast %get3A_2895 : i32 to index
      %get3A_2897 = arith.index_cast %squeeze3A_2892 : i32 to index
      %get3A_2898 = arith.constant 0 : index
      %get3A_2899 = tpu.vector_load %arg11[%get3A_2896, %get3A_2897, %get3A_2898] {strides = array<i32>} : memref<16x8x64xf32, #tpu.memory_space<vmem>>, vector<16xf32>,
      %get3A_2900 = arith.constant 1 : i32
      %get3A_2901 = arith.index_cast %get3A_2900 : i32 to index
      %get3A_2902 = arith.index_cast %squeeze3A_2894 : i32 to index
      %get3A_2903 = arith.constant 0 : index
      %get3A_2904 = tpu.vector_load %arg12[%get3A_2901, %get3A_2902, %get3A_2903] {strides = array<i32>} : memref<16x8x64xf32, #tpu.memory_space<vmem>>, vector<16xf32>,
      %mul3A_2905 = arith.mulf %get3A_2899, %get3A_2904 : vector<16xf32>
      %get3A_2906 = arith.constant 1 : i32
      %get3A_2907 = arith.index_cast %get3A_2906 : i32 to index
      %get3A_2908 = arith.index_cast %squeeze3A_2892 : i32 to index
      %get3A_2909 = arith.constant 16 : index
      %get3A_2910 = tpu.vector_load %arg11[%get3A_2907, %get3A_2908, %get3A_2909] {strides = array<i32>} : memref<16x8x64xf32, #tpu.memory_space<vmem>>, vector<16xf32>,
      %get3A_2911 = arith.constant 1 : i32
      %get3A_2912 = arith.index_cast %get3A_2911 : i32 to index
      %get3A_2913 = arith.index_cast %squeeze3A_2894 : i32 to index
      %get3A_2914 = arith.constant 16 : index
      %get3A_2915 = tpu.vector_load %arg12[%get3A_2912, %get3A_2913, %get3A_2914] {strides = array<i32>} : memref<16x8x64xf32, #tpu.memory_space<vmem>>, vector<16xf32>,
      %mul3A_2916 = arith.mulf %get3A_2910, %get3A_2915 : vector<16xf32>
      %add3A_2917 = arith.addf %mul3A_2905, %mul3A_2916 : vector<16xf32>
      %get3A_2918 = arith.constant 1 : i32
      %get3A_2919 = arith.index_cast %get3A_2918 : i32 to index
      %get3A_2920 = arith.index_cast %squeeze3A_2892 : i32 to index
      %get3A_2921 = arith.constant 32 : index
      %get3A_2922 = tpu.vector_load %arg11[%get3A_2919, %get3A_2920, %get3A_2921] {strides = array<i32>} : memref<16x8x64xf32, #tpu.memory_space<vmem>>, vector<16xf32>,
      %get3A_2923 = arith.constant 1 : i32
      %get3A_2924 = arith.index_cast %get3A_2923 : i32 to index
      %get3A_2925 = arith.index_cast %squeeze3A_2894 : i32 to index
      %get3A_2926 = arith.constant 32 : index
      %get3A_2927 = tpu.vector_load %arg12[%get3A_2924, %get3A_2925, %get3A_2926] {strides = array<i32>} : memref<16x8x64xf32, #tpu.memory_space<vmem>>, vector<16xf32>,
      %mul3A_2928 = arith.mulf %get3A_2922, %get3A_2927 : vector<16xf32>
      %add3A_2929 = arith.addf %add3A_2917, %mul3A_2928 : vector<16xf32>
      %get3A_2930 = arith.constant 1 : i32
      %get3A_2931 = arith.index_cast %get3A_2930 : i32 to index
      %get3A_2932 = arith.index_cast %squeeze3A_2892 : i32 to index
      %get3A_2933 = arith.constant 48 : index
      %get3A_2934 = tpu.vector_load %arg11[%get3A_2931, %get3A_2932, %get3A_2933] {strides = array<i32>} : memref<16x8x64xf32, #tpu.memory_space<vmem>>, vector<16xf32>,
      %get3A_2935 = arith.constant 1 : i32
      %get3A_2936 = arith.index_cast %get3A_2935 : i32 to index
      %get3A_2937 = arith.index_cast %squeeze3A_2894 : i32 to index
      %get3A_2938 = arith.constant 48 : index
      %get3A_2939 = tpu.vector_load %arg12[%get3A_2936, %get3A_2937, %get3A_2938] {strides = array<i32>} : memref<16x8x64xf32, #tpu.memory_space<vmem>>, vector<16xf32>,
      %mul3A_2940 = arith.mulf %get3A_2934, %get3A_2939 : vector<16xf32>
      %add3A_2941 = arith.addf %add3A_2929, %mul3A_2940 : vector<16xf32>
      %reshape3A_2942 = vector.shape_cast %xor3A_4 : vector<16xi32> to vector<16x1xi32>
      %gather3A_2943 = vector.shape_cast %reshape3A_2942 : vector<16x1xi32> to vector<16xi32>
      %gather3A_2944 = tpu.dynamic_gather %add3A_2941[%gather3A_2943] in [0] : vector<16xf32>, vector<16xi32> -> vector<16xf32>
      %add3A_2945 = arith.addf %add3A_2941, %gather3A_2944 : vector<16xf32>
      %reshape3A_2946 = vector.shape_cast %xor3A_7 : vector<16xi32> to vector<16x1xi32>
      %gather3A_2947 = vector.shape_cast %reshape3A_2946 : vector<16x1xi32> to vector<16xi32>
      %gather3A_2948 = tpu.dynamic_gather %add3A_2945[%gather3A_2947] in [0] : vector<16xf32>, vector<16xi32> -> vector<16xf32>
      %add3A_2949 = arith.addf %add3A_2945, %gather3A_2948 : vector<16xf32>
      %reshape3A_2950 = vector.shape_cast %xor3A_10 : vector<16xi32> to vector<16x1xi32>
      %gather3A_2951 = vector.shape_cast %reshape3A_2950 : vector<16x1xi32> to vector<16xi32>
      %gather3A_2952 = tpu.dynamic_gather %add3A_2949[%gather3A_2951] in [0] : vector<16xf32>, vector<16xi32> -> vector<16xf32>
      %add3A_2953 = arith.addf %add3A_2949, %gather3A_2952 : vector<16xf32>
      %reshape3A_2954 = vector.shape_cast %xor3A_13 : vector<16xi32> to vector<16x1xi32>
      %gather3A_2955 = vector.shape_cast %reshape3A_2954 : vector<16x1xi32> to vector<16xi32>
      %gather3A_2956 = tpu.dynamic_gather %add3A_2953[%gather3A_2955] in [0] : vector<16xf32>, vector<16xi32> -> vector<16xf32>
      %add3A_2957 = arith.addf %add3A_2953, %gather3A_2956 : vector<16xf32>
      %eq3A_2958 = arith.constant 1 : i32
      %eq3A_2959 = vector.broadcast %eq3A_2958 : i32 to vector<16xi32>
      %eq3A_2960 = arith.cmpi eq, %iota3A, %eq3A_2959 : vector<16xi32>
      %select_n3A_2961 = arith.select %eq3A_2960, %add3A_2957, %select_n3A_2890 : vector<16xi1>, vector<16xf32>
      %slice3A_2962 = vector.extract_strided_slice %and3A_2812 {offsets = [2], sizes = [1], strides = [1]} : vector<16xi32> to vector<1xi32>
      %squeeze3A_2963 = vector.extract %slice3A_2962[0] : i32 from vector<1xi32>
      %slice3A_2964 = vector.extract_strided_slice %and3A_2817 {offsets = [2], sizes = [1], strides = [1]} : vector<16xi32> to vector<1xi32>
      %squeeze3A_2965 = vector.extract %slice3A_2964[0] : i32 from vector<1xi32>
      %get3A_2966 = arith.constant 2 : i32
      %get3A_2967 = arith.index_cast %get3A_2966 : i32 to index
      %get3A_2968 = arith.index_cast %squeeze3A_2963 : i32 to index
      %get3A_2969 = arith.constant 0 : index
      %get3A_2970 = tpu.vector_load %arg11[%get3A_2967, %get3A_2968, %get3A_2969] {strides = array<i32>} : memref<16x8x64xf32, #tpu.memory_space<vmem>>, vector<16xf32>,
      %get3A_2971 = arith.constant 2 : i32
      %get3A_2972 = arith.index_cast %get3A_2971 : i32 to index
      %get3A_2973 = arith.index_cast %squeeze3A_2965 : i32 to index
      %get3A_2974 = arith.constant 0 : index
      %get3A_2975 = tpu.vector_load %arg12[%get3A_2972, %get3A_2973, %get3A_2974] {strides = array<i32>} : memref<16x8x64xf32, #tpu.memory_space<vmem>>, vector<16xf32>,
      %mul3A_2976 = arith.mulf %get3A_2970, %get3A_2975 : vector<16xf32>
      %get3A_2977 = arith.constant 2 : i32
      %get3A_2978 = arith.index_cast %get3A_2977 : i32 to index
      %get3A_2979 = arith.index_cast %squeeze3A_2963 : i32 to index
      %get3A_2980 = arith.constant 16 : index
      %get3A_2981 = tpu.vector_load %arg11[%get3A_2978, %get3A_2979, %get3A_2980] {strides = array<i32>} : memref<16x8x64xf32, #tpu.memory_space<vmem>>, vector<16xf32>,
      %get3A_2982 = arith.constant 2 : i32
      %get3A_2983 = arith.index_cast %get3A_2982 : i32 to index
      %get3A_2984 = arith.index_cast %squeeze3A_2965 : i32 to index
      %get3A_2985 = arith.constant 16 : index
      %get3A_2986 = tpu.vector_load %arg12[%get3A_2983, %get3A_2984, %get3A_2985] {strides = array<i32>} : memref<16x8x64xf32, #tpu.memory_space<vmem>>, vector<16xf32>,
      %mul3A_2987 = arith.mulf %get3A_2981, %get3A_2986 : vector<16xf32>
      %add3A_2988 = arith.addf %mul3A_2976, %mul3A_2987 : vector<16xf32>
      %get3A_2989 = arith.constant 2 : i32
      %get3A_2990 = arith.index_cast %get3A_2989 : i32 to index
      %get3A_2991 = arith.index_cast %squeeze3A_2963 : i32 to index
      %get3A_2992 = arith.constant 32 : index
      %get3A_2993 = tpu.vector_load %arg11[%get3A_2990, %get3A_2991, %get3A_2992] {strides = array<i32>} : memref<16x8x64xf32, #tpu.memory_space<vmem>>, vector<16xf32>,
      %get3A_2994 = arith.constant 2 : i32
      %get3A_2995 = arith.index_cast %get3A_2994 : i32 to index
      %get3A_2996 = arith.index_cast %squeeze3A_2965 : i32 to index
      %get3A_2997 = arith.constant 32 : index
      %get3A_2998 = tpu.vector_load %arg12[%get3A_2995, %get3A_2996, %get3A_2997] {strides = array<i32>} : memref<16x8x64xf32, #tpu.memory_space<vmem>>, vector<16xf32>,
      %mul3A_2999 = arith.mulf %get3A_2993, %get3A_2998 : vector<16xf32>
      %add3A_3000 = arith.addf %add3A_2988, %mul3A_2999 : vector<16xf32>
      %get3A_3001 = arith.constant 2 : i32
      %get3A_3002 = arith.index_cast %get3A_3001 : i32 to index
      %get3A_3003 = arith.index_cast %squeeze3A_2963 : i32 to index
      %get3A_3004 = arith.constant 48 : index
      %get3A_3005 = tpu.vector_load %arg11[%get3A_3002, %get3A_3003, %get3A_3004] {strides = array<i32>} : memref<16x8x64xf32, #tpu.memory_space<vmem>>, vector<16xf32>,
      %get3A_3006 = arith.constant 2 : i32
      %get3A_3007 = arith.index_cast %get3A_3006 : i32 to index
      %get3A_3008 = arith.index_cast %squeeze3A_2965 : i32 to index
      %get3A_3009 = arith.constant 48 : index
      %get3A_3010 = tpu.vector_load %arg12[%get3A_3007, %get3A_3008, %get3A_3009] {strides = array<i32>} : memref<16x8x64xf32, #tpu.memory_space<vmem>>, vector<16xf32>,
      %mul3A_3011 = arith.mulf %get3A_3005, %get3A_3010 : vector<16xf32>
      %add3A_3012 = arith.addf %add3A_3000, %mul3A_3011 : vector<16xf32>
      %reshape3A_3013 = vector.shape_cast %xor3A_4 : vector<16xi32> to vector<16x1xi32>
      %gather3A_3014 = vector.shape_cast %reshape3A_3013 : vector<16x1xi32> to vector<16xi32>
      %gather3A_3015 = tpu.dynamic_gather %add3A_3012[%gather3A_3014] in [0] : vector<16xf32>, vector<16xi32> -> vector<16xf32>
      %add3A_3016 = arith.addf %add3A_3012, %gather3A_3015 : vector<16xf32>
      %reshape3A_3017 = vector.shape_cast %xor3A_7 : vector<16xi32> to vector<16x1xi32>
      %gather3A_3018 = vector.shape_cast %reshape3A_3017 : vector<16x1xi32> to vector<16xi32>
      %gather3A_3019 = tpu.dynamic_gather %add3A_3016[%gather3A_3018] in [0] : vector<16xf32>, vector<16xi32> -> vector<16xf32>
      %add3A_3020 = arith.addf %add3A_3016, %gather3A_3019 : vector<16xf32>
      %reshape3A_3021 = vector.shape_cast %xor3A_10 : vector<16xi32> to vector<16x1xi32>
      %gather3A_3022 = vector.shape_cast %reshape3A_3021 : vector<16x1xi32> to vector<16xi32>
      %gather3A_3023 = tpu.dynamic_gather %add3A_3020[%gather3A_3022] in [0] : vector<16xf32>, vector<16xi32> -> vector<16xf32>
      %add3A_3024 = arith.addf %add3A_3020, %gather3A_3023 : vector<16xf32>
      %reshape3A_3025 = vector.shape_cast %xor3A_13 : vector<16xi32> to vector<16x1xi32>
      %gather3A_3026 = vector.shape_cast %reshape3A_3025 : vector<16x1xi32> to vector<16xi32>
      %gather3A_3027 = tpu.dynamic_gather %add3A_3024[%gather3A_3026] in [0] : vector<16xf32>, vector<16xi32> -> vector<16xf32>
      %add3A_3028 = arith.addf %add3A_3024, %gather3A_3027 : vector<16xf32>
      %eq3A_3029 = arith.constant 2 : i32
      %eq3A_3030 = vector.broadcast %eq3A_3029 : i32 to vector<16xi32>
      %eq3A_3031 = arith.cmpi eq, %iota3A, %eq3A_3030 : vector<16xi32>
      %select_n3A_3032 = arith.select %eq3A_3031, %add3A_3028, %select_n3A_2961 : vector<16xi1>, vector<16xf32>
      %slice3A_3033 = vector.extract_strided_slice %and3A_2812 {offsets = [3], sizes = [1], strides = [1]} : vector<16xi32> to vector<1xi32>
      %squeeze3A_3034 = vector.extract %slice3A_3033[0] : i32 from vector<1xi32>
      %slice3A_3035 = vector.extract_strided_slice %and3A_2817 {offsets = [3], sizes = [1], strides = [1]} : vector<16xi32> to vector<1xi32>
      %squeeze3A_3036 = vector.extract %slice3A_3035[0] : i32 from vector<1xi32>
      %get3A_3037 = arith.constant 3 : i32
      %get3A_3038 = arith.index_cast %get3A_3037 : i32 to index
      %get3A_3039 = arith.index_cast %squeeze3A_3034 : i32 to index
      %get3A_3040 = arith.constant 0 : index
      %get3A_3041 = tpu.vector_load %arg11[%get3A_3038, %get3A_3039, %get3A_3040] {strides = array<i32>} : memref<16x8x64xf32, #tpu.memory_space<vmem>>, vector<16xf32>,
      %get3A_3042 = arith.constant 3 : i32
      %get3A_3043 = arith.index_cast %get3A_3042 : i32 to index
      %get3A_3044 = arith.index_cast %squeeze3A_3036 : i32 to index
      %get3A_3045 = arith.constant 0 : index
      %get3A_3046 = tpu.vector_load %arg12[%get3A_3043, %get3A_3044, %get3A_3045] {strides = array<i32>} : memref<16x8x64xf32, #tpu.memory_space<vmem>>, vector<16xf32>,
      %mul3A_3047 = arith.mulf %get3A_3041, %get3A_3046 : vector<16xf32>
      %get3A_3048 = arith.constant 3 : i32
      %get3A_3049 = arith.index_cast %get3A_3048 : i32 to index
      %get3A_3050 = arith.index_cast %squeeze3A_3034 : i32 to index
      %get3A_3051 = arith.constant 16 : index
      %get3A_3052 = tpu.vector_load %arg11[%get3A_3049, %get3A_3050, %get3A_3051] {strides = array<i32>} : memref<16x8x64xf32, #tpu.memory_space<vmem>>, vector<16xf32>,
      %get3A_3053 = arith.constant 3 : i32
      %get3A_3054 = arith.index_cast %get3A_3053 : i32 to index
      %get3A_3055 = arith.index_cast %squeeze3A_3036 : i32 to index
      %get3A_3056 = arith.constant 16 : index
      %get3A_3057 = tpu.vector_load %arg12[%get3A_3054, %get3A_3055, %get3A_3056] {strides = array<i32>} : memref<16x8x64xf32, #tpu.memory_space<vmem>>, vector<16xf32>,
      %mul3A_3058 = arith.mulf %get3A_3052, %get3A_3057 : vector<16xf32>
      %add3A_3059 = arith.addf %mul3A_3047, %mul3A_3058 : vector<16xf32>
      %get3A_3060 = arith.constant 3 : i32
      %get3A_3061 = arith.index_cast %get3A_3060 : i32 to index
      %get3A_3062 = arith.index_cast %squeeze3A_3034 : i32 to index
      %get3A_3063 = arith.constant 32 : index
      %get3A_3064 = tpu.vector_load %arg11[%get3A_3061, %get3A_3062, %get3A_3063] {strides = array<i32>} : memref<16x8x64xf32, #tpu.memory_space<vmem>>, vector<16xf32>,
      %get3A_3065 = arith.constant 3 : i32
      %get3A_3066 = arith.index_cast %get3A_3065 : i32 to index
      %get3A_3067 = arith.index_cast %squeeze3A_3036 : i32 to index
      %get3A_3068 = arith.constant 32 : index
      %get3A_3069 = tpu.vector_load %arg12[%get3A_3066, %get3A_3067, %get3A_3068] {strides = array<i32>} : memref<16x8x64xf32, #tpu.memory_space<vmem>>, vector<16xf32>,
      %mul3A_3070 = arith.mulf %get3A_3064, %get3A_3069 : vector<16xf32>
      %add3A_3071 = arith.addf %add3A_3059, %mul3A_3070 : vector<16xf32>
      %get3A_3072 = arith.constant 3 : i32
      %get3A_3073 = arith.index_cast %get3A_3072 : i32 to index
      %get3A_3074 = arith.index_cast %squeeze3A_3034 : i32 to index
      %get3A_3075 = arith.constant 48 : index
      %get3A_3076 = tpu.vector_load %arg11[%get3A_3073, %get3A_3074, %get3A_3075] {strides = array<i32>} : memref<16x8x64xf32, #tpu.memory_space<vmem>>, vector<16xf32>,
      %get3A_3077 = arith.constant 3 : i32
      %get3A_3078 = arith.index_cast %get3A_3077 : i32 to index
      %get3A_3079 = arith.index_cast %squeeze3A_3036 : i32 to index
      %get3A_3080 = arith.constant 48 : index
      %get3A_3081 = tpu.vector_load %arg12[%get3A_3078, %get3A_3079, %get3A_3080] {strides = array<i32>} : memref<16x8x64xf32, #tpu.memory_space<vmem>>, vector<16xf32>,
      %mul3A_3082 = arith.mulf %get3A_3076, %get3A_3081 : vector<16xf32>
      %add3A_3083 = arith.addf %add3A_3071, %mul3A_3082 : vector<16xf32>
      %reshape3A_3084 = vector.shape_cast %xor3A_4 : vector<16xi32> to vector<16x1xi32>
      %gather3A_3085 = vector.shape_cast %reshape3A_3084 : vector<16x1xi32> to vector<16xi32>
      %gather3A_3086 = tpu.dynamic_gather %add3A_3083[%gather3A_3085] in [0] : vector<16xf32>, vector<16xi32> -> vector<16xf32>
      %add3A_3087 = arith.addf %add3A_3083, %gather3A_3086 : vector<16xf32>
      %reshape3A_3088 = vector.shape_cast %xor3A_7 : vector<16xi32> to vector<16x1xi32>
      %gather3A_3089 = vector.shape_cast %reshape3A_3088 : vector<16x1xi32> to vector<16xi32>
      %gather3A_3090 = tpu.dynamic_gather %add3A_3087[%gather3A_3089] in [0] : vector<16xf32>, vector<16xi32> -> vector<16xf32>
      %add3A_3091 = arith.addf %add3A_3087, %gather3A_3090 : vector<16xf32>
      %reshape3A_3092 = vector.shape_cast %xor3A_10 : vector<16xi32> to vector<16x1xi32>
      %gather3A_3093 = vector.shape_cast %reshape3A_3092 : vector<16x1xi32> to vector<16xi32>
      %gather3A_3094 = tpu.dynamic_gather %add3A_3091[%gather3A_3093] in [0] : vector<16xf32>, vector<16xi32> -> vector<16xf32>
      %add3A_3095 = arith.addf %add3A_3091, %gather3A_3094 : vector<16xf32>
      %reshape3A_3096 = vector.shape_cast %xor3A_13 : vector<16xi32> to vector<16x1xi32>
      %gather3A_3097 = vector.shape_cast %reshape3A_3096 : vector<16x1xi32> to vector<16xi32>
      %gather3A_3098 = tpu.dynamic_gather %add3A_3095[%gather3A_3097] in [0] : vector<16xf32>, vector<16xi32> -> vector<16xf32>
      %add3A_3099 = arith.addf %add3A_3095, %gather3A_3098 : vector<16xf32>
      %eq3A_3100 = arith.constant 3 : i32
      %eq3A_3101 = vector.broadcast %eq3A_3100 : i32 to vector<16xi32>
      %eq3A_3102 = arith.cmpi eq, %iota3A, %eq3A_3101 : vector<16xi32>
      %select_n3A_3103 = arith.select %eq3A_3102, %add3A_3099, %select_n3A_3032 : vector<16xi1>, vector<16xf32>
      %slice3A_3104 = vector.extract_strided_slice %and3A_2812 {offsets = [4], sizes = [1], strides = [1]} : vector<16xi32> to vector<1xi32>
      %squeeze3A_3105 = vector.extract %slice3A_3104[0] : i32 from vector<1xi32>
      %slice3A_3106 = vector.extract_strided_slice %and3A_2817 {offsets = [4], sizes = [1], strides = [1]} : vector<16xi32> to vector<1xi32>
      %squeeze3A_3107 = vector.extract %slice3A_3106[0] : i32 from vector<1xi32>
      %get3A_3108 = arith.constant 4 : i32
      %get3A_3109 = arith.index_cast %get3A_3108 : i32 to index
      %get3A_3110 = arith.index_cast %squeeze3A_3105 : i32 to index
      %get3A_3111 = arith.constant 0 : index
      %get3A_3112 = tpu.vector_load %arg11[%get3A_3109, %get3A_3110, %get3A_3111] {strides = array<i32>} : memref<16x8x64xf32, #tpu.memory_space<vmem>>, vector<16xf32>,
      %get3A_3113 = arith.constant 4 : i32
      %get3A_3114 = arith.index_cast %get3A_3113 : i32 to index
      %get3A_3115 = arith.index_cast %squeeze3A_3107 : i32 to index
      %get3A_3116 = arith.constant 0 : index
      %get3A_3117 = tpu.vector_load %arg12[%get3A_3114, %get3A_3115, %get3A_3116] {strides = array<i32>} : memref<16x8x64xf32, #tpu.memory_space<vmem>>, vector<16xf32>,
      %mul3A_3118 = arith.mulf %get3A_3112, %get3A_3117 : vector<16xf32>
      %get3A_3119 = arith.constant 4 : i32
      %get3A_3120 = arith.index_cast %get3A_3119 : i32 to index
      %get3A_3121 = arith.index_cast %squeeze3A_3105 : i32 to index
      %get3A_3122 = arith.constant 16 : index
      %get3A_3123 = tpu.vector_load %arg11[%get3A_3120, %get3A_3121, %get3A_3122] {strides = array<i32>} : memref<16x8x64xf32, #tpu.memory_space<vmem>>, vector<16xf32>,
      %get3A_3124 = arith.constant 4 : i32
      %get3A_3125 = arith.index_cast %get3A_3124 : i32 to index
      %get3A_3126 = arith.index_cast %squeeze3A_3107 : i32 to index
      %get3A_3127 = arith.constant 16 : index
      %get3A_3128 = tpu.vector_load %arg12[%get3A_3125, %get3A_3126, %get3A_3127] {strides = array<i32>} : memref<16x8x64xf32, #tpu.memory_space<vmem>>, vector<16xf32>,
      %mul3A_3129 = arith.mulf %get3A_3123, %get3A_3128 : vector<16xf32>
      %add3A_3130 = arith.addf %mul3A_3118, %mul3A_3129 : vector<16xf32>
      %get3A_3131 = arith.constant 4 : i32
      %get3A_3132 = arith.index_cast %get3A_3131 : i32 to index
      %get3A_3133 = arith.index_cast %squeeze3A_3105 : i32 to index
      %get3A_3134 = arith.constant 32 : index
      %get3A_3135 = tpu.vector_load %arg11[%get3A_3132, %get3A_3133, %get3A_3134] {strides = array<i32>} : memref<16x8x64xf32, #tpu.memory_space<vmem>>, vector<16xf32>,
      %get3A_3136 = arith.constant 4 : i32
      %get3A_3137 = arith.index_cast %get3A_3136 : i32 to index
      %get3A_3138 = arith.index_cast %squeeze3A_3107 : i32 to index
      %get3A_3139 = arith.constant 32 : index
      %get3A_3140 = tpu.vector_load %arg12[%get3A_3137, %get3A_3138, %get3A_3139] {strides = array<i32>} : memref<16x8x64xf32, #tpu.memory_space<vmem>>, vector<16xf32>,
      %mul3A_3141 = arith.mulf %get3A_3135, %get3A_3140 : vector<16xf32>
      %add3A_3142 = arith.addf %add3A_3130, %mul3A_3141 : vector<16xf32>
      %get3A_3143 = arith.constant 4 : i32
      %get3A_3144 = arith.index_cast %get3A_3143 : i32 to index
      %get3A_3145 = arith.index_cast %squeeze3A_3105 : i32 to index
      %get3A_3146 = arith.constant 48 : index
      %get3A_3147 = tpu.vector_load %arg11[%get3A_3144, %get3A_3145, %get3A_3146] {strides = array<i32>} : memref<16x8x64xf32, #tpu.memory_space<vmem>>, vector<16xf32>,
      %get3A_3148 = arith.constant 4 : i32
      %get3A_3149 = arith.index_cast %get3A_3148 : i32 to index
      %get3A_3150 = arith.index_cast %squeeze3A_3107 : i32 to index
      %get3A_3151 = arith.constant 48 : index
      %get3A_3152 = tpu.vector_load %arg12[%get3A_3149, %get3A_3150, %get3A_3151] {strides = array<i32>} : memref<16x8x64xf32, #tpu.memory_space<vmem>>, vector<16xf32>,
      %mul3A_3153 = arith.mulf %get3A_3147, %get3A_3152 : vector<16xf32>
      %add3A_3154 = arith.addf %add3A_3142, %mul3A_3153 : vector<16xf32>
      %reshape3A_3155 = vector.shape_cast %xor3A_4 : vector<16xi32> to vector<16x1xi32>
      %gather3A_3156 = vector.shape_cast %reshape3A_3155 : vector<16x1xi32> to vector<16xi32>
      %gather3A_3157 = tpu.dynamic_gather %add3A_3154[%gather3A_3156] in [0] : vector<16xf32>, vector<16xi32> -> vector<16xf32>
      %add3A_3158 = arith.addf %add3A_3154, %gather3A_3157 : vector<16xf32>
      %reshape3A_3159 = vector.shape_cast %xor3A_7 : vector<16xi32> to vector<16x1xi32>
      %gather3A_3160 = vector.shape_cast %reshape3A_3159 : vector<16x1xi32> to vector<16xi32>
      %gather3A_3161 = tpu.dynamic_gather %add3A_3158[%gather3A_3160] in [0] : vector<16xf32>, vector<16xi32> -> vector<16xf32>
      %add3A_3162 = arith.addf %add3A_3158, %gather3A_3161 : vector<16xf32>
      %reshape3A_3163 = vector.shape_cast %xor3A_10 : vector<16xi32> to vector<16x1xi32>
      %gather3A_3164 = vector.shape_cast %reshape3A_3163 : vector<16x1xi32> to vector<16xi32>
      %gather3A_3165 = tpu.dynamic_gather %add3A_3162[%gather3A_3164] in [0] : vector<16xf32>, vector<16xi32> -> vector<16xf32>
      %add3A_3166 = arith.addf %add3A_3162, %gather3A_3165 : vector<16xf32>
      %reshape3A_3167 = vector.shape_cast %xor3A_13 : vector<16xi32> to vector<16x1xi32>
      %gather3A_3168 = vector.shape_cast %reshape3A_3167 : vector<16x1xi32> to vector<16xi32>
      %gather3A_3169 = tpu.dynamic_gather %add3A_3166[%gather3A_3168] in [0] : vector<16xf32>, vector<16xi32> -> vector<16xf32>
      %add3A_3170 = arith.addf %add3A_3166, %gather3A_3169 : vector<16xf32>
      %eq3A_3171 = arith.constant 4 : i32
      %eq3A_3172 = vector.broadcast %eq3A_3171 : i32 to vector<16xi32>
      %eq3A_3173 = arith.cmpi eq, %iota3A, %eq3A_3172 : vector<16xi32>
      %select_n3A_3174 = arith.select %eq3A_3173, %add3A_3170, %select_n3A_3103 : vector<16xi1>, vector<16xf32>
      %slice3A_3175 = vector.extract_strided_slice %and3A_2812 {offsets = [5], sizes = [1], strides = [1]} : vector<16xi32> to vector<1xi32>
      %squeeze3A_3176 = vector.extract %slice3A_3175[0] : i32 from vector<1xi32>
      %slice3A_3177 = vector.extract_strided_slice %and3A_2817 {offsets = [5], sizes = [1], strides = [1]} : vector<16xi32> to vector<1xi32>
      %squeeze3A_3178 = vector.extract %slice3A_3177[0] : i32 from vector<1xi32>
      %get3A_3179 = arith.constant 5 : i32
      %get3A_3180 = arith.index_cast %get3A_3179 : i32 to index
      %get3A_3181 = arith.index_cast %squeeze3A_3176 : i32 to index
      %get3A_3182 = arith.constant 0 : index
      %get3A_3183 = tpu.vector_load %arg11[%get3A_3180, %get3A_3181, %get3A_3182] {strides = array<i32>} : memref<16x8x64xf32, #tpu.memory_space<vmem>>, vector<16xf32>,
      %get3A_3184 = arith.constant 5 : i32
      %get3A_3185 = arith.index_cast %get3A_3184 : i32 to index
      %get3A_3186 = arith.index_cast %squeeze3A_3178 : i32 to index
      %get3A_3187 = arith.constant 0 : index
      %get3A_3188 = tpu.vector_load %arg12[%get3A_3185, %get3A_3186, %get3A_3187] {strides = array<i32>} : memref<16x8x64xf32, #tpu.memory_space<vmem>>, vector<16xf32>,
      %mul3A_3189 = arith.mulf %get3A_3183, %get3A_3188 : vector<16xf32>
      %get3A_3190 = arith.constant 5 : i32
      %get3A_3191 = arith.index_cast %get3A_3190 : i32 to index
      %get3A_3192 = arith.index_cast %squeeze3A_3176 : i32 to index
      %get3A_3193 = arith.constant 16 : index
      %get3A_3194 = tpu.vector_load %arg11[%get3A_3191, %get3A_3192, %get3A_3193] {strides = array<i32>} : memref<16x8x64xf32, #tpu.memory_space<vmem>>, vector<16xf32>,
      %get3A_3195 = arith.constant 5 : i32
      %get3A_3196 = arith.index_cast %get3A_3195 : i32 to index
      %get3A_3197 = arith.index_cast %squeeze3A_3178 : i32 to index
      %get3A_3198 = arith.constant 16 : index
      %get3A_3199 = tpu.vector_load %arg12[%get3A_3196, %get3A_3197, %get3A_3198] {strides = array<i32>} : memref<16x8x64xf32, #tpu.memory_space<vmem>>, vector<16xf32>,
      %mul3A_3200 = arith.mulf %get3A_3194, %get3A_3199 : vector<16xf32>
      %add3A_3201 = arith.addf %mul3A_3189, %mul3A_3200 : vector<16xf32>
      %get3A_3202 = arith.constant 5 : i32
      %get3A_3203 = arith.index_cast %get3A_3202 : i32 to index
      %get3A_3204 = arith.index_cast %squeeze3A_3176 : i32 to index
      %get3A_3205 = arith.constant 32 : index
      %get3A_3206 = tpu.vector_load %arg11[%get3A_3203, %get3A_3204, %get3A_3205] {strides = array<i32>} : memref<16x8x64xf32, #tpu.memory_space<vmem>>, vector<16xf32>,
      %get3A_3207 = arith.constant 5 : i32
      %get3A_3208 = arith.index_cast %get3A_3207 : i32 to index
      %get3A_3209 = arith.index_cast %squeeze3A_3178 : i32 to index
      %get3A_3210 = arith.constant 32 : index
      %get3A_3211 = tpu.vector_load %arg12[%get3A_3208, %get3A_3209, %get3A_3210] {strides = array<i32>} : memref<16x8x64xf32, #tpu.memory_space<vmem>>, vector<16xf32>,
      %mul3A_3212 = arith.mulf %get3A_3206, %get3A_3211 : vector<16xf32>
      %add3A_3213 = arith.addf %add3A_3201, %mul3A_3212 : vector<16xf32>
      %get3A_3214 = arith.constant 5 : i32
      %get3A_3215 = arith.index_cast %get3A_3214 : i32 to index
      %get3A_3216 = arith.index_cast %squeeze3A_3176 : i32 to index
      %get3A_3217 = arith.constant 48 : index
      %get3A_3218 = tpu.vector_load %arg11[%get3A_3215, %get3A_3216, %get3A_3217] {strides = array<i32>} : memref<16x8x64xf32, #tpu.memory_space<vmem>>, vector<16xf32>,
      %get3A_3219 = arith.constant 5 : i32
      %get3A_3220 = arith.index_cast %get3A_3219 : i32 to index
      %get3A_3221 = arith.index_cast %squeeze3A_3178 : i32 to index
      %get3A_3222 = arith.constant 48 : index
      %get3A_3223 = tpu.vector_load %arg12[%get3A_3220, %get3A_3221, %get3A_3222] {strides = array<i32>} : memref<16x8x64xf32, #tpu.memory_space<vmem>>, vector<16xf32>,
      %mul3A_3224 = arith.mulf %get3A_3218, %get3A_3223 : vector<16xf32>
      %add3A_3225 = arith.addf %add3A_3213, %mul3A_3224 : vector<16xf32>
      %reshape3A_3226 = vector.shape_cast %xor3A_4 : vector<16xi32> to vector<16x1xi32>
      %gather3A_3227 = vector.shape_cast %reshape3A_3226 : vector<16x1xi32> to vector<16xi32>
      %gather3A_3228 = tpu.dynamic_gather %add3A_3225[%gather3A_3227] in [0] : vector<16xf32>, vector<16xi32> -> vector<16xf32>
      %add3A_3229 = arith.addf %add3A_3225, %gather3A_3228 : vector<16xf32>
      %reshape3A_3230 = vector.shape_cast %xor3A_7 : vector<16xi32> to vector<16x1xi32>
      %gather3A_3231 = vector.shape_cast %reshape3A_3230 : vector<16x1xi32> to vector<16xi32>
      %gather3A_3232 = tpu.dynamic_gather %add3A_3229[%gather3A_3231] in [0] : vector<16xf32>, vector<16xi32> -> vector<16xf32>
      %add3A_3233 = arith.addf %add3A_3229, %gather3A_3232 : vector<16xf32>
      %reshape3A_3234 = vector.shape_cast %xor3A_10 : vector<16xi32> to vector<16x1xi32>
      %gather3A_3235 = vector.shape_cast %reshape3A_3234 : vector<16x1xi32> to vector<16xi32>
      %gather3A_3236 = tpu.dynamic_gather %add3A_3233[%gather3A_3235] in [0] : vector<16xf32>, vector<16xi32> -> vector<16xf32>
      %add3A_3237 = arith.addf %add3A_3233, %gather3A_3236 : vector<16xf32>
      %reshape3A_3238 = vector.shape_cast %xor3A_13 : vector<16xi32> to vector<16x1xi32>
      %gather3A_3239 = vector.shape_cast %reshape3A_3238 : vector<16x1xi32> to vector<16xi32>
      %gather3A_3240 = tpu.dynamic_gather %add3A_3237[%gather3A_3239] in [0] : vector<16xf32>, vector<16xi32> -> vector<16xf32>
      %add3A_3241 = arith.addf %add3A_3237, %gather3A_3240 : vector<16xf32>
      %eq3A_3242 = arith.constant 5 : i32
      %eq3A_3243 = vector.broadcast %eq3A_3242 : i32 to vector<16xi32>
      %eq3A_3244 = arith.cmpi eq, %iota3A, %eq3A_3243 : vector<16xi32>
      %select_n3A_3245 = arith.select %eq3A_3244, %add3A_3241, %select_n3A_3174 : vector<16xi1>, vector<16xf32>
      %slice3A_3246 = vector.extract_strided_slice %and3A_2812 {offsets = [6], sizes = [1], strides = [1]} : vector<16xi32> to vector<1xi32>
      %squeeze3A_3247 = vector.extract %slice3A_3246[0] : i32 from vector<1xi32>
      %slice3A_3248 = vector.extract_strided_slice %and3A_2817 {offsets = [6], sizes = [1], strides = [1]} : vector<16xi32> to vector<1xi32>
      %squeeze3A_3249 = vector.extract %slice3A_3248[0] : i32 from vector<1xi32>
      %get3A_3250 = arith.constant 6 : i32
      %get3A_3251 = arith.index_cast %get3A_3250 : i32 to index
      %get3A_3252 = arith.index_cast %squeeze3A_3247 : i32 to index
      %get3A_3253 = arith.constant 0 : index
      %get3A_3254 = tpu.vector_load %arg11[%get3A_3251, %get3A_3252, %get3A_3253] {strides = array<i32>} : memref<16x8x64xf32, #tpu.memory_space<vmem>>, vector<16xf32>,
      %get3A_3255 = arith.constant 6 : i32
      %get3A_3256 = arith.index_cast %get3A_3255 : i32 to index
      %get3A_3257 = arith.index_cast %squeeze3A_3249 : i32 to index
      %get3A_3258 = arith.constant 0 : index
      %get3A_3259 = tpu.vector_load %arg12[%get3A_3256, %get3A_3257, %get3A_3258] {strides = array<i32>} : memref<16x8x64xf32, #tpu.memory_space<vmem>>, vector<16xf32>,
      %mul3A_3260 = arith.mulf %get3A_3254, %get3A_3259 : vector<16xf32>
      %get3A_3261 = arith.constant 6 : i32
      %get3A_3262 = arith.index_cast %get3A_3261 : i32 to index
      %get3A_3263 = arith.index_cast %squeeze3A_3247 : i32 to index
      %get3A_3264 = arith.constant 16 : index
      %get3A_3265 = tpu.vector_load %arg11[%get3A_3262, %get3A_3263, %get3A_3264] {strides = array<i32>} : memref<16x8x64xf32, #tpu.memory_space<vmem>>, vector<16xf32>,
      %get3A_3266 = arith.constant 6 : i32
      %get3A_3267 = arith.index_cast %get3A_3266 : i32 to index
      %get3A_3268 = arith.index_cast %squeeze3A_3249 : i32 to index
      %get3A_3269 = arith.constant 16 : index
      %get3A_3270 = tpu.vector_load %arg12[%get3A_3267, %get3A_3268, %get3A_3269] {strides = array<i32>} : memref<16x8x64xf32, #tpu.memory_space<vmem>>, vector<16xf32>,
      %mul3A_3271 = arith.mulf %get3A_3265, %get3A_3270 : vector<16xf32>
      %add3A_3272 = arith.addf %mul3A_3260, %mul3A_3271 : vector<16xf32>
      %get3A_3273 = arith.constant 6 : i32
      %get3A_3274 = arith.index_cast %get3A_3273 : i32 to index
      %get3A_3275 = arith.index_cast %squeeze3A_3247 : i32 to index
      %get3A_3276 = arith.constant 32 : index
      %get3A_3277 = tpu.vector_load %arg11[%get3A_3274, %get3A_3275, %get3A_3276] {strides = array<i32>} : memref<16x8x64xf32, #tpu.memory_space<vmem>>, vector<16xf32>,
      %get3A_3278 = arith.constant 6 : i32
      %get3A_3279 = arith.index_cast %get3A_3278 : i32 to index
      %get3A_3280 = arith.index_cast %squeeze3A_3249 : i32 to index
      %get3A_3281 = arith.constant 32 : index
      %get3A_3282 = tpu.vector_load %arg12[%get3A_3279, %get3A_3280, %get3A_3281] {strides = array<i32>} : memref<16x8x64xf32, #tpu.memory_space<vmem>>, vector<16xf32>,
      %mul3A_3283 = arith.mulf %get3A_3277, %get3A_3282 : vector<16xf32>
      %add3A_3284 = arith.addf %add3A_3272, %mul3A_3283 : vector<16xf32>
      %get3A_3285 = arith.constant 6 : i32
      %get3A_3286 = arith.index_cast %get3A_3285 : i32 to index
      %get3A_3287 = arith.index_cast %squeeze3A_3247 : i32 to index
      %get3A_3288 = arith.constant 48 : index
      %get3A_3289 = tpu.vector_load %arg11[%get3A_3286, %get3A_3287, %get3A_3288] {strides = array<i32>} : memref<16x8x64xf32, #tpu.memory_space<vmem>>, vector<16xf32>,
      %get3A_3290 = arith.constant 6 : i32
      %get3A_3291 = arith.index_cast %get3A_3290 : i32 to index
      %get3A_3292 = arith.index_cast %squeeze3A_3249 : i32 to index
      %get3A_3293 = arith.constant 48 : index
      %get3A_3294 = tpu.vector_load %arg12[%get3A_3291, %get3A_3292, %get3A_3293] {strides = array<i32>} : memref<16x8x64xf32, #tpu.memory_space<vmem>>, vector<16xf32>,
      %mul3A_3295 = arith.mulf %get3A_3289, %get3A_3294 : vector<16xf32>
      %add3A_3296 = arith.addf %add3A_3284, %mul3A_3295 : vector<16xf32>
      %reshape3A_3297 = vector.shape_cast %xor3A_4 : vector<16xi32> to vector<16x1xi32>
      %gather3A_3298 = vector.shape_cast %reshape3A_3297 : vector<16x1xi32> to vector<16xi32>
      %gather3A_3299 = tpu.dynamic_gather %add3A_3296[%gather3A_3298] in [0] : vector<16xf32>, vector<16xi32> -> vector<16xf32>
      %add3A_3300 = arith.addf %add3A_3296, %gather3A_3299 : vector<16xf32>
      %reshape3A_3301 = vector.shape_cast %xor3A_7 : vector<16xi32> to vector<16x1xi32>
      %gather3A_3302 = vector.shape_cast %reshape3A_3301 : vector<16x1xi32> to vector<16xi32>
      %gather3A_3303 = tpu.dynamic_gather %add3A_3300[%gather3A_3302] in [0] : vector<16xf32>, vector<16xi32> -> vector<16xf32>
      %add3A_3304 = arith.addf %add3A_3300, %gather3A_3303 : vector<16xf32>
      %reshape3A_3305 = vector.shape_cast %xor3A_10 : vector<16xi32> to vector<16x1xi32>
      %gather3A_3306 = vector.shape_cast %reshape3A_3305 : vector<16x1xi32> to vector<16xi32>
      %gather3A_3307 = tpu.dynamic_gather %add3A_3304[%gather3A_3306] in [0] : vector<16xf32>, vector<16xi32> -> vector<16xf32>
      %add3A_3308 = arith.addf %add3A_3304, %gather3A_3307 : vector<16xf32>
      %reshape3A_3309 = vector.shape_cast %xor3A_13 : vector<16xi32> to vector<16x1xi32>
      %gather3A_3310 = vector.shape_cast %reshape3A_3309 : vector<16x1xi32> to vector<16xi32>
      %gather3A_3311 = tpu.dynamic_gather %add3A_3308[%gather3A_3310] in [0] : vector<16xf32>, vector<16xi32> -> vector<16xf32>
      %add3A_3312 = arith.addf %add3A_3308, %gather3A_3311 : vector<16xf32>
      %eq3A_3313 = arith.constant 6 : i32
      %eq3A_3314 = vector.broadcast %eq3A_3313 : i32 to vector<16xi32>
      %eq3A_3315 = arith.cmpi eq, %iota3A, %eq3A_3314 : vector<16xi32>
      %select_n3A_3316 = arith.select %eq3A_3315, %add3A_3312, %select_n3A_3245 : vector<16xi1>, vector<16xf32>
      %slice3A_3317 = vector.extract_strided_slice %and3A_2812 {offsets = [7], sizes = [1], strides = [1]} : vector<16xi32> to vector<1xi32>
      %squeeze3A_3318 = vector.extract %slice3A_3317[0] : i32 from vector<1xi32>
      %slice3A_3319 = vector.extract_strided_slice %and3A_2817 {offsets = [7], sizes = [1], strides = [1]} : vector<16xi32> to vector<1xi32>
      %squeeze3A_3320 = vector.extract %slice3A_3319[0] : i32 from vector<1xi32>
      %get3A_3321 = arith.constant 7 : i32
      %get3A_3322 = arith.index_cast %get3A_3321 : i32 to index
      %get3A_3323 = arith.index_cast %squeeze3A_3318 : i32 to index
      %get3A_3324 = arith.constant 0 : index
      %get3A_3325 = tpu.vector_load %arg11[%get3A_3322, %get3A_3323, %get3A_3324] {strides = array<i32>} : memref<16x8x64xf32, #tpu.memory_space<vmem>>, vector<16xf32>,
      %get3A_3326 = arith.constant 7 : i32
      %get3A_3327 = arith.index_cast %get3A_3326 : i32 to index
      %get3A_3328 = arith.index_cast %squeeze3A_3320 : i32 to index
      %get3A_3329 = arith.constant 0 : index
      %get3A_3330 = tpu.vector_load %arg12[%get3A_3327, %get3A_3328, %get3A_3329] {strides = array<i32>} : memref<16x8x64xf32, #tpu.memory_space<vmem>>, vector<16xf32>,
      %mul3A_3331 = arith.mulf %get3A_3325, %get3A_3330 : vector<16xf32>
      %get3A_3332 = arith.constant 7 : i32
      %get3A_3333 = arith.index_cast %get3A_3332 : i32 to index
      %get3A_3334 = arith.index_cast %squeeze3A_3318 : i32 to index
      %get3A_3335 = arith.constant 16 : index
      %get3A_3336 = tpu.vector_load %arg11[%get3A_3333, %get3A_3334, %get3A_3335] {strides = array<i32>} : memref<16x8x64xf32, #tpu.memory_space<vmem>>, vector<16xf32>,
      %get3A_3337 = arith.constant 7 : i32
      %get3A_3338 = arith.index_cast %get3A_3337 : i32 to index
      %get3A_3339 = arith.index_cast %squeeze3A_3320 : i32 to index
      %get3A_3340 = arith.constant 16 : index
      %get3A_3341 = tpu.vector_load %arg12[%get3A_3338, %get3A_3339, %get3A_3340] {strides = array<i32>} : memref<16x8x64xf32, #tpu.memory_space<vmem>>, vector<16xf32>,
      %mul3A_3342 = arith.mulf %get3A_3336, %get3A_3341 : vector<16xf32>
      %add3A_3343 = arith.addf %mul3A_3331, %mul3A_3342 : vector<16xf32>
      %get3A_3344 = arith.constant 7 : i32
      %get3A_3345 = arith.index_cast %get3A_3344 : i32 to index
      %get3A_3346 = arith.index_cast %squeeze3A_3318 : i32 to index
      %get3A_3347 = arith.constant 32 : index
      %get3A_3348 = tpu.vector_load %arg11[%get3A_3345, %get3A_3346, %get3A_3347] {strides = array<i32>} : memref<16x8x64xf32, #tpu.memory_space<vmem>>, vector<16xf32>,
      %get3A_3349 = arith.constant 7 : i32
      %get3A_3350 = arith.index_cast %get3A_3349 : i32 to index
      %get3A_3351 = arith.index_cast %squeeze3A_3320 : i32 to index
      %get3A_3352 = arith.constant 32 : index
      %get3A_3353 = tpu.vector_load %arg12[%get3A_3350, %get3A_3351, %get3A_3352] {strides = array<i32>} : memref<16x8x64xf32, #tpu.memory_space<vmem>>, vector<16xf32>,
      %mul3A_3354 = arith.mulf %get3A_3348, %get3A_3353 : vector<16xf32>
      %add3A_3355 = arith.addf %add3A_3343, %mul3A_3354 : vector<16xf32>
      %get3A_3356 = arith.constant 7 : i32
      %get3A_3357 = arith.index_cast %get3A_3356 : i32 to index
      %get3A_3358 = arith.index_cast %squeeze3A_3318 : i32 to index
      %get3A_3359 = arith.constant 48 : index
      %get3A_3360 = tpu.vector_load %arg11[%get3A_3357, %get3A_3358, %get3A_3359] {strides = array<i32>} : memref<16x8x64xf32, #tpu.memory_space<vmem>>, vector<16xf32>,
      %get3A_3361 = arith.constant 7 : i32
      %get3A_3362 = arith.index_cast %get3A_3361 : i32 to index
      %get3A_3363 = arith.index_cast %squeeze3A_3320 : i32 to index
      %get3A_3364 = arith.constant 48 : index
      %get3A_3365 = tpu.vector_load %arg12[%get3A_3362, %get3A_3363, %get3A_3364] {strides = array<i32>} : memref<16x8x64xf32, #tpu.memory_space<vmem>>, vector<16xf32>,
      %mul3A_3366 = arith.mulf %get3A_3360, %get3A_3365 : vector<16xf32>
      %add3A_3367 = arith.addf %add3A_3355, %mul3A_3366 : vector<16xf32>
      %reshape3A_3368 = vector.shape_cast %xor3A_4 : vector<16xi32> to vector<16x1xi32>
      %gather3A_3369 = vector.shape_cast %reshape3A_3368 : vector<16x1xi32> to vector<16xi32>
      %gather3A_3370 = tpu.dynamic_gather %add3A_3367[%gather3A_3369] in [0] : vector<16xf32>, vector<16xi32> -> vector<16xf32>
      %add3A_3371 = arith.addf %add3A_3367, %gather3A_3370 : vector<16xf32>
      %reshape3A_3372 = vector.shape_cast %xor3A_7 : vector<16xi32> to vector<16x1xi32>
      %gather3A_3373 = vector.shape_cast %reshape3A_3372 : vector<16x1xi32> to vector<16xi32>
      %gather3A_3374 = tpu.dynamic_gather %add3A_3371[%gather3A_3373] in [0] : vector<16xf32>, vector<16xi32> -> vector<16xf32>
      %add3A_3375 = arith.addf %add3A_3371, %gather3A_3374 : vector<16xf32>
      %reshape3A_3376 = vector.shape_cast %xor3A_10 : vector<16xi32> to vector<16x1xi32>
      %gather3A_3377 = vector.shape_cast %reshape3A_3376 : vector<16x1xi32> to vector<16xi32>
      %gather3A_3378 = tpu.dynamic_gather %add3A_3375[%gather3A_3377] in [0] : vector<16xf32>, vector<16xi32> -> vector<16xf32>
      %add3A_3379 = arith.addf %add3A_3375, %gather3A_3378 : vector<16xf32>
      %reshape3A_3380 = vector.shape_cast %xor3A_13 : vector<16xi32> to vector<16x1xi32>
      %gather3A_3381 = vector.shape_cast %reshape3A_3380 : vector<16x1xi32> to vector<16xi32>
      %gather3A_3382 = tpu.dynamic_gather %add3A_3379[%gather3A_3381] in [0] : vector<16xf32>, vector<16xi32> -> vector<16xf32>
      %add3A_3383 = arith.addf %add3A_3379, %gather3A_3382 : vector<16xf32>
      %eq3A_3384 = arith.constant 7 : i32
      %eq3A_3385 = vector.broadcast %eq3A_3384 : i32 to vector<16xi32>
      %eq3A_3386 = arith.cmpi eq, %iota3A, %eq3A_3385 : vector<16xi32>
      %select_n3A_3387 = arith.select %eq3A_3386, %add3A_3383, %select_n3A_3316 : vector<16xi1>, vector<16xf32>
      %slice3A_3388 = vector.extract_strided_slice %and3A_2812 {offsets = [8], sizes = [1], strides = [1]} : vector<16xi32> to vector<1xi32>
      %squeeze3A_3389 = vector.extract %slice3A_3388[0] : i32 from vector<1xi32>
      %slice3A_3390 = vector.extract_strided_slice %and3A_2817 {offsets = [8], sizes = [1], strides = [1]} : vector<16xi32> to vector<1xi32>
      %squeeze3A_3391 = vector.extract %slice3A_3390[0] : i32 from vector<1xi32>
      %get3A_3392 = arith.constant 8 : i32
      %get3A_3393 = arith.index_cast %get3A_3392 : i32 to index
      %get3A_3394 = arith.index_cast %squeeze3A_3389 : i32 to index
      %get3A_3395 = arith.constant 0 : index
      %get3A_3396 = tpu.vector_load %arg11[%get3A_3393, %get3A_3394, %get3A_3395] {strides = array<i32>} : memref<16x8x64xf32, #tpu.memory_space<vmem>>, vector<16xf32>,
      %get3A_3397 = arith.constant 8 : i32
      %get3A_3398 = arith.index_cast %get3A_3397 : i32 to index
      %get3A_3399 = arith.index_cast %squeeze3A_3391 : i32 to index
      %get3A_3400 = arith.constant 0 : index
      %get3A_3401 = tpu.vector_load %arg12[%get3A_3398, %get3A_3399, %get3A_3400] {strides = array<i32>} : memref<16x8x64xf32, #tpu.memory_space<vmem>>, vector<16xf32>,
      %mul3A_3402 = arith.mulf %get3A_3396, %get3A_3401 : vector<16xf32>
      %get3A_3403 = arith.constant 8 : i32
      %get3A_3404 = arith.index_cast %get3A_3403 : i32 to index
      %get3A_3405 = arith.index_cast %squeeze3A_3389 : i32 to index
      %get3A_3406 = arith.constant 16 : index
      %get3A_3407 = tpu.vector_load %arg11[%get3A_3404, %get3A_3405, %get3A_3406] {strides = array<i32>} : memref<16x8x64xf32, #tpu.memory_space<vmem>>, vector<16xf32>,
      %get3A_3408 = arith.constant 8 : i32
      %get3A_3409 = arith.index_cast %get3A_3408 : i32 to index
      %get3A_3410 = arith.index_cast %squeeze3A_3391 : i32 to index
      %get3A_3411 = arith.constant 16 : index
      %get3A_3412 = tpu.vector_load %arg12[%get3A_3409, %get3A_3410, %get3A_3411] {strides = array<i32>} : memref<16x8x64xf32, #tpu.memory_space<vmem>>, vector<16xf32>,
      %mul3A_3413 = arith.mulf %get3A_3407, %get3A_3412 : vector<16xf32>
      %add3A_3414 = arith.addf %mul3A_3402, %mul3A_3413 : vector<16xf32>
      %get3A_3415 = arith.constant 8 : i32
      %get3A_3416 = arith.index_cast %get3A_3415 : i32 to index
      %get3A_3417 = arith.index_cast %squeeze3A_3389 : i32 to index
      %get3A_3418 = arith.constant 32 : index
      %get3A_3419 = tpu.vector_load %arg11[%get3A_3416, %get3A_3417, %get3A_3418] {strides = array<i32>} : memref<16x8x64xf32, #tpu.memory_space<vmem>>, vector<16xf32>,
      %get3A_3420 = arith.constant 8 : i32
      %get3A_3421 = arith.index_cast %get3A_3420 : i32 to index
      %get3A_3422 = arith.index_cast %squeeze3A_3391 : i32 to index
      %get3A_3423 = arith.constant 32 : index
      %get3A_3424 = tpu.vector_load %arg12[%get3A_3421, %get3A_3422, %get3A_3423] {strides = array<i32>} : memref<16x8x64xf32, #tpu.memory_space<vmem>>, vector<16xf32>,
      %mul3A_3425 = arith.mulf %get3A_3419, %get3A_3424 : vector<16xf32>
      %add3A_3426 = arith.addf %add3A_3414, %mul3A_3425 : vector<16xf32>
      %get3A_3427 = arith.constant 8 : i32
      %get3A_3428 = arith.index_cast %get3A_3427 : i32 to index
      %get3A_3429 = arith.index_cast %squeeze3A_3389 : i32 to index
      %get3A_3430 = arith.constant 48 : index
      %get3A_3431 = tpu.vector_load %arg11[%get3A_3428, %get3A_3429, %get3A_3430] {strides = array<i32>} : memref<16x8x64xf32, #tpu.memory_space<vmem>>, vector<16xf32>,
      %get3A_3432 = arith.constant 8 : i32
      %get3A_3433 = arith.index_cast %get3A_3432 : i32 to index
      %get3A_3434 = arith.index_cast %squeeze3A_3391 : i32 to index
      %get3A_3435 = arith.constant 48 : index
      %get3A_3436 = tpu.vector_load %arg12[%get3A_3433, %get3A_3434, %get3A_3435] {strides = array<i32>} : memref<16x8x64xf32, #tpu.memory_space<vmem>>, vector<16xf32>,
      %mul3A_3437 = arith.mulf %get3A_3431, %get3A_3436 : vector<16xf32>
      %add3A_3438 = arith.addf %add3A_3426, %mul3A_3437 : vector<16xf32>
      %reshape3A_3439 = vector.shape_cast %xor3A_4 : vector<16xi32> to vector<16x1xi32>
      %gather3A_3440 = vector.shape_cast %reshape3A_3439 : vector<16x1xi32> to vector<16xi32>
      %gather3A_3441 = tpu.dynamic_gather %add3A_3438[%gather3A_3440] in [0] : vector<16xf32>, vector<16xi32> -> vector<16xf32>
      %add3A_3442 = arith.addf %add3A_3438, %gather3A_3441 : vector<16xf32>
      %reshape3A_3443 = vector.shape_cast %xor3A_7 : vector<16xi32> to vector<16x1xi32>
      %gather3A_3444 = vector.shape_cast %reshape3A_3443 : vector<16x1xi32> to vector<16xi32>
      %gather3A_3445 = tpu.dynamic_gather %add3A_3442[%gather3A_3444] in [0] : vector<16xf32>, vector<16xi32> -> vector<16xf32>
      %add3A_3446 = arith.addf %add3A_3442, %gather3A_3445 : vector<16xf32>
      %reshape3A_3447 = vector.shape_cast %xor3A_10 : vector<16xi32> to vector<16x1xi32>
      %gather3A_3448 = vector.shape_cast %reshape3A_3447 : vector<16x1xi32> to vector<16xi32>
      %gather3A_3449 = tpu.dynamic_gather %add3A_3446[%gather3A_3448] in [0] : vector<16xf32>, vector<16xi32> -> vector<16xf32>
      %add3A_3450 = arith.addf %add3A_3446, %gather3A_3449 : vector<16xf32>
      %reshape3A_3451 = vector.shape_cast %xor3A_13 : vector<16xi32> to vector<16x1xi32>
      %gather3A_3452 = vector.shape_cast %reshape3A_3451 : vector<16x1xi32> to vector<16xi32>
      %gather3A_3453 = tpu.dynamic_gather %add3A_3450[%gather3A_3452] in [0] : vector<16xf32>, vector<16xi32> -> vector<16xf32>
      %add3A_3454 = arith.addf %add3A_3450, %gather3A_3453 : vector<16xf32>
      %eq3A_3455 = arith.constant 8 : i32
      %eq3A_3456 = vector.broadcast %eq3A_3455 : i32 to vector<16xi32>
      %eq3A_3457 = arith.cmpi eq, %iota3A, %eq3A_3456 : vector<16xi32>
      %select_n3A_3458 = arith.select %eq3A_3457, %add3A_3454, %select_n3A_3387 : vector<16xi1>, vector<16xf32>
      %slice3A_3459 = vector.extract_strided_slice %and3A_2812 {offsets = [9], sizes = [1], strides = [1]} : vector<16xi32> to vector<1xi32>
      %squeeze3A_3460 = vector.extract %slice3A_3459[0] : i32 from vector<1xi32>
      %slice3A_3461 = vector.extract_strided_slice %and3A_2817 {offsets = [9], sizes = [1], strides = [1]} : vector<16xi32> to vector<1xi32>
      %squeeze3A_3462 = vector.extract %slice3A_3461[0] : i32 from vector<1xi32>
      %get3A_3463 = arith.constant 9 : i32
      %get3A_3464 = arith.index_cast %get3A_3463 : i32 to index
      %get3A_3465 = arith.index_cast %squeeze3A_3460 : i32 to index
      %get3A_3466 = arith.constant 0 : index
      %get3A_3467 = tpu.vector_load %arg11[%get3A_3464, %get3A_3465, %get3A_3466] {strides = array<i32>} : memref<16x8x64xf32, #tpu.memory_space<vmem>>, vector<16xf32>,
      %get3A_3468 = arith.constant 9 : i32
      %get3A_3469 = arith.index_cast %get3A_3468 : i32 to index
      %get3A_3470 = arith.index_cast %squeeze3A_3462 : i32 to index
      %get3A_3471 = arith.constant 0 : index
      %get3A_3472 = tpu.vector_load %arg12[%get3A_3469, %get3A_3470, %get3A_3471] {strides = array<i32>} : memref<16x8x64xf32, #tpu.memory_space<vmem>>, vector<16xf32>,
      %mul3A_3473 = arith.mulf %get3A_3467, %get3A_3472 : vector<16xf32>
      %get3A_3474 = arith.constant 9 : i32
      %get3A_3475 = arith.index_cast %get3A_3474 : i32 to index
      %get3A_3476 = arith.index_cast %squeeze3A_3460 : i32 to index
      %get3A_3477 = arith.constant 16 : index
      %get3A_3478 = tpu.vector_load %arg11[%get3A_3475, %get3A_3476, %get3A_3477] {strides = array<i32>} : memref<16x8x64xf32, #tpu.memory_space<vmem>>, vector<16xf32>,
      %get3A_3479 = arith.constant 9 : i32
      %get3A_3480 = arith.index_cast %get3A_3479 : i32 to index
      %get3A_3481 = arith.index_cast %squeeze3A_3462 : i32 to index
      %get3A_3482 = arith.constant 16 : index
      %get3A_3483 = tpu.vector_load %arg12[%get3A_3480, %get3A_3481, %get3A_3482] {strides = array<i32>} : memref<16x8x64xf32, #tpu.memory_space<vmem>>, vector<16xf32>,
      %mul3A_3484 = arith.mulf %get3A_3478, %get3A_3483 : vector<16xf32>
      %add3A_3485 = arith.addf %mul3A_3473, %mul3A_3484 : vector<16xf32>
      %get3A_3486 = arith.constant 9 : i32
      %get3A_3487 = arith.index_cast %get3A_3486 : i32 to index
      %get3A_3488 = arith.index_cast %squeeze3A_3460 : i32 to index
      %get3A_3489 = arith.constant 32 : index
      %get3A_3490 = tpu.vector_load %arg11[%get3A_3487, %get3A_3488, %get3A_3489] {strides = array<i32>} : memref<16x8x64xf32, #tpu.memory_space<vmem>>, vector<16xf32>,
      %get3A_3491 = arith.constant 9 : i32
      %get3A_3492 = arith.index_cast %get3A_3491 : i32 to index
      %get3A_3493 = arith.index_cast %squeeze3A_3462 : i32 to index
      %get3A_3494 = arith.constant 32 : index
      %get3A_3495 = tpu.vector_load %arg12[%get3A_3492, %get3A_3493, %get3A_3494] {strides = array<i32>} : memref<16x8x64xf32, #tpu.memory_space<vmem>>, vector<16xf32>,
      %mul3A_3496 = arith.mulf %get3A_3490, %get3A_3495 : vector<16xf32>
      %add3A_3497 = arith.addf %add3A_3485, %mul3A_3496 : vector<16xf32>
      %get3A_3498 = arith.constant 9 : i32
      %get3A_3499 = arith.index_cast %get3A_3498 : i32 to index
      %get3A_3500 = arith.index_cast %squeeze3A_3460 : i32 to index
      %get3A_3501 = arith.constant 48 : index
      %get3A_3502 = tpu.vector_load %arg11[%get3A_3499, %get3A_3500, %get3A_3501] {strides = array<i32>} : memref<16x8x64xf32, #tpu.memory_space<vmem>>, vector<16xf32>,
      %get3A_3503 = arith.constant 9 : i32
      %get3A_3504 = arith.index_cast %get3A_3503 : i32 to index
      %get3A_3505 = arith.index_cast %squeeze3A_3462 : i32 to index
      %get3A_3506 = arith.constant 48 : index
      %get3A_3507 = tpu.vector_load %arg12[%get3A_3504, %get3A_3505, %get3A_3506] {strides = array<i32>} : memref<16x8x64xf32, #tpu.memory_space<vmem>>, vector<16xf32>,
      %mul3A_3508 = arith.mulf %get3A_3502, %get3A_3507 : vector<16xf32>
      %add3A_3509 = arith.addf %add3A_3497, %mul3A_3508 : vector<16xf32>
      %reshape3A_3510 = vector.shape_cast %xor3A_4 : vector<16xi32> to vector<16x1xi32>
      %gather3A_3511 = vector.shape_cast %reshape3A_3510 : vector<16x1xi32> to vector<16xi32>
      %gather3A_3512 = tpu.dynamic_gather %add3A_3509[%gather3A_3511] in [0] : vector<16xf32>, vector<16xi32> -> vector<16xf32>
      %add3A_3513 = arith.addf %add3A_3509, %gather3A_3512 : vector<16xf32>
      %reshape3A_3514 = vector.shape_cast %xor3A_7 : vector<16xi32> to vector<16x1xi32>
      %gather3A_3515 = vector.shape_cast %reshape3A_3514 : vector<16x1xi32> to vector<16xi32>
      %gather3A_3516 = tpu.dynamic_gather %add3A_3513[%gather3A_3515] in [0] : vector<16xf32>, vector<16xi32> -> vector<16xf32>
      %add3A_3517 = arith.addf %add3A_3513, %gather3A_3516 : vector<16xf32>
      %reshape3A_3518 = vector.shape_cast %xor3A_10 : vector<16xi32> to vector<16x1xi32>
      %gather3A_3519 = vector.shape_cast %reshape3A_3518 : vector<16x1xi32> to vector<16xi32>
      %gather3A_3520 = tpu.dynamic_gather %add3A_3517[%gather3A_3519] in [0] : vector<16xf32>, vector<16xi32> -> vector<16xf32>
      %add3A_3521 = arith.addf %add3A_3517, %gather3A_3520 : vector<16xf32>
      %reshape3A_3522 = vector.shape_cast %xor3A_13 : vector<16xi32> to vector<16x1xi32>
      %gather3A_3523 = vector.shape_cast %reshape3A_3522 : vector<16x1xi32> to vector<16xi32>
      %gather3A_3524 = tpu.dynamic_gather %add3A_3521[%gather3A_3523] in [0] : vector<16xf32>, vector<16xi32> -> vector<16xf32>
      %add3A_3525 = arith.addf %add3A_3521, %gather3A_3524 : vector<16xf32>
      %eq3A_3526 = arith.constant 9 : i32
      %eq3A_3527 = vector.broadcast %eq3A_3526 : i32 to vector<16xi32>
      %eq3A_3528 = arith.cmpi eq, %iota3A, %eq3A_3527 : vector<16xi32>
      %select_n3A_3529 = arith.select %eq3A_3528, %add3A_3525, %select_n3A_3458 : vector<16xi1>, vector<16xf32>
      %slice3A_3530 = vector.extract_strided_slice %and3A_2812 {offsets = [10], sizes = [1], strides = [1]} : vector<16xi32> to vector<1xi32>
      %squeeze3A_3531 = vector.extract %slice3A_3530[0] : i32 from vector<1xi32>
      %slice3A_3532 = vector.extract_strided_slice %and3A_2817 {offsets = [10], sizes = [1], strides = [1]} : vector<16xi32> to vector<1xi32>
      %squeeze3A_3533 = vector.extract %slice3A_3532[0] : i32 from vector<1xi32>
      %get3A_3534 = arith.constant 10 : i32
      %get3A_3535 = arith.index_cast %get3A_3534 : i32 to index
      %get3A_3536 = arith.index_cast %squeeze3A_3531 : i32 to index
      %get3A_3537 = arith.constant 0 : index
      %get3A_3538 = tpu.vector_load %arg11[%get3A_3535, %get3A_3536, %get3A_3537] {strides = array<i32>} : memref<16x8x64xf32, #tpu.memory_space<vmem>>, vector<16xf32>,
      %get3A_3539 = arith.constant 10 : i32
      %get3A_3540 = arith.index_cast %get3A_3539 : i32 to index
      %get3A_3541 = arith.index_cast %squeeze3A_3533 : i32 to index
      %get3A_3542 = arith.constant 0 : index
      %get3A_3543 = tpu.vector_load %arg12[%get3A_3540, %get3A_3541, %get3A_3542] {strides = array<i32>} : memref<16x8x64xf32, #tpu.memory_space<vmem>>, vector<16xf32>,
      %mul3A_3544 = arith.mulf %get3A_3538, %get3A_3543 : vector<16xf32>
      %get3A_3545 = arith.constant 10 : i32
      %get3A_3546 = arith.index_cast %get3A_3545 : i32 to index
      %get3A_3547 = arith.index_cast %squeeze3A_3531 : i32 to index
      %get3A_3548 = arith.constant 16 : index
      %get3A_3549 = tpu.vector_load %arg11[%get3A_3546, %get3A_3547, %get3A_3548] {strides = array<i32>} : memref<16x8x64xf32, #tpu.memory_space<vmem>>, vector<16xf32>,
      %get3A_3550 = arith.constant 10 : i32
      %get3A_3551 = arith.index_cast %get3A_3550 : i32 to index
      %get3A_3552 = arith.index_cast %squeeze3A_3533 : i32 to index
      %get3A_3553 = arith.constant 16 : index
      %get3A_3554 = tpu.vector_load %arg12[%get3A_3551, %get3A_3552, %get3A_3553] {strides = array<i32>} : memref<16x8x64xf32, #tpu.memory_space<vmem>>, vector<16xf32>,
      %mul3A_3555 = arith.mulf %get3A_3549, %get3A_3554 : vector<16xf32>
      %add3A_3556 = arith.addf %mul3A_3544, %mul3A_3555 : vector<16xf32>
      %get3A_3557 = arith.constant 10 : i32
      %get3A_3558 = arith.index_cast %get3A_3557 : i32 to index
      %get3A_3559 = arith.index_cast %squeeze3A_3531 : i32 to index
      %get3A_3560 = arith.constant 32 : index
      %get3A_3561 = tpu.vector_load %arg11[%get3A_3558, %get3A_3559, %get3A_3560] {strides = array<i32>} : memref<16x8x64xf32, #tpu.memory_space<vmem>>, vector<16xf32>,
      %get3A_3562 = arith.constant 10 : i32
      %get3A_3563 = arith.index_cast %get3A_3562 : i32 to index
      %get3A_3564 = arith.index_cast %squeeze3A_3533 : i32 to index
      %get3A_3565 = arith.constant 32 : index
      %get3A_3566 = tpu.vector_load %arg12[%get3A_3563, %get3A_3564, %get3A_3565] {strides = array<i32>} : memref<16x8x64xf32, #tpu.memory_space<vmem>>, vector<16xf32>,
      %mul3A_3567 = arith.mulf %get3A_3561, %get3A_3566 : vector<16xf32>
      %add3A_3568 = arith.addf %add3A_3556, %mul3A_3567 : vector<16xf32>
      %get3A_3569 = arith.constant 10 : i32
      %get3A_3570 = arith.index_cast %get3A_3569 : i32 to index
      %get3A_3571 = arith.index_cast %squeeze3A_3531 : i32 to index
      %get3A_3572 = arith.constant 48 : index
      %get3A_3573 = tpu.vector_load %arg11[%get3A_3570, %get3A_3571, %get3A_3572] {strides = array<i32>} : memref<16x8x64xf32, #tpu.memory_space<vmem>>, vector<16xf32>,
      %get3A_3574 = arith.constant 10 : i32
      %get3A_3575 = arith.index_cast %get3A_3574 : i32 to index
      %get3A_3576 = arith.index_cast %squeeze3A_3533 : i32 to index
      %get3A_3577 = arith.constant 48 : index
      %get3A_3578 = tpu.vector_load %arg12[%get3A_3575, %get3A_3576, %get3A_3577] {strides = array<i32>} : memref<16x8x64xf32, #tpu.memory_space<vmem>>, vector<16xf32>,
      %mul3A_3579 = arith.mulf %get3A_3573, %get3A_3578 : vector<16xf32>
      %add3A_3580 = arith.addf %add3A_3568, %mul3A_3579 : vector<16xf32>
      %reshape3A_3581 = vector.shape_cast %xor3A_4 : vector<16xi32> to vector<16x1xi32>
      %gather3A_3582 = vector.shape_cast %reshape3A_3581 : vector<16x1xi32> to vector<16xi32>
      %gather3A_3583 = tpu.dynamic_gather %add3A_3580[%gather3A_3582] in [0] : vector<16xf32>, vector<16xi32> -> vector<16xf32>
      %add3A_3584 = arith.addf %add3A_3580, %gather3A_3583 : vector<16xf32>
      %reshape3A_3585 = vector.shape_cast %xor3A_7 : vector<16xi32> to vector<16x1xi32>
      %gather3A_3586 = vector.shape_cast %reshape3A_3585 : vector<16x1xi32> to vector<16xi32>
      %gather3A_3587 = tpu.dynamic_gather %add3A_3584[%gather3A_3586] in [0] : vector<16xf32>, vector<16xi32> -> vector<16xf32>
      %add3A_3588 = arith.addf %add3A_3584, %gather3A_3587 : vector<16xf32>
      %reshape3A_3589 = vector.shape_cast %xor3A_10 : vector<16xi32> to vector<16x1xi32>
      %gather3A_3590 = vector.shape_cast %reshape3A_3589 : vector<16x1xi32> to vector<16xi32>
      %gather3A_3591 = tpu.dynamic_gather %add3A_3588[%gather3A_3590] in [0] : vector<16xf32>, vector<16xi32> -> vector<16xf32>
      %add3A_3592 = arith.addf %add3A_3588, %gather3A_3591 : vector<16xf32>
      %reshape3A_3593 = vector.shape_cast %xor3A_13 : vector<16xi32> to vector<16x1xi32>
      %gather3A_3594 = vector.shape_cast %reshape3A_3593 : vector<16x1xi32> to vector<16xi32>
      %gather3A_3595 = tpu.dynamic_gather %add3A_3592[%gather3A_3594] in [0] : vector<16xf32>, vector<16xi32> -> vector<16xf32>
      %add3A_3596 = arith.addf %add3A_3592, %gather3A_3595 : vector<16xf32>
      %eq3A_3597 = arith.constant 10 : i32
      %eq3A_3598 = vector.broadcast %eq3A_3597 : i32 to vector<16xi32>
      %eq3A_3599 = arith.cmpi eq, %iota3A, %eq3A_3598 : vector<16xi32>
      %select_n3A_3600 = arith.select %eq3A_3599, %add3A_3596, %select_n3A_3529 : vector<16xi1>, vector<16xf32>
      %slice3A_3601 = vector.extract_strided_slice %and3A_2812 {offsets = [11], sizes = [1], strides = [1]} : vector<16xi32> to vector<1xi32>
      %squeeze3A_3602 = vector.extract %slice3A_3601[0] : i32 from vector<1xi32>
      %slice3A_3603 = vector.extract_strided_slice %and3A_2817 {offsets = [11], sizes = [1], strides = [1]} : vector<16xi32> to vector<1xi32>
      %squeeze3A_3604 = vector.extract %slice3A_3603[0] : i32 from vector<1xi32>
      %get3A_3605 = arith.constant 11 : i32
      %get3A_3606 = arith.index_cast %get3A_3605 : i32 to index
      %get3A_3607 = arith.index_cast %squeeze3A_3602 : i32 to index
      %get3A_3608 = arith.constant 0 : index
      %get3A_3609 = tpu.vector_load %arg11[%get3A_3606, %get3A_3607, %get3A_3608] {strides = array<i32>} : memref<16x8x64xf32, #tpu.memory_space<vmem>>, vector<16xf32>,
      %get3A_3610 = arith.constant 11 : i32
      %get3A_3611 = arith.index_cast %get3A_3610 : i32 to index
      %get3A_3612 = arith.index_cast %squeeze3A_3604 : i32 to index
      %get3A_3613 = arith.constant 0 : index
      %get3A_3614 = tpu.vector_load %arg12[%get3A_3611, %get3A_3612, %get3A_3613] {strides = array<i32>} : memref<16x8x64xf32, #tpu.memory_space<vmem>>, vector<16xf32>,
      %mul3A_3615 = arith.mulf %get3A_3609, %get3A_3614 : vector<16xf32>
      %get3A_3616 = arith.constant 11 : i32
      %get3A_3617 = arith.index_cast %get3A_3616 : i32 to index
      %get3A_3618 = arith.index_cast %squeeze3A_3602 : i32 to index
      %get3A_3619 = arith.constant 16 : index
      %get3A_3620 = tpu.vector_load %arg11[%get3A_3617, %get3A_3618, %get3A_3619] {strides = array<i32>} : memref<16x8x64xf32, #tpu.memory_space<vmem>>, vector<16xf32>,
      %get3A_3621 = arith.constant 11 : i32
      %get3A_3622 = arith.index_cast %get3A_3621 : i32 to index
      %get3A_3623 = arith.index_cast %squeeze3A_3604 : i32 to index
      %get3A_3624 = arith.constant 16 : index
      %get3A_3625 = tpu.vector_load %arg12[%get3A_3622, %get3A_3623, %get3A_3624] {strides = array<i32>} : memref<16x8x64xf32, #tpu.memory_space<vmem>>, vector<16xf32>,
      %mul3A_3626 = arith.mulf %get3A_3620, %get3A_3625 : vector<16xf32>
      %add3A_3627 = arith.addf %mul3A_3615, %mul3A_3626 : vector<16xf32>
      %get3A_3628 = arith.constant 11 : i32
      %get3A_3629 = arith.index_cast %get3A_3628 : i32 to index
      %get3A_3630 = arith.index_cast %squeeze3A_3602 : i32 to index
      %get3A_3631 = arith.constant 32 : index
      %get3A_3632 = tpu.vector_load %arg11[%get3A_3629, %get3A_3630, %get3A_3631] {strides = array<i32>} : memref<16x8x64xf32, #tpu.memory_space<vmem>>, vector<16xf32>,
      %get3A_3633 = arith.constant 11 : i32
      %get3A_3634 = arith.index_cast %get3A_3633 : i32 to index
      %get3A_3635 = arith.index_cast %squeeze3A_3604 : i32 to index
      %get3A_3636 = arith.constant 32 : index
      %get3A_3637 = tpu.vector_load %arg12[%get3A_3634, %get3A_3635, %get3A_3636] {strides = array<i32>} : memref<16x8x64xf32, #tpu.memory_space<vmem>>, vector<16xf32>,
      %mul3A_3638 = arith.mulf %get3A_3632, %get3A_3637 : vector<16xf32>
      %add3A_3639 = arith.addf %add3A_3627, %mul3A_3638 : vector<16xf32>
      %get3A_3640 = arith.constant 11 : i32
      %get3A_3641 = arith.index_cast %get3A_3640 : i32 to index
      %get3A_3642 = arith.index_cast %squeeze3A_3602 : i32 to index
      %get3A_3643 = arith.constant 48 : index
      %get3A_3644 = tpu.vector_load %arg11[%get3A_3641, %get3A_3642, %get3A_3643] {strides = array<i32>} : memref<16x8x64xf32, #tpu.memory_space<vmem>>, vector<16xf32>,
      %get3A_3645 = arith.constant 11 : i32
      %get3A_3646 = arith.index_cast %get3A_3645 : i32 to index
      %get3A_3647 = arith.index_cast %squeeze3A_3604 : i32 to index
      %get3A_3648 = arith.constant 48 : index
      %get3A_3649 = tpu.vector_load %arg12[%get3A_3646, %get3A_3647, %get3A_3648] {strides = array<i32>} : memref<16x8x64xf32, #tpu.memory_space<vmem>>, vector<16xf32>,
      %mul3A_3650 = arith.mulf %get3A_3644, %get3A_3649 : vector<16xf32>
      %add3A_3651 = arith.addf %add3A_3639, %mul3A_3650 : vector<16xf32>
      %reshape3A_3652 = vector.shape_cast %xor3A_4 : vector<16xi32> to vector<16x1xi32>
      %gather3A_3653 = vector.shape_cast %reshape3A_3652 : vector<16x1xi32> to vector<16xi32>
      %gather3A_3654 = tpu.dynamic_gather %add3A_3651[%gather3A_3653] in [0] : vector<16xf32>, vector<16xi32> -> vector<16xf32>
      %add3A_3655 = arith.addf %add3A_3651, %gather3A_3654 : vector<16xf32>
      %reshape3A_3656 = vector.shape_cast %xor3A_7 : vector<16xi32> to vector<16x1xi32>
      %gather3A_3657 = vector.shape_cast %reshape3A_3656 : vector<16x1xi32> to vector<16xi32>
      %gather3A_3658 = tpu.dynamic_gather %add3A_3655[%gather3A_3657] in [0] : vector<16xf32>, vector<16xi32> -> vector<16xf32>
      %add3A_3659 = arith.addf %add3A_3655, %gather3A_3658 : vector<16xf32>
      %reshape3A_3660 = vector.shape_cast %xor3A_10 : vector<16xi32> to vector<16x1xi32>
      %gather3A_3661 = vector.shape_cast %reshape3A_3660 : vector<16x1xi32> to vector<16xi32>
      %gather3A_3662 = tpu.dynamic_gather %add3A_3659[%gather3A_3661] in [0] : vector<16xf32>, vector<16xi32> -> vector<16xf32>
      %add3A_3663 = arith.addf %add3A_3659, %gather3A_3662 : vector<16xf32>
      %reshape3A_3664 = vector.shape_cast %xor3A_13 : vector<16xi32> to vector<16x1xi32>
      %gather3A_3665 = vector.shape_cast %reshape3A_3664 : vector<16x1xi32> to vector<16xi32>
      %gather3A_3666 = tpu.dynamic_gather %add3A_3663[%gather3A_3665] in [0] : vector<16xf32>, vector<16xi32> -> vector<16xf32>
      %add3A_3667 = arith.addf %add3A_3663, %gather3A_3666 : vector<16xf32>
      %eq3A_3668 = arith.constant 11 : i32
      %eq3A_3669 = vector.broadcast %eq3A_3668 : i32 to vector<16xi32>
      %eq3A_3670 = arith.cmpi eq, %iota3A, %eq3A_3669 : vector<16xi32>
      %select_n3A_3671 = arith.select %eq3A_3670, %add3A_3667, %select_n3A_3600 : vector<16xi1>, vector<16xf32>
      %slice3A_3672 = vector.extract_strided_slice %and3A_2812 {offsets = [12], sizes = [1], strides = [1]} : vector<16xi32> to vector<1xi32>
      %squeeze3A_3673 = vector.extract %slice3A_3672[0] : i32 from vector<1xi32>
      %slice3A_3674 = vector.extract_strided_slice %and3A_2817 {offsets = [12], sizes = [1], strides = [1]} : vector<16xi32> to vector<1xi32>
      %squeeze3A_3675 = vector.extract %slice3A_3674[0] : i32 from vector<1xi32>
      %get3A_3676 = arith.constant 12 : i32
      %get3A_3677 = arith.index_cast %get3A_3676 : i32 to index
      %get3A_3678 = arith.index_cast %squeeze3A_3673 : i32 to index
      %get3A_3679 = arith.constant 0 : index
      %get3A_3680 = tpu.vector_load %arg11[%get3A_3677, %get3A_3678, %get3A_3679] {strides = array<i32>} : memref<16x8x64xf32, #tpu.memory_space<vmem>>, vector<16xf32>,
      %get3A_3681 = arith.constant 12 : i32
      %get3A_3682 = arith.index_cast %get3A_3681 : i32 to index
      %get3A_3683 = arith.index_cast %squeeze3A_3675 : i32 to index
      %get3A_3684 = arith.constant 0 : index
      %get3A_3685 = tpu.vector_load %arg12[%get3A_3682, %get3A_3683, %get3A_3684] {strides = array<i32>} : memref<16x8x64xf32, #tpu.memory_space<vmem>>, vector<16xf32>,
      %mul3A_3686 = arith.mulf %get3A_3680, %get3A_3685 : vector<16xf32>
      %get3A_3687 = arith.constant 12 : i32
      %get3A_3688 = arith.index_cast %get3A_3687 : i32 to index
      %get3A_3689 = arith.index_cast %squeeze3A_3673 : i32 to index
      %get3A_3690 = arith.constant 16 : index
      %get3A_3691 = tpu.vector_load %arg11[%get3A_3688, %get3A_3689, %get3A_3690] {strides = array<i32>} : memref<16x8x64xf32, #tpu.memory_space<vmem>>, vector<16xf32>,
      %get3A_3692 = arith.constant 12 : i32
      %get3A_3693 = arith.index_cast %get3A_3692 : i32 to index
      %get3A_3694 = arith.index_cast %squeeze3A_3675 : i32 to index
      %get3A_3695 = arith.constant 16 : index
      %get3A_3696 = tpu.vector_load %arg12[%get3A_3693, %get3A_3694, %get3A_3695] {strides = array<i32>} : memref<16x8x64xf32, #tpu.memory_space<vmem>>, vector<16xf32>,
      %mul3A_3697 = arith.mulf %get3A_3691, %get3A_3696 : vector<16xf32>
      %add3A_3698 = arith.addf %mul3A_3686, %mul3A_3697 : vector<16xf32>
      %get3A_3699 = arith.constant 12 : i32
      %get3A_3700 = arith.index_cast %get3A_3699 : i32 to index
      %get3A_3701 = arith.index_cast %squeeze3A_3673 : i32 to index
      %get3A_3702 = arith.constant 32 : index
      %get3A_3703 = tpu.vector_load %arg11[%get3A_3700, %get3A_3701, %get3A_3702] {strides = array<i32>} : memref<16x8x64xf32, #tpu.memory_space<vmem>>, vector<16xf32>,
      %get3A_3704 = arith.constant 12 : i32
      %get3A_3705 = arith.index_cast %get3A_3704 : i32 to index
      %get3A_3706 = arith.index_cast %squeeze3A_3675 : i32 to index
      %get3A_3707 = arith.constant 32 : index
      %get3A_3708 = tpu.vector_load %arg12[%get3A_3705, %get3A_3706, %get3A_3707] {strides = array<i32>} : memref<16x8x64xf32, #tpu.memory_space<vmem>>, vector<16xf32>,
      %mul3A_3709 = arith.mulf %get3A_3703, %get3A_3708 : vector<16xf32>
      %add3A_3710 = arith.addf %add3A_3698, %mul3A_3709 : vector<16xf32>
      %get3A_3711 = arith.constant 12 : i32
      %get3A_3712 = arith.index_cast %get3A_3711 : i32 to index
      %get3A_3713 = arith.index_cast %squeeze3A_3673 : i32 to index
      %get3A_3714 = arith.constant 48 : index
      %get3A_3715 = tpu.vector_load %arg11[%get3A_3712, %get3A_3713, %get3A_3714] {strides = array<i32>} : memref<16x8x64xf32, #tpu.memory_space<vmem>>, vector<16xf32>,
      %get3A_3716 = arith.constant 12 : i32
      %get3A_3717 = arith.index_cast %get3A_3716 : i32 to index
      %get3A_3718 = arith.index_cast %squeeze3A_3675 : i32 to index
      %get3A_3719 = arith.constant 48 : index
      %get3A_3720 = tpu.vector_load %arg12[%get3A_3717, %get3A_3718, %get3A_3719] {strides = array<i32>} : memref<16x8x64xf32, #tpu.memory_space<vmem>>, vector<16xf32>,
      %mul3A_3721 = arith.mulf %get3A_3715, %get3A_3720 : vector<16xf32>
      %add3A_3722 = arith.addf %add3A_3710, %mul3A_3721 : vector<16xf32>
      %reshape3A_3723 = vector.shape_cast %xor3A_4 : vector<16xi32> to vector<16x1xi32>
      %gather3A_3724 = vector.shape_cast %reshape3A_3723 : vector<16x1xi32> to vector<16xi32>
      %gather3A_3725 = tpu.dynamic_gather %add3A_3722[%gather3A_3724] in [0] : vector<16xf32>, vector<16xi32> -> vector<16xf32>
      %add3A_3726 = arith.addf %add3A_3722, %gather3A_3725 : vector<16xf32>
      %reshape3A_3727 = vector.shape_cast %xor3A_7 : vector<16xi32> to vector<16x1xi32>
      %gather3A_3728 = vector.shape_cast %reshape3A_3727 : vector<16x1xi32> to vector<16xi32>
      %gather3A_3729 = tpu.dynamic_gather %add3A_3726[%gather3A_3728] in [0] : vector<16xf32>, vector<16xi32> -> vector<16xf32>
      %add3A_3730 = arith.addf %add3A_3726, %gather3A_3729 : vector<16xf32>
      %reshape3A_3731 = vector.shape_cast %xor3A_10 : vector<16xi32> to vector<16x1xi32>
      %gather3A_3732 = vector.shape_cast %reshape3A_3731 : vector<16x1xi32> to vector<16xi32>
      %gather3A_3733 = tpu.dynamic_gather %add3A_3730[%gather3A_3732] in [0] : vector<16xf32>, vector<16xi32> -> vector<16xf32>
      %add3A_3734 = arith.addf %add3A_3730, %gather3A_3733 : vector<16xf32>
      %reshape3A_3735 = vector.shape_cast %xor3A_13 : vector<16xi32> to vector<16x1xi32>
      %gather3A_3736 = vector.shape_cast %reshape3A_3735 : vector<16x1xi32> to vector<16xi32>
      %gather3A_3737 = tpu.dynamic_gather %add3A_3734[%gather3A_3736] in [0] : vector<16xf32>, vector<16xi32> -> vector<16xf32>
      %add3A_3738 = arith.addf %add3A_3734, %gather3A_3737 : vector<16xf32>
      %eq3A_3739 = arith.constant 12 : i32
      %eq3A_3740 = vector.broadcast %eq3A_3739 : i32 to vector<16xi32>
      %eq3A_3741 = arith.cmpi eq, %iota3A, %eq3A_3740 : vector<16xi32>
      %select_n3A_3742 = arith.select %eq3A_3741, %add3A_3738, %select_n3A_3671 : vector<16xi1>, vector<16xf32>
      %slice3A_3743 = vector.extract_strided_slice %and3A_2812 {offsets = [13], sizes = [1], strides = [1]} : vector<16xi32> to vector<1xi32>
      %squeeze3A_3744 = vector.extract %slice3A_3743[0] : i32 from vector<1xi32>
      %slice3A_3745 = vector.extract_strided_slice %and3A_2817 {offsets = [13], sizes = [1], strides = [1]} : vector<16xi32> to vector<1xi32>
      %squeeze3A_3746 = vector.extract %slice3A_3745[0] : i32 from vector<1xi32>
      %get3A_3747 = arith.constant 13 : i32
      %get3A_3748 = arith.index_cast %get3A_3747 : i32 to index
      %get3A_3749 = arith.index_cast %squeeze3A_3744 : i32 to index
      %get3A_3750 = arith.constant 0 : index
      %get3A_3751 = tpu.vector_load %arg11[%get3A_3748, %get3A_3749, %get3A_3750] {strides = array<i32>} : memref<16x8x64xf32, #tpu.memory_space<vmem>>, vector<16xf32>,
      %get3A_3752 = arith.constant 13 : i32
      %get3A_3753 = arith.index_cast %get3A_3752 : i32 to index
      %get3A_3754 = arith.index_cast %squeeze3A_3746 : i32 to index
      %get3A_3755 = arith.constant 0 : index
      %get3A_3756 = tpu.vector_load %arg12[%get3A_3753, %get3A_3754, %get3A_3755] {strides = array<i32>} : memref<16x8x64xf32, #tpu.memory_space<vmem>>, vector<16xf32>,
      %mul3A_3757 = arith.mulf %get3A_3751, %get3A_3756 : vector<16xf32>
      %get3A_3758 = arith.constant 13 : i32
      %get3A_3759 = arith.index_cast %get3A_3758 : i32 to index
      %get3A_3760 = arith.index_cast %squeeze3A_3744 : i32 to index
      %get3A_3761 = arith.constant 16 : index
      %get3A_3762 = tpu.vector_load %arg11[%get3A_3759, %get3A_3760, %get3A_3761] {strides = array<i32>} : memref<16x8x64xf32, #tpu.memory_space<vmem>>, vector<16xf32>,
      %get3A_3763 = arith.constant 13 : i32
      %get3A_3764 = arith.index_cast %get3A_3763 : i32 to index
      %get3A_3765 = arith.index_cast %squeeze3A_3746 : i32 to index
      %get3A_3766 = arith.constant 16 : index
      %get3A_3767 = tpu.vector_load %arg12[%get3A_3764, %get3A_3765, %get3A_3766] {strides = array<i32>} : memref<16x8x64xf32, #tpu.memory_space<vmem>>, vector<16xf32>,
      %mul3A_3768 = arith.mulf %get3A_3762, %get3A_3767 : vector<16xf32>
      %add3A_3769 = arith.addf %mul3A_3757, %mul3A_3768 : vector<16xf32>
      %get3A_3770 = arith.constant 13 : i32
      %get3A_3771 = arith.index_cast %get3A_3770 : i32 to index
      %get3A_3772 = arith.index_cast %squeeze3A_3744 : i32 to index
      %get3A_3773 = arith.constant 32 : index
      %get3A_3774 = tpu.vector_load %arg11[%get3A_3771, %get3A_3772, %get3A_3773] {strides = array<i32>} : memref<16x8x64xf32, #tpu.memory_space<vmem>>, vector<16xf32>,
      %get3A_3775 = arith.constant 13 : i32
      %get3A_3776 = arith.index_cast %get3A_3775 : i32 to index
      %get3A_3777 = arith.index_cast %squeeze3A_3746 : i32 to index
      %get3A_3778 = arith.constant 32 : index
      %get3A_3779 = tpu.vector_load %arg12[%get3A_3776, %get3A_3777, %get3A_3778] {strides = array<i32>} : memref<16x8x64xf32, #tpu.memory_space<vmem>>, vector<16xf32>,
      %mul3A_3780 = arith.mulf %get3A_3774, %get3A_3779 : vector<16xf32>
      %add3A_3781 = arith.addf %add3A_3769, %mul3A_3780 : vector<16xf32>
      %get3A_3782 = arith.constant 13 : i32
      %get3A_3783 = arith.index_cast %get3A_3782 : i32 to index
      %get3A_3784 = arith.index_cast %squeeze3A_3744 : i32 to index
      %get3A_3785 = arith.constant 48 : index
      %get3A_3786 = tpu.vector_load %arg11[%get3A_3783, %get3A_3784, %get3A_3785] {strides = array<i32>} : memref<16x8x64xf32, #tpu.memory_space<vmem>>, vector<16xf32>,
      %get3A_3787 = arith.constant 13 : i32
      %get3A_3788 = arith.index_cast %get3A_3787 : i32 to index
      %get3A_3789 = arith.index_cast %squeeze3A_3746 : i32 to index
      %get3A_3790 = arith.constant 48 : index
      %get3A_3791 = tpu.vector_load %arg12[%get3A_3788, %get3A_3789, %get3A_3790] {strides = array<i32>} : memref<16x8x64xf32, #tpu.memory_space<vmem>>, vector<16xf32>,
      %mul3A_3792 = arith.mulf %get3A_3786, %get3A_3791 : vector<16xf32>
      %add3A_3793 = arith.addf %add3A_3781, %mul3A_3792 : vector<16xf32>
      %reshape3A_3794 = vector.shape_cast %xor3A_4 : vector<16xi32> to vector<16x1xi32>
      %gather3A_3795 = vector.shape_cast %reshape3A_3794 : vector<16x1xi32> to vector<16xi32>
      %gather3A_3796 = tpu.dynamic_gather %add3A_3793[%gather3A_3795] in [0] : vector<16xf32>, vector<16xi32> -> vector<16xf32>
      %add3A_3797 = arith.addf %add3A_3793, %gather3A_3796 : vector<16xf32>
      %reshape3A_3798 = vector.shape_cast %xor3A_7 : vector<16xi32> to vector<16x1xi32>
      %gather3A_3799 = vector.shape_cast %reshape3A_3798 : vector<16x1xi32> to vector<16xi32>
      %gather3A_3800 = tpu.dynamic_gather %add3A_3797[%gather3A_3799] in [0] : vector<16xf32>, vector<16xi32> -> vector<16xf32>
      %add3A_3801 = arith.addf %add3A_3797, %gather3A_3800 : vector<16xf32>
      %reshape3A_3802 = vector.shape_cast %xor3A_10 : vector<16xi32> to vector<16x1xi32>
      %gather3A_3803 = vector.shape_cast %reshape3A_3802 : vector<16x1xi32> to vector<16xi32>
      %gather3A_3804 = tpu.dynamic_gather %add3A_3801[%gather3A_3803] in [0] : vector<16xf32>, vector<16xi32> -> vector<16xf32>
      %add3A_3805 = arith.addf %add3A_3801, %gather3A_3804 : vector<16xf32>
      %reshape3A_3806 = vector.shape_cast %xor3A_13 : vector<16xi32> to vector<16x1xi32>
      %gather3A_3807 = vector.shape_cast %reshape3A_3806 : vector<16x1xi32> to vector<16xi32>
      %gather3A_3808 = tpu.dynamic_gather %add3A_3805[%gather3A_3807] in [0] : vector<16xf32>, vector<16xi32> -> vector<16xf32>
      %add3A_3809 = arith.addf %add3A_3805, %gather3A_3808 : vector<16xf32>
      %eq3A_3810 = arith.constant 13 : i32
      %eq3A_3811 = vector.broadcast %eq3A_3810 : i32 to vector<16xi32>
      %eq3A_3812 = arith.cmpi eq, %iota3A, %eq3A_3811 : vector<16xi32>
      %select_n3A_3813 = arith.select %eq3A_3812, %add3A_3809, %select_n3A_3742 : vector<16xi1>, vector<16xf32>
      %slice3A_3814 = vector.extract_strided_slice %and3A_2812 {offsets = [14], sizes = [1], strides = [1]} : vector<16xi32> to vector<1xi32>
      %squeeze3A_3815 = vector.extract %slice3A_3814[0] : i32 from vector<1xi32>
      %slice3A_3816 = vector.extract_strided_slice %and3A_2817 {offsets = [14], sizes = [1], strides = [1]} : vector<16xi32> to vector<1xi32>
      %squeeze3A_3817 = vector.extract %slice3A_3816[0] : i32 from vector<1xi32>
      %get3A_3818 = arith.constant 14 : i32
      %get3A_3819 = arith.index_cast %get3A_3818 : i32 to index
      %get3A_3820 = arith.index_cast %squeeze3A_3815 : i32 to index
      %get3A_3821 = arith.constant 0 : index
      %get3A_3822 = tpu.vector_load %arg11[%get3A_3819, %get3A_3820, %get3A_3821] {strides = array<i32>} : memref<16x8x64xf32, #tpu.memory_space<vmem>>, vector<16xf32>,
      %get3A_3823 = arith.constant 14 : i32
      %get3A_3824 = arith.index_cast %get3A_3823 : i32 to index
      %get3A_3825 = arith.index_cast %squeeze3A_3817 : i32 to index
      %get3A_3826 = arith.constant 0 : index
      %get3A_3827 = tpu.vector_load %arg12[%get3A_3824, %get3A_3825, %get3A_3826] {strides = array<i32>} : memref<16x8x64xf32, #tpu.memory_space<vmem>>, vector<16xf32>,
      %mul3A_3828 = arith.mulf %get3A_3822, %get3A_3827 : vector<16xf32>
      %get3A_3829 = arith.constant 14 : i32
      %get3A_3830 = arith.index_cast %get3A_3829 : i32 to index
      %get3A_3831 = arith.index_cast %squeeze3A_3815 : i32 to index
      %get3A_3832 = arith.constant 16 : index
      %get3A_3833 = tpu.vector_load %arg11[%get3A_3830, %get3A_3831, %get3A_3832] {strides = array<i32>} : memref<16x8x64xf32, #tpu.memory_space<vmem>>, vector<16xf32>,
      %get3A_3834 = arith.constant 14 : i32
      %get3A_3835 = arith.index_cast %get3A_3834 : i32 to index
      %get3A_3836 = arith.index_cast %squeeze3A_3817 : i32 to index
      %get3A_3837 = arith.constant 16 : index
      %get3A_3838 = tpu.vector_load %arg12[%get3A_3835, %get3A_3836, %get3A_3837] {strides = array<i32>} : memref<16x8x64xf32, #tpu.memory_space<vmem>>, vector<16xf32>,
      %mul3A_3839 = arith.mulf %get3A_3833, %get3A_3838 : vector<16xf32>
      %add3A_3840 = arith.addf %mul3A_3828, %mul3A_3839 : vector<16xf32>
      %get3A_3841 = arith.constant 14 : i32
      %get3A_3842 = arith.index_cast %get3A_3841 : i32 to index
      %get3A_3843 = arith.index_cast %squeeze3A_3815 : i32 to index
      %get3A_3844 = arith.constant 32 : index
      %get3A_3845 = tpu.vector_load %arg11[%get3A_3842, %get3A_3843, %get3A_3844] {strides = array<i32>} : memref<16x8x64xf32, #tpu.memory_space<vmem>>, vector<16xf32>,
      %get3A_3846 = arith.constant 14 : i32
      %get3A_3847 = arith.index_cast %get3A_3846 : i32 to index
      %get3A_3848 = arith.index_cast %squeeze3A_3817 : i32 to index
      %get3A_3849 = arith.constant 32 : index
      %get3A_3850 = tpu.vector_load %arg12[%get3A_3847, %get3A_3848, %get3A_3849] {strides = array<i32>} : memref<16x8x64xf32, #tpu.memory_space<vmem>>, vector<16xf32>,
      %mul3A_3851 = arith.mulf %get3A_3845, %get3A_3850 : vector<16xf32>
      %add3A_3852 = arith.addf %add3A_3840, %mul3A_3851 : vector<16xf32>
      %get3A_3853 = arith.constant 14 : i32
      %get3A_3854 = arith.index_cast %get3A_3853 : i32 to index
      %get3A_3855 = arith.index_cast %squeeze3A_3815 : i32 to index
      %get3A_3856 = arith.constant 48 : index
      %get3A_3857 = tpu.vector_load %arg11[%get3A_3854, %get3A_3855, %get3A_3856] {strides = array<i32>} : memref<16x8x64xf32, #tpu.memory_space<vmem>>, vector<16xf32>,
      %get3A_3858 = arith.constant 14 : i32
      %get3A_3859 = arith.index_cast %get3A_3858 : i32 to index
      %get3A_3860 = arith.index_cast %squeeze3A_3817 : i32 to index
      %get3A_3861 = arith.constant 48 : index
      %get3A_3862 = tpu.vector_load %arg12[%get3A_3859, %get3A_3860, %get3A_3861] {strides = array<i32>} : memref<16x8x64xf32, #tpu.memory_space<vmem>>, vector<16xf32>,
      %mul3A_3863 = arith.mulf %get3A_3857, %get3A_3862 : vector<16xf32>
      %add3A_3864 = arith.addf %add3A_3852, %mul3A_3863 : vector<16xf32>
      %reshape3A_3865 = vector.shape_cast %xor3A_4 : vector<16xi32> to vector<16x1xi32>
      %gather3A_3866 = vector.shape_cast %reshape3A_3865 : vector<16x1xi32> to vector<16xi32>
      %gather3A_3867 = tpu.dynamic_gather %add3A_3864[%gather3A_3866] in [0] : vector<16xf32>, vector<16xi32> -> vector<16xf32>
      %add3A_3868 = arith.addf %add3A_3864, %gather3A_3867 : vector<16xf32>
      %reshape3A_3869 = vector.shape_cast %xor3A_7 : vector<16xi32> to vector<16x1xi32>
      %gather3A_3870 = vector.shape_cast %reshape3A_3869 : vector<16x1xi32> to vector<16xi32>
      %gather3A_3871 = tpu.dynamic_gather %add3A_3868[%gather3A_3870] in [0] : vector<16xf32>, vector<16xi32> -> vector<16xf32>
      %add3A_3872 = arith.addf %add3A_3868, %gather3A_3871 : vector<16xf32>
      %reshape3A_3873 = vector.shape_cast %xor3A_10 : vector<16xi32> to vector<16x1xi32>
      %gather3A_3874 = vector.shape_cast %reshape3A_3873 : vector<16x1xi32> to vector<16xi32>
      %gather3A_3875 = tpu.dynamic_gather %add3A_3872[%gather3A_3874] in [0] : vector<16xf32>, vector<16xi32> -> vector<16xf32>
      %add3A_3876 = arith.addf %add3A_3872, %gather3A_3875 : vector<16xf32>
      %reshape3A_3877 = vector.shape_cast %xor3A_13 : vector<16xi32> to vector<16x1xi32>
      %gather3A_3878 = vector.shape_cast %reshape3A_3877 : vector<16x1xi32> to vector<16xi32>
      %gather3A_3879 = tpu.dynamic_gather %add3A_3876[%gather3A_3878] in [0] : vector<16xf32>, vector<16xi32> -> vector<16xf32>
      %add3A_3880 = arith.addf %add3A_3876, %gather3A_3879 : vector<16xf32>
      %eq3A_3881 = arith.constant 14 : i32
      %eq3A_3882 = vector.broadcast %eq3A_3881 : i32 to vector<16xi32>
      %eq3A_3883 = arith.cmpi eq, %iota3A, %eq3A_3882 : vector<16xi32>
      %select_n3A_3884 = arith.select %eq3A_3883, %add3A_3880, %select_n3A_3813 : vector<16xi1>, vector<16xf32>
      %slice3A_3885 = vector.extract_strided_slice %and3A_2812 {offsets = [15], sizes = [1], strides = [1]} : vector<16xi32> to vector<1xi32>
      %squeeze3A_3886 = vector.extract %slice3A_3885[0] : i32 from vector<1xi32>
      %slice3A_3887 = vector.extract_strided_slice %and3A_2817 {offsets = [15], sizes = [1], strides = [1]} : vector<16xi32> to vector<1xi32>
      %squeeze3A_3888 = vector.extract %slice3A_3887[0] : i32 from vector<1xi32>
      %get3A_3889 = arith.constant 15 : i32
      %get3A_3890 = arith.index_cast %get3A_3889 : i32 to index
      %get3A_3891 = arith.index_cast %squeeze3A_3886 : i32 to index
      %get3A_3892 = arith.constant 0 : index
      %get3A_3893 = tpu.vector_load %arg11[%get3A_3890, %get3A_3891, %get3A_3892] {strides = array<i32>} : memref<16x8x64xf32, #tpu.memory_space<vmem>>, vector<16xf32>,
      %get3A_3894 = arith.constant 15 : i32
      %get3A_3895 = arith.index_cast %get3A_3894 : i32 to index
      %get3A_3896 = arith.index_cast %squeeze3A_3888 : i32 to index
      %get3A_3897 = arith.constant 0 : index
      %get3A_3898 = tpu.vector_load %arg12[%get3A_3895, %get3A_3896, %get3A_3897] {strides = array<i32>} : memref<16x8x64xf32, #tpu.memory_space<vmem>>, vector<16xf32>,
      %mul3A_3899 = arith.mulf %get3A_3893, %get3A_3898 : vector<16xf32>
      %get3A_3900 = arith.constant 15 : i32
      %get3A_3901 = arith.index_cast %get3A_3900 : i32 to index
      %get3A_3902 = arith.index_cast %squeeze3A_3886 : i32 to index
      %get3A_3903 = arith.constant 16 : index
      %get3A_3904 = tpu.vector_load %arg11[%get3A_3901, %get3A_3902, %get3A_3903] {strides = array<i32>} : memref<16x8x64xf32, #tpu.memory_space<vmem>>, vector<16xf32>,
      %get3A_3905 = arith.constant 15 : i32
      %get3A_3906 = arith.index_cast %get3A_3905 : i32 to index
      %get3A_3907 = arith.index_cast %squeeze3A_3888 : i32 to index
      %get3A_3908 = arith.constant 16 : index
      %get3A_3909 = tpu.vector_load %arg12[%get3A_3906, %get3A_3907, %get3A_3908] {strides = array<i32>} : memref<16x8x64xf32, #tpu.memory_space<vmem>>, vector<16xf32>,
      %mul3A_3910 = arith.mulf %get3A_3904, %get3A_3909 : vector<16xf32>
      %add3A_3911 = arith.addf %mul3A_3899, %mul3A_3910 : vector<16xf32>
      %get3A_3912 = arith.constant 15 : i32
      %get3A_3913 = arith.index_cast %get3A_3912 : i32 to index
      %get3A_3914 = arith.index_cast %squeeze3A_3886 : i32 to index
      %get3A_3915 = arith.constant 32 : index
      %get3A_3916 = tpu.vector_load %arg11[%get3A_3913, %get3A_3914, %get3A_3915] {strides = array<i32>} : memref<16x8x64xf32, #tpu.memory_space<vmem>>, vector<16xf32>,
      %get3A_3917 = arith.constant 15 : i32
      %get3A_3918 = arith.index_cast %get3A_3917 : i32 to index
      %get3A_3919 = arith.index_cast %squeeze3A_3888 : i32 to index
      %get3A_3920 = arith.constant 32 : index
      %get3A_3921 = tpu.vector_load %arg12[%get3A_3918, %get3A_3919, %get3A_3920] {strides = array<i32>} : memref<16x8x64xf32, #tpu.memory_space<vmem>>, vector<16xf32>,
      %mul3A_3922 = arith.mulf %get3A_3916, %get3A_3921 : vector<16xf32>
      %add3A_3923 = arith.addf %add3A_3911, %mul3A_3922 : vector<16xf32>
      %get3A_3924 = arith.constant 15 : i32
      %get3A_3925 = arith.index_cast %get3A_3924 : i32 to index
      %get3A_3926 = arith.index_cast %squeeze3A_3886 : i32 to index
      %get3A_3927 = arith.constant 48 : index
      %get3A_3928 = tpu.vector_load %arg11[%get3A_3925, %get3A_3926, %get3A_3927] {strides = array<i32>} : memref<16x8x64xf32, #tpu.memory_space<vmem>>, vector<16xf32>,
      %get3A_3929 = arith.constant 15 : i32
      %get3A_3930 = arith.index_cast %get3A_3929 : i32 to index
      %get3A_3931 = arith.index_cast %squeeze3A_3888 : i32 to index
      %get3A_3932 = arith.constant 48 : index
      %get3A_3933 = tpu.vector_load %arg12[%get3A_3930, %get3A_3931, %get3A_3932] {strides = array<i32>} : memref<16x8x64xf32, #tpu.memory_space<vmem>>, vector<16xf32>,
      %mul3A_3934 = arith.mulf %get3A_3928, %get3A_3933 : vector<16xf32>
      %add3A_3935 = arith.addf %add3A_3923, %mul3A_3934 : vector<16xf32>
      %reshape3A_3936 = vector.shape_cast %xor3A_4 : vector<16xi32> to vector<16x1xi32>
      %gather3A_3937 = vector.shape_cast %reshape3A_3936 : vector<16x1xi32> to vector<16xi32>
      %gather3A_3938 = tpu.dynamic_gather %add3A_3935[%gather3A_3937] in [0] : vector<16xf32>, vector<16xi32> -> vector<16xf32>
      %add3A_3939 = arith.addf %add3A_3935, %gather3A_3938 : vector<16xf32>
      %reshape3A_3940 = vector.shape_cast %xor3A_7 : vector<16xi32> to vector<16x1xi32>
      %gather3A_3941 = vector.shape_cast %reshape3A_3940 : vector<16x1xi32> to vector<16xi32>
      %gather3A_3942 = tpu.dynamic_gather %add3A_3939[%gather3A_3941] in [0] : vector<16xf32>, vector<16xi32> -> vector<16xf32>
      %add3A_3943 = arith.addf %add3A_3939, %gather3A_3942 : vector<16xf32>
      %reshape3A_3944 = vector.shape_cast %xor3A_10 : vector<16xi32> to vector<16x1xi32>
      %gather3A_3945 = vector.shape_cast %reshape3A_3944 : vector<16x1xi32> to vector<16xi32>
      %gather3A_3946 = tpu.dynamic_gather %add3A_3943[%gather3A_3945] in [0] : vector<16xf32>, vector<16xi32> -> vector<16xf32>
      %add3A_3947 = arith.addf %add3A_3943, %gather3A_3946 : vector<16xf32>
      %reshape3A_3948 = vector.shape_cast %xor3A_13 : vector<16xi32> to vector<16x1xi32>
      %gather3A_3949 = vector.shape_cast %reshape3A_3948 : vector<16x1xi32> to vector<16xi32>
      %gather3A_3950 = tpu.dynamic_gather %add3A_3947[%gather3A_3949] in [0] : vector<16xf32>, vector<16xi32> -> vector<16xf32>
      %add3A_3951 = arith.addf %add3A_3947, %gather3A_3950 : vector<16xf32>
      %eq3A_3952 = arith.constant 15 : i32
      %eq3A_3953 = vector.broadcast %eq3A_3952 : i32 to vector<16xi32>
      %eq3A_3954 = arith.cmpi eq, %iota3A, %eq3A_3953 : vector<16xi32>
      %select_n3A_3955 = arith.select %eq3A_3954, %add3A_3951, %select_n3A_3884 : vector<16xi1>, vector<16xf32>
      %add3A_3956 = arith.constant 0 : i32
      %add3A_3957 = arith.addi %mul3A_2805, %add3A_3956 : i32
      %swap3A_3958 = arith.index_cast %add3A_3957 : i32 to index
      %swap3A_3959 = tpu.vector_load %arg13[%swap3A_3958] {strides = array<i32>} : memref<512xf32, #tpu.memory_space<vmem>>, vector<16xf32>,
      tpu.vector_store %arg13[%swap3A_3958], %select_n3A_3955 {strides = array<i32>} : memref<512xf32, #tpu.memory_space<vmem>>, vector<16xf32>,
    }
    %scan3A_534 = arith.constant 16 : i32
    %dma_wait3A = tpu.memref_reshape %arg4 : memref<100000x64xf32, #tpu.memory_space<hbm>> -> memref<12500x8x64xf32, #tpu.memory_space<hbm>>
    %dma_wait3A_535 = arith.constant 0 : i32
    %dma_wait3A_536 = arith.constant 0 : i32
    %dma_wait3A_537 = arith.constant 0 : i32
    %dma_wait3A_538 = tpu.memref_slice %dma_wait3A[%dma_wait3A_535, %dma_wait3A_536, %dma_wait3A_537] : memref<12500x8x64xf32, #tpu.memory_space<hbm>> -> memref<16x8x64xf32, #tpu.memory_space<hbm>>
    %dma_wait3A_539 = tpu.memref_reshape %arg4 : memref<100000x64xf32, #tpu.memory_space<hbm>> -> memref<12500x8x64xf32, #tpu.memory_space<hbm>>
    %dma_wait3A_540 = arith.constant 0 : i32
    %dma_wait3A_541 = arith.constant 0 : i32
    %dma_wait3A_542 = arith.constant 0 : i32
    %dma_wait3A_543 = tpu.memref_slice %dma_wait3A_539[%dma_wait3A_540, %dma_wait3A_541, %dma_wait3A_542] : memref<12500x8x64xf32, #tpu.memory_space<hbm>> -> memref<16x8x64xf32, #tpu.memory_space<hbm>>
    tpu.wait_dma2 semaphore(%arg14 : memref<!tpu.dma_semaphore, #tpu.memory_space<semaphore_mem>>) src(%dma_wait3A_543 : memref<16x8x64xf32, #tpu.memory_space<hbm>>) dst(%arg9 : memref<16x8x64xf32, #tpu.memory_space<vmem>>)
    %dma_wait3A_544 = tpu.memref_reshape %arg4 : memref<100000x64xf32, #tpu.memory_space<hbm>> -> memref<12500x8x64xf32, #tpu.memory_space<hbm>>
    %dma_wait3A_545 = arith.constant 0 : i32
    %dma_wait3A_546 = arith.constant 0 : i32
    %dma_wait3A_547 = arith.constant 0 : i32
    %dma_wait3A_548 = tpu.memref_slice %dma_wait3A_544[%dma_wait3A_545, %dma_wait3A_546, %dma_wait3A_547] : memref<12500x8x64xf32, #tpu.memory_space<hbm>> -> memref<16x8x64xf32, #tpu.memory_space<hbm>>
    %dma_wait3A_549 = tpu.memref_reshape %arg4 : memref<100000x64xf32, #tpu.memory_space<hbm>> -> memref<12500x8x64xf32, #tpu.memory_space<hbm>>
    %dma_wait3A_550 = arith.constant 0 : i32
    %dma_wait3A_551 = arith.constant 0 : i32
    %dma_wait3A_552 = arith.constant 0 : i32
    %dma_wait3A_553 = tpu.memref_slice %dma_wait3A_549[%dma_wait3A_550, %dma_wait3A_551, %dma_wait3A_552] : memref<12500x8x64xf32, #tpu.memory_space<hbm>> -> memref<16x8x64xf32, #tpu.memory_space<hbm>>
    tpu.wait_dma2 semaphore(%arg14 : memref<!tpu.dma_semaphore, #tpu.memory_space<semaphore_mem>>) src(%dma_wait3A_553 : memref<16x8x64xf32, #tpu.memory_space<hbm>>) dst(%arg10 : memref<16x8x64xf32, #tpu.memory_space<vmem>>)
    "tpu.region"() ({
      %run_scoped3A = tpu.sem_alloc : memref<!tpu.dma_semaphore, #tpu.memory_space<semaphore_mem>>
      %dma_start3A_554 = tpu.memref_slice %arg6[%mul3A_2] : memref<16384xf32, #tpu.memory_space<hbm>> -> memref<512xf32, #tpu.memory_space<hbm>>
      %dma_start3A_555 = tpu.memref_slice %arg6[%mul3A_2] : memref<16384xf32, #tpu.memory_space<hbm>> -> memref<512xf32, #tpu.memory_space<hbm>>
      tpu.enqueue_dma source(%arg13 : memref<512xf32, #tpu.memory_space<vmem>>) target(%dma_start3A_555 : memref<512xf32, #tpu.memory_space<hbm>>) target_semaphore(%run_scoped3A : memref<!tpu.dma_semaphore, #tpu.memory_space<semaphore_mem>>)
      %dma_wait3A_556 = tpu.memref_slice %arg6[%mul3A_2] : memref<16384xf32, #tpu.memory_space<hbm>> -> memref<512xf32, #tpu.memory_space<hbm>>
      %dma_wait3A_557 = tpu.memref_slice %arg6[%mul3A_2] : memref<16384xf32, #tpu.memory_space<hbm>> -> memref<512xf32, #tpu.memory_space<hbm>>
      tpu.wait_dma2 semaphore(%run_scoped3A : memref<!tpu.dma_semaphore, #tpu.memory_space<semaphore_mem>>) src(%arg13 : memref<512xf32, #tpu.memory_space<vmem>>) dst(%dma_wait3A_557 : memref<512xf32, #tpu.memory_space<hbm>>)
      tpu.yield
    }) : () -> ()
    return
  }
}

</mosaic_0001>

<sc_bundles>
// kernel: kernel.3.cloned.1.call-start
scs
__scs_entry_jumppad:
0x0: {  	(pc) =	sbr.rel $0x88, $3  }
0x1: {  	(tag) =	ssettag $0x0;
	lr =	simm.s32 $0x1  }
0x2: {  	[smem:$0x3F9E] =	sst lr;
	_ =	strace $0xD0000000  }
0x3: {  	_ = 	snop  }
0x4: {  	_ = 	snop  }
0x5: {  	_ = 	snop  }
0x6: {  	_ = 	snop  }
0x7: {  	_ = 	snop  }
__scs_overlays_trampoline_lowered:
0x8: {  	[smem:$0x3FAD] =	sst s0  }
0x9: {  	[smem:$0x3FAE] =	sst s1  }
0xa: {  	[smem:$0x3FAF] =	sst s2  }
0xb: {  	[smem:$0x3FB0] =	sst s3  }
0xc: {  	[smem:$0x3FB1] =	sst s4  }
0xd: {  	[smem:$0x3FB2] =	sst s5  }
0xe: {  	[smem:$0x3FB3] =	sst s6  }
0xf: {  	[smem:$0x3FB4] =	sst s7  }
0x10: {  	[smem:$0x3FB5] =	sst s8  }
0x11: {  	[smem:$0x3FB6] =	sst s9;
	s0 =	simm.s32 @!p0 $0x0  }
0x12: {  	s1 =	sld [smem:$0x3F9C];
	s0 =	simm.s32 @p0 $0x1  }
0x13: {  	[smem:$0x3FB7] =	sst s0;
	s0 =	simm.s32 @!p1 $0x0  }
0x14: {  	s2 =	sld [smem:$0x3F9B];
	s0 =	simm.s32 @p1 $0x1  }
0x15: {  	[smem:$0x3FB8] =	sst s0;
	s0 =	simm.s32 @!p2 $0x0  }
0x16: {  	s3 =	sld [smem:$0x3FDB];
	s0 =	simm.s32 @p2 $0x1  }
0x17: {  	s4 =	simm.s32 $0x1BF5;
	[smem:$0x3FBA] =	sst s0  }
0x18: {  	s0 =	sld [smem:$0x3F9D];
	_ =	swait.ge [sflag:s4], $0x0  }
0x19: {  	s7 =	sld [smem:$0x3F9E]  }
0x1a: {  	s8 =	sadd.s32 $0xFFFFE003, lr  }
0x1b: {  	s9 =	sadd.s32 $0xFFFFFEF7, lr;
	s5 =	simm.s32 $0xFFFFFFFF;
	p2 =	slt.u32 s8, $0xFFFFF086  }
0x1c: {  	p1 =	slt.u32 s9, $0xF7A;
	s5 =	simm.s32 @!p2 $0x0  }
0x1d: {  	s5 =	simm.s32 @p1 $0x1;
	p0 =	seq.s32 s7, s2  }
0x1e: {  	s7 =	smul.u32 @!p0 $0xF7A, s2;
	p2 =	seq.s32 @!p0 s5, $0x0  }
0x1f: {  	s9 =	smul.u32 $0xF7A, s1;
	s8 =	simm.s32 @!p0 $0x1BF5;
	p2 =	por !p2, p0  }
0x20: {  	[sflag:s8] =	ssyncset.s32 @!p0 $0xFFFFF086;
	s6 =	sadd.s32 @!p0 s3, s7;
	s7 =	simm.s32 @!p0 $0x108  }
0x21: {  	s3 =	sadd.s32 s3, s9;
	s6 =	sadd.s32 @!p0 $0x88, s6;
	s7 =	simm.s32 @p2 $0x1082  }
0x22: {  	[simem:s7], [sflag:s8] =	dma.local @!p0 [hbm:s6], $0xF7A  }
0x23: {  	s9 =	sor.u32 $0xD0000000, s2;
	s6 =	simm.s32 $0x108;
	_ =	swait.ge @!p0 [sflag:s8], $0x0  }
0x24: {  	s3 =	sadd.s32 $0x88, s3;
	s6 =	simm.s32 @!p1 $0x1082;
	[sflag:s4] =	ssyncset.s32 $0xFFFFF086  }
0x25: {  	[simem:s6], [sflag:s4] =	dma.local [hbm:s3], $0xF7A  }
0x26: {  	[smem:$0x3F9E] =	sst s1;
	(tag) =	ssettag s2;
	_ =	strace s9  }
0x27: {  	s1 =	sld [smem:$0x3FAE]  }
0x28: {  	s2 =	sld [smem:$0x3FAF]  }
0x29: {  	s4 =	sld [smem:$0x3FB1]  }
0x2a: {  	p0 =	seq.s32 s5, $0x0;
	s5 =	sld [smem:$0x3FB2]  }
0x2b: {  	s6 =	sld [smem:$0x3FB3]  }
0x2c: {  	s7 =	sld [smem:$0x3FB4]  }
0x2d: {  	s3 =	simm.s32 $0x108;
	s8 =	sld [smem:$0x3FB5]  }
0x2e: {  	s3 =	simm.s32 @!p0 $0x1082;
	s9 =	sld [smem:$0x3FB6]  }
0x2f: {  	lr =	sadd.s32 s0, s3;
	s0 =	sld [smem:$0x3FAD]  }
0x30: {  	s3 =	sld [smem:$0x3FB0]  }
0x31: {  	[smem:$0x3FB9] =	sst s10  }
0x32: {  	s10 =	sld [smem:$0x3FB7];
	_ =	sdelay $0x3  }
0x33: {  	p0 =	seq.s32 s10, $0x1;
	s10 =	sld [smem:$0x3FB9];
	_ =	sdelay $0x3  }
0x34: {  	[smem:$0x3FB9] =	sst s10  }
0x35: {  	s10 =	sld [smem:$0x3FB8];
	_ =	sdelay $0x3  }
0x36: {  	p1 =	seq.s32 s10, $0x1;
	s10 =	sld [smem:$0x3FB9];
	_ =	sdelay $0x3  }
0x37: {  	[smem:$0x3FB9] =	sst s10  }
0x38: {  	s10 =	sld [smem:$0x3FBA]  }
0x39: {  	_ = 	snop;
	(pc) =	sbr.ind lr, $3  }
0x3a: {  	_ = 	snop  }
0x3b: {  	_ = 	snop  }
0x3c: {  	p2 =	seq.s32 s10, $0x1;
	s10 =	sld [smem:$0x3FB9]  }
0x3d: {  	_ =	shalt  }
0x3e: {  	_ =	shalt  }
0x3f: {  	_ =	shalt  }
0x40: {  	_ =	shalt  }
0x41: {  	_ =	shalt  }
0x42: {  	_ =	shalt  }
0x43: {  	_ =	shalt  }
0x44: {  	_ =	shalt  }
0x45: {  	_ =	shalt  }
0x46: {  	_ =	shalt  }
0x47: {  	_ =	shalt  }
0x48: {  	_ =	shalt  }
0x49: {  	_ =	shalt  }
0x4a: {  	_ =	shalt  }
0x4b: {  	_ =	shalt  }
0x4c: {  	_ =	shalt  }
0x4d: {  	_ =	shalt  }
0x4e: {  	_ =	shalt  }
0x4f: {  	_ =	shalt  }
0x50: {  	_ =	shalt  }
0x51: {  	_ =	shalt  }
0x52: {  	_ =	shalt  }
0x53: {  	_ =	shalt  }
0x54: {  	_ =	shalt  }
0x55: {  	_ =	shalt  }
0x56: {  	_ =	shalt  }
0x57: {  	_ =	shalt  }
0x58: {  	_ =	shalt  }
0x59: {  	_ =	shalt  }
0x5a: {  	_ =	shalt  }
0x5b: {  	_ =	shalt  }
0x5c: {  	_ =	shalt  }
0x5d: {  	_ =	shalt  }
0x5e: {  	_ =	shalt  }
0x5f: {  	_ =	shalt  }
0x60: {  	_ =	shalt  }
0x61: {  	_ =	shalt  }
0x62: {  	_ =	shalt  }
0x63: {  	_ =	shalt  }
0x64: {  	_ =	shalt  }
0x65: {  	_ =	shalt  }
0x66: {  	_ =	shalt  }
0x67: {  	_ =	shalt  }
0x68: {  	_ =	shalt  }
0x69: {  	_ =	shalt  }
0x6a: {  	_ =	shalt  }
0x6b: {  	_ =	shalt  }
0x6c: {  	_ =	shalt  }
0x6d: {  	_ =	shalt  }
0x6e: {  	_ =	shalt  }
0x6f: {  	_ =	shalt  }
0x70: {  	_ =	shalt  }
0x71: {  	_ =	shalt  }
0x72: {  	_ =	shalt  }
0x73: {  	_ =	shalt  }
0x74: {  	_ =	shalt  }
0x75: {  	_ =	shalt  }
0x76: {  	_ =	shalt  }
0x77: {  	_ =	shalt  }
0x78: {  	_ =	shalt  }
0x79: {  	_ =	shalt  }
0x7a: {  	_ =	shalt  }
0x7b: {  	_ =	shalt  }
0x7c: {  	_ =	shalt  }
0x7d: {  	_ =	shalt  }
0x7e: {  	_ =	shalt  }
0x7f: {  	_ =	shalt  }
0x80: {  	_ =	shalt  }
0x81: {  	_ =	shalt  }
0x82: {  	_ =	shalt  }
0x83: {  	_ =	shalt  }
0x84: {  	_ =	shalt  }
0x85: {  	_ =	shalt  }
0x86: {  	_ =	shalt  }
0x87: {  	_ =	shalt  }
.Lfunc_end0:
.L_simem_size_0:
called_computation_lowered:
.L_overlay_start_0:
0x88: {  	s2 =	sld [smem:$0x3FD9]  }
0x89: {  	s3 =	sld [smem:$0x3FFE];
	_ =	sdelay $0x1  }
0x8a: {  	s1 =	srdreg.scid  }
0x8b: {  	s0 =	sand.u32 $0x1, s1  }
0x8c: {  	s17 =	sshll.u32 s0, $0xA;
	s2 =	sadd.s32 s3, s2  }
0x8d: {  	s2 =	sadd.s32 s2, s17  }
0x8e: {  	[smem:$0x3FC5] =	sst s2  }
0x8f: {  	_ = 	snop  }
0x90: {  	s2 =	sld [smem:$0x3FD0];
	(tm) =	ssettm $0x1  }
0x91: {  	s18 =	sld [smem:$0x3FFB];
	_ =	sdelay $0x3  }
0x92: {  	_ =	strace s18  }
0x93: {  	s3 =	sld [smem:$0x3FFC];
	_ =	sdelay $0x3  }
0x94: {  	_ =	strace s3  }
0x95: {  	s3 =	sld [smem:$0x3FFD];
	_ =	sdelay $0x3  }
0x96: {  	_ =	strace s3  }
0x97: {  	_ =	strace $0x8FFFFFFF  }
0x98: {  	s19 =	sld [smem:$0x3FDB];
	_ =	sdelay $0x1  }
0x99: {  	s4 =	simm.s32 $_scs_section_size  }
0x9a: {  	s5 =	simm.s32 $_size__tile_overlayer_lowered;
	s6 =	simm.s32 $_tile_overlayer_lowered  }
0x9b: {  	s22 =	simm.s32 $0x1BFF;
	s21 =	sshll.u32 s6, $0x1;
	s3 =	sadd.s32 s4, s19  }
0x9c: {  	s7 =	simm.s32 $0x0;
	s20 =	sshll.u32 s5, $0x1;
	s5 =	sadd.s32 s21, s3  }
0x9d: {  	[timem:s7], [sflag:s22] =	dma.local [hbm:s5], s20  }
0x9e: {  	_ =	swait.ge [sflag:s22], s20  }
0x9f: {  	s4 =	ssub.s32 $0x0, s20;
	[sflag:s22] =	ssyncset.done $0x0  }
0xa0: {  	[sflag:s22] =	ssyncadd.s32 s4;
	_ =	sdelay $0x1  }
0xa1: {  	s23 =	simm.s32 $0x1B8B  }
0xa2: {  	_ =	swait.ge [sflag:s23], $0x1  }
0xa3: {  	[sflag:s23] =	ssyncset.done $0x0  }
0xa4: {  	s25 =	simm.s32 $0x1B8E;
	s24 =	sld [smem:$0x3FFE];
	[sflag:s23] =	ssyncadd.s32 $0xFFFFFFFF  }
0xa5: {  	s26 =	simm.s32 $execute0_lowered;
	[smem:$0x3FD2] =	sst s25  }
0xa6: {  	s5 =	sshll.u32 s26, $0x1;
	_ =	strace $0x80000046;
	[dreg:$0x1] =	wrdreg $0xFFFFFFFF  }
0xa7: {  	s28 =	simm.s32 $_size_execute0_lowered;
	s3 =	sadd.s32 s3, s5;
	[dreg:$0x0] =	wrdreg $0x0  }
0xa8: {  	s5 =	sshll.u32 s28, $0x1;
	[dreg:$0x2] =	wrdreg s3  }
0xa9: {  	[dreg:$0x3] =	wrdreg s5  }
0xaa: {  	[dreg:$0x4] =	wrdreg $0xC0  }
0xab: {  	_ =	task [dreg:s7], $0x5FFFF  }
0xac: {  	[dreg:$0x1] =	wrdreg $0xFFFFFFFF  }
0xad: {  	[dreg:$0x0] =	wrdreg $0x60  }
0xae: {  	[dreg:$0x2] =	wrdreg s24  }
0xaf: {  	[dreg:$0x3] =	wrdreg s2  }
0xb0: {  	[dreg:$0x4] =	wrdreg $0x9  }
0xb1: {  	_ =	task.clear_ibuf [dreg:s7], $0x5FFFF;
	_ =	strace $0x90000046  }
0xb2: {  	s29 =	simm.s32 $0x9;
	_ =	strace $0x80000048  }
0xb3: {  	_ =	swait.ge [sflag:s29], $0x1  }
0xb4: {  	[sflag:s29] =	ssyncadd.s32 $0xFFFFFFFF  }
0xb5: {  	_ =	strace $0x90000048  }
0xb6: {  	_ =	sfence  }
0xb7: {  	s30 =	sld [smem:$0x0];
	_ =	sdelay $0x2  }
0xb8: {  	s31 =	sshll.u32 s1, $0xD;
	s1 =	sshrl.u32 s1, $0x2  }
0xb9: {  	s3 =	sand.u32 $0x4000, s31;
	s1 =	sadd.s32 s1, s30  }
0xba: {  	s0 =	sor.u32 s3, s0;
	s1 =	sshll.u32 s1, $0x11  }
0xbb: {  	s0 =	sor.u32 s1, s0  }
0xbc: {  	s0 =	sadd.s32 $0x8F2B, s0  }
0xbd: {  	[sflag:s0] =	ssyncadd.remote.s32 $0x1  }
0xbe: {  	_ =	sfence.sel $0xFFFF  }
0xbf: {  	[dreg:$0x0] =	wrdreg $0xFFFFFFFF;
	(pc) =	sbr.abs _section_cstart, $3  }
0xc0: {  	[dreg:$0x1] =	wrdreg $0xFFFFFFFF  }
0xc1: {  	_ =	task.clear_ibuf [dreg:s7], $0x2FFFF;
	_ =	strace $0x9FFFFFFF  }
0xc2: {  	(tm) =	ssettm $0x7FFFFFFF  }
0xc3: {  	_ =	shalt  }
tec
execute0_lowered:
.L_overlay_start_1:
0x0: {  	(tag) =	ssettag $0x1  }
0x1: {  	s2 =	rddreg [dreg:$0x0]  }
0x2: {  	s0 =	rddreg [dreg:$0x1];
	s1 =	simm.s32 $0x0  }
0x3: {  	s3 =	simm.s32 $0x8400;
	[smem:$0x7FF] =	sst s1  }
0x4: {  	s24 =	simm.s32 $0xC400;
	_ =	strace $0x80000047;
	[dreg:$0x3] =	wrdreg s3  }
0x5: {  	s4 =	srdreg.scid;
	s25 =	simm.s32 $0x8800;
	[dreg:$0x4] =	wrdreg s24  }
0x6: {  	s6 =	stileid.u32;
	s26 =	simm.s32 $0xC800;
	[dreg:$0x5] =	wrdreg s25  }
0x7: {  	s7 =	simm.s32 $0x8C00;
	s9 =	simm.s32 $0xCC00;
	[dreg:$0x6] =	wrdreg s26  }
0x8: {  	s11 =	simm.s32 $0x9000;
	s12 =	simm.s32 $0xD000;
	[dreg:$0x7] =	wrdreg s7  }
0x9: {  	s13 =	simm.s32 $0x9400;
	s14 =	simm.s32 $0x9800;
	[dreg:$0x8] =	wrdreg s9  }
0xa: {  	s15 =	simm.s32 $0xD800;
	s17 =	simm.s32 $0x9C00;
	[dreg:$0x9] =	wrdreg s11  }
0xb: {  	s18 =	simm.s32 $0xDC00;
	s19 =	simm.s32 $0xA000;
	[dreg:$0xa] =	wrdreg s12  }
0xc: {  	s20 =	simm.s32 $0xE000;
	s21 =	simm.s32 $0xA400;
	[dreg:$0xb] =	wrdreg s13  }
0xd: {  	s22 =	simm.s32 $0xE400;
	s23 =	simm.s32 $0xA800;
	[dreg:$0xd] =	wrdreg s14  }
0xe: {  	s28 =	simm.s32 $0x1400;
	s29 =	simm.s32 $0x6C00;
	[dreg:$0xe] =	wrdreg s15  }
0xf: {  	s30 =	simm.s32 $0x3000;
	s31 =	simm.s32 $0x7000;
	[dreg:$0xf] =	wrdreg s17  }
0x10: {  	s5 =	sand.u32 $0x1, s4;
	s8 =	sshll.u32 s6, $0x7;
	[dreg:$0x10] =	wrdreg s18  }
0x11: {  	s4 =	sadd.s32 $0x189C00, s2;
	s10 =	sshll.u32 s5, $0x6;
	[dreg:$0x11] =	wrdreg s19  }
0x12: {  	s3 =	sadd.s32 $0x3200, s2;
	s5 =	ssub.s32 $0x2, s5;
	[dreg:$0x12] =	wrdreg s20  }
0x13: {  	s15 =	simm.s32 $0x400;
	s19 =	simm.s32 $0x4400;
	[dreg:$0x13] =	wrdreg s21  }
0x14: {  	s20 =	simm.s32 $0x800;
	[dreg:$0x14] =	wrdreg s22;
	s21 =	simm.s32 $0x4800  }
0x15: {  	[dreg:$0x15] =	wrdreg s23;
	s24 =	simm.s32 $0xE800;
	s22 =	simm.s32 $0xC00  }
0x16: {  	s25 =	simm.s32 $0xAC00;
	s23 =	simm.s32 $0x4C00;
	[dreg:$0x16] =	wrdreg s24  }
0x17: {  	s26 =	simm.s32 $0xEC00;
	s11 =	simm.s32 $0xF400;
	[dreg:$0x17] =	wrdreg s25  }
0x18: {  	v0 =	vimm.s32 $0xFEDCBA98;
	v1 =	vimm.s32 $0x76543210;
	s12 =	simm.s32 $0xB800;
	s13 =	simm.s32 $0xF800;
	[dreg:$0x18] =	wrdreg s26  }
0x19: {  	v2 =	vimm.s32 $0xBA98FEDC;
	v3 =	vimm.s32 $0x32107654;
	s14 =	simm.s32 $0xBC00;
	s17 =	simm.s32 $0xC000;
	[dreg:$0x1c] =	wrdreg s11  }
0x1a: {  	v4 =	vimm.s32 $0xDCFE98BA;
	v5 =	vimm.s32 $0x54761032;
	s18 =	simm.s32 $0x10000;
	s6 =	sor.u32 s10, s8;
	[dreg:$0x1d] =	wrdreg s12  }
0x1b: {  	v6 =	vimm.s32 $0xEFCDAB89;
	v7 =	vimm.s32 $0x67452301;
	s8 =	simm.s32 $0xD400;
	s16 =	sshrl.u32 s5, $0x1;
	[dreg:$0x1e] =	wrdreg s13  }
0x1c: {  	vm0 =	vmmov $0x1;
	vm1 =	vmmov $0x3;
	vm2 =	vmmov $0x7;
	s24 =	simm.s32 $0x1000;
	s25 =	simm.s32 $0x5000;
	[dreg:$0x1f] =	wrdreg s14  }
0x1d: {  	vm3 =	vmmov $0xf;
	vm4 =	vmmov $0x1f;
	vm5 =	vmmov $0x3f;
	s10 =	simm.s32 $0xB400;
	s26 =	simm.s32 $0x2;
	[smem:$0x7FC] =	sst s17  }
0x1e: {  	vm6 =	vmmov $0x7f;
	vm7 =	vmmov $0xff;
	vm8 =	vmmov $0x1ff;
	[smem:$0x7FD] =	sst s18;
	s17 =	simm.s32 $0x6000;
	s11 =	simm.s32 $0x6800  }
0x1f: {  	vm9 =	vmmov $0x3ff;
	vm10 =	vmmov $0x7ff;
	vm11 =	vmmov $0xfff;
	s18 =	simm.s32 $0x2C00;
	s12 =	simm.s32 $0x1;
	s14 =	simm.s32 $0x0  }
0x20: {  	v0 =	vunpack.c.l.s4.s8 v0;
	v1 =	vunpack.c.l.s4.s8 v1;
	v2 =	vunpack.c.l.s4.s8 v2;
	s7 =	sadd.s32 s6, s2;
	[dreg:$0xc] =	wrdreg s8;
	s5 =	ssub.s32 s5, s16  }
0x21: {  	v3 =	vunpack.c.l.s4.s8 v3;
	v4 =	vunpack.c.l.s4.s8 v4;
	v5 =	vunpack.c.l.s4.s8 v5;
	s0 =	sadd.s32 s0, s6;
	[dreg:$0x1b] =	wrdreg s10;
	s2 =	simm.s32 $0x5400  }
0x22: {  	v6 =	vunpack.c.l.s4.s8 v6;
	v7 =	vunpack.c.l.s4.s8 v7;
	v0 =	vunpack.c.0.s8.s32 v0;
	s16 =	simm.s32 $0xFC00;
	s6 =	simm.s32 $0x1C00;
	[smem:$0x7F9] =	sst s0  }
0x23: {  	v2 =	vunpack.c.0.s8.s32 v2;
	v3 =	vunpack.c.0.s8.s32 v3;
	v4 =	vunpack.c.0.s8.s32 v4;
	s8 =	simm.s32 $0x2400;
	s9 =	sadd.s32 $0x2A00, s7;
	[smem:$0x7FB] =	sst s16  }
0x24: {  	v5 =	vunpack.c.0.s8.s32 v5;
	v6 =	vunpack.c.0.s8.s32 v6;
	v7 =	vunpack.c.0.s8.s32 v7;
	s10 =	simm.s32 $0x2800;
	s7 =	sadd.s32 $0x2200, s7;
	[smem:$0x7F7] =	sst s9  }
0x25: {  	vm12 =	vmmov $0x1fff;
	v1 =	vunpack.c.0.s8.s32 v1;
	s5 =	smax.u32 s5, $0x1;
	v2 =	vcombine.low v3, v2;
	s16 =	simm.s32 $0x5C00;
	[smem:$0x7F8] =	sst s7  }
0x26: {  	v3 =	vcombine.low v5, v4;
	v4 =	vcombine.low v7, v6;
	v0 =	vand.u32 $0xF, v0;
	s0 =	simm.s32 $0x2000;
	s7 =	simm.s32 $0xB000;
	[smem:$0x7FA] =	sst s5  }
0x27: {  	vm13 =	vmmov $0x3fff;
	vm14 =	vmmov $0x7fff;
	s9 =	simm.s32 $0xF000;
	s5 =	simm.s32 $0x5800;
	v0 =	vcombine.low v0, v1;
	[dreg:$0x19] =	wrdreg s7  }
0x28: {  	[dreg:$0x1a] =	wrdreg s9;
	s7 =	simm.s32 $0x1800;
	v1 =	vand.u32 $0xF, v2;
	v2 =	vand.u32 $0xF, v3;
	v3 =	vand.u32 $0xF, v4;
	s9 =	simm.s32 $0x6400  }
.LBB2_1:
0x29: {  	s13 =	sld [smem:$0x7F7];
	_ =	sdelay $0x1  }
0x2a: {  	[smem:$0x7F6] =	sst s14  }
0x2b: {  	[tilespmem:s1], [sflag:$0x2] =	stream.linear.gather [hbm4b:s13+s1], $0x200, $0x38;
	[tilespmem:$0x10600] =	vst v63  }
0x2c: {  	_ =	swait.ge [sflag:s26], $0x200  }
0x2d: {  	s13 =	sld [smem:$0x7F8]  }
0x2e: {  	[sflag:s26] =	ssyncset.done $0x0  }
0x2f: {  	s14 =	simm.s32 $0x200;
	[sflag:s26] =	ssyncadd.s32 $0xFFFFFE00  }
0x30: {  	[tilespmem:s14], [sflag:$0x2] =	stream.linear.gather [hbm4b:s13+s1], $0x200, $0x38;
	[tilespmem:$0x10600] =	vst v63  }
0x31: {  	_ =	swait.ge [sflag:s26], $0x200  }
0x32: {  	[sflag:s26] =	ssyncset.done $0x0  }
0x33: {  	[sflag:s26] =	ssyncadd.s32 $0xFFFFFE00  }
0x34: {  	v4 =	vld [tilespmem:$0x0];
	_ =	sdelay $0x1  }
0x35: {  	v5 =	vld [tilespmem:$0x200];
	_ =	sdelay $0x2  }
0x36: {  	v4 =	vand.u32 $0xFFFFFFF8, v4  }
0x37: {  	v4 =	vshll.u32 v4, $0x4  }
0x38: {  	v5 =	vand.u32 $0xFFFFFFF8, v5;
	v4 =	vadd.s32 s3, v4  }
0x39: {  	v5 =	vshll.u32 v5, $0x4;
	(v2sf) =	vpush v4, $0x0  }
0x3a: {  	v5 =	vadd.s32 s4, v5  }
0x3b: {  	(v2sf) =	vpush v5, $0x0;
	_ =	sdelay $0x1  }
0x3c: {  	(v2sf) =	vpush v4, $0x1;
	_ =	sdelay $0x1  }
0x3d: {  	(v2sf) =	vpush v5, $0x1;
	_ =	sdelay $0x1  }
0x3e: {  	(v2sf) =	vpush v4, $0x2;
	_ =	sdelay $0x1  }
0x3f: {  	(v2sf) =	vpush v5, $0x2;
	_ =	sdelay $0x1  }
0x40: {  	(v2sf) =	vpush v4, $0x3;
	_ =	sdelay $0x1  }
0x41: {  	(v2sf) =	vpush v5, $0x3  }
0x42: {  	s14 =	spop (v2sf)  }
0x43: {  	(v2sf) =	vpush v4, $0x4;
	[tilespmem:s15], [sflag:$0x1] =	stream.linear.gather [hbm4b:s14+s1], $0x400, $0x38;
	[tilespmem:$0x10600] =	vst v63  }
0x44: {  	s15 =	spop (v2sf)  }
0x45: {  	(v2sf) =	vpush v5, $0x4;
	[tilespmem:s19], [sflag:$0x1] =	stream.linear.gather [hbm4b:s15+s1], $0x400, $0x38;
	[tilespmem:$0x10600] =	vst v63  }
0x46: {  	s19 =	spop (v2sf)  }
0x47: {  	(v2sf) =	vpush v4, $0x5;
	[tilespmem:s20], [sflag:$0x1] =	stream.linear.gather [hbm4b:s19+s1], $0x400, $0x38;
	[tilespmem:$0x10600] =	vst v63  }
0x48: {  	s26 =	spop (v2sf)  }
0x49: {  	(v2sf) =	vpush v5, $0x5;
	[tilespmem:s21], [sflag:$0x1] =	stream.linear.gather [hbm4b:s26+s1], $0x400, $0x38;
	[tilespmem:$0x10600] =	vst v63  }
0x4a: {  	s14 =	spop (v2sf)  }
0x4b: {  	(v2sf) =	vpush v4, $0x6;
	[tilespmem:s22], [sflag:$0x1] =	stream.linear.gather [hbm4b:s14+s1], $0x400, $0x38;
	[tilespmem:$0x10600] =	vst v63  }
0x4c: {  	s15 =	spop (v2sf)  }
0x4d: {  	(v2sf) =	vpush v5, $0x6;
	[tilespmem:s23], [sflag:$0x1] =	stream.linear.gather [hbm4b:s15+s1], $0x400, $0x38;
	[tilespmem:$0x10600] =	vst v63  }
0x4e: {  	s19 =	spop (v2sf)  }
0x4f: {  	(v2sf) =	vpush v4, $0x7;
	[tilespmem:s24], [sflag:$0x1] =	stream.linear.gather [hbm4b:s19+s1], $0x400, $0x38;
	[tilespmem:$0x10600] =	vst v63  }
0x50: {  	s20 =	spop (v2sf)  }
0x51: {  	(v2sf) =	vpush v5, $0x7;
	[tilespmem:s25], [sflag:$0x1] =	stream.linear.gather [hbm4b:s20+s1], $0x400, $0x38;
	[tilespmem:$0x10600] =	vst v63  }
0x52: {  	s21 =	spop (v2sf)  }
0x53: {  	(v2sf) =	vpush v4, $0x8;
	[tilespmem:s28], [sflag:$0x1] =	stream.linear.gather [hbm4b:s21+s1], $0x400, $0x38;
	[tilespmem:$0x10600] =	vst v63  }
0x54: {  	s22 =	spop (v2sf)  }
0x55: {  	(v2sf) =	vpush v5, $0x8;
	[tilespmem:s2], [sflag:$0x1] =	stream.linear.gather [hbm4b:s22+s1], $0x400, $0x38;
	[tilespmem:$0x10600] =	vst v63  }
0x56: {  	s23 =	spop (v2sf)  }
0x57: {  	(v2sf) =	vpush v4, $0x9;
	[tilespmem:s7], [sflag:$0x1] =	stream.linear.gather [hbm4b:s23+s1], $0x400, $0x38;
	[tilespmem:$0x10600] =	vst v63  }
0x58: {  	s24 =	spop (v2sf)  }
0x59: {  	(v2sf) =	vpush v5, $0x9;
	[tilespmem:s5], [sflag:$0x1] =	stream.linear.gather [hbm4b:s24+s1], $0x400, $0x38;
	[tilespmem:$0x10600] =	vst v63  }
0x5a: {  	s25 =	spop (v2sf)  }
0x5b: {  	(v2sf) =	vpush v4, $0xA;
	[tilespmem:s6], [sflag:$0x1] =	stream.linear.gather [hbm4b:s25+s1], $0x400, $0x38;
	[tilespmem:$0x10600] =	vst v63  }
0x5c: {  	s26 =	spop (v2sf)  }
0x5d: {  	(v2sf) =	vpush v5, $0xA;
	[tilespmem:s16], [sflag:$0x1] =	stream.linear.gather [hbm4b:s26+s1], $0x400, $0x38;
	[tilespmem:$0x10600] =	vst v63  }
0x5e: {  	s2 =	spop (v2sf)  }
0x5f: {  	(v2sf) =	vpush v4, $0xB;
	[tilespmem:s0], [sflag:$0x1] =	stream.linear.gather [hbm4b:s2+s1], $0x400, $0x38;
	[tilespmem:$0x10600] =	vst v63  }
0x60: {  	s5 =	spop (v2sf)  }
0x61: {  	(v2sf) =	vpush v5, $0xB;
	[tilespmem:s17], [sflag:$0x1] =	stream.linear.gather [hbm4b:s5+s1], $0x400, $0x38;
	[tilespmem:$0x10600] =	vst v63  }
0x62: {  	s6 =	spop (v2sf)  }
0x63: {  	(v2sf) =	vpush v4, $0xC;
	[tilespmem:s8], [sflag:$0x1] =	stream.linear.gather [hbm4b:s6+s1], $0x400, $0x38;
	[tilespmem:$0x10600] =	vst v63  }
0x64: {  	s7 =	spop (v2sf)  }
0x65: {  	(v2sf) =	vpush v5, $0xC;
	[tilespmem:s9], [sflag:$0x1] =	stream.linear.gather [hbm4b:s7+s1], $0x400, $0x38;
	[tilespmem:$0x10600] =	vst v63  }
0x66: {  	s8 =	spop (v2sf)  }
0x67: {  	(v2sf) =	vpush v4, $0xD;
	[tilespmem:s10], [sflag:$0x1] =	stream.linear.gather [hbm4b:s8+s1], $0x400, $0x38;
	[tilespmem:$0x10600] =	vst v63  }
0x68: {  	s9 =	spop (v2sf)  }
0x69: {  	(v2sf) =	vpush v5, $0xD;
	[tilespmem:s11], [sflag:$0x1] =	stream.linear.gather [hbm4b:s9+s1], $0x400, $0x38;
	[tilespmem:$0x10600] =	vst v63  }
0x6a: {  	s10 =	spop (v2sf)  }
0x6b: {  	(v2sf) =	vpush v4, $0xE;
	[tilespmem:s18], [sflag:$0x1] =	stream.linear.gather [hbm4b:s10+s1], $0x400, $0x38;
	[tilespmem:$0x10600] =	vst v63  }
0x6c: {  	s13 =	simm.s32 $0x210;
	s11 =	spop (v2sf)  }
0x6d: {  	(v2sf) =	vpush v5, $0xE;
	[tilespmem:s29], [sflag:$0x1] =	stream.linear.gather [hbm4b:s11+s1], $0x400, $0x38;
	[tilespmem:$0x10600] =	vst v63  }
0x6e: {  	s28 =	simm.s32 $0xC00;
	s24 =	simm.s32 $0x7800;
	s14 =	spop (v2sf)  }
0x6f: {  	(v2sf) =	vpush v4, $0xF;
	[tilespmem:s30], [sflag:$0x1] =	stream.linear.gather [hbm4b:s14+s1], $0x400, $0x38;
	[tilespmem:$0x10600] =	vst v63  }
0x70: {  	s25 =	simm.s32 $0x4000;
	s26 =	simm.s32 $0x8000;
	s15 =	spop (v2sf)  }
0x71: {  	(v2sf) =	vpush v5, $0xF;
	[tilespmem:s31], [sflag:$0x1] =	stream.linear.gather [hbm4b:s15+s1], $0x400, $0x38;
	[tilespmem:$0x10600] =	vst v63  }
0x72: {  	s2 =	simm.s32 $0x6C00;
	s5 =	simm.s32 $0x3400;
	s16 =	spop (v2sf)  }
0x73: {  	[tilespmem:s5], [sflag:$0x1] =	stream.linear.gather [hbm4b:s16+s1], $0x400, $0x38;
	[tilespmem:$0x10600] =	vst v63  }
0x74: {  	s0 =	simm.s32 $0x1400;
	s30 =	simm.s32 $0x7400;
	s17 =	spop (v2sf)  }
0x75: {  	[tilespmem:s30], [sflag:$0x1] =	stream.linear.gather [hbm4b:s17+s1], $0x400, $0x38;
	[tilespmem:$0x10600] =	vst v63  }
0x76: {  	s6 =	simm.s32 $0x3800;
	s7 =	simm.s32 $0x7000;
	s18 =	spop (v2sf)  }
0x77: {  	[tilespmem:s6], [sflag:$0x1] =	stream.linear.gather [hbm4b:s18+s1], $0x400, $0x38;
	[tilespmem:$0x10600] =	vst v63  }
0x78: {  	s8 =	simm.s32 $0x2400;
	s9 =	simm.s32 $0x6400;
	s19 =	spop (v2sf)  }
0x79: {  	[tilespmem:s24], [sflag:$0x1] =	stream.linear.gather [hbm4b:s19+s1], $0x400, $0x38;
	[tilespmem:$0x10600] =	vst v63  }
0x7a: {  	s10 =	simm.s32 $0x2800;
	s16 =	simm.s32 $0x3C00;
	s20 =	spop (v2sf)  }
0x7b: {  	[tilespmem:s16], [sflag:$0x1] =	stream.linear.gather [hbm4b:s20+s1], $0x400, $0x38;
	[tilespmem:$0x10600] =	vst v63  }
0x7c: {  	s11 =	simm.s32 $0x6800;
	s31 =	simm.s32 $0x7C00;
	s21 =	spop (v2sf)  }
0x7d: {  	[tilespmem:s31], [sflag:$0x1] =	stream.linear.gather [hbm4b:s21+s1], $0x400, $0x38;
	[tilespmem:$0x10600] =	vst v63  }
0x7e: {  	s29 =	simm.s32 $0x2C00;
	s14 =	simm.s32 $0x10;
	s22 =	spop (v2sf)  }
0x7f: {  	[tilespmem:s25], [sflag:$0x1] =	stream.linear.gather [hbm4b:s22+s1], $0x400, $0x38;
	[tilespmem:$0x10600] =	vst v63  }
0x80: {  	s15 =	simm.s32 $0x10410;
	s17 =	simm.s32 $0x2000;
	s23 =	spop (v2sf)  }
0x81: {  	[tilespmem:s26], [sflag:$0x1] =	stream.linear.gather [hbm4b:s23+s1], $0x400, $0x38;
	[tilespmem:$0x10600] =	vst v63  }
0x82: {  	s18 =	simm.s32 $0x6000;
	s19 =	simm.s32 $0x0;
	s23 =	simm.s32 $0x3000  }
.LBB2_2:
0x83: {  	v4 =	vld [tilespmem:s14+$0x0];
	_ =	sdelay $0x1  }
0x84: {  	v5 =	vld [tilespmem:s13+$0x0];
	_ =	sdelay $0x2  }
0x85: {  	v4 =	vand.u32 $0xFFFFFFF8, v4  }
0x86: {  	v4 =	vshll.u32 v4, $0x4  }
0x87: {  	v5 =	vand.u32 $0xFFFFFFF8, v5;
	v4 =	vadd.s32 s3, v4  }
0x88: {  	v5 =	vshll.u32 v5, $0x4;
	(v2sf) =	vpush v4, $0x0  }
0x89: {  	v5 =	vadd.s32 s4, v5  }
0x8a: {  	(v2sf) =	vpush v5, $0x0;
	_ =	sdelay $0x1  }
0x8b: {  	(v2sf) =	vpush v4, $0x1;
	_ =	sdelay $0x1  }
0x8c: {  	(v2sf) =	vpush v5, $0x1;
	_ =	sdelay $0x1  }
0x8d: {  	(v2sf) =	vpush v4, $0x2;
	_ =	sdelay $0x1  }
0x8e: {  	(v2sf) =	vpush v5, $0x2;
	_ =	sdelay $0x1  }
0x8f: {  	(v2sf) =	vpush v4, $0x3;
	_ =	sdelay $0x1  }
0x90: {  	(v2sf) =	vpush v5, $0x3  }
0x91: {  	s20 =	rddreg [dreg:$0x3];
	s21 =	spop (v2sf)  }
0x92: {  	(v2sf) =	vpush v4, $0x4;
	[tilespmem:s20], [sflag:$0x1] =	stream.linear.gather [hbm4b:s21+s1], $0x400, $0x38;
	[tilespmem:$0x10600] =	vst v63  }
0x93: {  	s22 =	rddreg [dreg:$0x4];
	s20 =	spop (v2sf)  }
0x94: {  	(v2sf) =	vpush v5, $0x4;
	[tilespmem:s22], [sflag:$0x1] =	stream.linear.gather [hbm4b:s20+s1], $0x400, $0x38;
	[tilespmem:$0x10600] =	vst v63  }
0x95: {  	s21 =	rddreg [dreg:$0x5];
	s20 =	spop (v2sf)  }
0x96: {  	(v2sf) =	vpush v4, $0x5;
	[tilespmem:s21], [sflag:$0x1] =	stream.linear.gather [hbm4b:s20+s1], $0x400, $0x38;
	[tilespmem:$0x10600] =	vst v63  }
0x97: {  	s22 =	rddreg [dreg:$0x6];
	s20 =	spop (v2sf)  }
0x98: {  	(v2sf) =	vpush v5, $0x5;
	[tilespmem:s22], [sflag:$0x1] =	stream.linear.gather [hbm4b:s20+s1], $0x400, $0x38;
	[tilespmem:$0x10600] =	vst v63  }
0x99: {  	s21 =	rddreg [dreg:$0x7];
	s20 =	spop (v2sf)  }
0x9a: {  	(v2sf) =	vpush v4, $0x6;
	[tilespmem:s21], [sflag:$0x1] =	stream.linear.gather [hbm4b:s20+s1], $0x400, $0x38;
	[tilespmem:$0x10600] =	vst v63  }
0x9b: {  	s22 =	rddreg [dreg:$0x8];
	s20 =	spop (v2sf)  }
0x9c: {  	(v2sf) =	vpush v5, $0x6;
	[tilespmem:s22], [sflag:$0x1] =	stream.linear.gather [hbm4b:s20+s1], $0x400, $0x38;
	[tilespmem:$0x10600] =	vst v63  }
0x9d: {  	s21 =	rddreg [dreg:$0x9];
	s20 =	spop (v2sf)  }
0x9e: {  	(v2sf) =	vpush v4, $0x7;
	[tilespmem:s21], [sflag:$0x1] =	stream.linear.gather [hbm4b:s20+s1], $0x400, $0x38;
	[tilespmem:$0x10600] =	vst v63  }
0x9f: {  	s22 =	rddreg [dreg:$0xa];
	s20 =	spop (v2sf)  }
0xa0: {  	(v2sf) =	vpush v5, $0x7;
	[tilespmem:s22], [sflag:$0x1] =	stream.linear.gather [hbm4b:s20+s1], $0x400, $0x38;
	[tilespmem:$0x10600] =	vst v63  }
0xa1: {  	s21 =	rddreg [dreg:$0xb];
	s20 =	spop (v2sf)  }
0xa2: {  	(v2sf) =	vpush v4, $0x8;
	[tilespmem:s21], [sflag:$0x1] =	stream.linear.gather [hbm4b:s20+s1], $0x400, $0x38;
	[tilespmem:$0x10600] =	vst v63  }
0xa3: {  	s22 =	rddreg [dreg:$0xc];
	s20 =	spop (v2sf)  }
0xa4: {  	(v2sf) =	vpush v5, $0x8;
	[tilespmem:s22], [sflag:$0x1] =	stream.linear.gather [hbm4b:s20+s1], $0x400, $0x38;
	[tilespmem:$0x10600] =	vst v63  }
0xa5: {  	s21 =	rddreg [dreg:$0xd];
	s20 =	spop (v2sf)  }
0xa6: {  	(v2sf) =	vpush v4, $0x9;
	[tilespmem:s21], [sflag:$0x1] =	stream.linear.gather [hbm4b:s20+s1], $0x400, $0x38;
	[tilespmem:$0x10600] =	vst v63  }
0xa7: {  	s22 =	rddreg [dreg:$0xe];
	s20 =	spop (v2sf)  }
0xa8: {  	(v2sf) =	vpush v5, $0x9;
	[tilespmem:s22], [sflag:$0x1] =	stream.linear.gather [hbm4b:s20+s1], $0x400, $0x38;
	[tilespmem:$0x10600] =	vst v63  }
0xa9: {  	s21 =	rddreg [dreg:$0xf];
	s20 =	spop (v2sf)  }
0xaa: {  	(v2sf) =	vpush v4, $0xA;
	[tilespmem:s21], [sflag:$0x1] =	stream.linear.gather [hbm4b:s20+s1], $0x400, $0x38;
	[tilespmem:$0x10600] =	vst v63  }
0xab: {  	s22 =	rddreg [dreg:$0x10];
	s20 =	spop (v2sf)  }
0xac: {  	(v2sf) =	vpush v5, $0xA;
	[tilespmem:s22], [sflag:$0x1] =	stream.linear.gather [hbm4b:s20+s1], $0x400, $0x38;
	[tilespmem:$0x10600] =	vst v63  }
0xad: {  	s21 =	rddreg [dreg:$0x11];
	s20 =	spop (v2sf)  }
0xae: {  	(v2sf) =	vpush v4, $0xB;
	[tilespmem:s21], [sflag:$0x1] =	stream.linear.gather [hbm4b:s20+s1], $0x400, $0x38;
	[tilespmem:$0x10600] =	vst v63  }
0xaf: {  	s22 =	rddreg [dreg:$0x12];
	s20 =	spop (v2sf)  }
0xb0: {  	(v2sf) =	vpush v5, $0xB;
	[tilespmem:s22], [sflag:$0x1] =	stream.linear.gather [hbm4b:s20+s1], $0x400, $0x38;
	[tilespmem:$0x10600] =	vst v63  }
0xb1: {  	s21 =	rddreg [dreg:$0x13];
	s20 =	spop (v2sf)  }
0xb2: {  	(v2sf) =	vpush v4, $0xC;
	[tilespmem:s21], [sflag:$0x1] =	stream.linear.gather [hbm4b:s20+s1], $0x400, $0x38;
	[tilespmem:$0x10600] =	vst v63  }
0xb3: {  	s22 =	rddreg [dreg:$0x14];
	s20 =	spop (v2sf)  }
0xb4: {  	(v2sf) =	vpush v5, $0xC;
	[tilespmem:s22], [sflag:$0x1] =	stream.linear.gather [hbm4b:s20+s1], $0x400, $0x38;
	[tilespmem:$0x10600] =	vst v63  }
0xb5: {  	s21 =	rddreg [dreg:$0x15];
	s20 =	spop (v2sf)  }
0xb6: {  	(v2sf) =	vpush v4, $0xD;
	[tilespmem:s21], [sflag:$0x1] =	stream.linear.gather [hbm4b:s20+s1], $0x400, $0x38;
	[tilespmem:$0x10600] =	vst v63  }
0xb7: {  	s22 =	rddreg [dreg:$0x16];
	s20 =	spop (v2sf)  }
0xb8: {  	(v2sf) =	vpush v5, $0xD;
	[tilespmem:s22], [sflag:$0x1] =	stream.linear.gather [hbm4b:s20+s1], $0x400, $0x38;
	[tilespmem:$0x10600] =	vst v63  }
0xb9: {  	s21 =	rddreg [dreg:$0x17];
	s20 =	spop (v2sf)  }
0xba: {  	[tilespmem:s21], [sflag:$0x1] =	stream.linear.gather [hbm4b:s20+s1], $0x400, $0x38;
	[tilespmem:$0x10600] =	vst v63  }
0xbb: {  	s22 =	rddreg [dreg:$0x18];
	s20 =	spop (v2sf)  }
0xbc: {  	[tilespmem:s22], [sflag:$0x1] =	stream.linear.gather [hbm4b:s20+s1], $0x400, $0x38;
	[tilespmem:$0x10600] =	vst v63  }
0xbd: {  	s21 =	rddreg [dreg:$0x19];
	s20 =	spop (v2sf)  }
0xbe: {  	[tilespmem:s21], [sflag:$0x1] =	stream.linear.gather [hbm4b:s20+s1], $0x400, $0x38;
	[tilespmem:$0x10600] =	vst v63  }
0xbf: {  	(v2sf) =	vpush v4, $0xE;
	s22 =	rddreg [dreg:$0x1a];
	s20 =	spop (v2sf)  }
0xc0: {  	[tilespmem:s22], [sflag:$0x1] =	stream.linear.gather [hbm4b:s20+s1], $0x400, $0x38;
	[tilespmem:$0x10600] =	vst v63  }
0xc1: {  	(v2sf) =	vpush v5, $0xE;
	s21 =	rddreg [dreg:$0x1b];
	s20 =	spop (v2sf)  }
0xc2: {  	[tilespmem:s21], [sflag:$0x1] =	stream.linear.gather [hbm4b:s20+s1], $0x400, $0x38;
	[tilespmem:$0x10600] =	vst v63  }
0xc3: {  	(v2sf) =	vpush v4, $0xF;
	s22 =	rddreg [dreg:$0x1c];
	s20 =	spop (v2sf)  }
0xc4: {  	[tilespmem:s22], [sflag:$0x1] =	stream.linear.gather [hbm4b:s20+s1], $0x400, $0x38;
	[tilespmem:$0x10600] =	vst v63  }
0xc5: {  	s21 =	rddreg [dreg:$0x1d];
	s20 =	spop (v2sf)  }
0xc6: {  	[tilespmem:s21], [sflag:$0x1] =	stream.linear.gather [hbm4b:s20+s1], $0x400, $0x38;
	[tilespmem:$0x10600] =	vst v63  }
0xc7: {  	s20 =	spop (v2sf);
	(v2sf) =	vpush v5, $0xF;
	_ =	sdelay $0x3  }
0xc8: {  	s22 =	rddreg [dreg:$0x1e]  }
0xc9: {  	s21 =	rddreg [dreg:$0x1f]  }
0xca: {  	[tilespmem:s22], [sflag:$0x1] =	stream.linear.gather [hbm4b:s20+s1], $0x400, $0x38;
	[tilespmem:$0x10600] =	vst v63  }
0xcb: {  	s20 =	spop (v2sf);
	s22 =	sld [smem:$0x7FB]  }
0xcc: {  	[tilespmem:s21], [sflag:$0x1] =	stream.linear.gather [hbm4b:s20+s1], $0x400, $0x38;
	[tilespmem:$0x10600] =	vst v63  }
0xcd: {  	s20 =	spop (v2sf);
	s21 =	sld [smem:$0x7FC]  }
0xce: {  	[tilespmem:s22], [sflag:$0x1] =	stream.linear.gather [hbm4b:s20+s1], $0x400, $0x38;
	[tilespmem:$0x10600] =	vst v63  }
0xcf: {  	s22 =	spop (v2sf)  }
0xd0: {  	[tilespmem:s21], [sflag:$0x1] =	stream.linear.gather [hbm4b:s22+s1], $0x400, $0x38;
	[tilespmem:$0x10600] =	vst v63  }
0xd1: {  	s22 =	sld [smem:$0x7FD];
	_ =	sdelay $0x1  }
0xd2: {  	s21 =	spop (v2sf)  }
0xd3: {  	[tilespmem:s22], [sflag:$0x1] =	stream.linear.gather [hbm4b:s21+s1], $0x400, $0x38;
	[tilespmem:$0x10600] =	vst v63  }
0xd4: {  	_ =	swait.ge [sflag:s12], $0x4000  }
0xd5: {  	[sflag:s12] =	ssyncset.done $0x0  }
0xd6: {  	[sflag:s12] =	ssyncadd.s32 $0xFFFFC000  }
0xd7: {  	_ =	swait.ge [sflag:s12], $0x4000  }
0xd8: {  	[sflag:s12] =	ssyncset.done $0x0  }
0xd9: {  	[sflag:s12] =	ssyncadd.s32 $0xFFFFC000  }
0xda: {  	v4 =	vld [tilespmem:s14+$0xFFFFFFF0];
	_ =	sdelay $0x4  }
0xdb: {  	v4 =	vand.u32 $0x7, v4  }
0xdc: {  	v5 =	vshll.u32 v4, $0x7  }
0xdd: {  	(v2sf) =	vpush v5, $0x1  }
0xde: {  	v6 =	vld [tilespmem:s13+$0xFFFFFFF0];
	_ =	sdelay $0x2  }
0xdf: {  	(v2sf) =	vpush v5, $0x0;
	_ =	sdelay $0x1  }
0xe0: {  	v4 =	vand.u32 $0x7, v6  }
0xe1: {  	v4 =	vshll.u32 v4, $0x7  }
0xe2: {  	(v2sf) =	vpush v4, $0x1;
	_ =	sdelay $0x3  }
0xe3: {  	(v2sf) =	vpush v4, $0x0;
	_ =	sdelay $0x2  }
0xe4: {  	s20 =	spop (v2sf)  }
0xe5: {  	(v2sf) =	vpush v5, $0x3;
	v16 =	vld [tilespmem:s20+$0x800]  }
0xe6: {  	v22 =	vld [tilespmem:s20+$0x810]  }
0xe7: {  	v26 =	vld [tilespmem:s20+$0x820]  }
0xe8: {  	s21 =	spop (v2sf);
	v28 =	vld [tilespmem:s20+$0x830]  }
0xe9: {  	(v2sf) =	vpush v5, $0x2;
	v6 =	vld [tilespmem:s21+$0x400]  }
0xea: {  	v7 =	vld [tilespmem:s21+$0x410]  }
0xeb: {  	v8 =	vld [tilespmem:s21+$0x420]  }
0xec: {  	s22 =	spop (v2sf);
	v10 =	vld [tilespmem:s21+$0x430]  }
0xed: {  	(v2sf) =	vpush v4, $0x3;
	v21 =	vld [tilespmem:s22+$0x4800]  }
0xee: {  	v25 =	vld [tilespmem:s22+$0x4810]  }
0xef: {  	v27 =	vld [tilespmem:s22+$0x4820]  }
0xf0: {  	s21 =	spop (v2sf);
	v29 =	vld [tilespmem:s22+$0x4830]  }
0xf1: {  	(v2sf) =	vpush v4, $0x2;
	v11 =	vld [tilespmem:s21+$0x4400]  }
0xf2: {  	v12 =	vld [tilespmem:s21+$0x4410]  }
0xf3: {  	v13 =	vld [tilespmem:s21+$0x4420]  }
0xf4: {  	v15 =	vld [tilespmem:s21+$0x4430];
	s20 =	spop (v2sf)  }
0xf5: {  	(v2sf) =	vpush v5, $0x5;
	v38 =	vld [tilespmem:s20+$0x1000]  }
0xf6: {  	v40 =	vld [tilespmem:s20+$0x1010]  }
0xf7: {  	v42 =	vld [tilespmem:s20+$0x1020]  }
0xf8: {  	s21 =	spop (v2sf);
	v44 =	vld [tilespmem:s20+$0x1030]  }
0xf9: {  	(v2sf) =	vpush v5, $0x4;
	v30 =	vld [tilespmem:s21+$0xC00]  }
0xfa: {  	v31 =	vld [tilespmem:s21+$0xC10]  }
0xfb: {  	v32 =	vld [tilespmem:s21+$0xC20]  }
0xfc: {  	s22 =	spop (v2sf);
	v33 =	vld [tilespmem:s21+$0xC30]  }
0xfd: {  	(v2sf) =	vpush v4, $0x5;
	v39 =	vld [tilespmem:s22+$0x5000]  }
0xfe: {  	v41 =	vld [tilespmem:s22+$0x5010]  }
0xff: {  	v43 =	vld [tilespmem:s22+$0x5020]  }
0x100: {  	s21 =	spop (v2sf);
	(v2sf) =	vpush v4, $0x4;
	v45 =	vld [tilespmem:s22+$0x5030]  }
0x101: {  	v34 =	vld [tilespmem:s21+$0x4C00]  }
0x102: {  	v35 =	vld [tilespmem:s21+$0x4C10]  }
0x103: {  	v36 =	vld [tilespmem:s21+$0x4C20]  }
0x104: {  	v37 =	vld [tilespmem:s21+$0x4C30];
	s20 =	spop (v2sf)  }
0x105: {  	(v2sf) =	vpush v5, $0x7;
	v54 =	vld [tilespmem:s20+$0x1800]  }
0x106: {  	v56 =	vld [tilespmem:s20+$0x1810]  }
0x107: {  	v58 =	vld [tilespmem:s20+$0x1820]  }
0x108: {  	s21 =	spop (v2sf);
	(v2sf) =	vpush v5, $0x6;
	v20 =	vld [tilespmem:s20+$0x1830]  }
0x109: {  	v46 =	vld [tilespmem:s21+$0x1400]  }
0x10a: {  	v6 =	vmul.f32 v11, v6;
	v7 =	vmul.f32 v12, v7;
	v47 =	vld [tilespmem:s21+$0x1410]  }
0x10b: {  	v48 =	vld [tilespmem:s21+$0x1420]  }
0x10c: {  	v13 =	vmul.f32 v13, v8;
	v6 =	vadd.f32 v7, v6;
	s22 =	spop (v2sf);
	v49 =	vld [tilespmem:s21+$0x1430];
	(v2sf) =	vpush v4, $0x7  }
0x10d: {  	v55 =	vld [tilespmem:s22+$0x5800]  }
0x10e: {  	v15 =	vmul.f32 v15, v10;
	v6 =	vadd.f32 v13, v6;
	v57 =	vld [tilespmem:s22+$0x5810]  }
0x10f: {  	s21 =	spop (v2sf);
	(v2sf) =	vpush v4, $0x6;
	v59 =	vld [tilespmem:s22+$0x5820]  }
0x110: {  	v6 =	vadd.f32 v15, v6;
	v23 =	vld [tilespmem:s22+$0x5830]  }
0x111: {  	v50 =	vld [tilespmem:s21+$0x5400]  }
0x112: {  	v22 =	vmul.f32 v25, v22;
	v25 =	vperm.xlane v6, v0;
	v51 =	vld [tilespmem:s21+$0x5410]  }
0x113: {  	v52 =	vld [tilespmem:s21+$0x5420]  }
0x114: {  	v21 =	vmul.f32 v21, v16;
	v15 =	vadd.f32 v6, v25;
	v53 =	vld [tilespmem:s21+$0x5430];
	s20 =	spop (v2sf)  }
0x115: {  	v39 =	vmul.f32 v39, v38;
	v40 =	vmul.f32 v41, v40;
	v62 =	vld [tilespmem:s20+$0x2000]  }
0x116: {  	v30 =	vmul.f32 v34, v30;
	v34 =	vperm.xlane v15, v1;
	(v2sf) =	vpush v5, $0x9;
	v8 =	vld [tilespmem:s20+$0x2010]  }
0x117: {  	v16 =	vmul.f32 v29, v28;
	v10 =	vadd.f32 v22, v21;
	s21 =	spop (v2sf);
	v21 =	vld [tilespmem:s20+$0x2030]  }
0x118: {  	v38 =	vmul.f32 v43, v42;
	v28 =	vadd.f32 v40, v39;
	v15 =	vadd.f32 v15, v34;
	v18 =	vld [tilespmem:s21+$0x1C00]  }
0x119: {  	v27 =	vmul.f32 v27, v26;
	v31 =	vmul.f32 v35, v31;
	(v2sf) =	vpush v5, $0x8;
	v19 =	vld [tilespmem:s21+$0x1C10]  }
0x11a: {  	v40 =	vmul.f32 v45, v44;
	v28 =	vadd.f32 v38, v28;
	v39 =	vperm.xlane v15, v2;
	v14 =	vld [tilespmem:s21+$0x1C20]  }
0x11b: {  	v11 =	vadd.f32 v27, v10;
	v36 =	vmul.f32 v36, v32;
	v35 =	vadd.f32 v31, v30;
	s22 =	spop (v2sf);
	v9 =	vld [tilespmem:s21+$0x1C30]  }
0x11c: {  	v28 =	vadd.f32 v40, v28;
	v15 =	vadd.f32 v15, v39;
	v63 =	vld [tilespmem:s22+$0x6000]  }
0x11d: {  	v33 =	vmul.f32 v37, v33;
	v36 =	vadd.f32 v36, v35;
	(v2sf) =	vpush v4, $0x9;
	v7 =	vld [tilespmem:s22+$0x6010]  }
0x11e: {  	v44 =	vperm.xlane v28, v0;
	v43 =	vperm.xlane v15, v3;
	s21 =	spop (v2sf);
	(v2sf) =	vpush v4, $0x8;
	v13 =	vld [tilespmem:s22+$0x6020]  }
0x11f: {  	v27 =	vadd.f32 v33, v36;
	v50 =	vmul.f32 v50, v46;
	v51 =	vmul.f32 v51, v47;
	v6 =	vld [tilespmem:s22+$0x6030]  }
0x120: {  	v36 =	vadd.f32 v15, v43;
	v47 =	vmul.f32 v52, v48;
	v52 =	vmul.f32 v55, v54;
	v60 =	vld [tilespmem:s21+$0x5C00]  }
0x121: {  	v15 =	vadd.f32 v51, v50;
	v51 =	vmul.f32 v53, v49;
	v53 =	vmul.f32 v57, v56;
	v61 =	vld [tilespmem:s21+$0x5C10]  }
0x122: {  	v24 =	vld [tilespmem:s21+$0x5C20]  }
0x123: {  	v34 =	vadd.f32 v28, v44;
	v55 =	vmul.f32 v59, v58;
	v44 =	vadd.f32 v53, v52;
	v17 =	vld [tilespmem:s21+$0x5C30]  }
0x124: {  	[tilespmem:$0x1FFF0] =	vst v9;
	v9 =	vld [tilespmem:s20+$0x2020]  }
0x125: {  	v44 =	vadd.f32 v55, v44;
	v55 =	vld [tilespmem:$0x1FFF0];
	s20 =	spop (v2sf)  }
0x126: {  	(v2sf) =	vpush v5, $0xB;
	v31 =	vld [tilespmem:s20+$0x2800]  }
0x127: {  	v42 =	vperm.xlane v27, v0;
	v30 =	vld [tilespmem:s20+$0x2810]  }
0x128: {  	s21 =	spop (v2sf);
	(v2sf) =	vpush v5, $0xA;
	v35 =	vld [tilespmem:s20+$0x2820]  }
0x129: {  	v27 =	vadd.f32 v27, v42;
	v42 =	vld [tilespmem:s20+$0x2830]  }
0x12a: {  	v10 =	vld [tilespmem:s21+$0x2400]  }
0x12b: {  	v12 =	vld [tilespmem:s21+$0x2410]  }
0x12c: {  	s22 =	spop (v2sf);
	v26 =	vld [tilespmem:s21+$0x2420];
	(v2sf) =	vpush v4, $0xB  }
0x12d: {  	v11 =	vadd.f32 v16, v11;
	v29 =	vld [tilespmem:s21+$0x2430];
	s21 =	spop (v2sf);
	(v2sf) =	vpush v4, $0xA  }
0x12e: {  	v33 =	vld [tilespmem:s22+$0x6800]  }
0x12f: {  	v41 =	vperm.xlane v11, v0;
	v37 =	vld [tilespmem:s22+$0x6810]  }
0x130: {  	v39 =	vld [tilespmem:s22+$0x6820]  }
0x131: {  	v11 =	vadd.f32 v11, v41;
	v43 =	vld [tilespmem:s22+$0x6830]  }
0x132: {  	v25 =	vld [tilespmem:s21+$0x6400]  }
0x133: {  	v41 =	vperm.xlane v11, v1;
	v23 =	vmul.f32 v23, v20;
	v32 =	vld [tilespmem:s21+$0x6410]  }
0x134: {  	v18 =	vmul.f32 v60, v18;
	v19 =	vmul.f32 v61, v19;
	v22 =	vld [tilespmem:s21+$0x6420]  }
0x135: {  	v11 =	vadd.f32 v11, v41;
	v46 =	vperm.xlane v27, v1;
	v23 =	vadd.f32 v23, v44;
	v16 =	vld [tilespmem:s21+$0x6430];
	s20 =	spop (v2sf)  }
0x136: {  	v14 =	vmul.f32 v24, v14;
	v18 =	vadd.f32 v19, v18;
	(v2sf) =	vpush v5, $0xD;
	v44 =	vld [tilespmem:s20+$0x3000]  }
0x137: {  	s21 =	spop (v2sf);
	(v2sf) =	vpush v5, $0xC;
	v19 =	vld [tilespmem:s20+$0x3010]  }
0x138: {  	v45 =	vperm.xlane v11, v2;
	v41 =	vadd.f32 v27, v46;
	v14 =	vadd.f32 v14, v18;
	v18 =	vld [tilespmem:s20+$0x3020]  }
0x139: {  	v50 =	vadd.f32 v47, v15;
	v28 =	vld [tilespmem:s21+$0x2C00]  }
0x13a: {  	v40 =	vadd.f32 v11, v45;
	v54 =	vperm.xlane v41, v2;
	v15 =	vld [tilespmem:s21+$0x2C10]  }
0x13b: {  	v38 =	vadd.f32 v51, v50;
	v17 =	vmul.f32 v17, v55;
	s22 =	spop (v2sf);
	v11 =	vld [tilespmem:s21+$0x2C20];
	(v2sf) =	vpush v4, $0xD  }
0x13c: {  	v48 =	vperm.xlane v34, v1;
	v41 =	vadd.f32 v41, v54;
	v27 =	vld [tilespmem:s21+$0x2C30];
	s21 =	spop (v2sf);
	(v2sf) =	vpush v4, $0xC  }
0x13d: {  	v54 =	vmul.f32 v63, v62;
	v7 =	vmul.f32 v7, v8;
	v14 =	vadd.f32 v17, v14;
	v17 =	vld [tilespmem:s20+$0x3030]  }
0x13e: {  	v34 =	vadd.f32 v34, v48;
	v57 =	vperm.xlane v38, v0;
	v50 =	vld [tilespmem:s22+$0x7000]  }
0x13f: {  	v58 =	vperm.xlane v40, v3;
	v7 =	vadd.f32 v7, v54;
	v9 =	vmul.f32 v13, v9;
	v8 =	vld [tilespmem:s22+$0x7010]  }
0x140: {  	v56 =	vperm.xlane v34, v2;
	v59 =	vperm.xlane v41, v3;
	v38 =	vadd.f32 v38, v57;
	v13 =	vld [tilespmem:s22+$0x7020]  }
0x141: {  	v40 =	vadd.f32 v40, v58;
	v6 =	vmul.f32 v6, v21;
	v7 =	vadd.f32 v9, v7;
	v9 =	vld [tilespmem:s22+$0x7030]  }
0x142: {  	v34 =	vadd.f32 v34, v56;
	v53 =	vadd.f32 v41, v59;
	v48 =	vperm.xlane v38, v1;
	v47 =	vld [tilespmem:s21+$0x6C00]  }
0x143: {  	v61 =	vperm.xlane v23, v0;
	v6 =	vadd.f32 v6, v7;
	v58 =	vperm.xlane v14, v0;
	v49 =	vld [tilespmem:s21+$0x6C10]  }
0x144: {  	v38 =	vadd.f32 v38, v48;
	v10 =	vmul.f32 v25, v10;
	v12 =	vmul.f32 v32, v12;
	v45 =	vld [tilespmem:s21+$0x6C20]  }
0x145: {  	v23 =	vadd.f32 v23, v61;
	v61 =	vperm.xlane v6, v0;
	v14 =	vadd.f32 v14, v58;
	v20 =	vld [tilespmem:s21+$0x6C30];
	s20 =	spop (v2sf)  }
0x146: {  	v46 =	vperm.xlane v34, v3;
	v10 =	vadd.f32 v12, v10;
	(v2sf) =	vpush v5, $0xF;
	s21 =	spop (v2sf);
	v12 =	vld [tilespmem:s20+$0x3810]  }
0x147: {  	v57 =	vsel vm0, v36, v40;
	v59 =	vperm.xlane v38, v2;
	v6 =	vadd.f32 v6, v61;
	v36 =	vld [tilespmem:s21+$0x3400]  }
0x148: {  	v34 =	vadd.f32 v34, v46;
	v56 =	vperm.xlane v23, v1;
	v63 =	vperm.xlane v14, v1;
	v7 =	vld [tilespmem:s21+$0x3410]  }
0x149: {  	v46 =	vperm.xlane v6, v1;
	v62 =	vmul.f32 v33, v31;
	(v2sf) =	vpush v5, $0xE;
	v40 =	vld [tilespmem:s21+$0x3420]  }
0x14a: {  	v30 =	vmul.f32 v37, v30;
	v5 =	vsel vm1, v57, v53;
	s22 =	spop (v2sf);
	v41 =	vld [tilespmem:s21+$0x3430];
	(v2sf) =	vpush v4, $0xF  }
0x14b: {  	v6 =	vadd.f32 v6, v46;
	v5 =	vsel vm2, v5, v34;
	v34 =	vld [tilespmem:s20+$0x3820];
	s21 =	spop (v2sf);
	(v2sf) =	vpush v4, $0xE  }
0x14c: {  	v4 =	vadd.f32 v38, v59;
	v38 =	vmul.f32 v39, v35;
	v39 =	vmul.f32 v16, v29;
	v16 =	vld [tilespmem:s20+$0x3800]  }
0x14d: {  	v23 =	vadd.f32 v23, v56;
	v33 =	vmul.f32 v22, v26;
	v37 =	vadd.f32 v30, v62;
	v30 =	vld [tilespmem:s22+$0x7800]  }
0x14e: {  	v14 =	vadd.f32 v14, v63;
	v55 =	vperm.xlane v6, v2;
	v24 =	vld [tilespmem:s22+$0x7810]  }
0x14f: {  	v60 =	vperm.xlane v23, v2;
	v10 =	vadd.f32 v33, v10;
	v32 =	vld [tilespmem:s22+$0x7830]  }
0x150: {  	v52 =	vperm.xlane v14, v2;
	v6 =	vadd.f32 v6, v55;
	v25 =	vld [tilespmem:s21+$0x7400]  }
0x151: {  	v23 =	vadd.f32 v23, v60;
	v31 =	vld [tilespmem:s21+$0x7410];
	v51 =	vperm.xlane v4, v3;
	v10 =	vadd.f32 v39, v10  }
0x152: {  	v48 =	vmul.f32 v43, v42;
	v14 =	vadd.f32 v14, v52;
	v58 =	vperm.xlane v6, v3;
	v22 =	vld [tilespmem:s21+$0x7420]  }
0x153: {  	v53 =	vperm.xlane v23, v3;
	v26 =	vld [tilespmem:s21+$0x7430];
	v4 =	vadd.f32 v4, v51;
	v54 =	vperm.xlane v10, v0  }
0x154: {  	v60 =	vmul.f32 v50, v44;
	v8 =	vmul.f32 v8, v19;
	v21 =	vadd.f32 v38, v37;
	v37 =	vld [tilespmem:s22+$0x7820]  }
0x155: {  	v4 =	vsel vm3, v5, v4;
	v5 =	vadd.f32 v23, v53;
	v10 =	vadd.f32 v10, v54;
	v23 =	vld [tilespmem:s20+$0x3830];
	s20 =	spop (v2sf)  }
0x156: {  	v13 =	vmul.f32 v13, v18;
	v15 =	vmul.f32 v49, v15;
	v8 =	vadd.f32 v8, v60;
	v46 =	vld [tilespmem:s20+$0x4000]  }
0x157: {  	v59 =	vmul.f32 v47, v28;
	v4 =	vsel vm4, v4, v5;
	v5 =	vperm.xlane v10, v1;
	v50 =	vld [tilespmem:s20+$0x4010]  }
0x158: {  	v9 =	vmul.f32 v9, v17;
	v8 =	vadd.f32 v13, v8;
	v21 =	vadd.f32 v48, v21;
	v54 =	vld [tilespmem:s20+$0x4020]  }
0x159: {  	v11 =	vmul.f32 v45, v11;
	v5 =	vadd.f32 v10, v5;
	v10 =	vadd.f32 v15, v59;
	s21 =	spop (v2sf);
	v59 =	vld [tilespmem:s20+$0x4030]  }
0x15a: {  	v8 =	vadd.f32 v9, v8;
	v57 =	vperm.xlane v14, v3;
	v56 =	vperm.xlane v21, v0;
	v33 =	vld [tilespmem:s21+$0x3C00]  }
0x15b: {  	v6 =	vadd.f32 v6, v58;
	v39 =	vmul.f32 v20, v27;
	v61 =	vperm.xlane v5, v2;
	v38 =	vld [tilespmem:s21+$0x3C10]  }
0x15c: {  	v51 =	vperm.xlane v8, v0;
	v55 =	vmul.f32 v30, v16;
	v21 =	vadd.f32 v21, v56;
	v28 =	vld [tilespmem:s21+$0x3C20]  }
0x15d: {  	v12 =	vmul.f32 v24, v12;
	v25 =	vmul.f32 v25, v36;
	s22 =	spop (v2sf);
	v19 =	vld [tilespmem:s21+$0x3C30];
	v5 =	vadd.f32 v5, v61  }
0x15e: {  	v14 =	vadd.f32 v14, v57;
	v53 =	vmul.f32 v22, v40;
	v35 =	vperm.xlane v21, v1;
	s21 =	spop (v2sf);
	v48 =	vld [tilespmem:s22+$0x8000]  }
0x15f: {  	v57 =	vmul.f32 v26, v41;
	v8 =	vadd.f32 v8, v51;
	v62 =	vld [tilespmem:s21+$0x7C00];
	v45 =	vperm.xlane v5, v3  }
0x160: {  	v58 =	vmul.f32 v37, v34;
	v12 =	vadd.f32 v12, v55;
	v21 =	vadd.f32 v21, v35;
	v35 =	vld [tilespmem:s21+$0x7C10]  }
0x161: {  	v41 =	vperm.xlane v8, v1;
	v4 =	vsel vm5, v4, v14;
	v52 =	vld [tilespmem:s22+$0x8010];
	v5 =	vadd.f32 v5, v45  }
0x162: {  	v30 =	vadd.f32 v58, v12;
	v4 =	vsel vm6, v4, v6;
	v10 =	vadd.f32 v11, v10;
	v43 =	vld [tilespmem:s21+$0x7C20]  }
0x163: {  	v8 =	vadd.f32 v8, v41;
	v56 =	vld [tilespmem:s22+$0x8020];
	v4 =	vsel vm7, v4, v5;
	v5 =	vmul.f32 v31, v7  }
0x164: {  	v34 =	vmul.f32 v32, v23;
	v63 =	vperm.xlane v21, v2;
	v10 =	vadd.f32 v39, v10;
	v44 =	vld [tilespmem:s21+$0x7C30]  }
0x165: {  	v60 =	vmul.f32 v62, v33;
	v61 =	vmul.f32 v35, v38;
	v62 =	vld [tilespmem:s22+$0x8030];
	v5 =	vadd.f32 v5, v25  }
0x166: {  	v21 =	vadd.f32 v21, v63;
	v63 =	vmul.f32 v48, v46;
	v29 =	vmul.f32 v52, v50  }
0x167: {  	v33 =	vmul.f32 v43, v28;
	v31 =	vadd.f32 v61, v60;
	v5 =	vadd.f32 v53, v5  }
0x168: {  	v49 =	vperm.xlane v10, v0;
	v35 =	vmul.f32 v56, v54;
	v7 =	vadd.f32 v29, v63  }
0x169: {  	v13 =	vmul.f32 v44, v19;
	v12 =	vadd.f32 v33, v31;
	v5 =	vadd.f32 v57, v5  }
0x16a: {  	v11 =	vadd.f32 v34, v30;
	v7 =	vadd.f32 v35, v7;
	v36 =	vmul.f32 v62, v59  }
0x16b: {  	v6 =	vadd.f32 v10, v49;
	v12 =	vadd.f32 v13, v12;
	v37 =	vperm.xlane v5, v0  }
0x16c: {  	v47 =	vperm.xlane v21, v3;
	v38 =	vperm.xlane v11, v0;
	v7 =	vadd.f32 v36, v7  }
0x16d: {  	v39 =	vperm.xlane v6, v1;
	v40 =	vperm.xlane v12, v0;
	v5 =	vadd.f32 v5, v37  }
0x16e: {  	v14 =	vadd.f32 v21, v47;
	v11 =	vadd.f32 v11, v38;
	v42 =	vperm.xlane v7, v0  }
0x16f: {  	v6 =	vadd.f32 v6, v39;
	v10 =	vadd.f32 v12, v40;
	v43 =	vperm.xlane v5, v1  }
0x170: {  	v4 =	vsel vm8, v4, v14;
	v44 =	vperm.xlane v11, v1;
	v7 =	vadd.f32 v7, v42  }
0x171: {  	v45 =	vperm.xlane v6, v2;
	v46 =	vperm.xlane v10, v1;
	v5 =	vadd.f32 v5, v43  }
0x172: {  	v14 =	vperm.xlane v8, v2;
	v11 =	vadd.f32 v11, v44;
	v47 =	vperm.xlane v7, v1  }
0x173: {  	v6 =	vadd.f32 v6, v45;
	v9 =	vadd.f32 v10, v46;
	v48 =	vperm.xlane v5, v2  }
0x174: {  	v8 =	vadd.f32 v8, v14;
	v49 =	vperm.xlane v11, v2;
	v7 =	vadd.f32 v7, v47  }
0x175: {  	v50 =	vperm.xlane v6, v3;
	v51 =	vperm.xlane v9, v2;
	v5 =	vadd.f32 v5, v48  }
0x176: {  	v14 =	vperm.xlane v8, v3;
	v10 =	vadd.f32 v11, v49;
	v52 =	vperm.xlane v7, v2  }
0x177: {  	v6 =	vadd.f32 v6, v50;
	v9 =	vadd.f32 v9, v51;
	v53 =	vperm.xlane v5, v3  }
0x178: {  	v8 =	vadd.f32 v8, v14;
	v54 =	vperm.xlane v10, v3;
	v7 =	vadd.f32 v7, v52  }
0x179: {  	v4 =	vsel vm9, v4, v6;
	v55 =	vperm.xlane v9, v3;
	v5 =	vadd.f32 v5, v53  }
0x17a: {  	v4 =	vsel vm10, v4, v8;
	v56 =	vadd.f32 v10, v54;
	v57 =	vperm.xlane v7, v3  }
0x17b: {  	v4 =	vsel vm11, v4, v5;
	v5 =	vadd.f32 v9, v55  }
0x17c: {  	v58 =	vadd.f32 v7, v57;
	v4 =	vsel vm12, v4, v56  }
0x17d: {  	v4 =	vsel vm13, v4, v5  }
0x17e: {  	s22 =	smin.u32 s19, $0x1D;
	v4 =	vsel vm14, v4, v58  }
0x17f: {  	s20 =	sshll.u32 s22, $0x4;
	[tilespmem:s15+$0xFFFFFFF0] =	vst v4  }
0x180: {  	v4 =	vld [tilespmem:s20+$0x20];
	_ =	sdelay $0x1  }
0x181: {  	v5 =	vld [tilespmem:s20+$0x220];
	_ =	sdelay $0x2  }
0x182: {  	v4 =	vand.u32 $0xFFFFFFF8, v4  }
0x183: {  	v4 =	vshll.u32 v4, $0x4  }
0x184: {  	v5 =	vand.u32 $0xFFFFFFF8, v5;
	v4 =	vadd.s32 s3, v4  }
0x185: {  	v5 =	vshll.u32 v5, $0x4;
	(v2sf) =	vpush v4, $0x0  }
0x186: {  	v5 =	vadd.s32 s4, v5  }
0x187: {  	(v2sf) =	vpush v5, $0x0;
	_ =	sdelay $0x1  }
0x188: {  	(v2sf) =	vpush v4, $0x1;
	_ =	sdelay $0x1  }
0x189: {  	(v2sf) =	vpush v5, $0x1;
	_ =	sdelay $0x1  }
0x18a: {  	(v2sf) =	vpush v4, $0x2;
	_ =	sdelay $0x1  }
0x18b: {  	(v2sf) =	vpush v5, $0x2;
	_ =	sdelay $0x1  }
0x18c: {  	(v2sf) =	vpush v4, $0x3;
	_ =	sdelay $0x1  }
0x18d: {  	(v2sf) =	vpush v5, $0x3  }
0x18e: {  	s22 =	simm.s32 $0x400;
	s21 =	spop (v2sf)  }
0x18f: {  	(v2sf) =	vpush v4, $0x4;
	[tilespmem:s22], [sflag:$0x1] =	stream.linear.gather [hbm4b:s21+s1], $0x400, $0x38;
	[tilespmem:$0x10600] =	vst v63  }
0x190: {  	s21 =	spop (v2sf);
	s22 =	simm.s32 $0x4400  }
0x191: {  	(v2sf) =	vpush v5, $0x4;
	[tilespmem:s22], [sflag:$0x1] =	stream.linear.gather [hbm4b:s21+s1], $0x400, $0x38;
	[tilespmem:$0x10600] =	vst v63  }
0x192: {  	s21 =	spop (v2sf);
	s22 =	simm.s32 $0x800  }
0x193: {  	(v2sf) =	vpush v4, $0x5;
	[tilespmem:s22], [sflag:$0x1] =	stream.linear.gather [hbm4b:s21+s1], $0x400, $0x38;
	[tilespmem:$0x10600] =	vst v63  }
0x194: {  	s21 =	spop (v2sf);
	s22 =	simm.s32 $0x4800  }
0x195: {  	(v2sf) =	vpush v5, $0x5;
	[tilespmem:s22], [sflag:$0x1] =	stream.linear.gather [hbm4b:s21+s1], $0x400, $0x38;
	[tilespmem:$0x10600] =	vst v63  }
0x196: {  	s22 =	spop (v2sf)  }
0x197: {  	(v2sf) =	vpush v4, $0x6;
	[tilespmem:s28], [sflag:$0x1] =	stream.linear.gather [hbm4b:s22+s1], $0x400, $0x38;
	[tilespmem:$0x10600] =	vst v63  }
0x198: {  	s21 =	spop (v2sf);
	s22 =	simm.s32 $0x4C00  }
0x199: {  	(v2sf) =	vpush v5, $0x6;
	[tilespmem:s22], [sflag:$0x1] =	stream.linear.gather [hbm4b:s21+s1], $0x400, $0x38;
	[tilespmem:$0x10600] =	vst v63  }
0x19a: {  	s21 =	spop (v2sf);
	s22 =	simm.s32 $0x1000  }
0x19b: {  	(v2sf) =	vpush v4, $0x7;
	[tilespmem:s22], [sflag:$0x1] =	stream.linear.gather [hbm4b:s21+s1], $0x400, $0x38;
	[tilespmem:$0x10600] =	vst v63  }
0x19c: {  	s21 =	spop (v2sf);
	s22 =	simm.s32 $0x5000  }
0x19d: {  	(v2sf) =	vpush v5, $0x7;
	[tilespmem:s22], [sflag:$0x1] =	stream.linear.gather [hbm4b:s21+s1], $0x400, $0x38;
	[tilespmem:$0x10600] =	vst v63  }
0x19e: {  	s22 =	spop (v2sf)  }
0x19f: {  	(v2sf) =	vpush v4, $0x8;
	[tilespmem:s0], [sflag:$0x1] =	stream.linear.gather [hbm4b:s22+s1], $0x400, $0x38;
	[tilespmem:$0x10600] =	vst v63  }
0x1a0: {  	s21 =	spop (v2sf);
	s22 =	simm.s32 $0x5400  }
0x1a1: {  	(v2sf) =	vpush v5, $0x8;
	[tilespmem:s22], [sflag:$0x1] =	stream.linear.gather [hbm4b:s21+s1], $0x400, $0x38;
	[tilespmem:$0x10600] =	vst v63  }
0x1a2: {  	s21 =	spop (v2sf);
	s22 =	simm.s32 $0x1800  }
0x1a3: {  	(v2sf) =	vpush v4, $0x9;
	[tilespmem:s22], [sflag:$0x1] =	stream.linear.gather [hbm4b:s21+s1], $0x400, $0x38;
	[tilespmem:$0x10600] =	vst v63  }
0x1a4: {  	s21 =	spop (v2sf);
	s22 =	simm.s32 $0x5800  }
0x1a5: {  	(v2sf) =	vpush v5, $0x9;
	[tilespmem:s22], [sflag:$0x1] =	stream.linear.gather [hbm4b:s21+s1], $0x400, $0x38;
	[tilespmem:$0x10600] =	vst v63  }
0x1a6: {  	s21 =	spop (v2sf);
	s22 =	simm.s32 $0x1C00  }
0x1a7: {  	(v2sf) =	vpush v4, $0xA;
	[tilespmem:s22], [sflag:$0x1] =	stream.linear.gather [hbm4b:s21+s1], $0x400, $0x38;
	[tilespmem:$0x10600] =	vst v63  }
0x1a8: {  	s21 =	spop (v2sf);
	s22 =	simm.s32 $0x5C00  }
0x1a9: {  	(v2sf) =	vpush v5, $0xA;
	[tilespmem:s22], [sflag:$0x1] =	stream.linear.gather [hbm4b:s21+s1], $0x400, $0x38;
	[tilespmem:$0x10600] =	vst v63  }
0x1aa: {  	s21 =	spop (v2sf)  }
0x1ab: {  	(v2sf) =	vpush v4, $0xB;
	[tilespmem:s17], [sflag:$0x1] =	stream.linear.gather [hbm4b:s21+s1], $0x400, $0x38;
	[tilespmem:$0x10600] =	vst v63  }
0x1ac: {  	s22 =	spop (v2sf)  }
0x1ad: {  	(v2sf) =	vpush v5, $0xB;
	[tilespmem:s18], [sflag:$0x1] =	stream.linear.gather [hbm4b:s22+s1], $0x400, $0x38;
	[tilespmem:$0x10600] =	vst v63  }
0x1ae: {  	s21 =	spop (v2sf)  }
0x1af: {  	(v2sf) =	vpush v4, $0xC;
	[tilespmem:s8], [sflag:$0x1] =	stream.linear.gather [hbm4b:s21+s1], $0x400, $0x38;
	[tilespmem:$0x10600] =	vst v63  }
0x1b0: {  	s22 =	spop (v2sf)  }
0x1b1: {  	(v2sf) =	vpush v5, $0xC;
	[tilespmem:s9], [sflag:$0x1] =	stream.linear.gather [hbm4b:s22+s1], $0x400, $0x38;
	[tilespmem:$0x10600] =	vst v63  }
0x1b2: {  	s21 =	spop (v2sf)  }
0x1b3: {  	(v2sf) =	vpush v4, $0xD;
	[tilespmem:s10], [sflag:$0x1] =	stream.linear.gather [hbm4b:s21+s1], $0x400, $0x38;
	[tilespmem:$0x10600] =	vst v63  }
0x1b4: {  	s22 =	spop (v2sf)  }
0x1b5: {  	(v2sf) =	vpush v5, $0xD;
	[tilespmem:s11], [sflag:$0x1] =	stream.linear.gather [hbm4b:s22+s1], $0x400, $0x38;
	[tilespmem:$0x10600] =	vst v63  }
0x1b6: {  	s21 =	spop (v2sf)  }
0x1b7: {  	(v2sf) =	vpush v4, $0xE;
	[tilespmem:s29], [sflag:$0x1] =	stream.linear.gather [hbm4b:s21+s1], $0x400, $0x38;
	[tilespmem:$0x10600] =	vst v63  }
0x1b8: {  	s22 =	spop (v2sf)  }
0x1b9: {  	(v2sf) =	vpush v5, $0xE;
	[tilespmem:s2], [sflag:$0x1] =	stream.linear.gather [hbm4b:s22+s1], $0x400, $0x38;
	[tilespmem:$0x10600] =	vst v63  }
0x1ba: {  	s21 =	spop (v2sf)  }
0x1bb: {  	(v2sf) =	vpush v4, $0xF;
	[tilespmem:s23], [sflag:$0x1] =	stream.linear.gather [hbm4b:s21+s1], $0x400, $0x38;
	[tilespmem:$0x10600] =	vst v63  }
0x1bc: {  	s22 =	spop (v2sf)  }
0x1bd: {  	(v2sf) =	vpush v5, $0xF;
	[tilespmem:s7], [sflag:$0x1] =	stream.linear.gather [hbm4b:s22+s1], $0x400, $0x38;
	[tilespmem:$0x10600] =	vst v63  }
0x1be: {  	s21 =	spop (v2sf)  }
0x1bf: {  	[tilespmem:s5], [sflag:$0x1] =	stream.linear.gather [hbm4b:s21+s1], $0x400, $0x38;
	[tilespmem:$0x10600] =	vst v63  }
0x1c0: {  	s22 =	spop (v2sf)  }
0x1c1: {  	[tilespmem:s30], [sflag:$0x1] =	stream.linear.gather [hbm4b:s22+s1], $0x400, $0x38;
	[tilespmem:$0x10600] =	vst v63  }
0x1c2: {  	s21 =	spop (v2sf)  }
0x1c3: {  	[tilespmem:s6], [sflag:$0x1] =	stream.linear.gather [hbm4b:s21+s1], $0x400, $0x38;
	[tilespmem:$0x10600] =	vst v63  }
0x1c4: {  	s22 =	spop (v2sf)  }
0x1c5: {  	[tilespmem:s24], [sflag:$0x1] =	stream.linear.gather [hbm4b:s22+s1], $0x400, $0x38;
	[tilespmem:$0x10600] =	vst v63  }
0x1c6: {  	s21 =	spop (v2sf)  }
0x1c7: {  	[tilespmem:s16], [sflag:$0x1] =	stream.linear.gather [hbm4b:s21+s1], $0x400, $0x38;
	[tilespmem:$0x10600] =	vst v63  }
0x1c8: {  	s22 =	spop (v2sf)  }
0x1c9: {  	[tilespmem:s31], [sflag:$0x1] =	stream.linear.gather [hbm4b:s22+s1], $0x400, $0x38;
	[tilespmem:$0x10600] =	vst v63  }
0x1ca: {  	s21 =	spop (v2sf)  }
0x1cb: {  	[tilespmem:s25], [sflag:$0x1] =	stream.linear.gather [hbm4b:s21+s1], $0x400, $0x38;
	[tilespmem:$0x10600] =	vst v63  }
0x1cc: {  	s22 =	spop (v2sf)  }
0x1cd: {  	[tilespmem:s26], [sflag:$0x1] =	stream.linear.gather [hbm4b:s22+s1], $0x400, $0x38;
	[tilespmem:$0x10600] =	vst v63  }
0x1ce: {  	_ =	swait.ge [sflag:s12], $0x4000  }
0x1cf: {  	[sflag:s12] =	ssyncset.done $0x0  }
0x1d0: {  	[sflag:s12] =	ssyncadd.s32 $0xFFFFC000  }
0x1d1: {  	_ =	swait.ge [sflag:s12], $0x4000  }
0x1d2: {  	[sflag:s12] =	ssyncset.done $0x0  }
0x1d3: {  	[sflag:s12] =	ssyncadd.s32 $0xFFFFC000  }
0x1d4: {  	v4 =	vld [tilespmem:s14+$0x0];
	_ =	sdelay $0x4  }
0x1d5: {  	v4 =	vand.u32 $0x7, v4  }
0x1d6: {  	v5 =	vshll.u32 v4, $0x7  }
0x1d7: {  	(v2sf) =	vpush v5, $0x1  }
0x1d8: {  	v59 =	vld [tilespmem:s13+$0x0];
	_ =	sdelay $0x2  }
0x1d9: {  	(v2sf) =	vpush v5, $0x0;
	_ =	sdelay $0x1  }
0x1da: {  	v4 =	vand.u32 $0x7, v59  }
0x1db: {  	v4 =	vshll.u32 v4, $0x7  }
0x1dc: {  	(v2sf) =	vpush v4, $0x1;
	_ =	sdelay $0x3  }
0x1dd: {  	(v2sf) =	vpush v4, $0x0;
	_ =	sdelay $0x2  }
0x1de: {  	s20 =	spop (v2sf)  }
0x1df: {  	(v2sf) =	vpush v5, $0x3;
	v28 =	vld [tilespmem:s20+$0x8800]  }
0x1e0: {  	v30 =	vld [tilespmem:s20+$0x8810]  }
0x1e1: {  	v61 =	vld [tilespmem:s20+$0x8820]  }
0x1e2: {  	s21 =	spop (v2sf);
	v34 =	vld [tilespmem:s20+$0x8830]  }
0x1e3: {  	(v2sf) =	vpush v5, $0x2;
	v8 =	vld [tilespmem:s21+$0x8400]  }
0x1e4: {  	v10 =	vld [tilespmem:s21+$0x8410]  }
0x1e5: {  	v15 =	vld [tilespmem:s21+$0x8420]  }
0x1e6: {  	s22 =	spop (v2sf);
	v20 =	vld [tilespmem:s21+$0x8430]  }
0x1e7: {  	(v2sf) =	vpush v4, $0x3;
	v29 =	vld [tilespmem:s22+$0xC800]  }
0x1e8: {  	v60 =	vld [tilespmem:s22+$0xC810]  }
0x1e9: {  	v62 =	vld [tilespmem:s22+$0xC820]  }
0x1ea: {  	s21 =	spop (v2sf);
	v63 =	vld [tilespmem:s22+$0xC830]  }
0x1eb: {  	(v2sf) =	vpush v4, $0x2;
	v22 =	vld [tilespmem:s21+$0xC400]  }
0x1ec: {  	v25 =	vld [tilespmem:s21+$0xC410]  }
0x1ed: {  	v26 =	vld [tilespmem:s21+$0xC420]  }
0x1ee: {  	v27 =	vld [tilespmem:s21+$0xC430];
	s20 =	spop (v2sf)  }
0x1ef: {  	(v2sf) =	vpush v5, $0x5;
	v44 =	vld [tilespmem:s20+$0x9000]  }
0x1f0: {  	v46 =	vld [tilespmem:s20+$0x9010]  }
0x1f1: {  	v48 =	vld [tilespmem:s20+$0x9020]  }
0x1f2: {  	s21 =	spop (v2sf);
	v50 =	vld [tilespmem:s20+$0x9030]  }
0x1f3: {  	(v2sf) =	vpush v5, $0x4;
	v36 =	vld [tilespmem:s21+$0x8C00]  }
0x1f4: {  	v37 =	vld [tilespmem:s21+$0x8C10]  }
0x1f5: {  	v38 =	vld [tilespmem:s21+$0x8C20]  }
0x1f6: {  	s22 =	spop (v2sf);
	v39 =	vld [tilespmem:s21+$0x8C30]  }
0x1f7: {  	(v2sf) =	vpush v4, $0x5;
	v45 =	vld [tilespmem:s22+$0xD000]  }
0x1f8: {  	v47 =	vld [tilespmem:s22+$0xD010]  }
0x1f9: {  	v49 =	vld [tilespmem:s22+$0xD020]  }
0x1fa: {  	s21 =	spop (v2sf);
	v51 =	vld [tilespmem:s22+$0xD030]  }
0x1fb: {  	(v2sf) =	vpush v4, $0x4;
	v40 =	vld [tilespmem:s21+$0xCC00]  }
0x1fc: {  	v41 =	vld [tilespmem:s21+$0xCC10]  }
0x1fd: {  	v42 =	vld [tilespmem:s21+$0xCC20]  }
0x1fe: {  	v43 =	vld [tilespmem:s21+$0xCC30];
	s20 =	spop (v2sf)  }
0x1ff: {  	(v2sf) =	vpush v5, $0x7;
	v54 =	vld [tilespmem:s20+$0x9800]  }
0x200: {  	v56 =	vld [tilespmem:s20+$0x9810]  }
0x201: {  	v23 =	vld [tilespmem:s20+$0x9820]  }
0x202: {  	s21 =	spop (v2sf);
	v16 =	vld [tilespmem:s20+$0x9830]  }
0x203: {  	(v2sf) =	vpush v5, $0x6;
	v7 =	vld [tilespmem:s21+$0x9400]  }
0x204: {  	v6 =	vld [tilespmem:s21+$0x9410]  }
0x205: {  	v13 =	vld [tilespmem:s21+$0x9420]  }
0x206: {  	s22 =	spop (v2sf);
	v11 =	vld [tilespmem:s21+$0x9430]  }
0x207: {  	(v2sf) =	vpush v4, $0x7;
	v55 =	vld [tilespmem:s22+$0xD800]  }
0x208: {  	v57 =	vld [tilespmem:s22+$0xD810]  }
0x209: {  	v24 =	vld [tilespmem:s22+$0xD820]  }
0x20a: {  	s21 =	spop (v2sf);
	v19 =	vld [tilespmem:s22+$0xD830]  }
0x20b: {  	(v2sf) =	vpush v4, $0x6;
	v52 =	vld [tilespmem:s21+$0xD400]  }
0x20c: {  	v8 =	vmul.f32 v22, v8;
	v10 =	vmul.f32 v25, v10;
	v53 =	vld [tilespmem:s21+$0xD410]  }
0x20d: {  	v21 =	vld [tilespmem:s21+$0xD420]  }
0x20e: {  	v26 =	vmul.f32 v26, v15;
	v8 =	vadd.f32 v10, v8;
	v14 =	vld [tilespmem:s21+$0xD430];
	s20 =	spop (v2sf)  }
0x20f: {  	v20 =	vmul.f32 v27, v20;
	(v2sf) =	vpush v5, $0x9;
	v27 =	vld [tilespmem:s20+$0xA000]  }
0x210: {  	v8 =	vadd.f32 v26, v8;
	v26 =	vld [tilespmem:s20+$0xA010]  }
0x211: {  	v31 =	vld [tilespmem:s20+$0xA020]  }
0x212: {  	v59 =	vmul.f32 v29, v28;
	v60 =	vmul.f32 v60, v30;
	s21 =	spop (v2sf);
	v30 =	vld [tilespmem:s20+$0xA030]  }
0x213: {  	(v2sf) =	vpush v5, $0x8;
	v18 =	vld [tilespmem:s21+$0x9C00]  }
0x214: {  	v61 =	vmul.f32 v62, v61;
	v10 =	vadd.f32 v60, v59;
	v17 =	vld [tilespmem:s21+$0x9C10]  }
0x215: {  	v12 =	vld [tilespmem:s21+$0x9C20]  }
0x216: {  	v63 =	vmul.f32 v63, v34;
	v10 =	vadd.f32 v61, v10;
	v8 =	vadd.f32 v20, v8;
	s22 =	spop (v2sf);
	v9 =	vld [tilespmem:s21+$0x9C30]  }
0x217: {  	(v2sf) =	vpush v4, $0x9;
	v28 =	vld [tilespmem:s22+$0xE000]  }
0x218: {  	v10 =	vadd.f32 v63, v10;
	v62 =	vperm.xlane v8, v0;
	v29 =	vld [tilespmem:s22+$0xE010]  }
0x219: {  	v59 =	vmul.f32 v40, v36;
	v60 =	vmul.f32 v41, v37;
	v32 =	vld [tilespmem:s22+$0xE020]  }
0x21a: {  	v61 =	vperm.xlane v10, v0;
	v8 =	vadd.f32 v8, v62;
	v45 =	vmul.f32 v45, v44;
	s21 =	spop (v2sf);
	v34 =	vld [tilespmem:s22+$0xE030]  }
0x21b: {  	v20 =	vadd.f32 v60, v59;
	v59 =	vmul.f32 v47, v46;
	(v2sf) =	vpush v4, $0x8;
	v25 =	vld [tilespmem:s21+$0xDC00]  }
0x21c: {  	v62 =	vperm.xlane v8, v1;
	v63 =	vmul.f32 v42, v38;
	v58 =	vld [tilespmem:s21+$0xDC10]  }
0x21d: {  	v10 =	vadd.f32 v10, v61;
	v61 =	vmul.f32 v49, v48;
	v35 =	vadd.f32 v59, v45;
	v22 =	vld [tilespmem:s21+$0xDC20]  }
0x21e: {  	v8 =	vadd.f32 v8, v62;
	v20 =	vadd.f32 v63, v20;
	v15 =	vld [tilespmem:s21+$0xDC30];
	s20 =	spop (v2sf)  }
0x21f: {  	v63 =	vadd.f32 v61, v35;
	(v2sf) =	vpush v5, $0xB;
	v35 =	vld [tilespmem:s20+$0xA800]  }
0x220: {  	v49 =	vperm.xlane v8, v2;
	v45 =	vld [tilespmem:s20+$0xA810]  }
0x221: {  	v60 =	vmul.f32 v43, v39;
	v44 =	vld [tilespmem:s20+$0xA820]  }
0x222: {  	v62 =	vperm.xlane v10, v1;
	v48 =	vmul.f32 v51, v50;
	v8 =	vadd.f32 v8, v49;
	s21 =	spop (v2sf);
	v49 =	vld [tilespmem:s20+$0xA830]  }
0x223: {  	v20 =	vadd.f32 v60, v20;
	(v2sf) =	vpush v5, $0xA;
	v36 =	vld [tilespmem:s21+$0xA400]  }
0x224: {  	v10 =	vadd.f32 v10, v62;
	v33 =	vadd.f32 v48, v63;
	v38 =	vld [tilespmem:s21+$0xA410]  }
0x225: {  	v50 =	vperm.xlane v20, v0;
	v41 =	vld [tilespmem:s21+$0xA420]  }
0x226: {  	v51 =	vperm.xlane v10, v2;
	v59 =	vperm.xlane v33, v0;
	s22 =	spop (v2sf);
	v39 =	vld [tilespmem:s21+$0xA430]  }
0x227: {  	v20 =	vadd.f32 v20, v50;
	(v2sf) =	vpush v4, $0xB;
	v47 =	vld [tilespmem:s22+$0xE800]  }
0x228: {  	v10 =	vadd.f32 v10, v51;
	v33 =	vadd.f32 v33, v59;
	v46 =	vld [tilespmem:s22+$0xE810]  }
0x229: {  	v60 =	vperm.xlane v8, v3;
	v61 =	vperm.xlane v20, v1;
	v51 =	vld [tilespmem:s22+$0xE820]  }
0x22a: {  	v62 =	vperm.xlane v10, v3;
	v48 =	vperm.xlane v33, v1;
	s21 =	spop (v2sf);
	(v2sf) =	vpush v4, $0xA;
	v59 =	vld [tilespmem:s22+$0xE830]  }
0x22b: {  	v20 =	vadd.f32 v20, v61;
	v54 =	vmul.f32 v55, v54;
	v56 =	vmul.f32 v57, v56;
	v42 =	vld [tilespmem:s21+$0xE400]  }
0x22c: {  	v8 =	vadd.f32 v8, v60;
	v23 =	vmul.f32 v24, v23;
	v16 =	vmul.f32 v19, v16;
	v43 =	vld [tilespmem:s21+$0xE410]  }
0x22d: {  	v50 =	vadd.f32 v10, v62;
	v52 =	vmul.f32 v52, v7;
	v60 =	vperm.xlane v20, v2;
	v40 =	vld [tilespmem:s21+$0xE420]  }
0x22e: {  	v53 =	vmul.f32 v53, v6;
	v61 =	vmul.f32 v21, v13;
	v33 =	vadd.f32 v33, v48;
	v37 =	vld [tilespmem:s21+$0xE430];
	s20 =	spop (v2sf)  }
0x22f: {  	v48 =	vsel vm0, v8, v50;
	v50 =	vadd.f32 v20, v60;
	(v2sf) =	vpush v5, $0xD;
	v19 =	vld [tilespmem:s20+$0xB000]  }
0x230: {  	v54 =	vadd.f32 v56, v54;
	v60 =	vperm.xlane v33, v2;
	v18 =	vmul.f32 v25, v18;
	v25 =	vld [tilespmem:s20+$0xB010]  }
0x231: {  	v52 =	vadd.f32 v53, v52;
	v63 =	vperm.xlane v50, v3;
	v12 =	vmul.f32 v22, v12;
	v22 =	vld [tilespmem:s20+$0xB020]  }
0x232: {  	v33 =	vadd.f32 v33, v60;
	v9 =	vmul.f32 v15, v9;
	s21 =	spop (v2sf);
	(v2sf) =	vpush v5, $0xC;
	v15 =	vld [tilespmem:s20+$0xB030]  }
0x233: {  	v14 =	vmul.f32 v14, v11;
	v23 =	vadd.f32 v23, v54;
	v10 =	vld [tilespmem:s21+$0xAC00]  }
0x234: {  	v62 =	vadd.f32 v61, v52;
	v50 =	vadd.f32 v50, v63;
	v63 =	vperm.xlane v33, v3;
	v8 =	vld [tilespmem:s21+$0xAC10]  }
0x235: {  	v16 =	vadd.f32 v16, v23;
	v53 =	vmul.f32 v28, v27;
	v26 =	vmul.f32 v29, v26;
	v7 =	vld [tilespmem:s21+$0xAC20]  }
0x236: {  	v60 =	vmul.f32 v42, v36;
	v61 =	vmul.f32 v43, v38;
	s22 =	spop (v2sf);
	v6 =	vld [tilespmem:s21+$0xAC30];
	(v2sf) =	vpush v4, $0xD  }
0x237: {  	v14 =	vadd.f32 v14, v62;
	v56 =	vmul.f32 v32, v31;
	v17 =	vmul.f32 v58, v17;
	v24 =	vld [tilespmem:s22+$0xF000]  }
0x238: {  	v23 =	vadd.f32 v26, v53;
	v38 =	vmul.f32 v40, v41;
	v36 =	vadd.f32 v61, v60;
	v29 =	vld [tilespmem:s22+$0xF010]  }
0x239: {  	v58 =	vmul.f32 v34, v30;
	v17 =	vadd.f32 v17, v18;
	s21 =	spop (v2sf);
	(v2sf) =	vpush v4, $0xC;
	v28 =	vld [tilespmem:s22+$0xF020]  }
0x23a: {  	v57 =	vadd.f32 v56, v23;
	v41 =	vmul.f32 v37, v39;
	v18 =	vadd.f32 v38, v36;
	v23 =	vld [tilespmem:s22+$0xF030]  }
0x23b: {  	v33 =	vadd.f32 v33, v63;
	v12 =	vadd.f32 v12, v17;
	v20 =	vld [tilespmem:s21+$0xEC00]  }
0x23c: {  	v17 =	vadd.f32 v58, v57;
	v18 =	vadd.f32 v41, v18;
	v21 =	vld [tilespmem:s21+$0xEC10]  }
0x23d: {  	v55 =	vperm.xlane v16, v0;
	v48 =	vsel vm1, v48, v50;
	v40 =	vmul.f32 v51, v44;
	v13 =	vld [tilespmem:s21+$0xEC20]  }
0x23e: {  	v27 =	vsel vm2, v48, v33;
	v44 =	vperm.xlane v17, v0;
	v48 =	vperm.xlane v18, v0;
	v11 =	vld [tilespmem:s21+$0xEC30];
	s20 =	spop (v2sf)  }
0x23f: {  	v54 =	vperm.xlane v14, v0;
	v16 =	vadd.f32 v16, v55;
	(v2sf) =	vpush v5, $0xF;
	v36 =	vld [tilespmem:s20+$0xB800]  }
0x240: {  	v62 =	vmul.f32 v47, v35;
	v47 =	vadd.f32 v17, v44;
	v17 =	vadd.f32 v18, v48;
	v18 =	vld [tilespmem:s20+$0xB810]  }
0x241: {  	v14 =	vadd.f32 v14, v54;
	v63 =	vmul.f32 v46, v45;
	v45 =	vperm.xlane v16, v1;
	s21 =	spop (v2sf);
	v38 =	vld [tilespmem:s20+$0xB830]  }
0x242: {  	v31 =	vld [tilespmem:s21+$0xB400]  }
0x243: {  	v43 =	vperm.xlane v14, v1;
	v16 =	vadd.f32 v16, v45;
	(v2sf) =	vpush v5, $0xE;
	v32 =	vld [tilespmem:s21+$0xB410]  }
0x244: {  	v30 =	vld [tilespmem:s21+$0xB420]  }
0x245: {  	v46 =	vadd.f32 v14, v43;
	v53 =	vperm.xlane v16, v2;
	s22 =	spop (v2sf);
	v33 =	vld [tilespmem:s21+$0xB430]  }
0x246: {  	v42 =	vmul.f32 v59, v49;
	v5 =	vadd.f32 v9, v12;
	v9 =	vadd.f32 v63, v62;
	v39 =	vld [tilespmem:s22+$0xF800]  }
0x247: {  	v52 =	vperm.xlane v47, v1;
	v16 =	vadd.f32 v16, v53;
	(v2sf) =	vpush v4, $0xF;
	v37 =	vld [tilespmem:s22+$0xF810]  }
0x248: {  	s21 =	spop (v2sf);
	(v2sf) =	vpush v4, $0xE;
	v4 =	vperm.xlane v5, v0;
	v9 =	vadd.f32 v40, v9;
	v40 =	vld [tilespmem:s20+$0xB820]  }
0x249: {  	v51 =	vperm.xlane v46, v2;
	v14 =	vadd.f32 v47, v52;
	v59 =	vperm.xlane v16, v3;
	v43 =	vld [tilespmem:s22+$0xF820]  }
0x24a: {  	v54 =	vperm.xlane v17, v1;
	v41 =	vld [tilespmem:s22+$0xF830];
	v4 =	vadd.f32 v5, v4;
	v5 =	vadd.f32 v42, v9  }
0x24b: {  	v58 =	vperm.xlane v14, v2;
	v52 =	vmul.f32 v29, v25;
	v12 =	vadd.f32 v46, v51;
	v34 =	vld [tilespmem:s21+$0xF400]  }
0x24c: {  	v17 =	vadd.f32 v17, v54;
	v10 =	vmul.f32 v20, v10;
	v35 =	vld [tilespmem:s21+$0xF410];
	v50 =	vperm.xlane v5, v0  }
0x24d: {  	v14 =	vadd.f32 v14, v58;
	v8 =	vmul.f32 v21, v8;
	v57 =	vperm.xlane v12, v3;
	v26 =	vld [tilespmem:s21+$0xF420]  }
0x24e: {  	v7 =	vmul.f32 v13, v7;
	v60 =	vperm.xlane v17, v2;
	v9 =	vld [tilespmem:s21+$0xF430];
	v5 =	vadd.f32 v5, v50;
	s21 =	spop (v2sf)  }
0x24f: {  	v8 =	vadd.f32 v8, v10;
	v12 =	vadd.f32 v12, v57;
	v49 =	vperm.xlane v4, v1;
	v57 =	vld [tilespmem:s21+$0xC000]  }
0x250: {  	v6 =	vmul.f32 v11, v6;
	v17 =	vadd.f32 v17, v60;
	v56 =	vperm.xlane v5, v1;
	v60 =	vld [tilespmem:s21+$0xC010]  }
0x251: {  	v7 =	vadd.f32 v7, v8;
	v12 =	vsel vm3, v27, v12;
	v4 =	vadd.f32 v4, v49;
	v27 =	vld [tilespmem:s21+$0xC020]  }
0x252: {  	v5 =	vadd.f32 v5, v56;
	v56 =	vmul.f32 v28, v22;
	v28 =	vmul.f32 v26, v30;
	s20 =	spop (v2sf);
	v30 =	vld [tilespmem:s21+$0xC030]  }
0x253: {  	v16 =	vadd.f32 v16, v59;
	v63 =	vperm.xlane v14, v3;
	v55 =	vperm.xlane v4, v2;
	v44 =	vld [tilespmem:s20+$0xBC00]  }
0x254: {  	v59 =	vmul.f32 v23, v15;
	v6 =	vadd.f32 v6, v7;
	v46 =	vperm.xlane v17, v3;
	v47 =	vld [tilespmem:s20+$0xBC10]  }
0x255: {  	v51 =	vmul.f32 v24, v19;
	v14 =	vadd.f32 v14, v63;
	v4 =	vadd.f32 v4, v55;
	v42 =	vld [tilespmem:s20+$0xBC20]  }
0x256: {  	v17 =	vadd.f32 v17, v46;
	v23 =	vmul.f32 v37, v18;
	v62 =	vperm.xlane v5, v2;
	s22 =	spop (v2sf);
	v45 =	vld [tilespmem:s20+$0xBC30]  }
0x257: {  	v12 =	vsel vm4, v12, v16;
	v9 =	vmul.f32 v9, v33;
	v61 =	vperm.xlane v4, v3;
	s20 =	spop (v2sf);
	v58 =	vld [tilespmem:s22+$0x10000]  }
0x258: {  	v55 =	vadd.f32 v52, v51;
	v22 =	vmul.f32 v39, v36;
	v5 =	vadd.f32 v5, v62;
	v48 =	vld [tilespmem:s20+$0xFC00]  }
0x259: {  	v4 =	vadd.f32 v4, v61;
	v61 =	vmul.f32 v34, v31;
	v62 =	vmul.f32 v35, v32;
	v50 =	vld [tilespmem:s20+$0xFC10]  }
0x25a: {  	v10 =	vadd.f32 v23, v22;
	v31 =	vmul.f32 v43, v40;
	v63 =	vld [tilespmem:s22+$0x10010];
	v49 =	vperm.xlane v5, v3  }
0x25b: {  	v32 =	vmul.f32 v41, v38;
	v4 =	vsel vm5, v12, v4;
	v53 =	vld [tilespmem:s20+$0xFC20];
	v7 =	vadd.f32 v62, v61  }
0x25c: {  	v40 =	vperm.xlane v6, v0;
	v29 =	vld [tilespmem:s22+$0x10020];
	v4 =	vsel vm6, v4, v14;
	v5 =	vadd.f32 v5, v49  }
0x25d: {  	v54 =	vld [tilespmem:s20+$0xFC30];
	v10 =	vadd.f32 v31, v10;
	v4 =	vsel vm7, v4, v17;
	v7 =	vadd.f32 v28, v7  }
0x25e: {  	v33 =	vld [tilespmem:s22+$0x10030];
	v4 =	vsel vm8, v4, v5;
	v34 =	vmul.f32 v48, v44;
	v35 =	vmul.f32 v50, v47  }
0x25f: {  	v5 =	vadd.f32 v56, v55;
	v8 =	vmul.f32 v58, v57;
	v11 =	vmul.f32 v63, v60  }
0x260: {  	v10 =	vadd.f32 v32, v10;
	v37 =	vmul.f32 v53, v42;
	v36 =	vadd.f32 v35, v34  }
0x261: {  	v38 =	vmul.f32 v29, v27;
	v5 =	vadd.f32 v59, v5;
	v8 =	vadd.f32 v11, v8  }
0x262: {  	v7 =	vadd.f32 v9, v7;
	v39 =	vmul.f32 v54, v45;
	v9 =	vadd.f32 v37, v36  }
0x263: {  	v41 =	vmul.f32 v33, v30;
	v8 =	vadd.f32 v38, v8;
	v42 =	vperm.xlane v5, v0  }
0x264: {  	v6 =	vadd.f32 v6, v40;
	v43 =	vperm.xlane v7, v0;
	v9 =	vadd.f32 v39, v9  }
0x265: {  	v44 =	vperm.xlane v10, v0;
	v5 =	vadd.f32 v5, v42;
	v8 =	vadd.f32 v41, v8  }
0x266: {  	v45 =	vperm.xlane v6, v1;
	v7 =	vadd.f32 v7, v43;
	v46 =	vperm.xlane v9, v0  }
0x267: {  	v10 =	vadd.f32 v10, v44;
	v14 =	vperm.xlane v5, v1;
	v47 =	vperm.xlane v8, v0  }
0x268: {  	v6 =	vadd.f32 v6, v45;
	v48 =	vperm.xlane v7, v1;
	v9 =	vadd.f32 v9, v46  }
0x269: {  	v49 =	vperm.xlane v10, v1;
	v5 =	vadd.f32 v5, v14;
	v8 =	vadd.f32 v8, v47  }
0x26a: {  	v50 =	vperm.xlane v6, v2;
	v7 =	vadd.f32 v7, v48;
	v51 =	vperm.xlane v9, v1  }
0x26b: {  	v10 =	vadd.f32 v10, v49;
	v14 =	vperm.xlane v5, v2;
	v52 =	vperm.xlane v8, v1  }
0x26c: {  	v6 =	vadd.f32 v6, v50;
	v53 =	vperm.xlane v7, v2;
	v9 =	vadd.f32 v9, v51  }
0x26d: {  	v54 =	vperm.xlane v10, v2;
	v5 =	vadd.f32 v5, v14;
	v8 =	vadd.f32 v8, v52  }
0x26e: {  	v55 =	vperm.xlane v6, v3;
	v7 =	vadd.f32 v7, v53;
	v56 =	vperm.xlane v9, v2  }
0x26f: {  	v10 =	vadd.f32 v10, v54;
	v14 =	vperm.xlane v5, v3;
	v57 =	vperm.xlane v8, v2  }
0x270: {  	v6 =	vadd.f32 v6, v55;
	v58 =	vperm.xlane v7, v3;
	v9 =	vadd.f32 v9, v56  }
0x271: {  	v59 =	vperm.xlane v10, v3;
	v5 =	vadd.f32 v5, v14;
	v8 =	vadd.f32 v8, v57  }
0x272: {  	v4 =	vsel vm9, v4, v6;
	v60 =	vadd.f32 v7, v58;
	v61 =	vperm.xlane v9, v3  }
0x273: {  	p0 =	sne.s32 s19, $0x1E;
	v4 =	vsel vm10, v4, v5;
	v5 =	vadd.f32 v10, v59;
	v62 =	vperm.xlane v8, v3  }
.Ltmp0:
0x274: {  	v4 =	vsel vm11, v4, v60;
	v63 =	vadd.f32 v9, v61;
	(pc) =	sbr.rel @p0 .LBB2_2-.Ltmp0, $4  }
0x275: {  	v4 =	vsel vm12, v4, v5;
	v5 =	vadd.f32 v8, v62  }
0x276: {  	v4 =	vsel vm13, v4, v63  }
0x277: {  	s19 =	sadd.s32 $0x2, s19;
	v4 =	vsel vm14, v4, v5  }
0x278: {  	s13 =	sadd.s32 $0x20, s13;
	s14 =	sadd.s32 $0x20, s14;
	[tilespmem:s15+$0x0] =	vst v4;
	s15 =	sadd.s32 $0x20, s15  }
0x279: {  	_ =	swait.ge [sflag:s12], $0x4000  }
0x27a: {  	[sflag:s12] =	ssyncset.done $0x0  }
0x27b: {  	[sflag:s12] =	ssyncadd.s32 $0xFFFFC000  }
0x27c: {  	_ =	swait.ge [sflag:s12], $0x4000  }
0x27d: {  	s13 =	sld [smem:$0x7F9]  }
0x27e: {  	[sflag:s12] =	ssyncset.done $0x0  }
0x27f: {  	s0 =	simm.s32 $0x10400;
	s26 =	simm.s32 $0x2;
	[sflag:s12] =	ssyncadd.s32 $0xFFFFC000  }
0x280: {  	[hbm4b:s13+s1] =	stream.linear.scatter [tilespmem:s0], [sflag:$0x2], $0x200, $0x38;
	[tilespmem:$0x10600] =	vst v63  }
0x281: {  	s15 =	simm.s32 $0x400;
	_ =	swait.ge [sflag:s26], $0x200  }
0x282: {  	s19 =	simm.s32 $0x4400;
	s20 =	simm.s32 $0x800;
	s14 =	sld [smem:$0x7F6]  }
0x283: {  	s21 =	simm.s32 $0x4800;
	s22 =	simm.s32 $0xC00;
	s25 =	sld [smem:$0x7FA]  }
0x284: {  	s23 =	simm.s32 $0x4C00;
	s24 =	simm.s32 $0x1000;
	s28 =	simm.s32 $0x1400  }
0x285: {  	s2 =	simm.s32 $0x5400;
	s7 =	simm.s32 $0x1800;
	s14 =	sadd.s32 $0x1, s14  }
0x286: {  	s5 =	simm.s32 $0x5800;
	s6 =	simm.s32 $0x1C00;
	p0 =	sne.s32 s14, s25  }
.Ltmp1:
0x287: {  	s16 =	simm.s32 $0x5C00;
	s17 =	simm.s32 $0x6000;
	(pc) =	sbr.rel @p0 .LBB2_1-.Ltmp1, $4  }
0x288: {  	s8 =	simm.s32 $0x2400;
	s9 =	simm.s32 $0x6400;
	s10 =	simm.s32 $0x2800  }
0x289: {  	s11 =	simm.s32 $0x6800;
	s18 =	simm.s32 $0x2C00;
	s29 =	simm.s32 $0x6C00  }
0x28a: {  	s30 =	simm.s32 $0x3000;
	s31 =	simm.s32 $0x7000;
	[sflag:s26] =	ssyncset.done $0x0  }
0x28b: {  	s0 =	simm.s32 $0x2000;
	[sflag:s26] =	ssyncadd.s32 $0xFFFFFE00;
	s25 =	simm.s32 $0x5000  }
0x28c: {  	_ =	sfence.sel $0x180000  }
0x28d: {  	[bflag:$0x0] =	sbarrier.arrive $0xFFFF  }
0x28e: {  	_ =	strace $0x90000047  }
0x28f: {  	s0 =	stileid.u32;
	[bflag:$0x2] =	sbarrier.arrive $0xFFFF  }
0x290: {  	p0 =	sne.s32 s0, $0x0;
	s0 =	rddreg [dreg:$0x2]  }
0x291: {  	s0 =	sadd.s32 @!p0 $0x100000, s0  }
0x292: {  	[sflag:s0] =	ssyncadd.tile.s32 @!p0 $0x1;
	_ =	shalt  }
.Lfunc_end2:
_tile_overlayer_lowered:
.L_overlay_start_2:
0x293: {  	(tag) =	ssettag $0x2  }
0x294: {  	s0 =	rddreg [dreg:$0x0];
	s2 =	stileid.u32  }
0x295: {  	s1 =	rddreg [dreg:$0x1];
	p0 =	sne.s32 s2, $0x0  }
0x296: {  	s3 =	rddreg [dreg:$0x2];
	[bflag:$0x3] =	sbarrier.arrive $0xFFFF;
	s2 =	simm.s32 @!p0 $0x1C02  }
0x297: {  	[timem:s3], [sflag:s2] =	dma.local @!p0 [hbm:s0], s1  }
0x298: {  	s0 =	simm.s32 @!p0 $0x2  }
0x299: {  	_ =	swait.ge @!p0 [sflag:s0], s1  }
0x29a: {  	s1 =	ssub.s32 @!p0 $0x0, s1;
	[sflag:s0] =	ssyncset.done @!p0 $0x0  }
0x29b: {  	[sflag:s0] =	ssyncadd.s32 @!p0 s1  }
0x29c: {  	[bflag:$0x3] =	sbarrier.arrive $0xFFFF  }
0x29d: {  	_ =	shalt  }

</sc_bundles>
